<compile_context>
chip_gen: v7x
topology: tpu7x:2x2x1
jax: 0.10.2.dev20260603
libtpu: 0.0.44.dev20260713+nightly
codegen_flags: <defaults>
</compile_context>

<pallas_src>
import functools

import jax
import jax.numpy as jnp
from jax import lax
from jax.experimental import pallas as pl
from jax.experimental.pallas import tpu as pltpu
from jax.experimental.pallas import tpu_sc as plsc

N = 10000
D = 128
H = 256
OUT = 2
E = 320000

NC = 2
NS = 16
NW = NC * NS
L = 16
EB = 64
TB = 160
EPT = TB * EB
E_PAD = EPT * NW
N_PAD = 10240
RPT = N_PAD // NS
CW = 16

_MESH = plsc.VectorSubcoreMesh(core_axis_name="c", subcore_axis_name="s",
                               num_cores=NC, num_subcores=NS)
_SC_PARAMS = pltpu.CompilerParams(needs_layout_passes=False)


NSLOT = 4
NQ = 8
G8 = TB // NQ


@functools.partial(
    pl.kernel,
    out_type=[
        jax.ShapeDtypeStruct((NC, N_PAD, D), jnp.float32),
        jax.ShapeDtypeStruct((NW, N_PAD), jnp.float32),
    ],
    mesh=_MESH,
    scratch_types=[
        pltpu.VMEM((NQ, EB), jnp.int32),
        pltpu.VMEM((NQ, EB), jnp.int32),
        pltpu.VMEM((NSLOT, EB, D), jnp.float32),
        pltpu.VMEM((N_PAD,), jnp.float32),
        pltpu.VMEM_SHARED((N_PAD, D), jnp.float32),
        [pltpu.SemaphoreType.DMA] * NQ,
        [pltpu.SemaphoreType.DMA] * NSLOT,
        [pltpu.SemaphoreType.DMA] * NSLOT,
    ],
    compiler_params=_SC_PARAMS,
)
def _sc_segsum(x_hbm, src_hbm, dst_hbm, zrow_hbm, zcnt_hbm,
               aggr_out, cnt_out, sidx, didx, rows, cnt_v, acc,
               sem_i, sem_g, sem_s):
    c = lax.axis_index("c")
    s = lax.axis_index("s")
    wid = c * NS + s
    pltpu.sync_copy(zrow_hbm, acc.at[pl.ds(s * RPT, RPT)])
    pltpu.sync_copy(zcnt_hbm, cnt_v)
    plsc.subcore_barrier()

    ones16 = jnp.ones((L,), jnp.float32)

    def idx_load(q, b):
        pltpu.async_copy(src_hbm.at[wid, b], sidx.at[q], sem_i[q])
        pltpu.async_copy(dst_hbm.at[wid, b], didx.at[q], sem_i[q])

    def idx_wait(q):
        pltpu.make_async_copy(src_hbm.at[wid, 0], sidx.at[q], sem_i[q]).wait()
        pltpu.make_async_copy(dst_hbm.at[wid, 0], didx.at[q], sem_i[q]).wait()

    def gather(k, q):
        pltpu.async_copy(x_hbm.at[sidx.at[q]], rows.at[k], sem_g[k])

    def gather_wait(k):
        pltpu.make_async_copy(x_hbm.at[sidx.at[0]], rows.at[k],
                              sem_g[k]).wait()

    def scatter(k, q):
        pltpu.async_copy(rows.at[k], acc.at[didx.at[q]], sem_s[k], add=True)

    def scatter_wait(k):
        pltpu.make_async_copy(rows.at[k], acc.at[didx.at[0]],
                              sem_s[k]).wait()

    def counts(q):
        for j in range(EB // L):
            dvec = didx[q, pl.ds(j * L, L)]
            plsc.addupdate_scatter(cnt_v, [dvec], ones16)

    def subgroup(b_base, qoff, do_sw, refill):
        for k in range(NSLOT):
            q = k + qoff
            idx_wait(q)
            if do_sw:
                scatter_wait(k)
            if refill:
                idx_load((q + NSLOT) % NQ, b_base + k + NSLOT)
            gather(k, q)
        for k in range(NSLOT):
            gather_wait(k)
            scatter(k, k + qoff)
            counts(k + qoff)

    for q in range(NSLOT):
        idx_load(q, q)
    subgroup(0, 0, False, True)
    subgroup(NSLOT, NSLOT, True, True)

    def body(g, carry):
        b0 = g * NQ
        subgroup(b0, 0, True, True)
        subgroup(b0 + NSLOT, NSLOT, True, True)
        return carry

    lax.fori_loop(1, G8 - 1, body, 0)
    b0 = (G8 - 1) * NQ
    subgroup(b0, 0, True, True)
    subgroup(b0 + NSLOT, NSLOT, True, False)
    for k in range(NSLOT):
        scatter_wait(k)

    plsc.subcore_barrier()
    r0 = s * RPT
    pltpu.sync_copy(acc.at[pl.ds(r0, RPT)], aggr_out.at[c, pl.ds(r0, RPT)])
    pltpu.sync_copy(cnt_v, cnt_out.at[wid])


@functools.partial(
    pl.kernel,
    out_type=[jax.ShapeDtypeStruct((NW, 2 * N_PAD), jnp.float32)],
    mesh=_MESH,
    scratch_types=[
        pltpu.VMEM((TB, EB), jnp.int32),
        pltpu.VMEM((TB, EB), jnp.int32),
        pltpu.VMEM((N_PAD,), jnp.float32),
        pltpu.VMEM((N_PAD,), jnp.float32),
        pltpu.VMEM((N_PAD,), jnp.float32),
        pltpu.VMEM((N_PAD,), jnp.float32),
    ],
    compiler_params=_SC_PARAMS,
)
def _sc_edge2(p0_hbm, p1_hbm, src_hbm, dst_hbm, zcnt_hbm,
              out, src_all, dst_all, p0_v, p1_v, a0_v, a1_v):
    c = lax.axis_index("c")
    s = lax.axis_index("s")
    wid = c * NS + s
    pltpu.sync_copy(p0_hbm, p0_v)
    pltpu.sync_copy(p1_hbm, p1_v)
    pltpu.sync_copy(zcnt_hbm, a0_v)
    pltpu.sync_copy(zcnt_hbm, a1_v)
    pltpu.sync_copy(src_hbm.at[wid], src_all)
    pltpu.sync_copy(dst_hbm.at[wid], dst_all)

    def estep(b, carry):
        for j in range(EB // L):
            svec = src_all[b, pl.ds(j * L, L)]
            dvec = dst_all[b, pl.ds(j * L, L)]
            v0 = plsc.load_gather(p0_v, [svec])
            v1 = plsc.load_gather(p1_v, [svec])
            plsc.addupdate_scatter(a0_v, [dvec], v0)
            plsc.addupdate_scatter(a1_v, [dvec], v1)
        return carry

    lax.fori_loop(0, TB, estep, 0)
    pltpu.sync_copy(a0_v, out.at[wid, pl.ds(0, N_PAD)])
    pltpu.sync_copy(a1_v, out.at[wid, pl.ds(N_PAD, N_PAD)])


RB = 2048


def _tc_xw_body(x_ref, wc_ref, bc_ref, xw_ref):
    xw_ref[...] = (jnp.dot(x_ref[...], wc_ref[...],
                           preferred_element_type=jnp.float32) + bc_ref[...])


def _tc_mid_body(aggr_ref, cnt_ref, xw_ref, wl1_ref, g_ref,
                 bln_ref, w2_ref, p0_ref, p1_ref, r0_ref, r1_ref):
    cnt = jnp.maximum(jnp.sum(cnt_ref[...], axis=0), 1.0).reshape(-1, 1)
    mean = (aggr_ref[0] + aggr_ref[1]) / cnt
    x1 = (jnp.dot(mean, wl1_ref[...], preferred_element_type=jnp.float32)
          + xw_ref[...])
    mu = jnp.mean(x1, axis=-1, keepdims=True)
    var = jnp.mean((x1 - mu) * (x1 - mu), axis=-1, keepdims=True)
    xn = (x1 - mu) * lax.rsqrt(var + 1e-5) * g_ref[...] + bln_ref[...]
    h = jnp.where(xn > 0, xn, jnp.exp(jnp.minimum(xn, 0.0)) - 1.0)
    pr = jnp.dot(h, w2_ref[...], preferred_element_type=jnp.float32)
    p0_ref[...] = pr[:, 0]
    p1_ref[...] = pr[:, 1]
    r0_ref[...] = pr[:, 2]
    r1_ref[...] = pr[:, 3]


def _tc_out_body(a0_ref, a1_ref, cnt_ref, r0_ref, r1_ref, b2_ref,
                 o0_ref, o1_ref):
    cnt = jnp.maximum(jnp.sum(cnt_ref[...], axis=0), 1.0)
    o0_ref[...] = (jnp.sum(a0_ref[...], axis=0) / cnt + r0_ref[...]
                   + b2_ref[0, 0])
    o1_ref[...] = (jnp.sum(a1_ref[...], axis=0) / cnt + r1_ref[...]
                   + b2_ref[0, 1])


def kernel(x, edge_index, Wl1, bl1, Wr1, Ws, bs, g1, b1, Wl2, bl2, Wr2):
    src = edge_index[0]
    dst = edge_index[1]
    pad = E_PAD - E
    ar = jnp.arange(pad, dtype=jnp.int32)
    srcp = jnp.concatenate([src, ar % N]).reshape(NW, TB, EB)
    dstp = jnp.concatenate([dst, N + ar % (N_PAD - N)]).reshape(NW, TB, EB)
    zrow = jnp.zeros((RPT, D), jnp.float32)
    zcnt = jnp.zeros((N_PAD,), jnp.float32)

    xp = jnp.concatenate([x, jnp.zeros((N_PAD - N, D), jnp.float32)])
    wl1t = Wl1.T
    wct = (Wr1 + Ws).T
    bc = (bl1 + bs).reshape(1, H)
    g = g1.reshape(1, H)
    bln = b1.reshape(1, H)
    w2 = jnp.zeros((H, D), jnp.float32)
    w2 = w2.at[:, 0:2].set(Wl2.T).at[:, 2:4].set(Wr2.T)
    b2 = bl2.reshape(1, OUT)

    grid = (N_PAD // RB,)
    xw = pl.pallas_call(
        _tc_xw_body,
        grid=grid,
        in_specs=[
            pl.BlockSpec((RB, D), lambda i: (i, 0)),
            pl.BlockSpec((D, H), lambda i: (0, 0)),
            pl.BlockSpec((1, H), lambda i: (0, 0)),
        ],
        out_specs=pl.BlockSpec((RB, H), lambda i: (i, 0)),
        out_shape=jax.ShapeDtypeStruct((N_PAD, H), jnp.float32),
    )(xp, wct, bc)

    aggr_p, cnt_p = _sc_segsum(x, srcp, dstp, zrow, zcnt)

    p0, p1, r0, r1 = pl.pallas_call(
        _tc_mid_body,
        grid=grid,
        in_specs=[
            pl.BlockSpec((NC, RB, D), lambda i: (0, i, 0)),
            pl.BlockSpec((NW, RB), lambda i: (0, i)),
            pl.BlockSpec((RB, H), lambda i: (i, 0)),
            pl.BlockSpec((D, H), lambda i: (0, 0)),
            pl.BlockSpec((1, H), lambda i: (0, 0)),
            pl.BlockSpec((1, H), lambda i: (0, 0)),
            pl.BlockSpec((H, D), lambda i: (0, 0)),
        ],
        out_specs=[
            pl.BlockSpec((RB,), lambda i: (i,)),
            pl.BlockSpec((RB,), lambda i: (i,)),
            pl.BlockSpec((RB,), lambda i: (i,)),
            pl.BlockSpec((RB,), lambda i: (i,)),
        ],
        out_shape=[jax.ShapeDtypeStruct((N_PAD,), jnp.float32)] * 4,
    )(aggr_p, cnt_p, xw, wl1t, g, bln, w2)

    (acc2_p,) = _sc_edge2(p0, p1, srcp, dstp, zcnt)

    NPB = N_PAD // RB
    o0, o1 = pl.pallas_call(
        _tc_out_body,
        grid=grid,
        in_specs=[
            pl.BlockSpec((NW, RB), lambda i: (0, i)),
            pl.BlockSpec((NW, RB), lambda i: (0, i + NPB)),
            pl.BlockSpec((NW, RB), lambda i: (0, i)),
            pl.BlockSpec((RB,), lambda i: (i,)),
            pl.BlockSpec((RB,), lambda i: (i,)),
            pl.BlockSpec((1, OUT), lambda i: (0, 0)),
        ],
        out_specs=[
            pl.BlockSpec((RB,), lambda i: (i,)),
            pl.BlockSpec((RB,), lambda i: (i,)),
        ],
        out_shape=[jax.ShapeDtypeStruct((N_PAD,), jnp.float32)] * 2,
    )(acc2_p, acc2_p, cnt_p, r0, r1, b2)

    return jnp.stack([o0[:N], o1[:N]], axis=1)

# --- scband reference (transcript-rebuilt; emitter-appended) ---
"""Pipeline reference for scband-gene-sage-7026566496592 (READ-ONLY COPY).

The authoritative reference and input builder live on the scoring server;
editing this copy changes nothing except your own understanding.
"""

import jax, jax.numpy as jnp
import numpy as np

N = 10000
E = 320000
D = 128
H = 256
OUT = 2


def setup_inputs(seed: int = 0) -> dict:
    key = jax.random.key(seed)
    ks = jax.random.split(key, 12)
    x = jax.random.normal(ks[0], (N, D), dtype=jnp.float32)
    edge_index = jax.random.randint(ks[1], (2, E), 0, N, dtype=jnp.int32)
    s1 = 1.0 / np.sqrt(D)
    s2 = 1.0 / np.sqrt(H)
    # SAGEConv conv1: lin_l (applied to mean-aggregated neighbors, has bias), lin_r (root, no bias)
    Wl1 = jax.random.normal(ks[2], (H, D), dtype=jnp.float32) * s1
    bl1 = jax.random.normal(ks[3], (H,), dtype=jnp.float32) * s1
    Wr1 = jax.random.normal(ks[4], (H, D), dtype=jnp.float32) * s1
    # skip Linear(input_dim, hidden_dim)
    Ws = jax.random.normal(ks[5], (H, D), dtype=jnp.float32) * s1
    bs = jax.random.normal(ks[6], (H,), dtype=jnp.float32) * s1
    # LayerNorm params
    g1 = jnp.ones((H,), dtype=jnp.float32)
    b1 = jnp.zeros((H,), dtype=jnp.float32)
    # SAGEConv conv2
    Wl2 = jax.random.normal(ks[7], (OUT, H), dtype=jnp.float32) * s2
    bl2 = jax.random.normal(ks[8], (OUT,), dtype=jnp.float32) * s2
    Wr2 = jax.random.normal(ks[9], (OUT, H), dtype=jnp.float32) * s2
    return {"x": x, "edge_index": edge_index, "Wl1": Wl1, "bl1": bl1, "Wr1": Wr1,
            "Ws": Ws, "bs": bs, "g1": g1, "b1": b1, "Wl2": Wl2, "bl2": bl2, "Wr2": Wr2}


def _sage_conv(x, edge_index, Wl, bl, Wr):
    # PyG SAGEConv with mean aggregation: out = lin_l(mean_{j in N(i)} x_j) + lin_r(x_i)
    src = edge_index[0]
    dst = edge_index[1]
    n = x.shape[0]
    msg = jnp.take(x, src, axis=0)                      # gather (SparseCore-friendly)
    aggr = jax.ops.segment_sum(msg, dst, num_segments=n)  # scatter-add
    cnt = jax.ops.segment_sum(jnp.ones((edge_index.shape[1],), dtype=x.dtype), dst, num_segments=n)
    mean = aggr / jnp.clip(cnt, 1.0)[:, None]
    return mean @ Wl.T + bl + x @ Wr.T


def _layer_norm(h, g, b, eps=1e-5):
    mu = jnp.mean(h, axis=-1, keepdims=True)
    var = jnp.var(h, axis=-1, keepdims=True)
    return (h - mu) / jnp.sqrt(var + eps) * g + b


def reference(x, edge_index, Wl1, bl1, Wr1, Ws, bs, g1, b1, Wl2, bl2, Wr2):
    x1 = _sage_conv(x, edge_index, Wl1, bl1, Wr1) + (x @ Ws.T + bs)
    h = jax.nn.elu(_layer_norm(x1, g1, b1))
    return _sage_conv(h, edge_index, Wl2, bl2, Wr2)

if __name__ == "__main__":
    import jax
    _d = setup_inputs()
    print(jax.jit(kernel)(*tuple(_d.values())))

</pallas_src>

<mosaic_0001>
#map = affine_map<(d0, d1) -> (0)>
#map1 = affine_map<(d0, d1) -> (0, 0, 0)>
#map2 = affine_map<(d0, d1) -> (0, 0)>
module attributes {stable_mosaic.version = 14 : i64} {
  func.func @_sc_edge2(%arg0: i32, %arg1: i32, %arg2: memref<10240xf32, #tpu.memory_space<hbm>>, %arg3: memref<10240xf32, #tpu.memory_space<hbm>>, %arg4: memref<32x160x64xi32, #tpu.memory_space<hbm>>, %arg5: memref<32x160x64xi32, #tpu.memory_space<hbm>>, %arg6: memref<10240xf32, #tpu.memory_space<hbm>>, %arg7: memref<32x20480xf32, #tpu.memory_space<hbm>>, %arg8: memref<160x64xi32, #tpu.memory_space<vmem>>, %arg9: memref<160x64xi32, #tpu.memory_space<vmem>>, %arg10: memref<10240xf32, #tpu.memory_space<vmem>>, %arg11: memref<10240xf32, #tpu.memory_space<vmem>>, %arg12: memref<10240xf32, #tpu.memory_space<vmem>>, %arg13: memref<10240xf32, #tpu.memory_space<vmem>>) attributes {dimension_semantics = [#tpu.dimension_semantics<core_parallel>, #tpu.dimension_semantics<subcore_parallel>], iteration_bounds = array<i64: 2, 16>, scalar_prefetch = 0 : i64, scratch_operands = 6 : i64, tpu.core_type = #tpu.core_type<sc_vector_subcore>, window_params = [{transform_indices = #map}, {transform_indices = #map}, {transform_indices = #map1}, {transform_indices = #map1}, {transform_indices = #map}, {transform_indices = #map2}]} {
    %mul3A = arith.constant 16 : i32
    %mul3A_0 = arith.muli %arg0, %mul3A : i32
    %add3A = arith.addi %mul3A_0, %arg1 : i32
    "tpu.region"() ({
      %run_scoped3A = tpu.sem_alloc : memref<!tpu.dma_semaphore, #tpu.memory_space<semaphore_mem>>
      tpu.enqueue_dma source(%arg2 : memref<10240xf32, #tpu.memory_space<hbm>>) target(%arg10 : memref<10240xf32, #tpu.memory_space<vmem>>) target_semaphore(%run_scoped3A : memref<!tpu.dma_semaphore, #tpu.memory_space<semaphore_mem>>)
      tpu.wait_dma2 semaphore(%run_scoped3A : memref<!tpu.dma_semaphore, #tpu.memory_space<semaphore_mem>>) src(%arg2 : memref<10240xf32, #tpu.memory_space<hbm>>) dst(%arg10 : memref<10240xf32, #tpu.memory_space<vmem>>)
      tpu.yield
    }) : () -> ()
    "tpu.region"() ({
      %run_scoped3A = tpu.sem_alloc : memref<!tpu.dma_semaphore, #tpu.memory_space<semaphore_mem>>
      tpu.enqueue_dma source(%arg3 : memref<10240xf32, #tpu.memory_space<hbm>>) target(%arg11 : memref<10240xf32, #tpu.memory_space<vmem>>) target_semaphore(%run_scoped3A : memref<!tpu.dma_semaphore, #tpu.memory_space<semaphore_mem>>)
      tpu.wait_dma2 semaphore(%run_scoped3A : memref<!tpu.dma_semaphore, #tpu.memory_space<semaphore_mem>>) src(%arg3 : memref<10240xf32, #tpu.memory_space<hbm>>) dst(%arg11 : memref<10240xf32, #tpu.memory_space<vmem>>)
      tpu.yield
    }) : () -> ()
    "tpu.region"() ({
      %run_scoped3A = tpu.sem_alloc : memref<!tpu.dma_semaphore, #tpu.memory_space<semaphore_mem>>
      tpu.enqueue_dma source(%arg6 : memref<10240xf32, #tpu.memory_space<hbm>>) target(%arg12 : memref<10240xf32, #tpu.memory_space<vmem>>) target_semaphore(%run_scoped3A : memref<!tpu.dma_semaphore, #tpu.memory_space<semaphore_mem>>)
      tpu.wait_dma2 semaphore(%run_scoped3A : memref<!tpu.dma_semaphore, #tpu.memory_space<semaphore_mem>>) src(%arg6 : memref<10240xf32, #tpu.memory_space<hbm>>) dst(%arg12 : memref<10240xf32, #tpu.memory_space<vmem>>)
      tpu.yield
    }) : () -> ()
    "tpu.region"() ({
      %run_scoped3A = tpu.sem_alloc : memref<!tpu.dma_semaphore, #tpu.memory_space<semaphore_mem>>
      tpu.enqueue_dma source(%arg6 : memref<10240xf32, #tpu.memory_space<hbm>>) target(%arg13 : memref<10240xf32, #tpu.memory_space<vmem>>) target_semaphore(%run_scoped3A : memref<!tpu.dma_semaphore, #tpu.memory_space<semaphore_mem>>)
      tpu.wait_dma2 semaphore(%run_scoped3A : memref<!tpu.dma_semaphore, #tpu.memory_space<semaphore_mem>>) src(%arg6 : memref<10240xf32, #tpu.memory_space<hbm>>) dst(%arg13 : memref<10240xf32, #tpu.memory_space<vmem>>)
      tpu.yield
    }) : () -> ()
    "tpu.region"() ({
      %run_scoped3A = tpu.sem_alloc : memref<!tpu.dma_semaphore, #tpu.memory_space<semaphore_mem>>
      %dma_start3A = arith.constant 0 : i32
      %dma_start3A_6 = arith.constant 0 : i32
      %dma_start3A_7 = tpu.memref_slice %arg4[%add3A, %dma_start3A, %dma_start3A_6] : memref<32x160x64xi32, #tpu.memory_space<hbm>> -> memref<1x160x64xi32, #tpu.memory_space<hbm>>
      %dma_start3A_8 = tpu.memref_squeeze %dma_start3A_7 : memref<1x160x64xi32, #tpu.memory_space<hbm>> -> memref<160x64xi32, #tpu.memory_space<hbm>>
      %dma_start3A_9 = arith.constant 0 : i32
      %dma_start3A_10 = arith.constant 0 : i32
      %dma_start3A_11 = tpu.memref_slice %arg4[%add3A, %dma_start3A_9, %dma_start3A_10] : memref<32x160x64xi32, #tpu.memory_space<hbm>> -> memref<1x160x64xi32, #tpu.memory_space<hbm>>
      %dma_start3A_12 = tpu.memref_squeeze %dma_start3A_11 : memref<1x160x64xi32, #tpu.memory_space<hbm>> -> memref<160x64xi32, #tpu.memory_space<hbm>>
      tpu.enqueue_dma source(%dma_start3A_12 : memref<160x64xi32, #tpu.memory_space<hbm>>) target(%arg8 : memref<160x64xi32, #tpu.memory_space<vmem>>) target_semaphore(%run_scoped3A : memref<!tpu.dma_semaphore, #tpu.memory_space<semaphore_mem>>)
      %dma_wait3A = arith.constant 0 : i32
      %dma_wait3A_13 = arith.constant 0 : i32
      %dma_wait3A_14 = tpu.memref_slice %arg4[%add3A, %dma_wait3A, %dma_wait3A_13] : memref<32x160x64xi32, #tpu.memory_space<hbm>> -> memref<1x160x64xi32, #tpu.memory_space<hbm>>
      %dma_wait3A_15 = tpu.memref_squeeze %dma_wait3A_14 : memref<1x160x64xi32, #tpu.memory_space<hbm>> -> memref<160x64xi32, #tpu.memory_space<hbm>>
      %dma_wait3A_16 = arith.constant 0 : i32
      %dma_wait3A_17 = arith.constant 0 : i32
      %dma_wait3A_18 = tpu.memref_slice %arg4[%add3A, %dma_wait3A_16, %dma_wait3A_17] : memref<32x160x64xi32, #tpu.memory_space<hbm>> -> memref<1x160x64xi32, #tpu.memory_space<hbm>>
      %dma_wait3A_19 = tpu.memref_squeeze %dma_wait3A_18 : memref<1x160x64xi32, #tpu.memory_space<hbm>> -> memref<160x64xi32, #tpu.memory_space<hbm>>
      tpu.wait_dma2 semaphore(%run_scoped3A : memref<!tpu.dma_semaphore, #tpu.memory_space<semaphore_mem>>) src(%dma_wait3A_19 : memref<160x64xi32, #tpu.memory_space<hbm>>) dst(%arg8 : memref<160x64xi32, #tpu.memory_space<vmem>>)
      tpu.yield
    }) : () -> ()
    "tpu.region"() ({
      %run_scoped3A = tpu.sem_alloc : memref<!tpu.dma_semaphore, #tpu.memory_space<semaphore_mem>>
      %dma_start3A = arith.constant 0 : i32
      %dma_start3A_6 = arith.constant 0 : i32
      %dma_start3A_7 = tpu.memref_slice %arg5[%add3A, %dma_start3A, %dma_start3A_6] : memref<32x160x64xi32, #tpu.memory_space<hbm>> -> memref<1x160x64xi32, #tpu.memory_space<hbm>>
      %dma_start3A_8 = tpu.memref_squeeze %dma_start3A_7 : memref<1x160x64xi32, #tpu.memory_space<hbm>> -> memref<160x64xi32, #tpu.memory_space<hbm>>
      %dma_start3A_9 = arith.constant 0 : i32
      %dma_start3A_10 = arith.constant 0 : i32
      %dma_start3A_11 = tpu.memref_slice %arg5[%add3A, %dma_start3A_9, %dma_start3A_10] : memref<32x160x64xi32, #tpu.memory_space<hbm>> -> memref<1x160x64xi32, #tpu.memory_space<hbm>>
      %dma_start3A_12 = tpu.memref_squeeze %dma_start3A_11 : memref<1x160x64xi32, #tpu.memory_space<hbm>> -> memref<160x64xi32, #tpu.memory_space<hbm>>
      tpu.enqueue_dma source(%dma_start3A_12 : memref<160x64xi32, #tpu.memory_space<hbm>>) target(%arg9 : memref<160x64xi32, #tpu.memory_space<vmem>>) target_semaphore(%run_scoped3A : memref<!tpu.dma_semaphore, #tpu.memory_space<semaphore_mem>>)
      %dma_wait3A = arith.constant 0 : i32
      %dma_wait3A_13 = arith.constant 0 : i32
      %dma_wait3A_14 = tpu.memref_slice %arg5[%add3A, %dma_wait3A, %dma_wait3A_13] : memref<32x160x64xi32, #tpu.memory_space<hbm>> -> memref<1x160x64xi32, #tpu.memory_space<hbm>>
      %dma_wait3A_15 = tpu.memref_squeeze %dma_wait3A_14 : memref<1x160x64xi32, #tpu.memory_space<hbm>> -> memref<160x64xi32, #tpu.memory_space<hbm>>
      %dma_wait3A_16 = arith.constant 0 : i32
      %dma_wait3A_17 = arith.constant 0 : i32
      %dma_wait3A_18 = tpu.memref_slice %arg5[%add3A, %dma_wait3A_16, %dma_wait3A_17] : memref<32x160x64xi32, #tpu.memory_space<hbm>> -> memref<1x160x64xi32, #tpu.memory_space<hbm>>
      %dma_wait3A_19 = tpu.memref_squeeze %dma_wait3A_18 : memref<1x160x64xi32, #tpu.memory_space<hbm>> -> memref<160x64xi32, #tpu.memory_space<hbm>>
      tpu.wait_dma2 semaphore(%run_scoped3A : memref<!tpu.dma_semaphore, #tpu.memory_space<semaphore_mem>>) src(%dma_wait3A_19 : memref<160x64xi32, #tpu.memory_space<hbm>>) dst(%arg9 : memref<160x64xi32, #tpu.memory_space<vmem>>)
      tpu.yield
    }) : () -> ()
    %scan3A = arith.constant 0 : i32
    %scan3A_1 = arith.constant 0 : i32
    %scan3A_2 = arith.constant 160 : i32
    %scan3A_3 = arith.addi %scan3A_1, %scan3A_2 : i32
    %scan3A_4 = arith.constant 1 : i32
    scf.for %scan3A_6 = %scan3A_1 to %scan3A_3 step %scan3A_4  : i32 {
      %get3A = arith.index_cast %scan3A_6 : i32 to index
      %get3A_7 = arith.constant 0 : index
      %get3A_8 = tpu.vector_load %arg8[%get3A, %get3A_7] {strides = array<i32>} : memref<160x64xi32, #tpu.memory_space<vmem>>, vector<16xi32>,
      %get3A_9 = arith.index_cast %scan3A_6 : i32 to index
      %get3A_10 = arith.constant 0 : index
      %get3A_11 = tpu.vector_load %arg9[%get3A_9, %get3A_10] {strides = array<i32>} : memref<160x64xi32, #tpu.memory_space<vmem>>, vector<16xi32>,
      %gather3A = tpu.vector_load_idx %arg10[%get3A_8] : memref<10240xf32, #tpu.memory_space<vmem>>[vector<16xi32>], vector<16xf32>,
      %gather3A_12 = tpu.vector_load_idx %arg11[%get3A_8] : memref<10240xf32, #tpu.memory_space<vmem>>[vector<16xi32>], vector<16xf32>,
      tpu.vector_store_idx %arg12[%get3A_11], %gather3A {add = true} : memref<10240xf32, #tpu.memory_space<vmem>>[vector<16xi32>], vector<16xf32>,
      tpu.vector_store_idx %arg13[%get3A_11], %gather3A_12 {add = true} : memref<10240xf32, #tpu.memory_space<vmem>>[vector<16xi32>], vector<16xf32>,
      %get3A_13 = arith.index_cast %scan3A_6 : i32 to index
      %get3A_14 = arith.constant 16 : index
      %get3A_15 = tpu.vector_load %arg8[%get3A_13, %get3A_14] {strides = array<i32>} : memref<160x64xi32, #tpu.memory_space<vmem>>, vector<16xi32>,
      %get3A_16 = arith.index_cast %scan3A_6 : i32 to index
      %get3A_17 = arith.constant 16 : index
      %get3A_18 = tpu.vector_load %arg9[%get3A_16, %get3A_17] {strides = array<i32>} : memref<160x64xi32, #tpu.memory_space<vmem>>, vector<16xi32>,
      %gather3A_19 = tpu.vector_load_idx %arg10[%get3A_15] : memref<10240xf32, #tpu.memory_space<vmem>>[vector<16xi32>], vector<16xf32>,
      %gather3A_20 = tpu.vector_load_idx %arg11[%get3A_15] : memref<10240xf32, #tpu.memory_space<vmem>>[vector<16xi32>], vector<16xf32>,
      tpu.vector_store_idx %arg12[%get3A_18], %gather3A_19 {add = true} : memref<10240xf32, #tpu.memory_space<vmem>>[vector<16xi32>], vector<16xf32>,
      tpu.vector_store_idx %arg13[%get3A_18], %gather3A_20 {add = true} : memref<10240xf32, #tpu.memory_space<vmem>>[vector<16xi32>], vector<16xf32>,
      %get3A_21 = arith.index_cast %scan3A_6 : i32 to index
      %get3A_22 = arith.constant 32 : index
      %get3A_23 = tpu.vector_load %arg8[%get3A_21, %get3A_22] {strides = array<i32>} : memref<160x64xi32, #tpu.memory_space<vmem>>, vector<16xi32>,
      %get3A_24 = arith.index_cast %scan3A_6 : i32 to index
      %get3A_25 = arith.constant 32 : index
      %get3A_26 = tpu.vector_load %arg9[%get3A_24, %get3A_25] {strides = array<i32>} : memref<160x64xi32, #tpu.memory_space<vmem>>, vector<16xi32>,
      %gather3A_27 = tpu.vector_load_idx %arg10[%get3A_23] : memref<10240xf32, #tpu.memory_space<vmem>>[vector<16xi32>], vector<16xf32>,
      %gather3A_28 = tpu.vector_load_idx %arg11[%get3A_23] : memref<10240xf32, #tpu.memory_space<vmem>>[vector<16xi32>], vector<16xf32>,
      tpu.vector_store_idx %arg12[%get3A_26], %gather3A_27 {add = true} : memref<10240xf32, #tpu.memory_space<vmem>>[vector<16xi32>], vector<16xf32>,
      tpu.vector_store_idx %arg13[%get3A_26], %gather3A_28 {add = true} : memref<10240xf32, #tpu.memory_space<vmem>>[vector<16xi32>], vector<16xf32>,
      %get3A_29 = arith.index_cast %scan3A_6 : i32 to index
      %get3A_30 = arith.constant 48 : index
      %get3A_31 = tpu.vector_load %arg8[%get3A_29, %get3A_30] {strides = array<i32>} : memref<160x64xi32, #tpu.memory_space<vmem>>, vector<16xi32>,
      %get3A_32 = arith.index_cast %scan3A_6 : i32 to index
      %get3A_33 = arith.constant 48 : index
      %get3A_34 = tpu.vector_load %arg9[%get3A_32, %get3A_33] {strides = array<i32>} : memref<160x64xi32, #tpu.memory_space<vmem>>, vector<16xi32>,
      %gather3A_35 = tpu.vector_load_idx %arg10[%get3A_31] : memref<10240xf32, #tpu.memory_space<vmem>>[vector<16xi32>], vector<16xf32>,
      %gather3A_36 = tpu.vector_load_idx %arg11[%get3A_31] : memref<10240xf32, #tpu.memory_space<vmem>>[vector<16xi32>], vector<16xf32>,
      tpu.vector_store_idx %arg12[%get3A_34], %gather3A_35 {add = true} : memref<10240xf32, #tpu.memory_space<vmem>>[vector<16xi32>], vector<16xf32>,
      tpu.vector_store_idx %arg13[%get3A_34], %gather3A_36 {add = true} : memref<10240xf32, #tpu.memory_space<vmem>>[vector<16xi32>], vector<16xf32>,
    }
    %scan3A_5 = arith.constant 160 : i32
    "tpu.region"() ({
      %run_scoped3A = tpu.sem_alloc : memref<!tpu.dma_semaphore, #tpu.memory_space<semaphore_mem>>
      %dma_start3A = arith.constant 0 : i32
      %dma_start3A_6 = tpu.memref_slice %arg7[%add3A, %dma_start3A] : memref<32x20480xf32, #tpu.memory_space<hbm>> -> memref<1x10240xf32, #tpu.memory_space<hbm>>
      %dma_start3A_7 = tpu.memref_squeeze %dma_start3A_6 : memref<1x10240xf32, #tpu.memory_space<hbm>> -> memref<10240xf32, #tpu.memory_space<hbm>>
      %dma_start3A_8 = arith.constant 0 : i32
      %dma_start3A_9 = tpu.memref_slice %arg7[%add3A, %dma_start3A_8] : memref<32x20480xf32, #tpu.memory_space<hbm>> -> memref<1x10240xf32, #tpu.memory_space<hbm>>
      %dma_start3A_10 = tpu.memref_squeeze %dma_start3A_9 : memref<1x10240xf32, #tpu.memory_space<hbm>> -> memref<10240xf32, #tpu.memory_space<hbm>>
      tpu.enqueue_dma source(%arg12 : memref<10240xf32, #tpu.memory_space<vmem>>) target(%dma_start3A_10 : memref<10240xf32, #tpu.memory_space<hbm>>) target_semaphore(%run_scoped3A : memref<!tpu.dma_semaphore, #tpu.memory_space<semaphore_mem>>)
      %dma_wait3A = arith.constant 0 : i32
      %dma_wait3A_11 = tpu.memref_slice %arg7[%add3A, %dma_wait3A] : memref<32x20480xf32, #tpu.memory_space<hbm>> -> memref<1x10240xf32, #tpu.memory_space<hbm>>
      %dma_wait3A_12 = tpu.memref_squeeze %dma_wait3A_11 : memref<1x10240xf32, #tpu.memory_space<hbm>> -> memref<10240xf32, #tpu.memory_space<hbm>>
      %dma_wait3A_13 = arith.constant 0 : i32
      %dma_wait3A_14 = tpu.memref_slice %arg7[%add3A, %dma_wait3A_13] : memref<32x20480xf32, #tpu.memory_space<hbm>> -> memref<1x10240xf32, #tpu.memory_space<hbm>>
      %dma_wait3A_15 = tpu.memref_squeeze %dma_wait3A_14 : memref<1x10240xf32, #tpu.memory_space<hbm>> -> memref<10240xf32, #tpu.memory_space<hbm>>
      tpu.wait_dma2 semaphore(%run_scoped3A : memref<!tpu.dma_semaphore, #tpu.memory_space<semaphore_mem>>) src(%arg12 : memref<10240xf32, #tpu.memory_space<vmem>>) dst(%dma_wait3A_15 : memref<10240xf32, #tpu.memory_space<hbm>>)
      tpu.yield
    }) : () -> ()
    "tpu.region"() ({
      %run_scoped3A = tpu.sem_alloc : memref<!tpu.dma_semaphore, #tpu.memory_space<semaphore_mem>>
      %dma_start3A = arith.constant 10240 : i32
      %dma_start3A_6 = tpu.memref_slice %arg7[%add3A, %dma_start3A] : memref<32x20480xf32, #tpu.memory_space<hbm>> -> memref<1x10240xf32, #tpu.memory_space<hbm>>
      %dma_start3A_7 = tpu.memref_squeeze %dma_start3A_6 : memref<1x10240xf32, #tpu.memory_space<hbm>> -> memref<10240xf32, #tpu.memory_space<hbm>>
      %dma_start3A_8 = arith.constant 10240 : i32
      %dma_start3A_9 = tpu.memref_slice %arg7[%add3A, %dma_start3A_8] : memref<32x20480xf32, #tpu.memory_space<hbm>> -> memref<1x10240xf32, #tpu.memory_space<hbm>>
      %dma_start3A_10 = tpu.memref_squeeze %dma_start3A_9 : memref<1x10240xf32, #tpu.memory_space<hbm>> -> memref<10240xf32, #tpu.memory_space<hbm>>
      tpu.enqueue_dma source(%arg13 : memref<10240xf32, #tpu.memory_space<vmem>>) target(%dma_start3A_10 : memref<10240xf32, #tpu.memory_space<hbm>>) target_semaphore(%run_scoped3A : memref<!tpu.dma_semaphore, #tpu.memory_space<semaphore_mem>>)
      %dma_wait3A = arith.constant 10240 : i32
      %dma_wait3A_11 = tpu.memref_slice %arg7[%add3A, %dma_wait3A] : memref<32x20480xf32, #tpu.memory_space<hbm>> -> memref<1x10240xf32, #tpu.memory_space<hbm>>
      %dma_wait3A_12 = tpu.memref_squeeze %dma_wait3A_11 : memref<1x10240xf32, #tpu.memory_space<hbm>> -> memref<10240xf32, #tpu.memory_space<hbm>>
      %dma_wait3A_13 = arith.constant 10240 : i32
      %dma_wait3A_14 = tpu.memref_slice %arg7[%add3A, %dma_wait3A_13] : memref<32x20480xf32, #tpu.memory_space<hbm>> -> memref<1x10240xf32, #tpu.memory_space<hbm>>
      %dma_wait3A_15 = tpu.memref_squeeze %dma_wait3A_14 : memref<1x10240xf32, #tpu.memory_space<hbm>> -> memref<10240xf32, #tpu.memory_space<hbm>>
      tpu.wait_dma2 semaphore(%run_scoped3A : memref<!tpu.dma_semaphore, #tpu.memory_space<semaphore_mem>>) src(%arg13 : memref<10240xf32, #tpu.memory_space<vmem>>) dst(%dma_wait3A_15 : memref<10240xf32, #tpu.memory_space<hbm>>)
      tpu.yield
    }) : () -> ()
    return
  }
}

#map = affine_map<(d0, d1) -> (0, 0)>
#map1 = affine_map<(d0, d1) -> (0, 0, 0)>
#map2 = affine_map<(d0, d1) -> (0)>
module attributes {stable_mosaic.version = 14 : i64} {
  func.func @_sc_segsum(%arg0: i32, %arg1: i32, %arg2: memref<10000x128xf32, #tpu.memory_space<hbm>>, %arg3: memref<32x160x64xi32, #tpu.memory_space<hbm>>, %arg4: memref<32x160x64xi32, #tpu.memory_space<hbm>>, %arg5: memref<640x128xf32, #tpu.memory_space<hbm>>, %arg6: memref<10240xf32, #tpu.memory_space<hbm>>, %arg7: memref<2x10240x128xf32, #tpu.memory_space<hbm>>, %arg8: memref<32x10240xf32, #tpu.memory_space<hbm>>, %arg9: memref<8x64xi32, #tpu.memory_space<vmem>>, %arg10: memref<8x64xi32, #tpu.memory_space<vmem>>, %arg11: memref<4x64x128xf32, #tpu.memory_space<vmem>>, %arg12: memref<10240xf32, #tpu.memory_space<vmem>>, %arg13: memref<10240x128xf32, #tpu.memory_space<vmem_shared>>, %arg14: memref<!tpu.dma_semaphore, #tpu.memory_space<semaphore_mem>>, %arg15: memref<!tpu.dma_semaphore, #tpu.memory_space<semaphore_mem>>, %arg16: memref<!tpu.dma_semaphore, #tpu.memory_space<semaphore_mem>>, %arg17: memref<!tpu.dma_semaphore, #tpu.memory_space<semaphore_mem>>, %arg18: memref<!tpu.dma_semaphore, #tpu.memory_space<semaphore_mem>>, %arg19: memref<!tpu.dma_semaphore, #tpu.memory_space<semaphore_mem>>, %arg20: memref<!tpu.dma_semaphore, #tpu.memory_space<semaphore_mem>>, %arg21: memref<!tpu.dma_semaphore, #tpu.memory_space<semaphore_mem>>, %arg22: memref<!tpu.dma_semaphore, #tpu.memory_space<semaphore_mem>>, %arg23: memref<!tpu.dma_semaphore, #tpu.memory_space<semaphore_mem>>, %arg24: memref<!tpu.dma_semaphore, #tpu.memory_space<semaphore_mem>>, %arg25: memref<!tpu.dma_semaphore, #tpu.memory_space<semaphore_mem>>, %arg26: memref<!tpu.dma_semaphore, #tpu.memory_space<semaphore_mem>>, %arg27: memref<!tpu.dma_semaphore, #tpu.memory_space<semaphore_mem>>, %arg28: memref<!tpu.dma_semaphore, #tpu.memory_space<semaphore_mem>>, %arg29: memref<!tpu.dma_semaphore, #tpu.memory_space<semaphore_mem>>) attributes {dimension_semantics = [#tpu.dimension_semantics<core_parallel>, #tpu.dimension_semantics<subcore_parallel>], iteration_bounds = array<i64: 2, 16>, scalar_prefetch = 0 : i64, scratch_operands = 21 : i64, tpu.core_type = #tpu.core_type<sc_vector_subcore>, window_params = [{transform_indices = #map}, {transform_indices = #map1}, {transform_indices = #map1}, {transform_indices = #map}, {transform_indices = #map2}, {transform_indices = #map1}, {transform_indices = #map}]} {
    %mul3A = arith.constant 16 : i32
    %mul3A_0 = arith.muli %arg0, %mul3A : i32
    %add3A = arith.addi %mul3A_0, %arg1 : i32
    %mul3A_1 = arith.constant 640 : i32
    %mul3A_2 = arith.muli %arg1, %mul3A_1 : i32
    "tpu.region"() ({
      %run_scoped3A = tpu.sem_alloc : memref<!tpu.dma_semaphore, #tpu.memory_space<semaphore_mem>>
      %dma_start3A_1929 = arith.constant 0 : i32
      %dma_start3A_1930 = tpu.memref_slice %arg13[%mul3A_2, %dma_start3A_1929] : memref<10240x128xf32, #tpu.memory_space<vmem_shared>> -> memref<640x128xf32, #tpu.memory_space<vmem_shared>>
      tpu.enqueue_dma source(%arg5 : memref<640x128xf32, #tpu.memory_space<hbm>>) target(%dma_start3A_1930 : memref<640x128xf32, #tpu.memory_space<vmem_shared>>) target_semaphore(%run_scoped3A : memref<!tpu.dma_semaphore, #tpu.memory_space<semaphore_mem>>)
      %dma_wait3A_1931 = arith.constant 0 : i32
      %dma_wait3A_1932 = tpu.memref_slice %arg13[%mul3A_2, %dma_wait3A_1931] : memref<10240x128xf32, #tpu.memory_space<vmem_shared>> -> memref<640x128xf32, #tpu.memory_space<vmem_shared>>
      tpu.wait_dma2 semaphore(%run_scoped3A : memref<!tpu.dma_semaphore, #tpu.memory_space<semaphore_mem>>) src(%arg5 : memref<640x128xf32, #tpu.memory_space<hbm>>) dst(%dma_wait3A_1932 : memref<640x128xf32, #tpu.memory_space<vmem_shared>>)
      tpu.yield
    }) : () -> ()
    "tpu.region"() ({
      %run_scoped3A = tpu.sem_alloc : memref<!tpu.dma_semaphore, #tpu.memory_space<semaphore_mem>>
      tpu.enqueue_dma source(%arg6 : memref<10240xf32, #tpu.memory_space<hbm>>) target(%arg12 : memref<10240xf32, #tpu.memory_space<vmem>>) target_semaphore(%run_scoped3A : memref<!tpu.dma_semaphore, #tpu.memory_space<semaphore_mem>>)
      tpu.wait_dma2 semaphore(%run_scoped3A : memref<!tpu.dma_semaphore, #tpu.memory_space<semaphore_mem>>) src(%arg6 : memref<10240xf32, #tpu.memory_space<hbm>>) dst(%arg12 : memref<10240xf32, #tpu.memory_space<vmem>>)
      tpu.yield
    }) : () -> ()
    %barrier3A = arith.constant 0 : index
    tpu.barrier barrier_id(%barrier3A)
    %broadcast_in_dim3A = arith.constant 1.000000e+00 : f32
    %broadcast_in_dim3A_3 = vector.broadcast %broadcast_in_dim3A : f32 to vector<16xf32>
    %dma_start3A = arith.constant 0 : i32
    %dma_start3A_4 = arith.constant 0 : i32
    %dma_start3A_5 = arith.constant 0 : i32
    %dma_start3A_6 = tpu.memref_slice %arg9[%dma_start3A_4, %dma_start3A_5] : memref<8x64xi32, #tpu.memory_space<vmem>> -> memref<1x64xi32, #tpu.memory_space<vmem>>
    %dma_start3A_7 = tpu.memref_squeeze %dma_start3A_6 : memref<1x64xi32, #tpu.memory_space<vmem>> -> memref<64xi32, #tpu.memory_space<vmem>>
    %dma_start3A_8 = arith.constant 0 : i32
    %dma_start3A_9 = tpu.memref_slice %arg3[%add3A, %dma_start3A, %dma_start3A_8] : memref<32x160x64xi32, #tpu.memory_space<hbm>> -> memref<1x1x64xi32, #tpu.memory_space<hbm>>
    %dma_start3A_10 = tpu.memref_squeeze %dma_start3A_9 : memref<1x1x64xi32, #tpu.memory_space<hbm>> -> memref<64xi32, #tpu.memory_space<hbm>>
    %dma_start3A_11 = arith.constant 0 : i32
    %dma_start3A_12 = tpu.memref_slice %arg9[%dma_start3A_4, %dma_start3A_11] : memref<8x64xi32, #tpu.memory_space<vmem>> -> memref<1x64xi32, #tpu.memory_space<vmem>>
    %dma_start3A_13 = tpu.memref_squeeze %dma_start3A_12 : memref<1x64xi32, #tpu.memory_space<vmem>> -> memref<64xi32, #tpu.memory_space<vmem>>
    %dma_start3A_14 = arith.constant 0 : i32
    %dma_start3A_15 = tpu.memref_slice %arg3[%add3A, %dma_start3A, %dma_start3A_14] : memref<32x160x64xi32, #tpu.memory_space<hbm>> -> memref<1x1x64xi32, #tpu.memory_space<hbm>>
    %dma_start3A_16 = tpu.memref_squeeze %dma_start3A_15 : memref<1x1x64xi32, #tpu.memory_space<hbm>> -> memref<64xi32, #tpu.memory_space<hbm>>
    tpu.enqueue_dma source(%dma_start3A_16 : memref<64xi32, #tpu.memory_space<hbm>>) target(%dma_start3A_13 : memref<64xi32, #tpu.memory_space<vmem>>) target_semaphore(%arg14 : memref<!tpu.dma_semaphore, #tpu.memory_space<semaphore_mem>>)
    %dma_start3A_17 = arith.constant 0 : i32
    %dma_start3A_18 = arith.constant 0 : i32
    %dma_start3A_19 = arith.constant 0 : i32
    %dma_start3A_20 = tpu.memref_slice %arg10[%dma_start3A_18, %dma_start3A_19] : memref<8x64xi32, #tpu.memory_space<vmem>> -> memref<1x64xi32, #tpu.memory_space<vmem>>
    %dma_start3A_21 = tpu.memref_squeeze %dma_start3A_20 : memref<1x64xi32, #tpu.memory_space<vmem>> -> memref<64xi32, #tpu.memory_space<vmem>>
    %dma_start3A_22 = arith.constant 0 : i32
    %dma_start3A_23 = tpu.memref_slice %arg4[%add3A, %dma_start3A_17, %dma_start3A_22] : memref<32x160x64xi32, #tpu.memory_space<hbm>> -> memref<1x1x64xi32, #tpu.memory_space<hbm>>
    %dma_start3A_24 = tpu.memref_squeeze %dma_start3A_23 : memref<1x1x64xi32, #tpu.memory_space<hbm>> -> memref<64xi32, #tpu.memory_space<hbm>>
    %dma_start3A_25 = arith.constant 0 : i32
    %dma_start3A_26 = tpu.memref_slice %arg10[%dma_start3A_18, %dma_start3A_25] : memref<8x64xi32, #tpu.memory_space<vmem>> -> memref<1x64xi32, #tpu.memory_space<vmem>>
    %dma_start3A_27 = tpu.memref_squeeze %dma_start3A_26 : memref<1x64xi32, #tpu.memory_space<vmem>> -> memref<64xi32, #tpu.memory_space<vmem>>
    %dma_start3A_28 = arith.constant 0 : i32
    %dma_start3A_29 = tpu.memref_slice %arg4[%add3A, %dma_start3A_17, %dma_start3A_28] : memref<32x160x64xi32, #tpu.memory_space<hbm>> -> memref<1x1x64xi32, #tpu.memory_space<hbm>>
    %dma_start3A_30 = tpu.memref_squeeze %dma_start3A_29 : memref<1x1x64xi32, #tpu.memory_space<hbm>> -> memref<64xi32, #tpu.memory_space<hbm>>
    tpu.enqueue_dma source(%dma_start3A_30 : memref<64xi32, #tpu.memory_space<hbm>>) target(%dma_start3A_27 : memref<64xi32, #tpu.memory_space<vmem>>) target_semaphore(%arg14 : memref<!tpu.dma_semaphore, #tpu.memory_space<semaphore_mem>>)
    %dma_start3A_31 = arith.constant 1 : i32
    %dma_start3A_32 = arith.constant 1 : i32
    %dma_start3A_33 = arith.constant 0 : i32
    %dma_start3A_34 = tpu.memref_slice %arg9[%dma_start3A_32, %dma_start3A_33] : memref<8x64xi32, #tpu.memory_space<vmem>> -> memref<1x64xi32, #tpu.memory_space<vmem>>
    %dma_start3A_35 = tpu.memref_squeeze %dma_start3A_34 : memref<1x64xi32, #tpu.memory_space<vmem>> -> memref<64xi32, #tpu.memory_space<vmem>>
    %dma_start3A_36 = arith.constant 0 : i32
    %dma_start3A_37 = tpu.memref_slice %arg3[%add3A, %dma_start3A_31, %dma_start3A_36] : memref<32x160x64xi32, #tpu.memory_space<hbm>> -> memref<1x1x64xi32, #tpu.memory_space<hbm>>
    %dma_start3A_38 = tpu.memref_squeeze %dma_start3A_37 : memref<1x1x64xi32, #tpu.memory_space<hbm>> -> memref<64xi32, #tpu.memory_space<hbm>>
    %dma_start3A_39 = arith.constant 0 : i32
    %dma_start3A_40 = tpu.memref_slice %arg9[%dma_start3A_32, %dma_start3A_39] : memref<8x64xi32, #tpu.memory_space<vmem>> -> memref<1x64xi32, #tpu.memory_space<vmem>>
    %dma_start3A_41 = tpu.memref_squeeze %dma_start3A_40 : memref<1x64xi32, #tpu.memory_space<vmem>> -> memref<64xi32, #tpu.memory_space<vmem>>
    %dma_start3A_42 = arith.constant 0 : i32
    %dma_start3A_43 = tpu.memref_slice %arg3[%add3A, %dma_start3A_31, %dma_start3A_42] : memref<32x160x64xi32, #tpu.memory_space<hbm>> -> memref<1x1x64xi32, #tpu.memory_space<hbm>>
    %dma_start3A_44 = tpu.memref_squeeze %dma_start3A_43 : memref<1x1x64xi32, #tpu.memory_space<hbm>> -> memref<64xi32, #tpu.memory_space<hbm>>
    tpu.enqueue_dma source(%dma_start3A_44 : memref<64xi32, #tpu.memory_space<hbm>>) target(%dma_start3A_41 : memref<64xi32, #tpu.memory_space<vmem>>) target_semaphore(%arg15 : memref<!tpu.dma_semaphore, #tpu.memory_space<semaphore_mem>>)
    %dma_start3A_45 = arith.constant 1 : i32
    %dma_start3A_46 = arith.constant 1 : i32
    %dma_start3A_47 = arith.constant 0 : i32
    %dma_start3A_48 = tpu.memref_slice %arg10[%dma_start3A_46, %dma_start3A_47] : memref<8x64xi32, #tpu.memory_space<vmem>> -> memref<1x64xi32, #tpu.memory_space<vmem>>
    %dma_start3A_49 = tpu.memref_squeeze %dma_start3A_48 : memref<1x64xi32, #tpu.memory_space<vmem>> -> memref<64xi32, #tpu.memory_space<vmem>>
    %dma_start3A_50 = arith.constant 0 : i32
    %dma_start3A_51 = tpu.memref_slice %arg4[%add3A, %dma_start3A_45, %dma_start3A_50] : memref<32x160x64xi32, #tpu.memory_space<hbm>> -> memref<1x1x64xi32, #tpu.memory_space<hbm>>
    %dma_start3A_52 = tpu.memref_squeeze %dma_start3A_51 : memref<1x1x64xi32, #tpu.memory_space<hbm>> -> memref<64xi32, #tpu.memory_space<hbm>>
    %dma_start3A_53 = arith.constant 0 : i32
    %dma_start3A_54 = tpu.memref_slice %arg10[%dma_start3A_46, %dma_start3A_53] : memref<8x64xi32, #tpu.memory_space<vmem>> -> memref<1x64xi32, #tpu.memory_space<vmem>>
    %dma_start3A_55 = tpu.memref_squeeze %dma_start3A_54 : memref<1x64xi32, #tpu.memory_space<vmem>> -> memref<64xi32, #tpu.memory_space<vmem>>
    %dma_start3A_56 = arith.constant 0 : i32
    %dma_start3A_57 = tpu.memref_slice %arg4[%add3A, %dma_start3A_45, %dma_start3A_56] : memref<32x160x64xi32, #tpu.memory_space<hbm>> -> memref<1x1x64xi32, #tpu.memory_space<hbm>>
    %dma_start3A_58 = tpu.memref_squeeze %dma_start3A_57 : memref<1x1x64xi32, #tpu.memory_space<hbm>> -> memref<64xi32, #tpu.memory_space<hbm>>
    tpu.enqueue_dma source(%dma_start3A_58 : memref<64xi32, #tpu.memory_space<hbm>>) target(%dma_start3A_55 : memref<64xi32, #tpu.memory_space<vmem>>) target_semaphore(%arg15 : memref<!tpu.dma_semaphore, #tpu.memory_space<semaphore_mem>>)
    %dma_start3A_59 = arith.constant 2 : i32
    %dma_start3A_60 = arith.constant 2 : i32
    %dma_start3A_61 = arith.constant 0 : i32
    %dma_start3A_62 = tpu.memref_slice %arg9[%dma_start3A_60, %dma_start3A_61] : memref<8x64xi32, #tpu.memory_space<vmem>> -> memref<1x64xi32, #tpu.memory_space<vmem>>
    %dma_start3A_63 = tpu.memref_squeeze %dma_start3A_62 : memref<1x64xi32, #tpu.memory_space<vmem>> -> memref<64xi32, #tpu.memory_space<vmem>>
    %dma_start3A_64 = arith.constant 0 : i32
    %dma_start3A_65 = tpu.memref_slice %arg3[%add3A, %dma_start3A_59, %dma_start3A_64] : memref<32x160x64xi32, #tpu.memory_space<hbm>> -> memref<1x1x64xi32, #tpu.memory_space<hbm>>
    %dma_start3A_66 = tpu.memref_squeeze %dma_start3A_65 : memref<1x1x64xi32, #tpu.memory_space<hbm>> -> memref<64xi32, #tpu.memory_space<hbm>>
    %dma_start3A_67 = arith.constant 0 : i32
    %dma_start3A_68 = tpu.memref_slice %arg9[%dma_start3A_60, %dma_start3A_67] : memref<8x64xi32, #tpu.memory_space<vmem>> -> memref<1x64xi32, #tpu.memory_space<vmem>>
    %dma_start3A_69 = tpu.memref_squeeze %dma_start3A_68 : memref<1x64xi32, #tpu.memory_space<vmem>> -> memref<64xi32, #tpu.memory_space<vmem>>
    %dma_start3A_70 = arith.constant 0 : i32
    %dma_start3A_71 = tpu.memref_slice %arg3[%add3A, %dma_start3A_59, %dma_start3A_70] : memref<32x160x64xi32, #tpu.memory_space<hbm>> -> memref<1x1x64xi32, #tpu.memory_space<hbm>>
    %dma_start3A_72 = tpu.memref_squeeze %dma_start3A_71 : memref<1x1x64xi32, #tpu.memory_space<hbm>> -> memref<64xi32, #tpu.memory_space<hbm>>
    tpu.enqueue_dma source(%dma_start3A_72 : memref<64xi32, #tpu.memory_space<hbm>>) target(%dma_start3A_69 : memref<64xi32, #tpu.memory_space<vmem>>) target_semaphore(%arg16 : memref<!tpu.dma_semaphore, #tpu.memory_space<semaphore_mem>>)
    %dma_start3A_73 = arith.constant 2 : i32
    %dma_start3A_74 = arith.constant 2 : i32
    %dma_start3A_75 = arith.constant 0 : i32
    %dma_start3A_76 = tpu.memref_slice %arg10[%dma_start3A_74, %dma_start3A_75] : memref<8x64xi32, #tpu.memory_space<vmem>> -> memref<1x64xi32, #tpu.memory_space<vmem>>
    %dma_start3A_77 = tpu.memref_squeeze %dma_start3A_76 : memref<1x64xi32, #tpu.memory_space<vmem>> -> memref<64xi32, #tpu.memory_space<vmem>>
    %dma_start3A_78 = arith.constant 0 : i32
    %dma_start3A_79 = tpu.memref_slice %arg4[%add3A, %dma_start3A_73, %dma_start3A_78] : memref<32x160x64xi32, #tpu.memory_space<hbm>> -> memref<1x1x64xi32, #tpu.memory_space<hbm>>
    %dma_start3A_80 = tpu.memref_squeeze %dma_start3A_79 : memref<1x1x64xi32, #tpu.memory_space<hbm>> -> memref<64xi32, #tpu.memory_space<hbm>>
    %dma_start3A_81 = arith.constant 0 : i32
    %dma_start3A_82 = tpu.memref_slice %arg10[%dma_start3A_74, %dma_start3A_81] : memref<8x64xi32, #tpu.memory_space<vmem>> -> memref<1x64xi32, #tpu.memory_space<vmem>>
    %dma_start3A_83 = tpu.memref_squeeze %dma_start3A_82 : memref<1x64xi32, #tpu.memory_space<vmem>> -> memref<64xi32, #tpu.memory_space<vmem>>
    %dma_start3A_84 = arith.constant 0 : i32
    %dma_start3A_85 = tpu.memref_slice %arg4[%add3A, %dma_start3A_73, %dma_start3A_84] : memref<32x160x64xi32, #tpu.memory_space<hbm>> -> memref<1x1x64xi32, #tpu.memory_space<hbm>>
    %dma_start3A_86 = tpu.memref_squeeze %dma_start3A_85 : memref<1x1x64xi32, #tpu.memory_space<hbm>> -> memref<64xi32, #tpu.memory_space<hbm>>
    tpu.enqueue_dma source(%dma_start3A_86 : memref<64xi32, #tpu.memory_space<hbm>>) target(%dma_start3A_83 : memref<64xi32, #tpu.memory_space<vmem>>) target_semaphore(%arg16 : memref<!tpu.dma_semaphore, #tpu.memory_space<semaphore_mem>>)
    %dma_start3A_87 = arith.constant 3 : i32
    %dma_start3A_88 = arith.constant 3 : i32
    %dma_start3A_89 = arith.constant 0 : i32
    %dma_start3A_90 = tpu.memref_slice %arg9[%dma_start3A_88, %dma_start3A_89] : memref<8x64xi32, #tpu.memory_space<vmem>> -> memref<1x64xi32, #tpu.memory_space<vmem>>
    %dma_start3A_91 = tpu.memref_squeeze %dma_start3A_90 : memref<1x64xi32, #tpu.memory_space<vmem>> -> memref<64xi32, #tpu.memory_space<vmem>>
    %dma_start3A_92 = arith.constant 0 : i32
    %dma_start3A_93 = tpu.memref_slice %arg3[%add3A, %dma_start3A_87, %dma_start3A_92] : memref<32x160x64xi32, #tpu.memory_space<hbm>> -> memref<1x1x64xi32, #tpu.memory_space<hbm>>
    %dma_start3A_94 = tpu.memref_squeeze %dma_start3A_93 : memref<1x1x64xi32, #tpu.memory_space<hbm>> -> memref<64xi32, #tpu.memory_space<hbm>>
    %dma_start3A_95 = arith.constant 0 : i32
    %dma_start3A_96 = tpu.memref_slice %arg9[%dma_start3A_88, %dma_start3A_95] : memref<8x64xi32, #tpu.memory_space<vmem>> -> memref<1x64xi32, #tpu.memory_space<vmem>>
    %dma_start3A_97 = tpu.memref_squeeze %dma_start3A_96 : memref<1x64xi32, #tpu.memory_space<vmem>> -> memref<64xi32, #tpu.memory_space<vmem>>
    %dma_start3A_98 = arith.constant 0 : i32
    %dma_start3A_99 = tpu.memref_slice %arg3[%add3A, %dma_start3A_87, %dma_start3A_98] : memref<32x160x64xi32, #tpu.memory_space<hbm>> -> memref<1x1x64xi32, #tpu.memory_space<hbm>>
    %dma_start3A_100 = tpu.memref_squeeze %dma_start3A_99 : memref<1x1x64xi32, #tpu.memory_space<hbm>> -> memref<64xi32, #tpu.memory_space<hbm>>
    tpu.enqueue_dma source(%dma_start3A_100 : memref<64xi32, #tpu.memory_space<hbm>>) target(%dma_start3A_97 : memref<64xi32, #tpu.memory_space<vmem>>) target_semaphore(%arg17 : memref<!tpu.dma_semaphore, #tpu.memory_space<semaphore_mem>>)
    %dma_start3A_101 = arith.constant 3 : i32
    %dma_start3A_102 = arith.constant 3 : i32
    %dma_start3A_103 = arith.constant 0 : i32
    %dma_start3A_104 = tpu.memref_slice %arg10[%dma_start3A_102, %dma_start3A_103] : memref<8x64xi32, #tpu.memory_space<vmem>> -> memref<1x64xi32, #tpu.memory_space<vmem>>
    %dma_start3A_105 = tpu.memref_squeeze %dma_start3A_104 : memref<1x64xi32, #tpu.memory_space<vmem>> -> memref<64xi32, #tpu.memory_space<vmem>>
    %dma_start3A_106 = arith.constant 0 : i32
    %dma_start3A_107 = tpu.memref_slice %arg4[%add3A, %dma_start3A_101, %dma_start3A_106] : memref<32x160x64xi32, #tpu.memory_space<hbm>> -> memref<1x1x64xi32, #tpu.memory_space<hbm>>
    %dma_start3A_108 = tpu.memref_squeeze %dma_start3A_107 : memref<1x1x64xi32, #tpu.memory_space<hbm>> -> memref<64xi32, #tpu.memory_space<hbm>>
    %dma_start3A_109 = arith.constant 0 : i32
    %dma_start3A_110 = tpu.memref_slice %arg10[%dma_start3A_102, %dma_start3A_109] : memref<8x64xi32, #tpu.memory_space<vmem>> -> memref<1x64xi32, #tpu.memory_space<vmem>>
    %dma_start3A_111 = tpu.memref_squeeze %dma_start3A_110 : memref<1x64xi32, #tpu.memory_space<vmem>> -> memref<64xi32, #tpu.memory_space<vmem>>
    %dma_start3A_112 = arith.constant 0 : i32
    %dma_start3A_113 = tpu.memref_slice %arg4[%add3A, %dma_start3A_101, %dma_start3A_112] : memref<32x160x64xi32, #tpu.memory_space<hbm>> -> memref<1x1x64xi32, #tpu.memory_space<hbm>>
    %dma_start3A_114 = tpu.memref_squeeze %dma_start3A_113 : memref<1x1x64xi32, #tpu.memory_space<hbm>> -> memref<64xi32, #tpu.memory_space<hbm>>
    tpu.enqueue_dma source(%dma_start3A_114 : memref<64xi32, #tpu.memory_space<hbm>>) target(%dma_start3A_111 : memref<64xi32, #tpu.memory_space<vmem>>) target_semaphore(%arg17 : memref<!tpu.dma_semaphore, #tpu.memory_space<semaphore_mem>>)
    %dma_wait3A = arith.constant 0 : i32
    %dma_wait3A_115 = arith.constant 0 : i32
    %dma_wait3A_116 = arith.constant 0 : i32
    %dma_wait3A_117 = tpu.memref_slice %arg9[%dma_wait3A_115, %dma_wait3A_116] : memref<8x64xi32, #tpu.memory_space<vmem>> -> memref<1x64xi32, #tpu.memory_space<vmem>>
    %dma_wait3A_118 = tpu.memref_squeeze %dma_wait3A_117 : memref<1x64xi32, #tpu.memory_space<vmem>> -> memref<64xi32, #tpu.memory_space<vmem>>
    %dma_wait3A_119 = arith.constant 0 : i32
    %dma_wait3A_120 = tpu.memref_slice %arg3[%add3A, %dma_wait3A, %dma_wait3A_119] : memref<32x160x64xi32, #tpu.memory_space<hbm>> -> memref<1x1x64xi32, #tpu.memory_space<hbm>>
    %dma_wait3A_121 = tpu.memref_squeeze %dma_wait3A_120 : memref<1x1x64xi32, #tpu.memory_space<hbm>> -> memref<64xi32, #tpu.memory_space<hbm>>
    %dma_wait3A_122 = arith.constant 0 : i32
    %dma_wait3A_123 = tpu.memref_slice %arg9[%dma_wait3A_115, %dma_wait3A_122] : memref<8x64xi32, #tpu.memory_space<vmem>> -> memref<1x64xi32, #tpu.memory_space<vmem>>
    %dma_wait3A_124 = tpu.memref_squeeze %dma_wait3A_123 : memref<1x64xi32, #tpu.memory_space<vmem>> -> memref<64xi32, #tpu.memory_space<vmem>>
    %dma_wait3A_125 = arith.constant 0 : i32
    %dma_wait3A_126 = tpu.memref_slice %arg3[%add3A, %dma_wait3A, %dma_wait3A_125] : memref<32x160x64xi32, #tpu.memory_space<hbm>> -> memref<1x1x64xi32, #tpu.memory_space<hbm>>
    %dma_wait3A_127 = tpu.memref_squeeze %dma_wait3A_126 : memref<1x1x64xi32, #tpu.memory_space<hbm>> -> memref<64xi32, #tpu.memory_space<hbm>>
    tpu.wait_dma2 semaphore(%arg14 : memref<!tpu.dma_semaphore, #tpu.memory_space<semaphore_mem>>) src(%dma_wait3A_127 : memref<64xi32, #tpu.memory_space<hbm>>) dst(%dma_wait3A_124 : memref<64xi32, #tpu.memory_space<vmem>>)
    %dma_wait3A_128 = arith.constant 0 : i32
    %dma_wait3A_129 = arith.constant 0 : i32
    %dma_wait3A_130 = arith.constant 0 : i32
    %dma_wait3A_131 = tpu.memref_slice %arg10[%dma_wait3A_129, %dma_wait3A_130] : memref<8x64xi32, #tpu.memory_space<vmem>> -> memref<1x64xi32, #tpu.memory_space<vmem>>
    %dma_wait3A_132 = tpu.memref_squeeze %dma_wait3A_131 : memref<1x64xi32, #tpu.memory_space<vmem>> -> memref<64xi32, #tpu.memory_space<vmem>>
    %dma_wait3A_133 = arith.constant 0 : i32
    %dma_wait3A_134 = tpu.memref_slice %arg4[%add3A, %dma_wait3A_128, %dma_wait3A_133] : memref<32x160x64xi32, #tpu.memory_space<hbm>> -> memref<1x1x64xi32, #tpu.memory_space<hbm>>
    %dma_wait3A_135 = tpu.memref_squeeze %dma_wait3A_134 : memref<1x1x64xi32, #tpu.memory_space<hbm>> -> memref<64xi32, #tpu.memory_space<hbm>>
    %dma_wait3A_136 = arith.constant 0 : i32
    %dma_wait3A_137 = tpu.memref_slice %arg10[%dma_wait3A_129, %dma_wait3A_136] : memref<8x64xi32, #tpu.memory_space<vmem>> -> memref<1x64xi32, #tpu.memory_space<vmem>>
    %dma_wait3A_138 = tpu.memref_squeeze %dma_wait3A_137 : memref<1x64xi32, #tpu.memory_space<vmem>> -> memref<64xi32, #tpu.memory_space<vmem>>
    %dma_wait3A_139 = arith.constant 0 : i32
    %dma_wait3A_140 = tpu.memref_slice %arg4[%add3A, %dma_wait3A_128, %dma_wait3A_139] : memref<32x160x64xi32, #tpu.memory_space<hbm>> -> memref<1x1x64xi32, #tpu.memory_space<hbm>>
    %dma_wait3A_141 = tpu.memref_squeeze %dma_wait3A_140 : memref<1x1x64xi32, #tpu.memory_space<hbm>> -> memref<64xi32, #tpu.memory_space<hbm>>
    tpu.wait_dma2 semaphore(%arg14 : memref<!tpu.dma_semaphore, #tpu.memory_space<semaphore_mem>>) src(%dma_wait3A_141 : memref<64xi32, #tpu.memory_space<hbm>>) dst(%dma_wait3A_138 : memref<64xi32, #tpu.memory_space<vmem>>)
    %dma_start3A_142 = arith.constant 4 : i32
    %dma_start3A_143 = arith.constant 4 : i32
    %dma_start3A_144 = arith.constant 0 : i32
    %dma_start3A_145 = tpu.memref_slice %arg9[%dma_start3A_143, %dma_start3A_144] : memref<8x64xi32, #tpu.memory_space<vmem>> -> memref<1x64xi32, #tpu.memory_space<vmem>>
    %dma_start3A_146 = tpu.memref_squeeze %dma_start3A_145 : memref<1x64xi32, #tpu.memory_space<vmem>> -> memref<64xi32, #tpu.memory_space<vmem>>
    %dma_start3A_147 = arith.constant 0 : i32
    %dma_start3A_148 = tpu.memref_slice %arg3[%add3A, %dma_start3A_142, %dma_start3A_147] : memref<32x160x64xi32, #tpu.memory_space<hbm>> -> memref<1x1x64xi32, #tpu.memory_space<hbm>>
    %dma_start3A_149 = tpu.memref_squeeze %dma_start3A_148 : memref<1x1x64xi32, #tpu.memory_space<hbm>> -> memref<64xi32, #tpu.memory_space<hbm>>
    %dma_start3A_150 = arith.constant 0 : i32
    %dma_start3A_151 = tpu.memref_slice %arg9[%dma_start3A_143, %dma_start3A_150] : memref<8x64xi32, #tpu.memory_space<vmem>> -> memref<1x64xi32, #tpu.memory_space<vmem>>
    %dma_start3A_152 = tpu.memref_squeeze %dma_start3A_151 : memref<1x64xi32, #tpu.memory_space<vmem>> -> memref<64xi32, #tpu.memory_space<vmem>>
    %dma_start3A_153 = arith.constant 0 : i32
    %dma_start3A_154 = tpu.memref_slice %arg3[%add3A, %dma_start3A_142, %dma_start3A_153] : memref<32x160x64xi32, #tpu.memory_space<hbm>> -> memref<1x1x64xi32, #tpu.memory_space<hbm>>
    %dma_start3A_155 = tpu.memref_squeeze %dma_start3A_154 : memref<1x1x64xi32, #tpu.memory_space<hbm>> -> memref<64xi32, #tpu.memory_space<hbm>>
    tpu.enqueue_dma source(%dma_start3A_155 : memref<64xi32, #tpu.memory_space<hbm>>) target(%dma_start3A_152 : memref<64xi32, #tpu.memory_space<vmem>>) target_semaphore(%arg18 : memref<!tpu.dma_semaphore, #tpu.memory_space<semaphore_mem>>)
    %dma_start3A_156 = arith.constant 4 : i32
    %dma_start3A_157 = arith.constant 4 : i32
    %dma_start3A_158 = arith.constant 0 : i32
    %dma_start3A_159 = tpu.memref_slice %arg10[%dma_start3A_157, %dma_start3A_158] : memref<8x64xi32, #tpu.memory_space<vmem>> -> memref<1x64xi32, #tpu.memory_space<vmem>>
    %dma_start3A_160 = tpu.memref_squeeze %dma_start3A_159 : memref<1x64xi32, #tpu.memory_space<vmem>> -> memref<64xi32, #tpu.memory_space<vmem>>
    %dma_start3A_161 = arith.constant 0 : i32
    %dma_start3A_162 = tpu.memref_slice %arg4[%add3A, %dma_start3A_156, %dma_start3A_161] : memref<32x160x64xi32, #tpu.memory_space<hbm>> -> memref<1x1x64xi32, #tpu.memory_space<hbm>>
    %dma_start3A_163 = tpu.memref_squeeze %dma_start3A_162 : memref<1x1x64xi32, #tpu.memory_space<hbm>> -> memref<64xi32, #tpu.memory_space<hbm>>
    %dma_start3A_164 = arith.constant 0 : i32
    %dma_start3A_165 = tpu.memref_slice %arg10[%dma_start3A_157, %dma_start3A_164] : memref<8x64xi32, #tpu.memory_space<vmem>> -> memref<1x64xi32, #tpu.memory_space<vmem>>
    %dma_start3A_166 = tpu.memref_squeeze %dma_start3A_165 : memref<1x64xi32, #tpu.memory_space<vmem>> -> memref<64xi32, #tpu.memory_space<vmem>>
    %dma_start3A_167 = arith.constant 0 : i32
    %dma_start3A_168 = tpu.memref_slice %arg4[%add3A, %dma_start3A_156, %dma_start3A_167] : memref<32x160x64xi32, #tpu.memory_space<hbm>> -> memref<1x1x64xi32, #tpu.memory_space<hbm>>
    %dma_start3A_169 = tpu.memref_squeeze %dma_start3A_168 : memref<1x1x64xi32, #tpu.memory_space<hbm>> -> memref<64xi32, #tpu.memory_space<hbm>>
    tpu.enqueue_dma source(%dma_start3A_169 : memref<64xi32, #tpu.memory_space<hbm>>) target(%dma_start3A_166 : memref<64xi32, #tpu.memory_space<vmem>>) target_semaphore(%arg18 : memref<!tpu.dma_semaphore, #tpu.memory_space<semaphore_mem>>)
    %dma_start3A_170 = arith.constant 0 : i32
    %dma_start3A_171 = arith.constant 0 : i32
    %dma_start3A_172 = arith.constant 0 : i32
    %dma_start3A_173 = arith.constant 0 : i32
    %dma_start3A_174 = tpu.memref_slice %arg11[%dma_start3A_171, %dma_start3A_172, %dma_start3A_173] : memref<4x64x128xf32, #tpu.memory_space<vmem>> -> memref<1x64x128xf32, #tpu.memory_space<vmem>>
    %dma_start3A_175 = tpu.memref_squeeze %dma_start3A_174 : memref<1x64x128xf32, #tpu.memory_space<vmem>> -> memref<64x128xf32, #tpu.memory_space<vmem>>
    %dma_start3A_176 = arith.constant 0 : i32
    %dma_start3A_177 = tpu.memref_slice %arg9[%dma_start3A_170, %dma_start3A_176] : memref<8x64xi32, #tpu.memory_space<vmem>> -> memref<1x64xi32, #tpu.memory_space<vmem>>
    %dma_start3A_178 = tpu.memref_squeeze %dma_start3A_177 : memref<1x64xi32, #tpu.memory_space<vmem>> -> memref<64xi32, #tpu.memory_space<vmem>>
    %dma_start3A_179 = arith.constant 0 : i32
    %dma_start3A_180 = arith.constant 0 : i32
    %dma_start3A_181 = tpu.memref_slice %arg2[%dma_start3A_179, %dma_start3A_180] : memref<10000x128xf32, #tpu.memory_space<hbm>> -> memref<10000x128xf32, #tpu.memory_space<hbm>>
    tpu.enqueue_indirect_dma source(%dma_start3A_181 : memref<10000x128xf32, #tpu.memory_space<hbm>>) target(%dma_start3A_175 : memref<64x128xf32, #tpu.memory_space<vmem>>) offsets(%dma_start3A_178 : memref<64xi32, #tpu.memory_space<vmem>>) semaphore(%arg22 : memref<!tpu.dma_semaphore, #tpu.memory_space<semaphore_mem>>)
    %dma_wait3A_182 = arith.constant 0 : i32
    %dma_wait3A_183 = arith.constant 1 : i32
    %dma_wait3A_184 = arith.constant 0 : i32
    %dma_wait3A_185 = tpu.memref_slice %arg9[%dma_wait3A_183, %dma_wait3A_184] : memref<8x64xi32, #tpu.memory_space<vmem>> -> memref<1x64xi32, #tpu.memory_space<vmem>>
    %dma_wait3A_186 = tpu.memref_squeeze %dma_wait3A_185 : memref<1x64xi32, #tpu.memory_space<vmem>> -> memref<64xi32, #tpu.memory_space<vmem>>
    %dma_wait3A_187 = arith.constant 0 : i32
    %dma_wait3A_188 = tpu.memref_slice %arg3[%add3A, %dma_wait3A_182, %dma_wait3A_187] : memref<32x160x64xi32, #tpu.memory_space<hbm>> -> memref<1x1x64xi32, #tpu.memory_space<hbm>>
    %dma_wait3A_189 = tpu.memref_squeeze %dma_wait3A_188 : memref<1x1x64xi32, #tpu.memory_space<hbm>> -> memref<64xi32, #tpu.memory_space<hbm>>
    %dma_wait3A_190 = arith.constant 0 : i32
    %dma_wait3A_191 = tpu.memref_slice %arg9[%dma_wait3A_183, %dma_wait3A_190] : memref<8x64xi32, #tpu.memory_space<vmem>> -> memref<1x64xi32, #tpu.memory_space<vmem>>
    %dma_wait3A_192 = tpu.memref_squeeze %dma_wait3A_191 : memref<1x64xi32, #tpu.memory_space<vmem>> -> memref<64xi32, #tpu.memory_space<vmem>>
    %dma_wait3A_193 = arith.constant 0 : i32
    %dma_wait3A_194 = tpu.memref_slice %arg3[%add3A, %dma_wait3A_182, %dma_wait3A_193] : memref<32x160x64xi32, #tpu.memory_space<hbm>> -> memref<1x1x64xi32, #tpu.memory_space<hbm>>
    %dma_wait3A_195 = tpu.memref_squeeze %dma_wait3A_194 : memref<1x1x64xi32, #tpu.memory_space<hbm>> -> memref<64xi32, #tpu.memory_space<hbm>>
    tpu.wait_dma2 semaphore(%arg15 : memref<!tpu.dma_semaphore, #tpu.memory_space<semaphore_mem>>) src(%dma_wait3A_195 : memref<64xi32, #tpu.memory_space<hbm>>) dst(%dma_wait3A_192 : memref<64xi32, #tpu.memory_space<vmem>>)
    %dma_wait3A_196 = arith.constant 0 : i32
    %dma_wait3A_197 = arith.constant 1 : i32
    %dma_wait3A_198 = arith.constant 0 : i32
    %dma_wait3A_199 = tpu.memref_slice %arg10[%dma_wait3A_197, %dma_wait3A_198] : memref<8x64xi32, #tpu.memory_space<vmem>> -> memref<1x64xi32, #tpu.memory_space<vmem>>
    %dma_wait3A_200 = tpu.memref_squeeze %dma_wait3A_199 : memref<1x64xi32, #tpu.memory_space<vmem>> -> memref<64xi32, #tpu.memory_space<vmem>>
    %dma_wait3A_201 = arith.constant 0 : i32
    %dma_wait3A_202 = tpu.memref_slice %arg4[%add3A, %dma_wait3A_196, %dma_wait3A_201] : memref<32x160x64xi32, #tpu.memory_space<hbm>> -> memref<1x1x64xi32, #tpu.memory_space<hbm>>
    %dma_wait3A_203 = tpu.memref_squeeze %dma_wait3A_202 : memref<1x1x64xi32, #tpu.memory_space<hbm>> -> memref<64xi32, #tpu.memory_space<hbm>>
    %dma_wait3A_204 = arith.constant 0 : i32
    %dma_wait3A_205 = tpu.memref_slice %arg10[%dma_wait3A_197, %dma_wait3A_204] : memref<8x64xi32, #tpu.memory_space<vmem>> -> memref<1x64xi32, #tpu.memory_space<vmem>>
    %dma_wait3A_206 = tpu.memref_squeeze %dma_wait3A_205 : memref<1x64xi32, #tpu.memory_space<vmem>> -> memref<64xi32, #tpu.memory_space<vmem>>
    %dma_wait3A_207 = arith.constant 0 : i32
    %dma_wait3A_208 = tpu.memref_slice %arg4[%add3A, %dma_wait3A_196, %dma_wait3A_207] : memref<32x160x64xi32, #tpu.memory_space<hbm>> -> memref<1x1x64xi32, #tpu.memory_space<hbm>>
    %dma_wait3A_209 = tpu.memref_squeeze %dma_wait3A_208 : memref<1x1x64xi32, #tpu.memory_space<hbm>> -> memref<64xi32, #tpu.memory_space<hbm>>
    tpu.wait_dma2 semaphore(%arg15 : memref<!tpu.dma_semaphore, #tpu.memory_space<semaphore_mem>>) src(%dma_wait3A_209 : memref<64xi32, #tpu.memory_space<hbm>>) dst(%dma_wait3A_206 : memref<64xi32, #tpu.memory_space<vmem>>)
    %dma_start3A_210 = arith.constant 5 : i32
    %dma_start3A_211 = arith.constant 5 : i32
    %dma_start3A_212 = arith.constant 0 : i32
    %dma_start3A_213 = tpu.memref_slice %arg9[%dma_start3A_211, %dma_start3A_212] : memref<8x64xi32, #tpu.memory_space<vmem>> -> memref<1x64xi32, #tpu.memory_space<vmem>>
    %dma_start3A_214 = tpu.memref_squeeze %dma_start3A_213 : memref<1x64xi32, #tpu.memory_space<vmem>> -> memref<64xi32, #tpu.memory_space<vmem>>
    %dma_start3A_215 = arith.constant 0 : i32
    %dma_start3A_216 = tpu.memref_slice %arg3[%add3A, %dma_start3A_210, %dma_start3A_215] : memref<32x160x64xi32, #tpu.memory_space<hbm>> -> memref<1x1x64xi32, #tpu.memory_space<hbm>>
    %dma_start3A_217 = tpu.memref_squeeze %dma_start3A_216 : memref<1x1x64xi32, #tpu.memory_space<hbm>> -> memref<64xi32, #tpu.memory_space<hbm>>
    %dma_start3A_218 = arith.constant 0 : i32
    %dma_start3A_219 = tpu.memref_slice %arg9[%dma_start3A_211, %dma_start3A_218] : memref<8x64xi32, #tpu.memory_space<vmem>> -> memref<1x64xi32, #tpu.memory_space<vmem>>
    %dma_start3A_220 = tpu.memref_squeeze %dma_start3A_219 : memref<1x64xi32, #tpu.memory_space<vmem>> -> memref<64xi32, #tpu.memory_space<vmem>>
    %dma_start3A_221 = arith.constant 0 : i32
    %dma_start3A_222 = tpu.memref_slice %arg3[%add3A, %dma_start3A_210, %dma_start3A_221] : memref<32x160x64xi32, #tpu.memory_space<hbm>> -> memref<1x1x64xi32, #tpu.memory_space<hbm>>
    %dma_start3A_223 = tpu.memref_squeeze %dma_start3A_222 : memref<1x1x64xi32, #tpu.memory_space<hbm>> -> memref<64xi32, #tpu.memory_space<hbm>>
    tpu.enqueue_dma source(%dma_start3A_223 : memref<64xi32, #tpu.memory_space<hbm>>) target(%dma_start3A_220 : memref<64xi32, #tpu.memory_space<vmem>>) target_semaphore(%arg19 : memref<!tpu.dma_semaphore, #tpu.memory_space<semaphore_mem>>)
    %dma_start3A_224 = arith.constant 5 : i32
    %dma_start3A_225 = arith.constant 5 : i32
    %dma_start3A_226 = arith.constant 0 : i32
    %dma_start3A_227 = tpu.memref_slice %arg10[%dma_start3A_225, %dma_start3A_226] : memref<8x64xi32, #tpu.memory_space<vmem>> -> memref<1x64xi32, #tpu.memory_space<vmem>>
    %dma_start3A_228 = tpu.memref_squeeze %dma_start3A_227 : memref<1x64xi32, #tpu.memory_space<vmem>> -> memref<64xi32, #tpu.memory_space<vmem>>
    %dma_start3A_229 = arith.constant 0 : i32
    %dma_start3A_230 = tpu.memref_slice %arg4[%add3A, %dma_start3A_224, %dma_start3A_229] : memref<32x160x64xi32, #tpu.memory_space<hbm>> -> memref<1x1x64xi32, #tpu.memory_space<hbm>>
    %dma_start3A_231 = tpu.memref_squeeze %dma_start3A_230 : memref<1x1x64xi32, #tpu.memory_space<hbm>> -> memref<64xi32, #tpu.memory_space<hbm>>
    %dma_start3A_232 = arith.constant 0 : i32
    %dma_start3A_233 = tpu.memref_slice %arg10[%dma_start3A_225, %dma_start3A_232] : memref<8x64xi32, #tpu.memory_space<vmem>> -> memref<1x64xi32, #tpu.memory_space<vmem>>
    %dma_start3A_234 = tpu.memref_squeeze %dma_start3A_233 : memref<1x64xi32, #tpu.memory_space<vmem>> -> memref<64xi32, #tpu.memory_space<vmem>>
    %dma_start3A_235 = arith.constant 0 : i32
    %dma_start3A_236 = tpu.memref_slice %arg4[%add3A, %dma_start3A_224, %dma_start3A_235] : memref<32x160x64xi32, #tpu.memory_space<hbm>> -> memref<1x1x64xi32, #tpu.memory_space<hbm>>
    %dma_start3A_237 = tpu.memref_squeeze %dma_start3A_236 : memref<1x1x64xi32, #tpu.memory_space<hbm>> -> memref<64xi32, #tpu.memory_space<hbm>>
    tpu.enqueue_dma source(%dma_start3A_237 : memref<64xi32, #tpu.memory_space<hbm>>) target(%dma_start3A_234 : memref<64xi32, #tpu.memory_space<vmem>>) target_semaphore(%arg19 : memref<!tpu.dma_semaphore, #tpu.memory_space<semaphore_mem>>)
    %dma_start3A_238 = arith.constant 1 : i32
    %dma_start3A_239 = arith.constant 1 : i32
    %dma_start3A_240 = arith.constant 0 : i32
    %dma_start3A_241 = arith.constant 0 : i32
    %dma_start3A_242 = tpu.memref_slice %arg11[%dma_start3A_239, %dma_start3A_240, %dma_start3A_241] : memref<4x64x128xf32, #tpu.memory_space<vmem>> -> memref<1x64x128xf32, #tpu.memory_space<vmem>>
    %dma_start3A_243 = tpu.memref_squeeze %dma_start3A_242 : memref<1x64x128xf32, #tpu.memory_space<vmem>> -> memref<64x128xf32, #tpu.memory_space<vmem>>
    %dma_start3A_244 = arith.constant 0 : i32
    %dma_start3A_245 = tpu.memref_slice %arg9[%dma_start3A_238, %dma_start3A_244] : memref<8x64xi32, #tpu.memory_space<vmem>> -> memref<1x64xi32, #tpu.memory_space<vmem>>
    %dma_start3A_246 = tpu.memref_squeeze %dma_start3A_245 : memref<1x64xi32, #tpu.memory_space<vmem>> -> memref<64xi32, #tpu.memory_space<vmem>>
    %dma_start3A_247 = arith.constant 0 : i32
    %dma_start3A_248 = arith.constant 0 : i32
    %dma_start3A_249 = tpu.memref_slice %arg2[%dma_start3A_247, %dma_start3A_248] : memref<10000x128xf32, #tpu.memory_space<hbm>> -> memref<10000x128xf32, #tpu.memory_space<hbm>>
    tpu.enqueue_indirect_dma source(%dma_start3A_249 : memref<10000x128xf32, #tpu.memory_space<hbm>>) target(%dma_start3A_243 : memref<64x128xf32, #tpu.memory_space<vmem>>) offsets(%dma_start3A_246 : memref<64xi32, #tpu.memory_space<vmem>>) semaphore(%arg23 : memref<!tpu.dma_semaphore, #tpu.memory_space<semaphore_mem>>)
    %dma_wait3A_250 = arith.constant 0 : i32
    %dma_wait3A_251 = arith.constant 2 : i32
    %dma_wait3A_252 = arith.constant 0 : i32
    %dma_wait3A_253 = tpu.memref_slice %arg9[%dma_wait3A_251, %dma_wait3A_252] : memref<8x64xi32, #tpu.memory_space<vmem>> -> memref<1x64xi32, #tpu.memory_space<vmem>>
    %dma_wait3A_254 = tpu.memref_squeeze %dma_wait3A_253 : memref<1x64xi32, #tpu.memory_space<vmem>> -> memref<64xi32, #tpu.memory_space<vmem>>
    %dma_wait3A_255 = arith.constant 0 : i32
    %dma_wait3A_256 = tpu.memref_slice %arg3[%add3A, %dma_wait3A_250, %dma_wait3A_255] : memref<32x160x64xi32, #tpu.memory_space<hbm>> -> memref<1x1x64xi32, #tpu.memory_space<hbm>>
    %dma_wait3A_257 = tpu.memref_squeeze %dma_wait3A_256 : memref<1x1x64xi32, #tpu.memory_space<hbm>> -> memref<64xi32, #tpu.memory_space<hbm>>
    %dma_wait3A_258 = arith.constant 0 : i32
    %dma_wait3A_259 = tpu.memref_slice %arg9[%dma_wait3A_251, %dma_wait3A_258] : memref<8x64xi32, #tpu.memory_space<vmem>> -> memref<1x64xi32, #tpu.memory_space<vmem>>
    %dma_wait3A_260 = tpu.memref_squeeze %dma_wait3A_259 : memref<1x64xi32, #tpu.memory_space<vmem>> -> memref<64xi32, #tpu.memory_space<vmem>>
    %dma_wait3A_261 = arith.constant 0 : i32
    %dma_wait3A_262 = tpu.memref_slice %arg3[%add3A, %dma_wait3A_250, %dma_wait3A_261] : memref<32x160x64xi32, #tpu.memory_space<hbm>> -> memref<1x1x64xi32, #tpu.memory_space<hbm>>
    %dma_wait3A_263 = tpu.memref_squeeze %dma_wait3A_262 : memref<1x1x64xi32, #tpu.memory_space<hbm>> -> memref<64xi32, #tpu.memory_space<hbm>>
    tpu.wait_dma2 semaphore(%arg16 : memref<!tpu.dma_semaphore, #tpu.memory_space<semaphore_mem>>) src(%dma_wait3A_263 : memref<64xi32, #tpu.memory_space<hbm>>) dst(%dma_wait3A_260 : memref<64xi32, #tpu.memory_space<vmem>>)
    %dma_wait3A_264 = arith.constant 0 : i32
    %dma_wait3A_265 = arith.constant 2 : i32
    %dma_wait3A_266 = arith.constant 0 : i32
    %dma_wait3A_267 = tpu.memref_slice %arg10[%dma_wait3A_265, %dma_wait3A_266] : memref<8x64xi32, #tpu.memory_space<vmem>> -> memref<1x64xi32, #tpu.memory_space<vmem>>
    %dma_wait3A_268 = tpu.memref_squeeze %dma_wait3A_267 : memref<1x64xi32, #tpu.memory_space<vmem>> -> memref<64xi32, #tpu.memory_space<vmem>>
    %dma_wait3A_269 = arith.constant 0 : i32
    %dma_wait3A_270 = tpu.memref_slice %arg4[%add3A, %dma_wait3A_264, %dma_wait3A_269] : memref<32x160x64xi32, #tpu.memory_space<hbm>> -> memref<1x1x64xi32, #tpu.memory_space<hbm>>
    %dma_wait3A_271 = tpu.memref_squeeze %dma_wait3A_270 : memref<1x1x64xi32, #tpu.memory_space<hbm>> -> memref<64xi32, #tpu.memory_space<hbm>>
    %dma_wait3A_272 = arith.constant 0 : i32
    %dma_wait3A_273 = tpu.memref_slice %arg10[%dma_wait3A_265, %dma_wait3A_272] : memref<8x64xi32, #tpu.memory_space<vmem>> -> memref<1x64xi32, #tpu.memory_space<vmem>>
    %dma_wait3A_274 = tpu.memref_squeeze %dma_wait3A_273 : memref<1x64xi32, #tpu.memory_space<vmem>> -> memref<64xi32, #tpu.memory_space<vmem>>
    %dma_wait3A_275 = arith.constant 0 : i32
    %dma_wait3A_276 = tpu.memref_slice %arg4[%add3A, %dma_wait3A_264, %dma_wait3A_275] : memref<32x160x64xi32, #tpu.memory_space<hbm>> -> memref<1x1x64xi32, #tpu.memory_space<hbm>>
    %dma_wait3A_277 = tpu.memref_squeeze %dma_wait3A_276 : memref<1x1x64xi32, #tpu.memory_space<hbm>> -> memref<64xi32, #tpu.memory_space<hbm>>
    tpu.wait_dma2 semaphore(%arg16 : memref<!tpu.dma_semaphore, #tpu.memory_space<semaphore_mem>>) src(%dma_wait3A_277 : memref<64xi32, #tpu.memory_space<hbm>>) dst(%dma_wait3A_274 : memref<64xi32, #tpu.memory_space<vmem>>)
    %dma_start3A_278 = arith.constant 6 : i32
    %dma_start3A_279 = arith.constant 6 : i32
    %dma_start3A_280 = arith.constant 0 : i32
    %dma_start3A_281 = tpu.memref_slice %arg9[%dma_start3A_279, %dma_start3A_280] : memref<8x64xi32, #tpu.memory_space<vmem>> -> memref<1x64xi32, #tpu.memory_space<vmem>>
    %dma_start3A_282 = tpu.memref_squeeze %dma_start3A_281 : memref<1x64xi32, #tpu.memory_space<vmem>> -> memref<64xi32, #tpu.memory_space<vmem>>
    %dma_start3A_283 = arith.constant 0 : i32
    %dma_start3A_284 = tpu.memref_slice %arg3[%add3A, %dma_start3A_278, %dma_start3A_283] : memref<32x160x64xi32, #tpu.memory_space<hbm>> -> memref<1x1x64xi32, #tpu.memory_space<hbm>>
    %dma_start3A_285 = tpu.memref_squeeze %dma_start3A_284 : memref<1x1x64xi32, #tpu.memory_space<hbm>> -> memref<64xi32, #tpu.memory_space<hbm>>
    %dma_start3A_286 = arith.constant 0 : i32
    %dma_start3A_287 = tpu.memref_slice %arg9[%dma_start3A_279, %dma_start3A_286] : memref<8x64xi32, #tpu.memory_space<vmem>> -> memref<1x64xi32, #tpu.memory_space<vmem>>
    %dma_start3A_288 = tpu.memref_squeeze %dma_start3A_287 : memref<1x64xi32, #tpu.memory_space<vmem>> -> memref<64xi32, #tpu.memory_space<vmem>>
    %dma_start3A_289 = arith.constant 0 : i32
    %dma_start3A_290 = tpu.memref_slice %arg3[%add3A, %dma_start3A_278, %dma_start3A_289] : memref<32x160x64xi32, #tpu.memory_space<hbm>> -> memref<1x1x64xi32, #tpu.memory_space<hbm>>
    %dma_start3A_291 = tpu.memref_squeeze %dma_start3A_290 : memref<1x1x64xi32, #tpu.memory_space<hbm>> -> memref<64xi32, #tpu.memory_space<hbm>>
    tpu.enqueue_dma source(%dma_start3A_291 : memref<64xi32, #tpu.memory_space<hbm>>) target(%dma_start3A_288 : memref<64xi32, #tpu.memory_space<vmem>>) target_semaphore(%arg20 : memref<!tpu.dma_semaphore, #tpu.memory_space<semaphore_mem>>)
    %dma_start3A_292 = arith.constant 6 : i32
    %dma_start3A_293 = arith.constant 6 : i32
    %dma_start3A_294 = arith.constant 0 : i32
    %dma_start3A_295 = tpu.memref_slice %arg10[%dma_start3A_293, %dma_start3A_294] : memref<8x64xi32, #tpu.memory_space<vmem>> -> memref<1x64xi32, #tpu.memory_space<vmem>>
    %dma_start3A_296 = tpu.memref_squeeze %dma_start3A_295 : memref<1x64xi32, #tpu.memory_space<vmem>> -> memref<64xi32, #tpu.memory_space<vmem>>
    %dma_start3A_297 = arith.constant 0 : i32
    %dma_start3A_298 = tpu.memref_slice %arg4[%add3A, %dma_start3A_292, %dma_start3A_297] : memref<32x160x64xi32, #tpu.memory_space<hbm>> -> memref<1x1x64xi32, #tpu.memory_space<hbm>>
    %dma_start3A_299 = tpu.memref_squeeze %dma_start3A_298 : memref<1x1x64xi32, #tpu.memory_space<hbm>> -> memref<64xi32, #tpu.memory_space<hbm>>
    %dma_start3A_300 = arith.constant 0 : i32
    %dma_start3A_301 = tpu.memref_slice %arg10[%dma_start3A_293, %dma_start3A_300] : memref<8x64xi32, #tpu.memory_space<vmem>> -> memref<1x64xi32, #tpu.memory_space<vmem>>
    %dma_start3A_302 = tpu.memref_squeeze %dma_start3A_301 : memref<1x64xi32, #tpu.memory_space<vmem>> -> memref<64xi32, #tpu.memory_space<vmem>>
    %dma_start3A_303 = arith.constant 0 : i32
    %dma_start3A_304 = tpu.memref_slice %arg4[%add3A, %dma_start3A_292, %dma_start3A_303] : memref<32x160x64xi32, #tpu.memory_space<hbm>> -> memref<1x1x64xi32, #tpu.memory_space<hbm>>
    %dma_start3A_305 = tpu.memref_squeeze %dma_start3A_304 : memref<1x1x64xi32, #tpu.memory_space<hbm>> -> memref<64xi32, #tpu.memory_space<hbm>>
    tpu.enqueue_dma source(%dma_start3A_305 : memref<64xi32, #tpu.memory_space<hbm>>) target(%dma_start3A_302 : memref<64xi32, #tpu.memory_space<vmem>>) target_semaphore(%arg20 : memref<!tpu.dma_semaphore, #tpu.memory_space<semaphore_mem>>)
    %dma_start3A_306 = arith.constant 2 : i32
    %dma_start3A_307 = arith.constant 2 : i32
    %dma_start3A_308 = arith.constant 0 : i32
    %dma_start3A_309 = arith.constant 0 : i32
    %dma_start3A_310 = tpu.memref_slice %arg11[%dma_start3A_307, %dma_start3A_308, %dma_start3A_309] : memref<4x64x128xf32, #tpu.memory_space<vmem>> -> memref<1x64x128xf32, #tpu.memory_space<vmem>>
    %dma_start3A_311 = tpu.memref_squeeze %dma_start3A_310 : memref<1x64x128xf32, #tpu.memory_space<vmem>> -> memref<64x128xf32, #tpu.memory_space<vmem>>
    %dma_start3A_312 = arith.constant 0 : i32
    %dma_start3A_313 = tpu.memref_slice %arg9[%dma_start3A_306, %dma_start3A_312] : memref<8x64xi32, #tpu.memory_space<vmem>> -> memref<1x64xi32, #tpu.memory_space<vmem>>
    %dma_start3A_314 = tpu.memref_squeeze %dma_start3A_313 : memref<1x64xi32, #tpu.memory_space<vmem>> -> memref<64xi32, #tpu.memory_space<vmem>>
    %dma_start3A_315 = arith.constant 0 : i32
    %dma_start3A_316 = arith.constant 0 : i32
    %dma_start3A_317 = tpu.memref_slice %arg2[%dma_start3A_315, %dma_start3A_316] : memref<10000x128xf32, #tpu.memory_space<hbm>> -> memref<10000x128xf32, #tpu.memory_space<hbm>>
    tpu.enqueue_indirect_dma source(%dma_start3A_317 : memref<10000x128xf32, #tpu.memory_space<hbm>>) target(%dma_start3A_311 : memref<64x128xf32, #tpu.memory_space<vmem>>) offsets(%dma_start3A_314 : memref<64xi32, #tpu.memory_space<vmem>>) semaphore(%arg24 : memref<!tpu.dma_semaphore, #tpu.memory_space<semaphore_mem>>)
    %dma_wait3A_318 = arith.constant 0 : i32
    %dma_wait3A_319 = arith.constant 3 : i32
    %dma_wait3A_320 = arith.constant 0 : i32
    %dma_wait3A_321 = tpu.memref_slice %arg9[%dma_wait3A_319, %dma_wait3A_320] : memref<8x64xi32, #tpu.memory_space<vmem>> -> memref<1x64xi32, #tpu.memory_space<vmem>>
    %dma_wait3A_322 = tpu.memref_squeeze %dma_wait3A_321 : memref<1x64xi32, #tpu.memory_space<vmem>> -> memref<64xi32, #tpu.memory_space<vmem>>
    %dma_wait3A_323 = arith.constant 0 : i32
    %dma_wait3A_324 = tpu.memref_slice %arg3[%add3A, %dma_wait3A_318, %dma_wait3A_323] : memref<32x160x64xi32, #tpu.memory_space<hbm>> -> memref<1x1x64xi32, #tpu.memory_space<hbm>>
    %dma_wait3A_325 = tpu.memref_squeeze %dma_wait3A_324 : memref<1x1x64xi32, #tpu.memory_space<hbm>> -> memref<64xi32, #tpu.memory_space<hbm>>
    %dma_wait3A_326 = arith.constant 0 : i32
    %dma_wait3A_327 = tpu.memref_slice %arg9[%dma_wait3A_319, %dma_wait3A_326] : memref<8x64xi32, #tpu.memory_space<vmem>> -> memref<1x64xi32, #tpu.memory_space<vmem>>
    %dma_wait3A_328 = tpu.memref_squeeze %dma_wait3A_327 : memref<1x64xi32, #tpu.memory_space<vmem>> -> memref<64xi32, #tpu.memory_space<vmem>>
    %dma_wait3A_329 = arith.constant 0 : i32
    %dma_wait3A_330 = tpu.memref_slice %arg3[%add3A, %dma_wait3A_318, %dma_wait3A_329] : memref<32x160x64xi32, #tpu.memory_space<hbm>> -> memref<1x1x64xi32, #tpu.memory_space<hbm>>
    %dma_wait3A_331 = tpu.memref_squeeze %dma_wait3A_330 : memref<1x1x64xi32, #tpu.memory_space<hbm>> -> memref<64xi32, #tpu.memory_space<hbm>>
    tpu.wait_dma2 semaphore(%arg17 : memref<!tpu.dma_semaphore, #tpu.memory_space<semaphore_mem>>) src(%dma_wait3A_331 : memref<64xi32, #tpu.memory_space<hbm>>) dst(%dma_wait3A_328 : memref<64xi32, #tpu.memory_space<vmem>>)
    %dma_wait3A_332 = arith.constant 0 : i32
    %dma_wait3A_333 = arith.constant 3 : i32
    %dma_wait3A_334 = arith.constant 0 : i32
    %dma_wait3A_335 = tpu.memref_slice %arg10[%dma_wait3A_333, %dma_wait3A_334] : memref<8x64xi32, #tpu.memory_space<vmem>> -> memref<1x64xi32, #tpu.memory_space<vmem>>
    %dma_wait3A_336 = tpu.memref_squeeze %dma_wait3A_335 : memref<1x64xi32, #tpu.memory_space<vmem>> -> memref<64xi32, #tpu.memory_space<vmem>>
    %dma_wait3A_337 = arith.constant 0 : i32
    %dma_wait3A_338 = tpu.memref_slice %arg4[%add3A, %dma_wait3A_332, %dma_wait3A_337] : memref<32x160x64xi32, #tpu.memory_space<hbm>> -> memref<1x1x64xi32, #tpu.memory_space<hbm>>
    %dma_wait3A_339 = tpu.memref_squeeze %dma_wait3A_338 : memref<1x1x64xi32, #tpu.memory_space<hbm>> -> memref<64xi32, #tpu.memory_space<hbm>>
    %dma_wait3A_340 = arith.constant 0 : i32
    %dma_wait3A_341 = tpu.memref_slice %arg10[%dma_wait3A_333, %dma_wait3A_340] : memref<8x64xi32, #tpu.memory_space<vmem>> -> memref<1x64xi32, #tpu.memory_space<vmem>>
    %dma_wait3A_342 = tpu.memref_squeeze %dma_wait3A_341 : memref<1x64xi32, #tpu.memory_space<vmem>> -> memref<64xi32, #tpu.memory_space<vmem>>
    %dma_wait3A_343 = arith.constant 0 : i32
    %dma_wait3A_344 = tpu.memref_slice %arg4[%add3A, %dma_wait3A_332, %dma_wait3A_343] : memref<32x160x64xi32, #tpu.memory_space<hbm>> -> memref<1x1x64xi32, #tpu.memory_space<hbm>>
    %dma_wait3A_345 = tpu.memref_squeeze %dma_wait3A_344 : memref<1x1x64xi32, #tpu.memory_space<hbm>> -> memref<64xi32, #tpu.memory_space<hbm>>
    tpu.wait_dma2 semaphore(%arg17 : memref<!tpu.dma_semaphore, #tpu.memory_space<semaphore_mem>>) src(%dma_wait3A_345 : memref<64xi32, #tpu.memory_space<hbm>>) dst(%dma_wait3A_342 : memref<64xi32, #tpu.memory_space<vmem>>)
    %dma_start3A_346 = arith.constant 7 : i32
    %dma_start3A_347 = arith.constant 7 : i32
    %dma_start3A_348 = arith.constant 0 : i32
    %dma_start3A_349 = tpu.memref_slice %arg9[%dma_start3A_347, %dma_start3A_348] : memref<8x64xi32, #tpu.memory_space<vmem>> -> memref<1x64xi32, #tpu.memory_space<vmem>>
    %dma_start3A_350 = tpu.memref_squeeze %dma_start3A_349 : memref<1x64xi32, #tpu.memory_space<vmem>> -> memref<64xi32, #tpu.memory_space<vmem>>
    %dma_start3A_351 = arith.constant 0 : i32
    %dma_start3A_352 = tpu.memref_slice %arg3[%add3A, %dma_start3A_346, %dma_start3A_351] : memref<32x160x64xi32, #tpu.memory_space<hbm>> -> memref<1x1x64xi32, #tpu.memory_space<hbm>>
    %dma_start3A_353 = tpu.memref_squeeze %dma_start3A_352 : memref<1x1x64xi32, #tpu.memory_space<hbm>> -> memref<64xi32, #tpu.memory_space<hbm>>
    %dma_start3A_354 = arith.constant 0 : i32
    %dma_start3A_355 = tpu.memref_slice %arg9[%dma_start3A_347, %dma_start3A_354] : memref<8x64xi32, #tpu.memory_space<vmem>> -> memref<1x64xi32, #tpu.memory_space<vmem>>
    %dma_start3A_356 = tpu.memref_squeeze %dma_start3A_355 : memref<1x64xi32, #tpu.memory_space<vmem>> -> memref<64xi32, #tpu.memory_space<vmem>>
    %dma_start3A_357 = arith.constant 0 : i32
    %dma_start3A_358 = tpu.memref_slice %arg3[%add3A, %dma_start3A_346, %dma_start3A_357] : memref<32x160x64xi32, #tpu.memory_space<hbm>> -> memref<1x1x64xi32, #tpu.memory_space<hbm>>
    %dma_start3A_359 = tpu.memref_squeeze %dma_start3A_358 : memref<1x1x64xi32, #tpu.memory_space<hbm>> -> memref<64xi32, #tpu.memory_space<hbm>>
    tpu.enqueue_dma source(%dma_start3A_359 : memref<64xi32, #tpu.memory_space<hbm>>) target(%dma_start3A_356 : memref<64xi32, #tpu.memory_space<vmem>>) target_semaphore(%arg21 : memref<!tpu.dma_semaphore, #tpu.memory_space<semaphore_mem>>)
    %dma_start3A_360 = arith.constant 7 : i32
    %dma_start3A_361 = arith.constant 7 : i32
    %dma_start3A_362 = arith.constant 0 : i32
    %dma_start3A_363 = tpu.memref_slice %arg10[%dma_start3A_361, %dma_start3A_362] : memref<8x64xi32, #tpu.memory_space<vmem>> -> memref<1x64xi32, #tpu.memory_space<vmem>>
    %dma_start3A_364 = tpu.memref_squeeze %dma_start3A_363 : memref<1x64xi32, #tpu.memory_space<vmem>> -> memref<64xi32, #tpu.memory_space<vmem>>
    %dma_start3A_365 = arith.constant 0 : i32
    %dma_start3A_366 = tpu.memref_slice %arg4[%add3A, %dma_start3A_360, %dma_start3A_365] : memref<32x160x64xi32, #tpu.memory_space<hbm>> -> memref<1x1x64xi32, #tpu.memory_space<hbm>>
    %dma_start3A_367 = tpu.memref_squeeze %dma_start3A_366 : memref<1x1x64xi32, #tpu.memory_space<hbm>> -> memref<64xi32, #tpu.memory_space<hbm>>
    %dma_start3A_368 = arith.constant 0 : i32
    %dma_start3A_369 = tpu.memref_slice %arg10[%dma_start3A_361, %dma_start3A_368] : memref<8x64xi32, #tpu.memory_space<vmem>> -> memref<1x64xi32, #tpu.memory_space<vmem>>
    %dma_start3A_370 = tpu.memref_squeeze %dma_start3A_369 : memref<1x64xi32, #tpu.memory_space<vmem>> -> memref<64xi32, #tpu.memory_space<vmem>>
    %dma_start3A_371 = arith.constant 0 : i32
    %dma_start3A_372 = tpu.memref_slice %arg4[%add3A, %dma_start3A_360, %dma_start3A_371] : memref<32x160x64xi32, #tpu.memory_space<hbm>> -> memref<1x1x64xi32, #tpu.memory_space<hbm>>
    %dma_start3A_373 = tpu.memref_squeeze %dma_start3A_372 : memref<1x1x64xi32, #tpu.memory_space<hbm>> -> memref<64xi32, #tpu.memory_space<hbm>>
    tpu.enqueue_dma source(%dma_start3A_373 : memref<64xi32, #tpu.memory_space<hbm>>) target(%dma_start3A_370 : memref<64xi32, #tpu.memory_space<vmem>>) target_semaphore(%arg21 : memref<!tpu.dma_semaphore, #tpu.memory_space<semaphore_mem>>)
    %dma_start3A_374 = arith.constant 3 : i32
    %dma_start3A_375 = arith.constant 3 : i32
    %dma_start3A_376 = arith.constant 0 : i32
    %dma_start3A_377 = arith.constant 0 : i32
    %dma_start3A_378 = tpu.memref_slice %arg11[%dma_start3A_375, %dma_start3A_376, %dma_start3A_377] : memref<4x64x128xf32, #tpu.memory_space<vmem>> -> memref<1x64x128xf32, #tpu.memory_space<vmem>>
    %dma_start3A_379 = tpu.memref_squeeze %dma_start3A_378 : memref<1x64x128xf32, #tpu.memory_space<vmem>> -> memref<64x128xf32, #tpu.memory_space<vmem>>
    %dma_start3A_380 = arith.constant 0 : i32
    %dma_start3A_381 = tpu.memref_slice %arg9[%dma_start3A_374, %dma_start3A_380] : memref<8x64xi32, #tpu.memory_space<vmem>> -> memref<1x64xi32, #tpu.memory_space<vmem>>
    %dma_start3A_382 = tpu.memref_squeeze %dma_start3A_381 : memref<1x64xi32, #tpu.memory_space<vmem>> -> memref<64xi32, #tpu.memory_space<vmem>>
    %dma_start3A_383 = arith.constant 0 : i32
    %dma_start3A_384 = arith.constant 0 : i32
    %dma_start3A_385 = tpu.memref_slice %arg2[%dma_start3A_383, %dma_start3A_384] : memref<10000x128xf32, #tpu.memory_space<hbm>> -> memref<10000x128xf32, #tpu.memory_space<hbm>>
    tpu.enqueue_indirect_dma source(%dma_start3A_385 : memref<10000x128xf32, #tpu.memory_space<hbm>>) target(%dma_start3A_379 : memref<64x128xf32, #tpu.memory_space<vmem>>) offsets(%dma_start3A_382 : memref<64xi32, #tpu.memory_space<vmem>>) semaphore(%arg25 : memref<!tpu.dma_semaphore, #tpu.memory_space<semaphore_mem>>)
    %dma_wait3A_386 = arith.constant 0 : i32
    %dma_wait3A_387 = arith.constant 0 : i32
    %dma_wait3A_388 = arith.constant 0 : i32
    %dma_wait3A_389 = arith.constant 0 : i32
    %dma_wait3A_390 = tpu.memref_slice %arg11[%dma_wait3A_387, %dma_wait3A_388, %dma_wait3A_389] : memref<4x64x128xf32, #tpu.memory_space<vmem>> -> memref<1x64x128xf32, #tpu.memory_space<vmem>>
    %dma_wait3A_391 = tpu.memref_squeeze %dma_wait3A_390 : memref<1x64x128xf32, #tpu.memory_space<vmem>> -> memref<64x128xf32, #tpu.memory_space<vmem>>
    %dma_wait3A_392 = arith.constant 0 : i32
    %dma_wait3A_393 = tpu.memref_slice %arg9[%dma_wait3A_386, %dma_wait3A_392] : memref<8x64xi32, #tpu.memory_space<vmem>> -> memref<1x64xi32, #tpu.memory_space<vmem>>
    %dma_wait3A_394 = tpu.memref_squeeze %dma_wait3A_393 : memref<1x64xi32, #tpu.memory_space<vmem>> -> memref<64xi32, #tpu.memory_space<vmem>>
    %dma_wait3A_395 = arith.constant 0 : i32
    %dma_wait3A_396 = arith.constant 0 : i32
    %dma_wait3A_397 = tpu.memref_slice %arg2[%dma_wait3A_395, %dma_wait3A_396] : memref<10000x128xf32, #tpu.memory_space<hbm>> -> memref<10000x128xf32, #tpu.memory_space<hbm>>
    tpu.wait_indirect_dma semaphore(%arg22 : memref<!tpu.dma_semaphore, #tpu.memory_space<semaphore_mem>>) src(%dma_wait3A_397 : memref<10000x128xf32, #tpu.memory_space<hbm>>) dst(%dma_wait3A_391 : memref<64x128xf32, #tpu.memory_space<vmem>>)
    %dma_start3A_398 = arith.constant 0 : i32
    %dma_start3A_399 = arith.constant 0 : i32
    %dma_start3A_400 = arith.constant 0 : i32
    %dma_start3A_401 = arith.constant 0 : i32
    %dma_start3A_402 = tpu.memref_slice %arg11[%dma_start3A_398, %dma_start3A_400, %dma_start3A_401] : memref<4x64x128xf32, #tpu.memory_space<vmem>> -> memref<1x64x128xf32, #tpu.memory_space<vmem>>
    %dma_start3A_403 = tpu.memref_squeeze %dma_start3A_402 : memref<1x64x128xf32, #tpu.memory_space<vmem>> -> memref<64x128xf32, #tpu.memory_space<vmem>>
    %dma_start3A_404 = arith.constant 0 : i32
    %dma_start3A_405 = tpu.memref_slice %arg10[%dma_start3A_399, %dma_start3A_404] : memref<8x64xi32, #tpu.memory_space<vmem>> -> memref<1x64xi32, #tpu.memory_space<vmem>>
    %dma_start3A_406 = tpu.memref_squeeze %dma_start3A_405 : memref<1x64xi32, #tpu.memory_space<vmem>> -> memref<64xi32, #tpu.memory_space<vmem>>
    %dma_start3A_407 = arith.constant 0 : i32
    %dma_start3A_408 = arith.constant 0 : i32
    %dma_start3A_409 = tpu.memref_slice %arg13[%dma_start3A_407, %dma_start3A_408] : memref<10240x128xf32, #tpu.memory_space<vmem_shared>> -> memref<10240x128xf32, #tpu.memory_space<vmem_shared>>
    tpu.enqueue_indirect_dma source(%dma_start3A_403 : memref<64x128xf32, #tpu.memory_space<vmem>>) target(%dma_start3A_409 : memref<10240x128xf32, #tpu.memory_space<vmem_shared>>) offsets(%dma_start3A_406 : memref<64xi32, #tpu.memory_space<vmem>>) semaphore(%arg26 : memref<!tpu.dma_semaphore, #tpu.memory_space<semaphore_mem>>) {add = true}
    %get3A = arith.constant 0 : i32
    %get3A_410 = arith.index_cast %get3A : i32 to index
    %get3A_411 = arith.constant 0 : index
    %get3A_412 = tpu.vector_load %arg10[%get3A_410, %get3A_411] {strides = array<i32>} : memref<8x64xi32, #tpu.memory_space<vmem>>, vector<16xi32>,
    tpu.vector_store_idx %arg12[%get3A_412], %broadcast_in_dim3A_3 {add = true} : memref<10240xf32, #tpu.memory_space<vmem>>[vector<16xi32>], vector<16xf32>,
    %get3A_413 = arith.constant 0 : i32
    %get3A_414 = arith.index_cast %get3A_413 : i32 to index
    %get3A_415 = arith.constant 16 : index
    %get3A_416 = tpu.vector_load %arg10[%get3A_414, %get3A_415] {strides = array<i32>} : memref<8x64xi32, #tpu.memory_space<vmem>>, vector<16xi32>,
    tpu.vector_store_idx %arg12[%get3A_416], %broadcast_in_dim3A_3 {add = true} : memref<10240xf32, #tpu.memory_space<vmem>>[vector<16xi32>], vector<16xf32>,
    %get3A_417 = arith.constant 0 : i32
    %get3A_418 = arith.index_cast %get3A_417 : i32 to index
    %get3A_419 = arith.constant 32 : index
    %get3A_420 = tpu.vector_load %arg10[%get3A_418, %get3A_419] {strides = array<i32>} : memref<8x64xi32, #tpu.memory_space<vmem>>, vector<16xi32>,
    tpu.vector_store_idx %arg12[%get3A_420], %broadcast_in_dim3A_3 {add = true} : memref<10240xf32, #tpu.memory_space<vmem>>[vector<16xi32>], vector<16xf32>,
    %get3A_421 = arith.constant 0 : i32
    %get3A_422 = arith.index_cast %get3A_421 : i32 to index
    %get3A_423 = arith.constant 48 : index
    %get3A_424 = tpu.vector_load %arg10[%get3A_422, %get3A_423] {strides = array<i32>} : memref<8x64xi32, #tpu.memory_space<vmem>>, vector<16xi32>,
    tpu.vector_store_idx %arg12[%get3A_424], %broadcast_in_dim3A_3 {add = true} : memref<10240xf32, #tpu.memory_space<vmem>>[vector<16xi32>], vector<16xf32>,
    %dma_wait3A_425 = arith.constant 0 : i32
    %dma_wait3A_426 = arith.constant 1 : i32
    %dma_wait3A_427 = arith.constant 0 : i32
    %dma_wait3A_428 = arith.constant 0 : i32
    %dma_wait3A_429 = tpu.memref_slice %arg11[%dma_wait3A_426, %dma_wait3A_427, %dma_wait3A_428] : memref<4x64x128xf32, #tpu.memory_space<vmem>> -> memref<1x64x128xf32, #tpu.memory_space<vmem>>
    %dma_wait3A_430 = tpu.memref_squeeze %dma_wait3A_429 : memref<1x64x128xf32, #tpu.memory_space<vmem>> -> memref<64x128xf32, #tpu.memory_space<vmem>>
    %dma_wait3A_431 = arith.constant 0 : i32
    %dma_wait3A_432 = tpu.memref_slice %arg9[%dma_wait3A_425, %dma_wait3A_431] : memref<8x64xi32, #tpu.memory_space<vmem>> -> memref<1x64xi32, #tpu.memory_space<vmem>>
    %dma_wait3A_433 = tpu.memref_squeeze %dma_wait3A_432 : memref<1x64xi32, #tpu.memory_space<vmem>> -> memref<64xi32, #tpu.memory_space<vmem>>
    %dma_wait3A_434 = arith.constant 0 : i32
    %dma_wait3A_435 = arith.constant 0 : i32
    %dma_wait3A_436 = tpu.memref_slice %arg2[%dma_wait3A_434, %dma_wait3A_435] : memref<10000x128xf32, #tpu.memory_space<hbm>> -> memref<10000x128xf32, #tpu.memory_space<hbm>>
    tpu.wait_indirect_dma semaphore(%arg23 : memref<!tpu.dma_semaphore, #tpu.memory_space<semaphore_mem>>) src(%dma_wait3A_436 : memref<10000x128xf32, #tpu.memory_space<hbm>>) dst(%dma_wait3A_430 : memref<64x128xf32, #tpu.memory_space<vmem>>)
    %dma_start3A_437 = arith.constant 1 : i32
    %dma_start3A_438 = arith.constant 1 : i32
    %dma_start3A_439 = arith.constant 0 : i32
    %dma_start3A_440 = arith.constant 0 : i32
    %dma_start3A_441 = tpu.memref_slice %arg11[%dma_start3A_437, %dma_start3A_439, %dma_start3A_440] : memref<4x64x128xf32, #tpu.memory_space<vmem>> -> memref<1x64x128xf32, #tpu.memory_space<vmem>>
    %dma_start3A_442 = tpu.memref_squeeze %dma_start3A_441 : memref<1x64x128xf32, #tpu.memory_space<vmem>> -> memref<64x128xf32, #tpu.memory_space<vmem>>
    %dma_start3A_443 = arith.constant 0 : i32
    %dma_start3A_444 = tpu.memref_slice %arg10[%dma_start3A_438, %dma_start3A_443] : memref<8x64xi32, #tpu.memory_space<vmem>> -> memref<1x64xi32, #tpu.memory_space<vmem>>
    %dma_start3A_445 = tpu.memref_squeeze %dma_start3A_444 : memref<1x64xi32, #tpu.memory_space<vmem>> -> memref<64xi32, #tpu.memory_space<vmem>>
    %dma_start3A_446 = arith.constant 0 : i32
    %dma_start3A_447 = arith.constant 0 : i32
    %dma_start3A_448 = tpu.memref_slice %arg13[%dma_start3A_446, %dma_start3A_447] : memref<10240x128xf32, #tpu.memory_space<vmem_shared>> -> memref<10240x128xf32, #tpu.memory_space<vmem_shared>>
    tpu.enqueue_indirect_dma source(%dma_start3A_442 : memref<64x128xf32, #tpu.memory_space<vmem>>) target(%dma_start3A_448 : memref<10240x128xf32, #tpu.memory_space<vmem_shared>>) offsets(%dma_start3A_445 : memref<64xi32, #tpu.memory_space<vmem>>) semaphore(%arg27 : memref<!tpu.dma_semaphore, #tpu.memory_space<semaphore_mem>>) {add = true}
    %get3A_449 = arith.constant 1 : i32
    %get3A_450 = arith.index_cast %get3A_449 : i32 to index
    %get3A_451 = arith.constant 0 : index
    %get3A_452 = tpu.vector_load %arg10[%get3A_450, %get3A_451] {strides = array<i32>} : memref<8x64xi32, #tpu.memory_space<vmem>>, vector<16xi32>,
    tpu.vector_store_idx %arg12[%get3A_452], %broadcast_in_dim3A_3 {add = true} : memref<10240xf32, #tpu.memory_space<vmem>>[vector<16xi32>], vector<16xf32>,
    %get3A_453 = arith.constant 1 : i32
    %get3A_454 = arith.index_cast %get3A_453 : i32 to index
    %get3A_455 = arith.constant 16 : index
    %get3A_456 = tpu.vector_load %arg10[%get3A_454, %get3A_455] {strides = array<i32>} : memref<8x64xi32, #tpu.memory_space<vmem>>, vector<16xi32>,
    tpu.vector_store_idx %arg12[%get3A_456], %broadcast_in_dim3A_3 {add = true} : memref<10240xf32, #tpu.memory_space<vmem>>[vector<16xi32>], vector<16xf32>,
    %get3A_457 = arith.constant 1 : i32
    %get3A_458 = arith.index_cast %get3A_457 : i32 to index
    %get3A_459 = arith.constant 32 : index
    %get3A_460 = tpu.vector_load %arg10[%get3A_458, %get3A_459] {strides = array<i32>} : memref<8x64xi32, #tpu.memory_space<vmem>>, vector<16xi32>,
    tpu.vector_store_idx %arg12[%get3A_460], %broadcast_in_dim3A_3 {add = true} : memref<10240xf32, #tpu.memory_space<vmem>>[vector<16xi32>], vector<16xf32>,
    %get3A_461 = arith.constant 1 : i32
    %get3A_462 = arith.index_cast %get3A_461 : i32 to index
    %get3A_463 = arith.constant 48 : index
    %get3A_464 = tpu.vector_load %arg10[%get3A_462, %get3A_463] {strides = array<i32>} : memref<8x64xi32, #tpu.memory_space<vmem>>, vector<16xi32>,
    tpu.vector_store_idx %arg12[%get3A_464], %broadcast_in_dim3A_3 {add = true} : memref<10240xf32, #tpu.memory_space<vmem>>[vector<16xi32>], vector<16xf32>,
    %dma_wait3A_465 = arith.constant 0 : i32
    %dma_wait3A_466 = arith.constant 2 : i32
    %dma_wait3A_467 = arith.constant 0 : i32
    %dma_wait3A_468 = arith.constant 0 : i32
    %dma_wait3A_469 = tpu.memref_slice %arg11[%dma_wait3A_466, %dma_wait3A_467, %dma_wait3A_468] : memref<4x64x128xf32, #tpu.memory_space<vmem>> -> memref<1x64x128xf32, #tpu.memory_space<vmem>>
    %dma_wait3A_470 = tpu.memref_squeeze %dma_wait3A_469 : memref<1x64x128xf32, #tpu.memory_space<vmem>> -> memref<64x128xf32, #tpu.memory_space<vmem>>
    %dma_wait3A_471 = arith.constant 0 : i32
    %dma_wait3A_472 = tpu.memref_slice %arg9[%dma_wait3A_465, %dma_wait3A_471] : memref<8x64xi32, #tpu.memory_space<vmem>> -> memref<1x64xi32, #tpu.memory_space<vmem>>
    %dma_wait3A_473 = tpu.memref_squeeze %dma_wait3A_472 : memref<1x64xi32, #tpu.memory_space<vmem>> -> memref<64xi32, #tpu.memory_space<vmem>>
    %dma_wait3A_474 = arith.constant 0 : i32
    %dma_wait3A_475 = arith.constant 0 : i32
    %dma_wait3A_476 = tpu.memref_slice %arg2[%dma_wait3A_474, %dma_wait3A_475] : memref<10000x128xf32, #tpu.memory_space<hbm>> -> memref<10000x128xf32, #tpu.memory_space<hbm>>
    tpu.wait_indirect_dma semaphore(%arg24 : memref<!tpu.dma_semaphore, #tpu.memory_space<semaphore_mem>>) src(%dma_wait3A_476 : memref<10000x128xf32, #tpu.memory_space<hbm>>) dst(%dma_wait3A_470 : memref<64x128xf32, #tpu.memory_space<vmem>>)
    %dma_start3A_477 = arith.constant 2 : i32
    %dma_start3A_478 = arith.constant 2 : i32
    %dma_start3A_479 = arith.constant 0 : i32
    %dma_start3A_480 = arith.constant 0 : i32
    %dma_start3A_481 = tpu.memref_slice %arg11[%dma_start3A_477, %dma_start3A_479, %dma_start3A_480] : memref<4x64x128xf32, #tpu.memory_space<vmem>> -> memref<1x64x128xf32, #tpu.memory_space<vmem>>
    %dma_start3A_482 = tpu.memref_squeeze %dma_start3A_481 : memref<1x64x128xf32, #tpu.memory_space<vmem>> -> memref<64x128xf32, #tpu.memory_space<vmem>>
    %dma_start3A_483 = arith.constant 0 : i32
    %dma_start3A_484 = tpu.memref_slice %arg10[%dma_start3A_478, %dma_start3A_483] : memref<8x64xi32, #tpu.memory_space<vmem>> -> memref<1x64xi32, #tpu.memory_space<vmem>>
    %dma_start3A_485 = tpu.memref_squeeze %dma_start3A_484 : memref<1x64xi32, #tpu.memory_space<vmem>> -> memref<64xi32, #tpu.memory_space<vmem>>
    %dma_start3A_486 = arith.constant 0 : i32
    %dma_start3A_487 = arith.constant 0 : i32
    %dma_start3A_488 = tpu.memref_slice %arg13[%dma_start3A_486, %dma_start3A_487] : memref<10240x128xf32, #tpu.memory_space<vmem_shared>> -> memref<10240x128xf32, #tpu.memory_space<vmem_shared>>
    tpu.enqueue_indirect_dma source(%dma_start3A_482 : memref<64x128xf32, #tpu.memory_space<vmem>>) target(%dma_start3A_488 : memref<10240x128xf32, #tpu.memory_space<vmem_shared>>) offsets(%dma_start3A_485 : memref<64xi32, #tpu.memory_space<vmem>>) semaphore(%arg28 : memref<!tpu.dma_semaphore, #tpu.memory_space<semaphore_mem>>) {add = true}
    %get3A_489 = arith.constant 2 : i32
    %get3A_490 = arith.index_cast %get3A_489 : i32 to index
    %get3A_491 = arith.constant 0 : index
    %get3A_492 = tpu.vector_load %arg10[%get3A_490, %get3A_491] {strides = array<i32>} : memref<8x64xi32, #tpu.memory_space<vmem>>, vector<16xi32>,
    tpu.vector_store_idx %arg12[%get3A_492], %broadcast_in_dim3A_3 {add = true} : memref<10240xf32, #tpu.memory_space<vmem>>[vector<16xi32>], vector<16xf32>,
    %get3A_493 = arith.constant 2 : i32
    %get3A_494 = arith.index_cast %get3A_493 : i32 to index
    %get3A_495 = arith.constant 16 : index
    %get3A_496 = tpu.vector_load %arg10[%get3A_494, %get3A_495] {strides = array<i32>} : memref<8x64xi32, #tpu.memory_space<vmem>>, vector<16xi32>,
    tpu.vector_store_idx %arg12[%get3A_496], %broadcast_in_dim3A_3 {add = true} : memref<10240xf32, #tpu.memory_space<vmem>>[vector<16xi32>], vector<16xf32>,
    %get3A_497 = arith.constant 2 : i32
    %get3A_498 = arith.index_cast %get3A_497 : i32 to index
    %get3A_499 = arith.constant 32 : index
    %get3A_500 = tpu.vector_load %arg10[%get3A_498, %get3A_499] {strides = array<i32>} : memref<8x64xi32, #tpu.memory_space<vmem>>, vector<16xi32>,
    tpu.vector_store_idx %arg12[%get3A_500], %broadcast_in_dim3A_3 {add = true} : memref<10240xf32, #tpu.memory_space<vmem>>[vector<16xi32>], vector<16xf32>,
    %get3A_501 = arith.constant 2 : i32
    %get3A_502 = arith.index_cast %get3A_501 : i32 to index
    %get3A_503 = arith.constant 48 : index
    %get3A_504 = tpu.vector_load %arg10[%get3A_502, %get3A_503] {strides = array<i32>} : memref<8x64xi32, #tpu.memory_space<vmem>>, vector<16xi32>,
    tpu.vector_store_idx %arg12[%get3A_504], %broadcast_in_dim3A_3 {add = true} : memref<10240xf32, #tpu.memory_space<vmem>>[vector<16xi32>], vector<16xf32>,
    %dma_wait3A_505 = arith.constant 0 : i32
    %dma_wait3A_506 = arith.constant 3 : i32
    %dma_wait3A_507 = arith.constant 0 : i32
    %dma_wait3A_508 = arith.constant 0 : i32
    %dma_wait3A_509 = tpu.memref_slice %arg11[%dma_wait3A_506, %dma_wait3A_507, %dma_wait3A_508] : memref<4x64x128xf32, #tpu.memory_space<vmem>> -> memref<1x64x128xf32, #tpu.memory_space<vmem>>
    %dma_wait3A_510 = tpu.memref_squeeze %dma_wait3A_509 : memref<1x64x128xf32, #tpu.memory_space<vmem>> -> memref<64x128xf32, #tpu.memory_space<vmem>>
    %dma_wait3A_511 = arith.constant 0 : i32
    %dma_wait3A_512 = tpu.memref_slice %arg9[%dma_wait3A_505, %dma_wait3A_511] : memref<8x64xi32, #tpu.memory_space<vmem>> -> memref<1x64xi32, #tpu.memory_space<vmem>>
    %dma_wait3A_513 = tpu.memref_squeeze %dma_wait3A_512 : memref<1x64xi32, #tpu.memory_space<vmem>> -> memref<64xi32, #tpu.memory_space<vmem>>
    %dma_wait3A_514 = arith.constant 0 : i32
    %dma_wait3A_515 = arith.constant 0 : i32
    %dma_wait3A_516 = tpu.memref_slice %arg2[%dma_wait3A_514, %dma_wait3A_515] : memref<10000x128xf32, #tpu.memory_space<hbm>> -> memref<10000x128xf32, #tpu.memory_space<hbm>>
    tpu.wait_indirect_dma semaphore(%arg25 : memref<!tpu.dma_semaphore, #tpu.memory_space<semaphore_mem>>) src(%dma_wait3A_516 : memref<10000x128xf32, #tpu.memory_space<hbm>>) dst(%dma_wait3A_510 : memref<64x128xf32, #tpu.memory_space<vmem>>)
    %dma_start3A_517 = arith.constant 3 : i32
    %dma_start3A_518 = arith.constant 3 : i32
    %dma_start3A_519 = arith.constant 0 : i32
    %dma_start3A_520 = arith.constant 0 : i32
    %dma_start3A_521 = tpu.memref_slice %arg11[%dma_start3A_517, %dma_start3A_519, %dma_start3A_520] : memref<4x64x128xf32, #tpu.memory_space<vmem>> -> memref<1x64x128xf32, #tpu.memory_space<vmem>>
    %dma_start3A_522 = tpu.memref_squeeze %dma_start3A_521 : memref<1x64x128xf32, #tpu.memory_space<vmem>> -> memref<64x128xf32, #tpu.memory_space<vmem>>
    %dma_start3A_523 = arith.constant 0 : i32
    %dma_start3A_524 = tpu.memref_slice %arg10[%dma_start3A_518, %dma_start3A_523] : memref<8x64xi32, #tpu.memory_space<vmem>> -> memref<1x64xi32, #tpu.memory_space<vmem>>
    %dma_start3A_525 = tpu.memref_squeeze %dma_start3A_524 : memref<1x64xi32, #tpu.memory_space<vmem>> -> memref<64xi32, #tpu.memory_space<vmem>>
    %dma_start3A_526 = arith.constant 0 : i32
    %dma_start3A_527 = arith.constant 0 : i32
    %dma_start3A_528 = tpu.memref_slice %arg13[%dma_start3A_526, %dma_start3A_527] : memref<10240x128xf32, #tpu.memory_space<vmem_shared>> -> memref<10240x128xf32, #tpu.memory_space<vmem_shared>>
    tpu.enqueue_indirect_dma source(%dma_start3A_522 : memref<64x128xf32, #tpu.memory_space<vmem>>) target(%dma_start3A_528 : memref<10240x128xf32, #tpu.memory_space<vmem_shared>>) offsets(%dma_start3A_525 : memref<64xi32, #tpu.memory_space<vmem>>) semaphore(%arg29 : memref<!tpu.dma_semaphore, #tpu.memory_space<semaphore_mem>>) {add = true}
    %get3A_529 = arith.constant 3 : i32
    %get3A_530 = arith.index_cast %get3A_529 : i32 to index
    %get3A_531 = arith.constant 0 : index
    %get3A_532 = tpu.vector_load %arg10[%get3A_530, %get3A_531] {strides = array<i32>} : memref<8x64xi32, #tpu.memory_space<vmem>>, vector<16xi32>,
    tpu.vector_store_idx %arg12[%get3A_532], %broadcast_in_dim3A_3 {add = true} : memref<10240xf32, #tpu.memory_space<vmem>>[vector<16xi32>], vector<16xf32>,
    %get3A_533 = arith.constant 3 : i32
    %get3A_534 = arith.index_cast %get3A_533 : i32 to index
    %get3A_535 = arith.constant 16 : index
    %get3A_536 = tpu.vector_load %arg10[%get3A_534, %get3A_535] {strides = array<i32>} : memref<8x64xi32, #tpu.memory_space<vmem>>, vector<16xi32>,
    tpu.vector_store_idx %arg12[%get3A_536], %broadcast_in_dim3A_3 {add = true} : memref<10240xf32, #tpu.memory_space<vmem>>[vector<16xi32>], vector<16xf32>,
    %get3A_537 = arith.constant 3 : i32
    %get3A_538 = arith.index_cast %get3A_537 : i32 to index
    %get3A_539 = arith.constant 32 : index
    %get3A_540 = tpu.vector_load %arg10[%get3A_538, %get3A_539] {strides = array<i32>} : memref<8x64xi32, #tpu.memory_space<vmem>>, vector<16xi32>,
    tpu.vector_store_idx %arg12[%get3A_540], %broadcast_in_dim3A_3 {add = true} : memref<10240xf32, #tpu.memory_space<vmem>>[vector<16xi32>], vector<16xf32>,
    %get3A_541 = arith.constant 3 : i32
    %get3A_542 = arith.index_cast %get3A_541 : i32 to index
    %get3A_543 = arith.constant 48 : index
    %get3A_544 = tpu.vector_load %arg10[%get3A_542, %get3A_543] {strides = array<i32>} : memref<8x64xi32, #tpu.memory_space<vmem>>, vector<16xi32>,
    tpu.vector_store_idx %arg12[%get3A_544], %broadcast_in_dim3A_3 {add = true} : memref<10240xf32, #tpu.memory_space<vmem>>[vector<16xi32>], vector<16xf32>,
    %dma_wait3A_545 = arith.constant 0 : i32
    %dma_wait3A_546 = arith.constant 4 : i32
    %dma_wait3A_547 = arith.constant 0 : i32
    %dma_wait3A_548 = tpu.memref_slice %arg9[%dma_wait3A_546, %dma_wait3A_547] : memref<8x64xi32, #tpu.memory_space<vmem>> -> memref<1x64xi32, #tpu.memory_space<vmem>>
    %dma_wait3A_549 = tpu.memref_squeeze %dma_wait3A_548 : memref<1x64xi32, #tpu.memory_space<vmem>> -> memref<64xi32, #tpu.memory_space<vmem>>
    %dma_wait3A_550 = arith.constant 0 : i32
    %dma_wait3A_551 = tpu.memref_slice %arg3[%add3A, %dma_wait3A_545, %dma_wait3A_550] : memref<32x160x64xi32, #tpu.memory_space<hbm>> -> memref<1x1x64xi32, #tpu.memory_space<hbm>>
    %dma_wait3A_552 = tpu.memref_squeeze %dma_wait3A_551 : memref<1x1x64xi32, #tpu.memory_space<hbm>> -> memref<64xi32, #tpu.memory_space<hbm>>
    %dma_wait3A_553 = arith.constant 0 : i32
    %dma_wait3A_554 = tpu.memref_slice %arg9[%dma_wait3A_546, %dma_wait3A_553] : memref<8x64xi32, #tpu.memory_space<vmem>> -> memref<1x64xi32, #tpu.memory_space<vmem>>
    %dma_wait3A_555 = tpu.memref_squeeze %dma_wait3A_554 : memref<1x64xi32, #tpu.memory_space<vmem>> -> memref<64xi32, #tpu.memory_space<vmem>>
    %dma_wait3A_556 = arith.constant 0 : i32
    %dma_wait3A_557 = tpu.memref_slice %arg3[%add3A, %dma_wait3A_545, %dma_wait3A_556] : memref<32x160x64xi32, #tpu.memory_space<hbm>> -> memref<1x1x64xi32, #tpu.memory_space<hbm>>
    %dma_wait3A_558 = tpu.memref_squeeze %dma_wait3A_557 : memref<1x1x64xi32, #tpu.memory_space<hbm>> -> memref<64xi32, #tpu.memory_space<hbm>>
    tpu.wait_dma2 semaphore(%arg18 : memref<!tpu.dma_semaphore, #tpu.memory_space<semaphore_mem>>) src(%dma_wait3A_558 : memref<64xi32, #tpu.memory_space<hbm>>) dst(%dma_wait3A_555 : memref<64xi32, #tpu.memory_space<vmem>>)
    %dma_wait3A_559 = arith.constant 0 : i32
    %dma_wait3A_560 = arith.constant 4 : i32
    %dma_wait3A_561 = arith.constant 0 : i32
    %dma_wait3A_562 = tpu.memref_slice %arg10[%dma_wait3A_560, %dma_wait3A_561] : memref<8x64xi32, #tpu.memory_space<vmem>> -> memref<1x64xi32, #tpu.memory_space<vmem>>
    %dma_wait3A_563 = tpu.memref_squeeze %dma_wait3A_562 : memref<1x64xi32, #tpu.memory_space<vmem>> -> memref<64xi32, #tpu.memory_space<vmem>>
    %dma_wait3A_564 = arith.constant 0 : i32
    %dma_wait3A_565 = tpu.memref_slice %arg4[%add3A, %dma_wait3A_559, %dma_wait3A_564] : memref<32x160x64xi32, #tpu.memory_space<hbm>> -> memref<1x1x64xi32, #tpu.memory_space<hbm>>
    %dma_wait3A_566 = tpu.memref_squeeze %dma_wait3A_565 : memref<1x1x64xi32, #tpu.memory_space<hbm>> -> memref<64xi32, #tpu.memory_space<hbm>>
    %dma_wait3A_567 = arith.constant 0 : i32
    %dma_wait3A_568 = tpu.memref_slice %arg10[%dma_wait3A_560, %dma_wait3A_567] : memref<8x64xi32, #tpu.memory_space<vmem>> -> memref<1x64xi32, #tpu.memory_space<vmem>>
    %dma_wait3A_569 = tpu.memref_squeeze %dma_wait3A_568 : memref<1x64xi32, #tpu.memory_space<vmem>> -> memref<64xi32, #tpu.memory_space<vmem>>
    %dma_wait3A_570 = arith.constant 0 : i32
    %dma_wait3A_571 = tpu.memref_slice %arg4[%add3A, %dma_wait3A_559, %dma_wait3A_570] : memref<32x160x64xi32, #tpu.memory_space<hbm>> -> memref<1x1x64xi32, #tpu.memory_space<hbm>>
    %dma_wait3A_572 = tpu.memref_squeeze %dma_wait3A_571 : memref<1x1x64xi32, #tpu.memory_space<hbm>> -> memref<64xi32, #tpu.memory_space<hbm>>
    tpu.wait_dma2 semaphore(%arg18 : memref<!tpu.dma_semaphore, #tpu.memory_space<semaphore_mem>>) src(%dma_wait3A_572 : memref<64xi32, #tpu.memory_space<hbm>>) dst(%dma_wait3A_569 : memref<64xi32, #tpu.memory_space<vmem>>)
    %dma_wait3A_573 = arith.constant 0 : i32
    %dma_wait3A_574 = arith.constant 0 : i32
    %dma_wait3A_575 = arith.constant 0 : i32
    %dma_wait3A_576 = arith.constant 0 : i32
    %dma_wait3A_577 = tpu.memref_slice %arg11[%dma_wait3A_573, %dma_wait3A_575, %dma_wait3A_576] : memref<4x64x128xf32, #tpu.memory_space<vmem>> -> memref<1x64x128xf32, #tpu.memory_space<vmem>>
    %dma_wait3A_578 = tpu.memref_squeeze %dma_wait3A_577 : memref<1x64x128xf32, #tpu.memory_space<vmem>> -> memref<64x128xf32, #tpu.memory_space<vmem>>
    %dma_wait3A_579 = arith.constant 0 : i32
    %dma_wait3A_580 = tpu.memref_slice %arg10[%dma_wait3A_574, %dma_wait3A_579] : memref<8x64xi32, #tpu.memory_space<vmem>> -> memref<1x64xi32, #tpu.memory_space<vmem>>
    %dma_wait3A_581 = tpu.memref_squeeze %dma_wait3A_580 : memref<1x64xi32, #tpu.memory_space<vmem>> -> memref<64xi32, #tpu.memory_space<vmem>>
    %dma_wait3A_582 = arith.constant 0 : i32
    %dma_wait3A_583 = arith.constant 0 : i32
    %dma_wait3A_584 = tpu.memref_slice %arg13[%dma_wait3A_582, %dma_wait3A_583] : memref<10240x128xf32, #tpu.memory_space<vmem_shared>> -> memref<10240x128xf32, #tpu.memory_space<vmem_shared>>
    tpu.wait_indirect_dma semaphore(%arg26 : memref<!tpu.dma_semaphore, #tpu.memory_space<semaphore_mem>>) src(%dma_wait3A_578 : memref<64x128xf32, #tpu.memory_space<vmem>>) dst(%dma_wait3A_584 : memref<10240x128xf32, #tpu.memory_space<vmem_shared>>)
    %dma_start3A_585 = arith.constant 8 : i32
    %dma_start3A_586 = arith.constant 0 : i32
    %dma_start3A_587 = arith.constant 0 : i32
    %dma_start3A_588 = tpu.memref_slice %arg9[%dma_start3A_586, %dma_start3A_587] : memref<8x64xi32, #tpu.memory_space<vmem>> -> memref<1x64xi32, #tpu.memory_space<vmem>>
    %dma_start3A_589 = tpu.memref_squeeze %dma_start3A_588 : memref<1x64xi32, #tpu.memory_space<vmem>> -> memref<64xi32, #tpu.memory_space<vmem>>
    %dma_start3A_590 = arith.constant 0 : i32
    %dma_start3A_591 = tpu.memref_slice %arg3[%add3A, %dma_start3A_585, %dma_start3A_590] : memref<32x160x64xi32, #tpu.memory_space<hbm>> -> memref<1x1x64xi32, #tpu.memory_space<hbm>>
    %dma_start3A_592 = tpu.memref_squeeze %dma_start3A_591 : memref<1x1x64xi32, #tpu.memory_space<hbm>> -> memref<64xi32, #tpu.memory_space<hbm>>
    %dma_start3A_593 = arith.constant 0 : i32
    %dma_start3A_594 = tpu.memref_slice %arg9[%dma_start3A_586, %dma_start3A_593] : memref<8x64xi32, #tpu.memory_space<vmem>> -> memref<1x64xi32, #tpu.memory_space<vmem>>
    %dma_start3A_595 = tpu.memref_squeeze %dma_start3A_594 : memref<1x64xi32, #tpu.memory_space<vmem>> -> memref<64xi32, #tpu.memory_space<vmem>>
    %dma_start3A_596 = arith.constant 0 : i32
    %dma_start3A_597 = tpu.memref_slice %arg3[%add3A, %dma_start3A_585, %dma_start3A_596] : memref<32x160x64xi32, #tpu.memory_space<hbm>> -> memref<1x1x64xi32, #tpu.memory_space<hbm>>
    %dma_start3A_598 = tpu.memref_squeeze %dma_start3A_597 : memref<1x1x64xi32, #tpu.memory_space<hbm>> -> memref<64xi32, #tpu.memory_space<hbm>>
    tpu.enqueue_dma source(%dma_start3A_598 : memref<64xi32, #tpu.memory_space<hbm>>) target(%dma_start3A_595 : memref<64xi32, #tpu.memory_space<vmem>>) target_semaphore(%arg14 : memref<!tpu.dma_semaphore, #tpu.memory_space<semaphore_mem>>)
    %dma_start3A_599 = arith.constant 8 : i32
    %dma_start3A_600 = arith.constant 0 : i32
    %dma_start3A_601 = arith.constant 0 : i32
    %dma_start3A_602 = tpu.memref_slice %arg10[%dma_start3A_600, %dma_start3A_601] : memref<8x64xi32, #tpu.memory_space<vmem>> -> memref<1x64xi32, #tpu.memory_space<vmem>>
    %dma_start3A_603 = tpu.memref_squeeze %dma_start3A_602 : memref<1x64xi32, #tpu.memory_space<vmem>> -> memref<64xi32, #tpu.memory_space<vmem>>
    %dma_start3A_604 = arith.constant 0 : i32
    %dma_start3A_605 = tpu.memref_slice %arg4[%add3A, %dma_start3A_599, %dma_start3A_604] : memref<32x160x64xi32, #tpu.memory_space<hbm>> -> memref<1x1x64xi32, #tpu.memory_space<hbm>>
    %dma_start3A_606 = tpu.memref_squeeze %dma_start3A_605 : memref<1x1x64xi32, #tpu.memory_space<hbm>> -> memref<64xi32, #tpu.memory_space<hbm>>
    %dma_start3A_607 = arith.constant 0 : i32
    %dma_start3A_608 = tpu.memref_slice %arg10[%dma_start3A_600, %dma_start3A_607] : memref<8x64xi32, #tpu.memory_space<vmem>> -> memref<1x64xi32, #tpu.memory_space<vmem>>
    %dma_start3A_609 = tpu.memref_squeeze %dma_start3A_608 : memref<1x64xi32, #tpu.memory_space<vmem>> -> memref<64xi32, #tpu.memory_space<vmem>>
    %dma_start3A_610 = arith.constant 0 : i32
    %dma_start3A_611 = tpu.memref_slice %arg4[%add3A, %dma_start3A_599, %dma_start3A_610] : memref<32x160x64xi32, #tpu.memory_space<hbm>> -> memref<1x1x64xi32, #tpu.memory_space<hbm>>
    %dma_start3A_612 = tpu.memref_squeeze %dma_start3A_611 : memref<1x1x64xi32, #tpu.memory_space<hbm>> -> memref<64xi32, #tpu.memory_space<hbm>>
    tpu.enqueue_dma source(%dma_start3A_612 : memref<64xi32, #tpu.memory_space<hbm>>) target(%dma_start3A_609 : memref<64xi32, #tpu.memory_space<vmem>>) target_semaphore(%arg14 : memref<!tpu.dma_semaphore, #tpu.memory_space<semaphore_mem>>)
    %dma_start3A_613 = arith.constant 4 : i32
    %dma_start3A_614 = arith.constant 0 : i32
    %dma_start3A_615 = arith.constant 0 : i32
    %dma_start3A_616 = arith.constant 0 : i32
    %dma_start3A_617 = tpu.memref_slice %arg11[%dma_start3A_614, %dma_start3A_615, %dma_start3A_616] : memref<4x64x128xf32, #tpu.memory_space<vmem>> -> memref<1x64x128xf32, #tpu.memory_space<vmem>>
    %dma_start3A_618 = tpu.memref_squeeze %dma_start3A_617 : memref<1x64x128xf32, #tpu.memory_space<vmem>> -> memref<64x128xf32, #tpu.memory_space<vmem>>
    %dma_start3A_619 = arith.constant 0 : i32
    %dma_start3A_620 = tpu.memref_slice %arg9[%dma_start3A_613, %dma_start3A_619] : memref<8x64xi32, #tpu.memory_space<vmem>> -> memref<1x64xi32, #tpu.memory_space<vmem>>
    %dma_start3A_621 = tpu.memref_squeeze %dma_start3A_620 : memref<1x64xi32, #tpu.memory_space<vmem>> -> memref<64xi32, #tpu.memory_space<vmem>>
    %dma_start3A_622 = arith.constant 0 : i32
    %dma_start3A_623 = arith.constant 0 : i32
    %dma_start3A_624 = tpu.memref_slice %arg2[%dma_start3A_622, %dma_start3A_623] : memref<10000x128xf32, #tpu.memory_space<hbm>> -> memref<10000x128xf32, #tpu.memory_space<hbm>>
    tpu.enqueue_indirect_dma source(%dma_start3A_624 : memref<10000x128xf32, #tpu.memory_space<hbm>>) target(%dma_start3A_618 : memref<64x128xf32, #tpu.memory_space<vmem>>) offsets(%dma_start3A_621 : memref<64xi32, #tpu.memory_space<vmem>>) semaphore(%arg22 : memref<!tpu.dma_semaphore, #tpu.memory_space<semaphore_mem>>)
    %dma_wait3A_625 = arith.constant 0 : i32
    %dma_wait3A_626 = arith.constant 5 : i32
    %dma_wait3A_627 = arith.constant 0 : i32
    %dma_wait3A_628 = tpu.memref_slice %arg9[%dma_wait3A_626, %dma_wait3A_627] : memref<8x64xi32, #tpu.memory_space<vmem>> -> memref<1x64xi32, #tpu.memory_space<vmem>>
    %dma_wait3A_629 = tpu.memref_squeeze %dma_wait3A_628 : memref<1x64xi32, #tpu.memory_space<vmem>> -> memref<64xi32, #tpu.memory_space<vmem>>
    %dma_wait3A_630 = arith.constant 0 : i32
    %dma_wait3A_631 = tpu.memref_slice %arg3[%add3A, %dma_wait3A_625, %dma_wait3A_630] : memref<32x160x64xi32, #tpu.memory_space<hbm>> -> memref<1x1x64xi32, #tpu.memory_space<hbm>>
    %dma_wait3A_632 = tpu.memref_squeeze %dma_wait3A_631 : memref<1x1x64xi32, #tpu.memory_space<hbm>> -> memref<64xi32, #tpu.memory_space<hbm>>
    %dma_wait3A_633 = arith.constant 0 : i32
    %dma_wait3A_634 = tpu.memref_slice %arg9[%dma_wait3A_626, %dma_wait3A_633] : memref<8x64xi32, #tpu.memory_space<vmem>> -> memref<1x64xi32, #tpu.memory_space<vmem>>
    %dma_wait3A_635 = tpu.memref_squeeze %dma_wait3A_634 : memref<1x64xi32, #tpu.memory_space<vmem>> -> memref<64xi32, #tpu.memory_space<vmem>>
    %dma_wait3A_636 = arith.constant 0 : i32
    %dma_wait3A_637 = tpu.memref_slice %arg3[%add3A, %dma_wait3A_625, %dma_wait3A_636] : memref<32x160x64xi32, #tpu.memory_space<hbm>> -> memref<1x1x64xi32, #tpu.memory_space<hbm>>
    %dma_wait3A_638 = tpu.memref_squeeze %dma_wait3A_637 : memref<1x1x64xi32, #tpu.memory_space<hbm>> -> memref<64xi32, #tpu.memory_space<hbm>>
    tpu.wait_dma2 semaphore(%arg19 : memref<!tpu.dma_semaphore, #tpu.memory_space<semaphore_mem>>) src(%dma_wait3A_638 : memref<64xi32, #tpu.memory_space<hbm>>) dst(%dma_wait3A_635 : memref<64xi32, #tpu.memory_space<vmem>>)
    %dma_wait3A_639 = arith.constant 0 : i32
    %dma_wait3A_640 = arith.constant 5 : i32
    %dma_wait3A_641 = arith.constant 0 : i32
    %dma_wait3A_642 = tpu.memref_slice %arg10[%dma_wait3A_640, %dma_wait3A_641] : memref<8x64xi32, #tpu.memory_space<vmem>> -> memref<1x64xi32, #tpu.memory_space<vmem>>
    %dma_wait3A_643 = tpu.memref_squeeze %dma_wait3A_642 : memref<1x64xi32, #tpu.memory_space<vmem>> -> memref<64xi32, #tpu.memory_space<vmem>>
    %dma_wait3A_644 = arith.constant 0 : i32
    %dma_wait3A_645 = tpu.memref_slice %arg4[%add3A, %dma_wait3A_639, %dma_wait3A_644] : memref<32x160x64xi32, #tpu.memory_space<hbm>> -> memref<1x1x64xi32, #tpu.memory_space<hbm>>
    %dma_wait3A_646 = tpu.memref_squeeze %dma_wait3A_645 : memref<1x1x64xi32, #tpu.memory_space<hbm>> -> memref<64xi32, #tpu.memory_space<hbm>>
    %dma_wait3A_647 = arith.constant 0 : i32
    %dma_wait3A_648 = tpu.memref_slice %arg10[%dma_wait3A_640, %dma_wait3A_647] : memref<8x64xi32, #tpu.memory_space<vmem>> -> memref<1x64xi32, #tpu.memory_space<vmem>>
    %dma_wait3A_649 = tpu.memref_squeeze %dma_wait3A_648 : memref<1x64xi32, #tpu.memory_space<vmem>> -> memref<64xi32, #tpu.memory_space<vmem>>
    %dma_wait3A_650 = arith.constant 0 : i32
    %dma_wait3A_651 = tpu.memref_slice %arg4[%add3A, %dma_wait3A_639, %dma_wait3A_650] : memref<32x160x64xi32, #tpu.memory_space<hbm>> -> memref<1x1x64xi32, #tpu.memory_space<hbm>>
    %dma_wait3A_652 = tpu.memref_squeeze %dma_wait3A_651 : memref<1x1x64xi32, #tpu.memory_space<hbm>> -> memref<64xi32, #tpu.memory_space<hbm>>
    tpu.wait_dma2 semaphore(%arg19 : memref<!tpu.dma_semaphore, #tpu.memory_space<semaphore_mem>>) src(%dma_wait3A_652 : memref<64xi32, #tpu.memory_space<hbm>>) dst(%dma_wait3A_649 : memref<64xi32, #tpu.memory_space<vmem>>)
    %dma_wait3A_653 = arith.constant 1 : i32
    %dma_wait3A_654 = arith.constant 0 : i32
    %dma_wait3A_655 = arith.constant 0 : i32
    %dma_wait3A_656 = arith.constant 0 : i32
    %dma_wait3A_657 = tpu.memref_slice %arg11[%dma_wait3A_653, %dma_wait3A_655, %dma_wait3A_656] : memref<4x64x128xf32, #tpu.memory_space<vmem>> -> memref<1x64x128xf32, #tpu.memory_space<vmem>>
    %dma_wait3A_658 = tpu.memref_squeeze %dma_wait3A_657 : memref<1x64x128xf32, #tpu.memory_space<vmem>> -> memref<64x128xf32, #tpu.memory_space<vmem>>
    %dma_wait3A_659 = arith.constant 0 : i32
    %dma_wait3A_660 = tpu.memref_slice %arg10[%dma_wait3A_654, %dma_wait3A_659] : memref<8x64xi32, #tpu.memory_space<vmem>> -> memref<1x64xi32, #tpu.memory_space<vmem>>
    %dma_wait3A_661 = tpu.memref_squeeze %dma_wait3A_660 : memref<1x64xi32, #tpu.memory_space<vmem>> -> memref<64xi32, #tpu.memory_space<vmem>>
    %dma_wait3A_662 = arith.constant 0 : i32
    %dma_wait3A_663 = arith.constant 0 : i32
    %dma_wait3A_664 = tpu.memref_slice %arg13[%dma_wait3A_662, %dma_wait3A_663] : memref<10240x128xf32, #tpu.memory_space<vmem_shared>> -> memref<10240x128xf32, #tpu.memory_space<vmem_shared>>
    tpu.wait_indirect_dma semaphore(%arg27 : memref<!tpu.dma_semaphore, #tpu.memory_space<semaphore_mem>>) src(%dma_wait3A_658 : memref<64x128xf32, #tpu.memory_space<vmem>>) dst(%dma_wait3A_664 : memref<10240x128xf32, #tpu.memory_space<vmem_shared>>)
    %dma_start3A_665 = arith.constant 9 : i32
    %dma_start3A_666 = arith.constant 1 : i32
    %dma_start3A_667 = arith.constant 0 : i32
    %dma_start3A_668 = tpu.memref_slice %arg9[%dma_start3A_666, %dma_start3A_667] : memref<8x64xi32, #tpu.memory_space<vmem>> -> memref<1x64xi32, #tpu.memory_space<vmem>>
    %dma_start3A_669 = tpu.memref_squeeze %dma_start3A_668 : memref<1x64xi32, #tpu.memory_space<vmem>> -> memref<64xi32, #tpu.memory_space<vmem>>
    %dma_start3A_670 = arith.constant 0 : i32
    %dma_start3A_671 = tpu.memref_slice %arg3[%add3A, %dma_start3A_665, %dma_start3A_670] : memref<32x160x64xi32, #tpu.memory_space<hbm>> -> memref<1x1x64xi32, #tpu.memory_space<hbm>>
    %dma_start3A_672 = tpu.memref_squeeze %dma_start3A_671 : memref<1x1x64xi32, #tpu.memory_space<hbm>> -> memref<64xi32, #tpu.memory_space<hbm>>
    %dma_start3A_673 = arith.constant 0 : i32
    %dma_start3A_674 = tpu.memref_slice %arg9[%dma_start3A_666, %dma_start3A_673] : memref<8x64xi32, #tpu.memory_space<vmem>> -> memref<1x64xi32, #tpu.memory_space<vmem>>
    %dma_start3A_675 = tpu.memref_squeeze %dma_start3A_674 : memref<1x64xi32, #tpu.memory_space<vmem>> -> memref<64xi32, #tpu.memory_space<vmem>>
    %dma_start3A_676 = arith.constant 0 : i32
    %dma_start3A_677 = tpu.memref_slice %arg3[%add3A, %dma_start3A_665, %dma_start3A_676] : memref<32x160x64xi32, #tpu.memory_space<hbm>> -> memref<1x1x64xi32, #tpu.memory_space<hbm>>
    %dma_start3A_678 = tpu.memref_squeeze %dma_start3A_677 : memref<1x1x64xi32, #tpu.memory_space<hbm>> -> memref<64xi32, #tpu.memory_space<hbm>>
    tpu.enqueue_dma source(%dma_start3A_678 : memref<64xi32, #tpu.memory_space<hbm>>) target(%dma_start3A_675 : memref<64xi32, #tpu.memory_space<vmem>>) target_semaphore(%arg15 : memref<!tpu.dma_semaphore, #tpu.memory_space<semaphore_mem>>)
    %dma_start3A_679 = arith.constant 9 : i32
    %dma_start3A_680 = arith.constant 1 : i32
    %dma_start3A_681 = arith.constant 0 : i32
    %dma_start3A_682 = tpu.memref_slice %arg10[%dma_start3A_680, %dma_start3A_681] : memref<8x64xi32, #tpu.memory_space<vmem>> -> memref<1x64xi32, #tpu.memory_space<vmem>>
    %dma_start3A_683 = tpu.memref_squeeze %dma_start3A_682 : memref<1x64xi32, #tpu.memory_space<vmem>> -> memref<64xi32, #tpu.memory_space<vmem>>
    %dma_start3A_684 = arith.constant 0 : i32
    %dma_start3A_685 = tpu.memref_slice %arg4[%add3A, %dma_start3A_679, %dma_start3A_684] : memref<32x160x64xi32, #tpu.memory_space<hbm>> -> memref<1x1x64xi32, #tpu.memory_space<hbm>>
    %dma_start3A_686 = tpu.memref_squeeze %dma_start3A_685 : memref<1x1x64xi32, #tpu.memory_space<hbm>> -> memref<64xi32, #tpu.memory_space<hbm>>
    %dma_start3A_687 = arith.constant 0 : i32
    %dma_start3A_688 = tpu.memref_slice %arg10[%dma_start3A_680, %dma_start3A_687] : memref<8x64xi32, #tpu.memory_space<vmem>> -> memref<1x64xi32, #tpu.memory_space<vmem>>
    %dma_start3A_689 = tpu.memref_squeeze %dma_start3A_688 : memref<1x64xi32, #tpu.memory_space<vmem>> -> memref<64xi32, #tpu.memory_space<vmem>>
    %dma_start3A_690 = arith.constant 0 : i32
    %dma_start3A_691 = tpu.memref_slice %arg4[%add3A, %dma_start3A_679, %dma_start3A_690] : memref<32x160x64xi32, #tpu.memory_space<hbm>> -> memref<1x1x64xi32, #tpu.memory_space<hbm>>
    %dma_start3A_692 = tpu.memref_squeeze %dma_start3A_691 : memref<1x1x64xi32, #tpu.memory_space<hbm>> -> memref<64xi32, #tpu.memory_space<hbm>>
    tpu.enqueue_dma source(%dma_start3A_692 : memref<64xi32, #tpu.memory_space<hbm>>) target(%dma_start3A_689 : memref<64xi32, #tpu.memory_space<vmem>>) target_semaphore(%arg15 : memref<!tpu.dma_semaphore, #tpu.memory_space<semaphore_mem>>)
    %dma_start3A_693 = arith.constant 5 : i32
    %dma_start3A_694 = arith.constant 1 : i32
    %dma_start3A_695 = arith.constant 0 : i32
    %dma_start3A_696 = arith.constant 0 : i32
    %dma_start3A_697 = tpu.memref_slice %arg11[%dma_start3A_694, %dma_start3A_695, %dma_start3A_696] : memref<4x64x128xf32, #tpu.memory_space<vmem>> -> memref<1x64x128xf32, #tpu.memory_space<vmem>>
    %dma_start3A_698 = tpu.memref_squeeze %dma_start3A_697 : memref<1x64x128xf32, #tpu.memory_space<vmem>> -> memref<64x128xf32, #tpu.memory_space<vmem>>
    %dma_start3A_699 = arith.constant 0 : i32
    %dma_start3A_700 = tpu.memref_slice %arg9[%dma_start3A_693, %dma_start3A_699] : memref<8x64xi32, #tpu.memory_space<vmem>> -> memref<1x64xi32, #tpu.memory_space<vmem>>
    %dma_start3A_701 = tpu.memref_squeeze %dma_start3A_700 : memref<1x64xi32, #tpu.memory_space<vmem>> -> memref<64xi32, #tpu.memory_space<vmem>>
    %dma_start3A_702 = arith.constant 0 : i32
    %dma_start3A_703 = arith.constant 0 : i32
    %dma_start3A_704 = tpu.memref_slice %arg2[%dma_start3A_702, %dma_start3A_703] : memref<10000x128xf32, #tpu.memory_space<hbm>> -> memref<10000x128xf32, #tpu.memory_space<hbm>>
    tpu.enqueue_indirect_dma source(%dma_start3A_704 : memref<10000x128xf32, #tpu.memory_space<hbm>>) target(%dma_start3A_698 : memref<64x128xf32, #tpu.memory_space<vmem>>) offsets(%dma_start3A_701 : memref<64xi32, #tpu.memory_space<vmem>>) semaphore(%arg23 : memref<!tpu.dma_semaphore, #tpu.memory_space<semaphore_mem>>)
    %dma_wait3A_705 = arith.constant 0 : i32
    %dma_wait3A_706 = arith.constant 6 : i32
    %dma_wait3A_707 = arith.constant 0 : i32
    %dma_wait3A_708 = tpu.memref_slice %arg9[%dma_wait3A_706, %dma_wait3A_707] : memref<8x64xi32, #tpu.memory_space<vmem>> -> memref<1x64xi32, #tpu.memory_space<vmem>>
    %dma_wait3A_709 = tpu.memref_squeeze %dma_wait3A_708 : memref<1x64xi32, #tpu.memory_space<vmem>> -> memref<64xi32, #tpu.memory_space<vmem>>
    %dma_wait3A_710 = arith.constant 0 : i32
    %dma_wait3A_711 = tpu.memref_slice %arg3[%add3A, %dma_wait3A_705, %dma_wait3A_710] : memref<32x160x64xi32, #tpu.memory_space<hbm>> -> memref<1x1x64xi32, #tpu.memory_space<hbm>>
    %dma_wait3A_712 = tpu.memref_squeeze %dma_wait3A_711 : memref<1x1x64xi32, #tpu.memory_space<hbm>> -> memref<64xi32, #tpu.memory_space<hbm>>
    %dma_wait3A_713 = arith.constant 0 : i32
    %dma_wait3A_714 = tpu.memref_slice %arg9[%dma_wait3A_706, %dma_wait3A_713] : memref<8x64xi32, #tpu.memory_space<vmem>> -> memref<1x64xi32, #tpu.memory_space<vmem>>
    %dma_wait3A_715 = tpu.memref_squeeze %dma_wait3A_714 : memref<1x64xi32, #tpu.memory_space<vmem>> -> memref<64xi32, #tpu.memory_space<vmem>>
    %dma_wait3A_716 = arith.constant 0 : i32
    %dma_wait3A_717 = tpu.memref_slice %arg3[%add3A, %dma_wait3A_705, %dma_wait3A_716] : memref<32x160x64xi32, #tpu.memory_space<hbm>> -> memref<1x1x64xi32, #tpu.memory_space<hbm>>
    %dma_wait3A_718 = tpu.memref_squeeze %dma_wait3A_717 : memref<1x1x64xi32, #tpu.memory_space<hbm>> -> memref<64xi32, #tpu.memory_space<hbm>>
    tpu.wait_dma2 semaphore(%arg20 : memref<!tpu.dma_semaphore, #tpu.memory_space<semaphore_mem>>) src(%dma_wait3A_718 : memref<64xi32, #tpu.memory_space<hbm>>) dst(%dma_wait3A_715 : memref<64xi32, #tpu.memory_space<vmem>>)
    %dma_wait3A_719 = arith.constant 0 : i32
    %dma_wait3A_720 = arith.constant 6 : i32
    %dma_wait3A_721 = arith.constant 0 : i32
    %dma_wait3A_722 = tpu.memref_slice %arg10[%dma_wait3A_720, %dma_wait3A_721] : memref<8x64xi32, #tpu.memory_space<vmem>> -> memref<1x64xi32, #tpu.memory_space<vmem>>
    %dma_wait3A_723 = tpu.memref_squeeze %dma_wait3A_722 : memref<1x64xi32, #tpu.memory_space<vmem>> -> memref<64xi32, #tpu.memory_space<vmem>>
    %dma_wait3A_724 = arith.constant 0 : i32
    %dma_wait3A_725 = tpu.memref_slice %arg4[%add3A, %dma_wait3A_719, %dma_wait3A_724] : memref<32x160x64xi32, #tpu.memory_space<hbm>> -> memref<1x1x64xi32, #tpu.memory_space<hbm>>
    %dma_wait3A_726 = tpu.memref_squeeze %dma_wait3A_725 : memref<1x1x64xi32, #tpu.memory_space<hbm>> -> memref<64xi32, #tpu.memory_space<hbm>>
    %dma_wait3A_727 = arith.constant 0 : i32
    %dma_wait3A_728 = tpu.memref_slice %arg10[%dma_wait3A_720, %dma_wait3A_727] : memref<8x64xi32, #tpu.memory_space<vmem>> -> memref<1x64xi32, #tpu.memory_space<vmem>>
    %dma_wait3A_729 = tpu.memref_squeeze %dma_wait3A_728 : memref<1x64xi32, #tpu.memory_space<vmem>> -> memref<64xi32, #tpu.memory_space<vmem>>
    %dma_wait3A_730 = arith.constant 0 : i32
    %dma_wait3A_731 = tpu.memref_slice %arg4[%add3A, %dma_wait3A_719, %dma_wait3A_730] : memref<32x160x64xi32, #tpu.memory_space<hbm>> -> memref<1x1x64xi32, #tpu.memory_space<hbm>>
    %dma_wait3A_732 = tpu.memref_squeeze %dma_wait3A_731 : memref<1x1x64xi32, #tpu.memory_space<hbm>> -> memref<64xi32, #tpu.memory_space<hbm>>
    tpu.wait_dma2 semaphore(%arg20 : memref<!tpu.dma_semaphore, #tpu.memory_space<semaphore_mem>>) src(%dma_wait3A_732 : memref<64xi32, #tpu.memory_space<hbm>>) dst(%dma_wait3A_729 : memref<64xi32, #tpu.memory_space<vmem>>)
    %dma_wait3A_733 = arith.constant 2 : i32
    %dma_wait3A_734 = arith.constant 0 : i32
    %dma_wait3A_735 = arith.constant 0 : i32
    %dma_wait3A_736 = arith.constant 0 : i32
    %dma_wait3A_737 = tpu.memref_slice %arg11[%dma_wait3A_733, %dma_wait3A_735, %dma_wait3A_736] : memref<4x64x128xf32, #tpu.memory_space<vmem>> -> memref<1x64x128xf32, #tpu.memory_space<vmem>>
    %dma_wait3A_738 = tpu.memref_squeeze %dma_wait3A_737 : memref<1x64x128xf32, #tpu.memory_space<vmem>> -> memref<64x128xf32, #tpu.memory_space<vmem>>
    %dma_wait3A_739 = arith.constant 0 : i32
    %dma_wait3A_740 = tpu.memref_slice %arg10[%dma_wait3A_734, %dma_wait3A_739] : memref<8x64xi32, #tpu.memory_space<vmem>> -> memref<1x64xi32, #tpu.memory_space<vmem>>
    %dma_wait3A_741 = tpu.memref_squeeze %dma_wait3A_740 : memref<1x64xi32, #tpu.memory_space<vmem>> -> memref<64xi32, #tpu.memory_space<vmem>>
    %dma_wait3A_742 = arith.constant 0 : i32
    %dma_wait3A_743 = arith.constant 0 : i32
    %dma_wait3A_744 = tpu.memref_slice %arg13[%dma_wait3A_742, %dma_wait3A_743] : memref<10240x128xf32, #tpu.memory_space<vmem_shared>> -> memref<10240x128xf32, #tpu.memory_space<vmem_shared>>
    tpu.wait_indirect_dma semaphore(%arg28 : memref<!tpu.dma_semaphore, #tpu.memory_space<semaphore_mem>>) src(%dma_wait3A_738 : memref<64x128xf32, #tpu.memory_space<vmem>>) dst(%dma_wait3A_744 : memref<10240x128xf32, #tpu.memory_space<vmem_shared>>)
    %dma_start3A_745 = arith.constant 10 : i32
    %dma_start3A_746 = arith.constant 2 : i32
    %dma_start3A_747 = arith.constant 0 : i32
    %dma_start3A_748 = tpu.memref_slice %arg9[%dma_start3A_746, %dma_start3A_747] : memref<8x64xi32, #tpu.memory_space<vmem>> -> memref<1x64xi32, #tpu.memory_space<vmem>>
    %dma_start3A_749 = tpu.memref_squeeze %dma_start3A_748 : memref<1x64xi32, #tpu.memory_space<vmem>> -> memref<64xi32, #tpu.memory_space<vmem>>
    %dma_start3A_750 = arith.constant 0 : i32
    %dma_start3A_751 = tpu.memref_slice %arg3[%add3A, %dma_start3A_745, %dma_start3A_750] : memref<32x160x64xi32, #tpu.memory_space<hbm>> -> memref<1x1x64xi32, #tpu.memory_space<hbm>>
    %dma_start3A_752 = tpu.memref_squeeze %dma_start3A_751 : memref<1x1x64xi32, #tpu.memory_space<hbm>> -> memref<64xi32, #tpu.memory_space<hbm>>
    %dma_start3A_753 = arith.constant 0 : i32
    %dma_start3A_754 = tpu.memref_slice %arg9[%dma_start3A_746, %dma_start3A_753] : memref<8x64xi32, #tpu.memory_space<vmem>> -> memref<1x64xi32, #tpu.memory_space<vmem>>
    %dma_start3A_755 = tpu.memref_squeeze %dma_start3A_754 : memref<1x64xi32, #tpu.memory_space<vmem>> -> memref<64xi32, #tpu.memory_space<vmem>>
    %dma_start3A_756 = arith.constant 0 : i32
    %dma_start3A_757 = tpu.memref_slice %arg3[%add3A, %dma_start3A_745, %dma_start3A_756] : memref<32x160x64xi32, #tpu.memory_space<hbm>> -> memref<1x1x64xi32, #tpu.memory_space<hbm>>
    %dma_start3A_758 = tpu.memref_squeeze %dma_start3A_757 : memref<1x1x64xi32, #tpu.memory_space<hbm>> -> memref<64xi32, #tpu.memory_space<hbm>>
    tpu.enqueue_dma source(%dma_start3A_758 : memref<64xi32, #tpu.memory_space<hbm>>) target(%dma_start3A_755 : memref<64xi32, #tpu.memory_space<vmem>>) target_semaphore(%arg16 : memref<!tpu.dma_semaphore, #tpu.memory_space<semaphore_mem>>)
    %dma_start3A_759 = arith.constant 10 : i32
    %dma_start3A_760 = arith.constant 2 : i32
    %dma_start3A_761 = arith.constant 0 : i32
    %dma_start3A_762 = tpu.memref_slice %arg10[%dma_start3A_760, %dma_start3A_761] : memref<8x64xi32, #tpu.memory_space<vmem>> -> memref<1x64xi32, #tpu.memory_space<vmem>>
    %dma_start3A_763 = tpu.memref_squeeze %dma_start3A_762 : memref<1x64xi32, #tpu.memory_space<vmem>> -> memref<64xi32, #tpu.memory_space<vmem>>
    %dma_start3A_764 = arith.constant 0 : i32
    %dma_start3A_765 = tpu.memref_slice %arg4[%add3A, %dma_start3A_759, %dma_start3A_764] : memref<32x160x64xi32, #tpu.memory_space<hbm>> -> memref<1x1x64xi32, #tpu.memory_space<hbm>>
    %dma_start3A_766 = tpu.memref_squeeze %dma_start3A_765 : memref<1x1x64xi32, #tpu.memory_space<hbm>> -> memref<64xi32, #tpu.memory_space<hbm>>
    %dma_start3A_767 = arith.constant 0 : i32
    %dma_start3A_768 = tpu.memref_slice %arg10[%dma_start3A_760, %dma_start3A_767] : memref<8x64xi32, #tpu.memory_space<vmem>> -> memref<1x64xi32, #tpu.memory_space<vmem>>
    %dma_start3A_769 = tpu.memref_squeeze %dma_start3A_768 : memref<1x64xi32, #tpu.memory_space<vmem>> -> memref<64xi32, #tpu.memory_space<vmem>>
    %dma_start3A_770 = arith.constant 0 : i32
    %dma_start3A_771 = tpu.memref_slice %arg4[%add3A, %dma_start3A_759, %dma_start3A_770] : memref<32x160x64xi32, #tpu.memory_space<hbm>> -> memref<1x1x64xi32, #tpu.memory_space<hbm>>
    %dma_start3A_772 = tpu.memref_squeeze %dma_start3A_771 : memref<1x1x64xi32, #tpu.memory_space<hbm>> -> memref<64xi32, #tpu.memory_space<hbm>>
    tpu.enqueue_dma source(%dma_start3A_772 : memref<64xi32, #tpu.memory_space<hbm>>) target(%dma_start3A_769 : memref<64xi32, #tpu.memory_space<vmem>>) target_semaphore(%arg16 : memref<!tpu.dma_semaphore, #tpu.memory_space<semaphore_mem>>)
    %dma_start3A_773 = arith.constant 6 : i32
    %dma_start3A_774 = arith.constant 2 : i32
    %dma_start3A_775 = arith.constant 0 : i32
    %dma_start3A_776 = arith.constant 0 : i32
    %dma_start3A_777 = tpu.memref_slice %arg11[%dma_start3A_774, %dma_start3A_775, %dma_start3A_776] : memref<4x64x128xf32, #tpu.memory_space<vmem>> -> memref<1x64x128xf32, #tpu.memory_space<vmem>>
    %dma_start3A_778 = tpu.memref_squeeze %dma_start3A_777 : memref<1x64x128xf32, #tpu.memory_space<vmem>> -> memref<64x128xf32, #tpu.memory_space<vmem>>
    %dma_start3A_779 = arith.constant 0 : i32
    %dma_start3A_780 = tpu.memref_slice %arg9[%dma_start3A_773, %dma_start3A_779] : memref<8x64xi32, #tpu.memory_space<vmem>> -> memref<1x64xi32, #tpu.memory_space<vmem>>
    %dma_start3A_781 = tpu.memref_squeeze %dma_start3A_780 : memref<1x64xi32, #tpu.memory_space<vmem>> -> memref<64xi32, #tpu.memory_space<vmem>>
    %dma_start3A_782 = arith.constant 0 : i32
    %dma_start3A_783 = arith.constant 0 : i32
    %dma_start3A_784 = tpu.memref_slice %arg2[%dma_start3A_782, %dma_start3A_783] : memref<10000x128xf32, #tpu.memory_space<hbm>> -> memref<10000x128xf32, #tpu.memory_space<hbm>>
    tpu.enqueue_indirect_dma source(%dma_start3A_784 : memref<10000x128xf32, #tpu.memory_space<hbm>>) target(%dma_start3A_778 : memref<64x128xf32, #tpu.memory_space<vmem>>) offsets(%dma_start3A_781 : memref<64xi32, #tpu.memory_space<vmem>>) semaphore(%arg24 : memref<!tpu.dma_semaphore, #tpu.memory_space<semaphore_mem>>)
    %dma_wait3A_785 = arith.constant 0 : i32
    %dma_wait3A_786 = arith.constant 7 : i32
    %dma_wait3A_787 = arith.constant 0 : i32
    %dma_wait3A_788 = tpu.memref_slice %arg9[%dma_wait3A_786, %dma_wait3A_787] : memref<8x64xi32, #tpu.memory_space<vmem>> -> memref<1x64xi32, #tpu.memory_space<vmem>>
    %dma_wait3A_789 = tpu.memref_squeeze %dma_wait3A_788 : memref<1x64xi32, #tpu.memory_space<vmem>> -> memref<64xi32, #tpu.memory_space<vmem>>
    %dma_wait3A_790 = arith.constant 0 : i32
    %dma_wait3A_791 = tpu.memref_slice %arg3[%add3A, %dma_wait3A_785, %dma_wait3A_790] : memref<32x160x64xi32, #tpu.memory_space<hbm>> -> memref<1x1x64xi32, #tpu.memory_space<hbm>>
    %dma_wait3A_792 = tpu.memref_squeeze %dma_wait3A_791 : memref<1x1x64xi32, #tpu.memory_space<hbm>> -> memref<64xi32, #tpu.memory_space<hbm>>
    %dma_wait3A_793 = arith.constant 0 : i32
    %dma_wait3A_794 = tpu.memref_slice %arg9[%dma_wait3A_786, %dma_wait3A_793] : memref<8x64xi32, #tpu.memory_space<vmem>> -> memref<1x64xi32, #tpu.memory_space<vmem>>
    %dma_wait3A_795 = tpu.memref_squeeze %dma_wait3A_794 : memref<1x64xi32, #tpu.memory_space<vmem>> -> memref<64xi32, #tpu.memory_space<vmem>>
    %dma_wait3A_796 = arith.constant 0 : i32
    %dma_wait3A_797 = tpu.memref_slice %arg3[%add3A, %dma_wait3A_785, %dma_wait3A_796] : memref<32x160x64xi32, #tpu.memory_space<hbm>> -> memref<1x1x64xi32, #tpu.memory_space<hbm>>
    %dma_wait3A_798 = tpu.memref_squeeze %dma_wait3A_797 : memref<1x1x64xi32, #tpu.memory_space<hbm>> -> memref<64xi32, #tpu.memory_space<hbm>>
    tpu.wait_dma2 semaphore(%arg21 : memref<!tpu.dma_semaphore, #tpu.memory_space<semaphore_mem>>) src(%dma_wait3A_798 : memref<64xi32, #tpu.memory_space<hbm>>) dst(%dma_wait3A_795 : memref<64xi32, #tpu.memory_space<vmem>>)
    %dma_wait3A_799 = arith.constant 0 : i32
    %dma_wait3A_800 = arith.constant 7 : i32
    %dma_wait3A_801 = arith.constant 0 : i32
    %dma_wait3A_802 = tpu.memref_slice %arg10[%dma_wait3A_800, %dma_wait3A_801] : memref<8x64xi32, #tpu.memory_space<vmem>> -> memref<1x64xi32, #tpu.memory_space<vmem>>
    %dma_wait3A_803 = tpu.memref_squeeze %dma_wait3A_802 : memref<1x64xi32, #tpu.memory_space<vmem>> -> memref<64xi32, #tpu.memory_space<vmem>>
    %dma_wait3A_804 = arith.constant 0 : i32
    %dma_wait3A_805 = tpu.memref_slice %arg4[%add3A, %dma_wait3A_799, %dma_wait3A_804] : memref<32x160x64xi32, #tpu.memory_space<hbm>> -> memref<1x1x64xi32, #tpu.memory_space<hbm>>
    %dma_wait3A_806 = tpu.memref_squeeze %dma_wait3A_805 : memref<1x1x64xi32, #tpu.memory_space<hbm>> -> memref<64xi32, #tpu.memory_space<hbm>>
    %dma_wait3A_807 = arith.constant 0 : i32
    %dma_wait3A_808 = tpu.memref_slice %arg10[%dma_wait3A_800, %dma_wait3A_807] : memref<8x64xi32, #tpu.memory_space<vmem>> -> memref<1x64xi32, #tpu.memory_space<vmem>>
    %dma_wait3A_809 = tpu.memref_squeeze %dma_wait3A_808 : memref<1x64xi32, #tpu.memory_space<vmem>> -> memref<64xi32, #tpu.memory_space<vmem>>
    %dma_wait3A_810 = arith.constant 0 : i32
    %dma_wait3A_811 = tpu.memref_slice %arg4[%add3A, %dma_wait3A_799, %dma_wait3A_810] : memref<32x160x64xi32, #tpu.memory_space<hbm>> -> memref<1x1x64xi32, #tpu.memory_space<hbm>>
    %dma_wait3A_812 = tpu.memref_squeeze %dma_wait3A_811 : memref<1x1x64xi32, #tpu.memory_space<hbm>> -> memref<64xi32, #tpu.memory_space<hbm>>
    tpu.wait_dma2 semaphore(%arg21 : memref<!tpu.dma_semaphore, #tpu.memory_space<semaphore_mem>>) src(%dma_wait3A_812 : memref<64xi32, #tpu.memory_space<hbm>>) dst(%dma_wait3A_809 : memref<64xi32, #tpu.memory_space<vmem>>)
    %dma_wait3A_813 = arith.constant 3 : i32
    %dma_wait3A_814 = arith.constant 0 : i32
    %dma_wait3A_815 = arith.constant 0 : i32
    %dma_wait3A_816 = arith.constant 0 : i32
    %dma_wait3A_817 = tpu.memref_slice %arg11[%dma_wait3A_813, %dma_wait3A_815, %dma_wait3A_816] : memref<4x64x128xf32, #tpu.memory_space<vmem>> -> memref<1x64x128xf32, #tpu.memory_space<vmem>>
    %dma_wait3A_818 = tpu.memref_squeeze %dma_wait3A_817 : memref<1x64x128xf32, #tpu.memory_space<vmem>> -> memref<64x128xf32, #tpu.memory_space<vmem>>
    %dma_wait3A_819 = arith.constant 0 : i32
    %dma_wait3A_820 = tpu.memref_slice %arg10[%dma_wait3A_814, %dma_wait3A_819] : memref<8x64xi32, #tpu.memory_space<vmem>> -> memref<1x64xi32, #tpu.memory_space<vmem>>
    %dma_wait3A_821 = tpu.memref_squeeze %dma_wait3A_820 : memref<1x64xi32, #tpu.memory_space<vmem>> -> memref<64xi32, #tpu.memory_space<vmem>>
    %dma_wait3A_822 = arith.constant 0 : i32
    %dma_wait3A_823 = arith.constant 0 : i32
    %dma_wait3A_824 = tpu.memref_slice %arg13[%dma_wait3A_822, %dma_wait3A_823] : memref<10240x128xf32, #tpu.memory_space<vmem_shared>> -> memref<10240x128xf32, #tpu.memory_space<vmem_shared>>
    tpu.wait_indirect_dma semaphore(%arg29 : memref<!tpu.dma_semaphore, #tpu.memory_space<semaphore_mem>>) src(%dma_wait3A_818 : memref<64x128xf32, #tpu.memory_space<vmem>>) dst(%dma_wait3A_824 : memref<10240x128xf32, #tpu.memory_space<vmem_shared>>)
    %dma_start3A_825 = arith.constant 11 : i32
    %dma_start3A_826 = arith.constant 3 : i32
    %dma_start3A_827 = arith.constant 0 : i32
    %dma_start3A_828 = tpu.memref_slice %arg9[%dma_start3A_826, %dma_start3A_827] : memref<8x64xi32, #tpu.memory_space<vmem>> -> memref<1x64xi32, #tpu.memory_space<vmem>>
    %dma_start3A_829 = tpu.memref_squeeze %dma_start3A_828 : memref<1x64xi32, #tpu.memory_space<vmem>> -> memref<64xi32, #tpu.memory_space<vmem>>
    %dma_start3A_830 = arith.constant 0 : i32
    %dma_start3A_831 = tpu.memref_slice %arg3[%add3A, %dma_start3A_825, %dma_start3A_830] : memref<32x160x64xi32, #tpu.memory_space<hbm>> -> memref<1x1x64xi32, #tpu.memory_space<hbm>>
    %dma_start3A_832 = tpu.memref_squeeze %dma_start3A_831 : memref<1x1x64xi32, #tpu.memory_space<hbm>> -> memref<64xi32, #tpu.memory_space<hbm>>
    %dma_start3A_833 = arith.constant 0 : i32
    %dma_start3A_834 = tpu.memref_slice %arg9[%dma_start3A_826, %dma_start3A_833] : memref<8x64xi32, #tpu.memory_space<vmem>> -> memref<1x64xi32, #tpu.memory_space<vmem>>
    %dma_start3A_835 = tpu.memref_squeeze %dma_start3A_834 : memref<1x64xi32, #tpu.memory_space<vmem>> -> memref<64xi32, #tpu.memory_space<vmem>>
    %dma_start3A_836 = arith.constant 0 : i32
    %dma_start3A_837 = tpu.memref_slice %arg3[%add3A, %dma_start3A_825, %dma_start3A_836] : memref<32x160x64xi32, #tpu.memory_space<hbm>> -> memref<1x1x64xi32, #tpu.memory_space<hbm>>
    %dma_start3A_838 = tpu.memref_squeeze %dma_start3A_837 : memref<1x1x64xi32, #tpu.memory_space<hbm>> -> memref<64xi32, #tpu.memory_space<hbm>>
    tpu.enqueue_dma source(%dma_start3A_838 : memref<64xi32, #tpu.memory_space<hbm>>) target(%dma_start3A_835 : memref<64xi32, #tpu.memory_space<vmem>>) target_semaphore(%arg17 : memref<!tpu.dma_semaphore, #tpu.memory_space<semaphore_mem>>)
    %dma_start3A_839 = arith.constant 11 : i32
    %dma_start3A_840 = arith.constant 3 : i32
    %dma_start3A_841 = arith.constant 0 : i32
    %dma_start3A_842 = tpu.memref_slice %arg10[%dma_start3A_840, %dma_start3A_841] : memref<8x64xi32, #tpu.memory_space<vmem>> -> memref<1x64xi32, #tpu.memory_space<vmem>>
    %dma_start3A_843 = tpu.memref_squeeze %dma_start3A_842 : memref<1x64xi32, #tpu.memory_space<vmem>> -> memref<64xi32, #tpu.memory_space<vmem>>
    %dma_start3A_844 = arith.constant 0 : i32
    %dma_start3A_845 = tpu.memref_slice %arg4[%add3A, %dma_start3A_839, %dma_start3A_844] : memref<32x160x64xi32, #tpu.memory_space<hbm>> -> memref<1x1x64xi32, #tpu.memory_space<hbm>>
    %dma_start3A_846 = tpu.memref_squeeze %dma_start3A_845 : memref<1x1x64xi32, #tpu.memory_space<hbm>> -> memref<64xi32, #tpu.memory_space<hbm>>
    %dma_start3A_847 = arith.constant 0 : i32
    %dma_start3A_848 = tpu.memref_slice %arg10[%dma_start3A_840, %dma_start3A_847] : memref<8x64xi32, #tpu.memory_space<vmem>> -> memref<1x64xi32, #tpu.memory_space<vmem>>
    %dma_start3A_849 = tpu.memref_squeeze %dma_start3A_848 : memref<1x64xi32, #tpu.memory_space<vmem>> -> memref<64xi32, #tpu.memory_space<vmem>>
    %dma_start3A_850 = arith.constant 0 : i32
    %dma_start3A_851 = tpu.memref_slice %arg4[%add3A, %dma_start3A_839, %dma_start3A_850] : memref<32x160x64xi32, #tpu.memory_space<hbm>> -> memref<1x1x64xi32, #tpu.memory_space<hbm>>
    %dma_start3A_852 = tpu.memref_squeeze %dma_start3A_851 : memref<1x1x64xi32, #tpu.memory_space<hbm>> -> memref<64xi32, #tpu.memory_space<hbm>>
    tpu.enqueue_dma source(%dma_start3A_852 : memref<64xi32, #tpu.memory_space<hbm>>) target(%dma_start3A_849 : memref<64xi32, #tpu.memory_space<vmem>>) target_semaphore(%arg17 : memref<!tpu.dma_semaphore, #tpu.memory_space<semaphore_mem>>)
    %dma_start3A_853 = arith.constant 7 : i32
    %dma_start3A_854 = arith.constant 3 : i32
    %dma_start3A_855 = arith.constant 0 : i32
    %dma_start3A_856 = arith.constant 0 : i32
    %dma_start3A_857 = tpu.memref_slice %arg11[%dma_start3A_854, %dma_start3A_855, %dma_start3A_856] : memref<4x64x128xf32, #tpu.memory_space<vmem>> -> memref<1x64x128xf32, #tpu.memory_space<vmem>>
    %dma_start3A_858 = tpu.memref_squeeze %dma_start3A_857 : memref<1x64x128xf32, #tpu.memory_space<vmem>> -> memref<64x128xf32, #tpu.memory_space<vmem>>
    %dma_start3A_859 = arith.constant 0 : i32
    %dma_start3A_860 = tpu.memref_slice %arg9[%dma_start3A_853, %dma_start3A_859] : memref<8x64xi32, #tpu.memory_space<vmem>> -> memref<1x64xi32, #tpu.memory_space<vmem>>
    %dma_start3A_861 = tpu.memref_squeeze %dma_start3A_860 : memref<1x64xi32, #tpu.memory_space<vmem>> -> memref<64xi32, #tpu.memory_space<vmem>>
    %dma_start3A_862 = arith.constant 0 : i32
    %dma_start3A_863 = arith.constant 0 : i32
    %dma_start3A_864 = tpu.memref_slice %arg2[%dma_start3A_862, %dma_start3A_863] : memref<10000x128xf32, #tpu.memory_space<hbm>> -> memref<10000x128xf32, #tpu.memory_space<hbm>>
    tpu.enqueue_indirect_dma source(%dma_start3A_864 : memref<10000x128xf32, #tpu.memory_space<hbm>>) target(%dma_start3A_858 : memref<64x128xf32, #tpu.memory_space<vmem>>) offsets(%dma_start3A_861 : memref<64xi32, #tpu.memory_space<vmem>>) semaphore(%arg25 : memref<!tpu.dma_semaphore, #tpu.memory_space<semaphore_mem>>)
    %dma_wait3A_865 = arith.constant 0 : i32
    %dma_wait3A_866 = arith.constant 0 : i32
    %dma_wait3A_867 = arith.constant 0 : i32
    %dma_wait3A_868 = arith.constant 0 : i32
    %dma_wait3A_869 = tpu.memref_slice %arg11[%dma_wait3A_866, %dma_wait3A_867, %dma_wait3A_868] : memref<4x64x128xf32, #tpu.memory_space<vmem>> -> memref<1x64x128xf32, #tpu.memory_space<vmem>>
    %dma_wait3A_870 = tpu.memref_squeeze %dma_wait3A_869 : memref<1x64x128xf32, #tpu.memory_space<vmem>> -> memref<64x128xf32, #tpu.memory_space<vmem>>
    %dma_wait3A_871 = arith.constant 0 : i32
    %dma_wait3A_872 = tpu.memref_slice %arg9[%dma_wait3A_865, %dma_wait3A_871] : memref<8x64xi32, #tpu.memory_space<vmem>> -> memref<1x64xi32, #tpu.memory_space<vmem>>
    %dma_wait3A_873 = tpu.memref_squeeze %dma_wait3A_872 : memref<1x64xi32, #tpu.memory_space<vmem>> -> memref<64xi32, #tpu.memory_space<vmem>>
    %dma_wait3A_874 = arith.constant 0 : i32
    %dma_wait3A_875 = arith.constant 0 : i32
    %dma_wait3A_876 = tpu.memref_slice %arg2[%dma_wait3A_874, %dma_wait3A_875] : memref<10000x128xf32, #tpu.memory_space<hbm>> -> memref<10000x128xf32, #tpu.memory_space<hbm>>
    tpu.wait_indirect_dma semaphore(%arg22 : memref<!tpu.dma_semaphore, #tpu.memory_space<semaphore_mem>>) src(%dma_wait3A_876 : memref<10000x128xf32, #tpu.memory_space<hbm>>) dst(%dma_wait3A_870 : memref<64x128xf32, #tpu.memory_space<vmem>>)
    %dma_start3A_877 = arith.constant 0 : i32
    %dma_start3A_878 = arith.constant 4 : i32
    %dma_start3A_879 = arith.constant 0 : i32
    %dma_start3A_880 = arith.constant 0 : i32
    %dma_start3A_881 = tpu.memref_slice %arg11[%dma_start3A_877, %dma_start3A_879, %dma_start3A_880] : memref<4x64x128xf32, #tpu.memory_space<vmem>> -> memref<1x64x128xf32, #tpu.memory_space<vmem>>
    %dma_start3A_882 = tpu.memref_squeeze %dma_start3A_881 : memref<1x64x128xf32, #tpu.memory_space<vmem>> -> memref<64x128xf32, #tpu.memory_space<vmem>>
    %dma_start3A_883 = arith.constant 0 : i32
    %dma_start3A_884 = tpu.memref_slice %arg10[%dma_start3A_878, %dma_start3A_883] : memref<8x64xi32, #tpu.memory_space<vmem>> -> memref<1x64xi32, #tpu.memory_space<vmem>>
    %dma_start3A_885 = tpu.memref_squeeze %dma_start3A_884 : memref<1x64xi32, #tpu.memory_space<vmem>> -> memref<64xi32, #tpu.memory_space<vmem>>
    %dma_start3A_886 = arith.constant 0 : i32
    %dma_start3A_887 = arith.constant 0 : i32
    %dma_start3A_888 = tpu.memref_slice %arg13[%dma_start3A_886, %dma_start3A_887] : memref<10240x128xf32, #tpu.memory_space<vmem_shared>> -> memref<10240x128xf32, #tpu.memory_space<vmem_shared>>
    tpu.enqueue_indirect_dma source(%dma_start3A_882 : memref<64x128xf32, #tpu.memory_space<vmem>>) target(%dma_start3A_888 : memref<10240x128xf32, #tpu.memory_space<vmem_shared>>) offsets(%dma_start3A_885 : memref<64xi32, #tpu.memory_space<vmem>>) semaphore(%arg26 : memref<!tpu.dma_semaphore, #tpu.memory_space<semaphore_mem>>) {add = true}
    %get3A_889 = arith.constant 4 : i32
    %get3A_890 = arith.index_cast %get3A_889 : i32 to index
    %get3A_891 = arith.constant 0 : index
    %get3A_892 = tpu.vector_load %arg10[%get3A_890, %get3A_891] {strides = array<i32>} : memref<8x64xi32, #tpu.memory_space<vmem>>, vector<16xi32>,
    tpu.vector_store_idx %arg12[%get3A_892], %broadcast_in_dim3A_3 {add = true} : memref<10240xf32, #tpu.memory_space<vmem>>[vector<16xi32>], vector<16xf32>,
    %get3A_893 = arith.constant 4 : i32
    %get3A_894 = arith.index_cast %get3A_893 : i32 to index
    %get3A_895 = arith.constant 16 : index
    %get3A_896 = tpu.vector_load %arg10[%get3A_894, %get3A_895] {strides = array<i32>} : memref<8x64xi32, #tpu.memory_space<vmem>>, vector<16xi32>,
    tpu.vector_store_idx %arg12[%get3A_896], %broadcast_in_dim3A_3 {add = true} : memref<10240xf32, #tpu.memory_space<vmem>>[vector<16xi32>], vector<16xf32>,
    %get3A_897 = arith.constant 4 : i32
    %get3A_898 = arith.index_cast %get3A_897 : i32 to index
    %get3A_899 = arith.constant 32 : index
    %get3A_900 = tpu.vector_load %arg10[%get3A_898, %get3A_899] {strides = array<i32>} : memref<8x64xi32, #tpu.memory_space<vmem>>, vector<16xi32>,
    tpu.vector_store_idx %arg12[%get3A_900], %broadcast_in_dim3A_3 {add = true} : memref<10240xf32, #tpu.memory_space<vmem>>[vector<16xi32>], vector<16xf32>,
    %get3A_901 = arith.constant 4 : i32
    %get3A_902 = arith.index_cast %get3A_901 : i32 to index
    %get3A_903 = arith.constant 48 : index
    %get3A_904 = tpu.vector_load %arg10[%get3A_902, %get3A_903] {strides = array<i32>} : memref<8x64xi32, #tpu.memory_space<vmem>>, vector<16xi32>,
    tpu.vector_store_idx %arg12[%get3A_904], %broadcast_in_dim3A_3 {add = true} : memref<10240xf32, #tpu.memory_space<vmem>>[vector<16xi32>], vector<16xf32>,
    %dma_wait3A_905 = arith.constant 0 : i32
    %dma_wait3A_906 = arith.constant 1 : i32
    %dma_wait3A_907 = arith.constant 0 : i32
    %dma_wait3A_908 = arith.constant 0 : i32
    %dma_wait3A_909 = tpu.memref_slice %arg11[%dma_wait3A_906, %dma_wait3A_907, %dma_wait3A_908] : memref<4x64x128xf32, #tpu.memory_space<vmem>> -> memref<1x64x128xf32, #tpu.memory_space<vmem>>
    %dma_wait3A_910 = tpu.memref_squeeze %dma_wait3A_909 : memref<1x64x128xf32, #tpu.memory_space<vmem>> -> memref<64x128xf32, #tpu.memory_space<vmem>>
    %dma_wait3A_911 = arith.constant 0 : i32
    %dma_wait3A_912 = tpu.memref_slice %arg9[%dma_wait3A_905, %dma_wait3A_911] : memref<8x64xi32, #tpu.memory_space<vmem>> -> memref<1x64xi32, #tpu.memory_space<vmem>>
    %dma_wait3A_913 = tpu.memref_squeeze %dma_wait3A_912 : memref<1x64xi32, #tpu.memory_space<vmem>> -> memref<64xi32, #tpu.memory_space<vmem>>
    %dma_wait3A_914 = arith.constant 0 : i32
    %dma_wait3A_915 = arith.constant 0 : i32
    %dma_wait3A_916 = tpu.memref_slice %arg2[%dma_wait3A_914, %dma_wait3A_915] : memref<10000x128xf32, #tpu.memory_space<hbm>> -> memref<10000x128xf32, #tpu.memory_space<hbm>>
    tpu.wait_indirect_dma semaphore(%arg23 : memref<!tpu.dma_semaphore, #tpu.memory_space<semaphore_mem>>) src(%dma_wait3A_916 : memref<10000x128xf32, #tpu.memory_space<hbm>>) dst(%dma_wait3A_910 : memref<64x128xf32, #tpu.memory_space<vmem>>)
    %dma_start3A_917 = arith.constant 1 : i32
    %dma_start3A_918 = arith.constant 5 : i32
    %dma_start3A_919 = arith.constant 0 : i32
    %dma_start3A_920 = arith.constant 0 : i32
    %dma_start3A_921 = tpu.memref_slice %arg11[%dma_start3A_917, %dma_start3A_919, %dma_start3A_920] : memref<4x64x128xf32, #tpu.memory_space<vmem>> -> memref<1x64x128xf32, #tpu.memory_space<vmem>>
    %dma_start3A_922 = tpu.memref_squeeze %dma_start3A_921 : memref<1x64x128xf32, #tpu.memory_space<vmem>> -> memref<64x128xf32, #tpu.memory_space<vmem>>
    %dma_start3A_923 = arith.constant 0 : i32
    %dma_start3A_924 = tpu.memref_slice %arg10[%dma_start3A_918, %dma_start3A_923] : memref<8x64xi32, #tpu.memory_space<vmem>> -> memref<1x64xi32, #tpu.memory_space<vmem>>
    %dma_start3A_925 = tpu.memref_squeeze %dma_start3A_924 : memref<1x64xi32, #tpu.memory_space<vmem>> -> memref<64xi32, #tpu.memory_space<vmem>>
    %dma_start3A_926 = arith.constant 0 : i32
    %dma_start3A_927 = arith.constant 0 : i32
    %dma_start3A_928 = tpu.memref_slice %arg13[%dma_start3A_926, %dma_start3A_927] : memref<10240x128xf32, #tpu.memory_space<vmem_shared>> -> memref<10240x128xf32, #tpu.memory_space<vmem_shared>>
    tpu.enqueue_indirect_dma source(%dma_start3A_922 : memref<64x128xf32, #tpu.memory_space<vmem>>) target(%dma_start3A_928 : memref<10240x128xf32, #tpu.memory_space<vmem_shared>>) offsets(%dma_start3A_925 : memref<64xi32, #tpu.memory_space<vmem>>) semaphore(%arg27 : memref<!tpu.dma_semaphore, #tpu.memory_space<semaphore_mem>>) {add = true}
    %get3A_929 = arith.constant 5 : i32
    %get3A_930 = arith.index_cast %get3A_929 : i32 to index
    %get3A_931 = arith.constant 0 : index
    %get3A_932 = tpu.vector_load %arg10[%get3A_930, %get3A_931] {strides = array<i32>} : memref<8x64xi32, #tpu.memory_space<vmem>>, vector<16xi32>,
    tpu.vector_store_idx %arg12[%get3A_932], %broadcast_in_dim3A_3 {add = true} : memref<10240xf32, #tpu.memory_space<vmem>>[vector<16xi32>], vector<16xf32>,
    %get3A_933 = arith.constant 5 : i32
    %get3A_934 = arith.index_cast %get3A_933 : i32 to index
    %get3A_935 = arith.constant 16 : index
    %get3A_936 = tpu.vector_load %arg10[%get3A_934, %get3A_935] {strides = array<i32>} : memref<8x64xi32, #tpu.memory_space<vmem>>, vector<16xi32>,
    tpu.vector_store_idx %arg12[%get3A_936], %broadcast_in_dim3A_3 {add = true} : memref<10240xf32, #tpu.memory_space<vmem>>[vector<16xi32>], vector<16xf32>,
    %get3A_937 = arith.constant 5 : i32
    %get3A_938 = arith.index_cast %get3A_937 : i32 to index
    %get3A_939 = arith.constant 32 : index
    %get3A_940 = tpu.vector_load %arg10[%get3A_938, %get3A_939] {strides = array<i32>} : memref<8x64xi32, #tpu.memory_space<vmem>>, vector<16xi32>,
    tpu.vector_store_idx %arg12[%get3A_940], %broadcast_in_dim3A_3 {add = true} : memref<10240xf32, #tpu.memory_space<vmem>>[vector<16xi32>], vector<16xf32>,
    %get3A_941 = arith.constant 5 : i32
    %get3A_942 = arith.index_cast %get3A_941 : i32 to index
    %get3A_943 = arith.constant 48 : index
    %get3A_944 = tpu.vector_load %arg10[%get3A_942, %get3A_943] {strides = array<i32>} : memref<8x64xi32, #tpu.memory_space<vmem>>, vector<16xi32>,
    tpu.vector_store_idx %arg12[%get3A_944], %broadcast_in_dim3A_3 {add = true} : memref<10240xf32, #tpu.memory_space<vmem>>[vector<16xi32>], vector<16xf32>,
    %dma_wait3A_945 = arith.constant 0 : i32
    %dma_wait3A_946 = arith.constant 2 : i32
    %dma_wait3A_947 = arith.constant 0 : i32
    %dma_wait3A_948 = arith.constant 0 : i32
    %dma_wait3A_949 = tpu.memref_slice %arg11[%dma_wait3A_946, %dma_wait3A_947, %dma_wait3A_948] : memref<4x64x128xf32, #tpu.memory_space<vmem>> -> memref<1x64x128xf32, #tpu.memory_space<vmem>>
    %dma_wait3A_950 = tpu.memref_squeeze %dma_wait3A_949 : memref<1x64x128xf32, #tpu.memory_space<vmem>> -> memref<64x128xf32, #tpu.memory_space<vmem>>
    %dma_wait3A_951 = arith.constant 0 : i32
    %dma_wait3A_952 = tpu.memref_slice %arg9[%dma_wait3A_945, %dma_wait3A_951] : memref<8x64xi32, #tpu.memory_space<vmem>> -> memref<1x64xi32, #tpu.memory_space<vmem>>
    %dma_wait3A_953 = tpu.memref_squeeze %dma_wait3A_952 : memref<1x64xi32, #tpu.memory_space<vmem>> -> memref<64xi32, #tpu.memory_space<vmem>>
    %dma_wait3A_954 = arith.constant 0 : i32
    %dma_wait3A_955 = arith.constant 0 : i32
    %dma_wait3A_956 = tpu.memref_slice %arg2[%dma_wait3A_954, %dma_wait3A_955] : memref<10000x128xf32, #tpu.memory_space<hbm>> -> memref<10000x128xf32, #tpu.memory_space<hbm>>
    tpu.wait_indirect_dma semaphore(%arg24 : memref<!tpu.dma_semaphore, #tpu.memory_space<semaphore_mem>>) src(%dma_wait3A_956 : memref<10000x128xf32, #tpu.memory_space<hbm>>) dst(%dma_wait3A_950 : memref<64x128xf32, #tpu.memory_space<vmem>>)
    %dma_start3A_957 = arith.constant 2 : i32
    %dma_start3A_958 = arith.constant 6 : i32
    %dma_start3A_959 = arith.constant 0 : i32
    %dma_start3A_960 = arith.constant 0 : i32
    %dma_start3A_961 = tpu.memref_slice %arg11[%dma_start3A_957, %dma_start3A_959, %dma_start3A_960] : memref<4x64x128xf32, #tpu.memory_space<vmem>> -> memref<1x64x128xf32, #tpu.memory_space<vmem>>
    %dma_start3A_962 = tpu.memref_squeeze %dma_start3A_961 : memref<1x64x128xf32, #tpu.memory_space<vmem>> -> memref<64x128xf32, #tpu.memory_space<vmem>>
    %dma_start3A_963 = arith.constant 0 : i32
    %dma_start3A_964 = tpu.memref_slice %arg10[%dma_start3A_958, %dma_start3A_963] : memref<8x64xi32, #tpu.memory_space<vmem>> -> memref<1x64xi32, #tpu.memory_space<vmem>>
    %dma_start3A_965 = tpu.memref_squeeze %dma_start3A_964 : memref<1x64xi32, #tpu.memory_space<vmem>> -> memref<64xi32, #tpu.memory_space<vmem>>
    %dma_start3A_966 = arith.constant 0 : i32
    %dma_start3A_967 = arith.constant 0 : i32
    %dma_start3A_968 = tpu.memref_slice %arg13[%dma_start3A_966, %dma_start3A_967] : memref<10240x128xf32, #tpu.memory_space<vmem_shared>> -> memref<10240x128xf32, #tpu.memory_space<vmem_shared>>
    tpu.enqueue_indirect_dma source(%dma_start3A_962 : memref<64x128xf32, #tpu.memory_space<vmem>>) target(%dma_start3A_968 : memref<10240x128xf32, #tpu.memory_space<vmem_shared>>) offsets(%dma_start3A_965 : memref<64xi32, #tpu.memory_space<vmem>>) semaphore(%arg28 : memref<!tpu.dma_semaphore, #tpu.memory_space<semaphore_mem>>) {add = true}
    %get3A_969 = arith.constant 6 : i32
    %get3A_970 = arith.index_cast %get3A_969 : i32 to index
    %get3A_971 = arith.constant 0 : index
    %get3A_972 = tpu.vector_load %arg10[%get3A_970, %get3A_971] {strides = array<i32>} : memref<8x64xi32, #tpu.memory_space<vmem>>, vector<16xi32>,
    tpu.vector_store_idx %arg12[%get3A_972], %broadcast_in_dim3A_3 {add = true} : memref<10240xf32, #tpu.memory_space<vmem>>[vector<16xi32>], vector<16xf32>,
    %get3A_973 = arith.constant 6 : i32
    %get3A_974 = arith.index_cast %get3A_973 : i32 to index
    %get3A_975 = arith.constant 16 : index
    %get3A_976 = tpu.vector_load %arg10[%get3A_974, %get3A_975] {strides = array<i32>} : memref<8x64xi32, #tpu.memory_space<vmem>>, vector<16xi32>,
    tpu.vector_store_idx %arg12[%get3A_976], %broadcast_in_dim3A_3 {add = true} : memref<10240xf32, #tpu.memory_space<vmem>>[vector<16xi32>], vector<16xf32>,
    %get3A_977 = arith.constant 6 : i32
    %get3A_978 = arith.index_cast %get3A_977 : i32 to index
    %get3A_979 = arith.constant 32 : index
    %get3A_980 = tpu.vector_load %arg10[%get3A_978, %get3A_979] {strides = array<i32>} : memref<8x64xi32, #tpu.memory_space<vmem>>, vector<16xi32>,
    tpu.vector_store_idx %arg12[%get3A_980], %broadcast_in_dim3A_3 {add = true} : memref<10240xf32, #tpu.memory_space<vmem>>[vector<16xi32>], vector<16xf32>,
    %get3A_981 = arith.constant 6 : i32
    %get3A_982 = arith.index_cast %get3A_981 : i32 to index
    %get3A_983 = arith.constant 48 : index
    %get3A_984 = tpu.vector_load %arg10[%get3A_982, %get3A_983] {strides = array<i32>} : memref<8x64xi32, #tpu.memory_space<vmem>>, vector<16xi32>,
    tpu.vector_store_idx %arg12[%get3A_984], %broadcast_in_dim3A_3 {add = true} : memref<10240xf32, #tpu.memory_space<vmem>>[vector<16xi32>], vector<16xf32>,
    %dma_wait3A_985 = arith.constant 0 : i32
    %dma_wait3A_986 = arith.constant 3 : i32
    %dma_wait3A_987 = arith.constant 0 : i32
    %dma_wait3A_988 = arith.constant 0 : i32
    %dma_wait3A_989 = tpu.memref_slice %arg11[%dma_wait3A_986, %dma_wait3A_987, %dma_wait3A_988] : memref<4x64x128xf32, #tpu.memory_space<vmem>> -> memref<1x64x128xf32, #tpu.memory_space<vmem>>
    %dma_wait3A_990 = tpu.memref_squeeze %dma_wait3A_989 : memref<1x64x128xf32, #tpu.memory_space<vmem>> -> memref<64x128xf32, #tpu.memory_space<vmem>>
    %dma_wait3A_991 = arith.constant 0 : i32
    %dma_wait3A_992 = tpu.memref_slice %arg9[%dma_wait3A_985, %dma_wait3A_991] : memref<8x64xi32, #tpu.memory_space<vmem>> -> memref<1x64xi32, #tpu.memory_space<vmem>>
    %dma_wait3A_993 = tpu.memref_squeeze %dma_wait3A_992 : memref<1x64xi32, #tpu.memory_space<vmem>> -> memref<64xi32, #tpu.memory_space<vmem>>
    %dma_wait3A_994 = arith.constant 0 : i32
    %dma_wait3A_995 = arith.constant 0 : i32
    %dma_wait3A_996 = tpu.memref_slice %arg2[%dma_wait3A_994, %dma_wait3A_995] : memref<10000x128xf32, #tpu.memory_space<hbm>> -> memref<10000x128xf32, #tpu.memory_space<hbm>>
    tpu.wait_indirect_dma semaphore(%arg25 : memref<!tpu.dma_semaphore, #tpu.memory_space<semaphore_mem>>) src(%dma_wait3A_996 : memref<10000x128xf32, #tpu.memory_space<hbm>>) dst(%dma_wait3A_990 : memref<64x128xf32, #tpu.memory_space<vmem>>)
    %dma_start3A_997 = arith.constant 3 : i32
    %dma_start3A_998 = arith.constant 7 : i32
    %dma_start3A_999 = arith.constant 0 : i32
    %dma_start3A_1000 = arith.constant 0 : i32
    %dma_start3A_1001 = tpu.memref_slice %arg11[%dma_start3A_997, %dma_start3A_999, %dma_start3A_1000] : memref<4x64x128xf32, #tpu.memory_space<vmem>> -> memref<1x64x128xf32, #tpu.memory_space<vmem>>
    %dma_start3A_1002 = tpu.memref_squeeze %dma_start3A_1001 : memref<1x64x128xf32, #tpu.memory_space<vmem>> -> memref<64x128xf32, #tpu.memory_space<vmem>>
    %dma_start3A_1003 = arith.constant 0 : i32
    %dma_start3A_1004 = tpu.memref_slice %arg10[%dma_start3A_998, %dma_start3A_1003] : memref<8x64xi32, #tpu.memory_space<vmem>> -> memref<1x64xi32, #tpu.memory_space<vmem>>
    %dma_start3A_1005 = tpu.memref_squeeze %dma_start3A_1004 : memref<1x64xi32, #tpu.memory_space<vmem>> -> memref<64xi32, #tpu.memory_space<vmem>>
    %dma_start3A_1006 = arith.constant 0 : i32
    %dma_start3A_1007 = arith.constant 0 : i32
    %dma_start3A_1008 = tpu.memref_slice %arg13[%dma_start3A_1006, %dma_start3A_1007] : memref<10240x128xf32, #tpu.memory_space<vmem_shared>> -> memref<10240x128xf32, #tpu.memory_space<vmem_shared>>
    tpu.enqueue_indirect_dma source(%dma_start3A_1002 : memref<64x128xf32, #tpu.memory_space<vmem>>) target(%dma_start3A_1008 : memref<10240x128xf32, #tpu.memory_space<vmem_shared>>) offsets(%dma_start3A_1005 : memref<64xi32, #tpu.memory_space<vmem>>) semaphore(%arg29 : memref<!tpu.dma_semaphore, #tpu.memory_space<semaphore_mem>>) {add = true}
    %get3A_1009 = arith.constant 7 : i32
    %get3A_1010 = arith.index_cast %get3A_1009 : i32 to index
    %get3A_1011 = arith.constant 0 : index
    %get3A_1012 = tpu.vector_load %arg10[%get3A_1010, %get3A_1011] {strides = array<i32>} : memref<8x64xi32, #tpu.memory_space<vmem>>, vector<16xi32>,
    tpu.vector_store_idx %arg12[%get3A_1012], %broadcast_in_dim3A_3 {add = true} : memref<10240xf32, #tpu.memory_space<vmem>>[vector<16xi32>], vector<16xf32>,
    %get3A_1013 = arith.constant 7 : i32
    %get3A_1014 = arith.index_cast %get3A_1013 : i32 to index
    %get3A_1015 = arith.constant 16 : index
    %get3A_1016 = tpu.vector_load %arg10[%get3A_1014, %get3A_1015] {strides = array<i32>} : memref<8x64xi32, #tpu.memory_space<vmem>>, vector<16xi32>,
    tpu.vector_store_idx %arg12[%get3A_1016], %broadcast_in_dim3A_3 {add = true} : memref<10240xf32, #tpu.memory_space<vmem>>[vector<16xi32>], vector<16xf32>,
    %get3A_1017 = arith.constant 7 : i32
    %get3A_1018 = arith.index_cast %get3A_1017 : i32 to index
    %get3A_1019 = arith.constant 32 : index
    %get3A_1020 = tpu.vector_load %arg10[%get3A_1018, %get3A_1019] {strides = array<i32>} : memref<8x64xi32, #tpu.memory_space<vmem>>, vector<16xi32>,
    tpu.vector_store_idx %arg12[%get3A_1020], %broadcast_in_dim3A_3 {add = true} : memref<10240xf32, #tpu.memory_space<vmem>>[vector<16xi32>], vector<16xf32>,
    %get3A_1021 = arith.constant 7 : i32
    %get3A_1022 = arith.index_cast %get3A_1021 : i32 to index
    %get3A_1023 = arith.constant 48 : index
    %get3A_1024 = tpu.vector_load %arg10[%get3A_1022, %get3A_1023] {strides = array<i32>} : memref<8x64xi32, #tpu.memory_space<vmem>>, vector<16xi32>,
    tpu.vector_store_idx %arg12[%get3A_1024], %broadcast_in_dim3A_3 {add = true} : memref<10240xf32, #tpu.memory_space<vmem>>[vector<16xi32>], vector<16xf32>,
    %scan3A = arith.constant 0 : i32
    %scan3A_1025 = arith.constant 1 : i32
    %scan3A_1026 = arith.constant 18 : i32
    %scan3A_1027 = arith.addi %scan3A_1025, %scan3A_1026 : i32
    %scan3A_1028 = arith.constant 1 : i32
    scf.for %scan3A_1929 = %scan3A_1025 to %scan3A_1027 step %scan3A_1028  : i32 {
      %mul3A_1930 = arith.constant 8 : i32
      %mul3A_1931 = arith.muli %scan3A_1929, %mul3A_1930 : i32
      %dma_wait3A_1932 = arith.constant 0 : i32
      %dma_wait3A_1933 = arith.constant 0 : i32
      %dma_wait3A_1934 = arith.constant 0 : i32
      %dma_wait3A_1935 = tpu.memref_slice %arg9[%dma_wait3A_1933, %dma_wait3A_1934] : memref<8x64xi32, #tpu.memory_space<vmem>> -> memref<1x64xi32, #tpu.memory_space<vmem>>
      %dma_wait3A_1936 = tpu.memref_squeeze %dma_wait3A_1935 : memref<1x64xi32, #tpu.memory_space<vmem>> -> memref<64xi32, #tpu.memory_space<vmem>>
      %dma_wait3A_1937 = arith.constant 0 : i32
      %dma_wait3A_1938 = tpu.memref_slice %arg3[%add3A, %dma_wait3A_1932, %dma_wait3A_1937] : memref<32x160x64xi32, #tpu.memory_space<hbm>> -> memref<1x1x64xi32, #tpu.memory_space<hbm>>
      %dma_wait3A_1939 = tpu.memref_squeeze %dma_wait3A_1938 : memref<1x1x64xi32, #tpu.memory_space<hbm>> -> memref<64xi32, #tpu.memory_space<hbm>>
      %dma_wait3A_1940 = arith.constant 0 : i32
      %dma_wait3A_1941 = tpu.memref_slice %arg9[%dma_wait3A_1933, %dma_wait3A_1940] : memref<8x64xi32, #tpu.memory_space<vmem>> -> memref<1x64xi32, #tpu.memory_space<vmem>>
      %dma_wait3A_1942 = tpu.memref_squeeze %dma_wait3A_1941 : memref<1x64xi32, #tpu.memory_space<vmem>> -> memref<64xi32, #tpu.memory_space<vmem>>
      %dma_wait3A_1943 = arith.constant 0 : i32
      %dma_wait3A_1944 = tpu.memref_slice %arg3[%add3A, %dma_wait3A_1932, %dma_wait3A_1943] : memref<32x160x64xi32, #tpu.memory_space<hbm>> -> memref<1x1x64xi32, #tpu.memory_space<hbm>>
      %dma_wait3A_1945 = tpu.memref_squeeze %dma_wait3A_1944 : memref<1x1x64xi32, #tpu.memory_space<hbm>> -> memref<64xi32, #tpu.memory_space<hbm>>
      tpu.wait_dma2 semaphore(%arg14 : memref<!tpu.dma_semaphore, #tpu.memory_space<semaphore_mem>>) src(%dma_wait3A_1945 : memref<64xi32, #tpu.memory_space<hbm>>) dst(%dma_wait3A_1942 : memref<64xi32, #tpu.memory_space<vmem>>)
      %dma_wait3A_1946 = arith.constant 0 : i32
      %dma_wait3A_1947 = arith.constant 0 : i32
      %dma_wait3A_1948 = arith.constant 0 : i32
      %dma_wait3A_1949 = tpu.memref_slice %arg10[%dma_wait3A_1947, %dma_wait3A_1948] : memref<8x64xi32, #tpu.memory_space<vmem>> -> memref<1x64xi32, #tpu.memory_space<vmem>>
      %dma_wait3A_1950 = tpu.memref_squeeze %dma_wait3A_1949 : memref<1x64xi32, #tpu.memory_space<vmem>> -> memref<64xi32, #tpu.memory_space<vmem>>
      %dma_wait3A_1951 = arith.constant 0 : i32
      %dma_wait3A_1952 = tpu.memref_slice %arg4[%add3A, %dma_wait3A_1946, %dma_wait3A_1951] : memref<32x160x64xi32, #tpu.memory_space<hbm>> -> memref<1x1x64xi32, #tpu.memory_space<hbm>>
      %dma_wait3A_1953 = tpu.memref_squeeze %dma_wait3A_1952 : memref<1x1x64xi32, #tpu.memory_space<hbm>> -> memref<64xi32, #tpu.memory_space<hbm>>
      %dma_wait3A_1954 = arith.constant 0 : i32
      %dma_wait3A_1955 = tpu.memref_slice %arg10[%dma_wait3A_1947, %dma_wait3A_1954] : memref<8x64xi32, #tpu.memory_space<vmem>> -> memref<1x64xi32, #tpu.memory_space<vmem>>
      %dma_wait3A_1956 = tpu.memref_squeeze %dma_wait3A_1955 : memref<1x64xi32, #tpu.memory_space<vmem>> -> memref<64xi32, #tpu.memory_space<vmem>>
      %dma_wait3A_1957 = arith.constant 0 : i32
      %dma_wait3A_1958 = tpu.memref_slice %arg4[%add3A, %dma_wait3A_1946, %dma_wait3A_1957] : memref<32x160x64xi32, #tpu.memory_space<hbm>> -> memref<1x1x64xi32, #tpu.memory_space<hbm>>
      %dma_wait3A_1959 = tpu.memref_squeeze %dma_wait3A_1958 : memref<1x1x64xi32, #tpu.memory_space<hbm>> -> memref<64xi32, #tpu.memory_space<hbm>>
      tpu.wait_dma2 semaphore(%arg14 : memref<!tpu.dma_semaphore, #tpu.memory_space<semaphore_mem>>) src(%dma_wait3A_1959 : memref<64xi32, #tpu.memory_space<hbm>>) dst(%dma_wait3A_1956 : memref<64xi32, #tpu.memory_space<vmem>>)
      %dma_wait3A_1960 = arith.constant 0 : i32
      %dma_wait3A_1961 = arith.constant 0 : i32
      %dma_wait3A_1962 = arith.constant 0 : i32
      %dma_wait3A_1963 = arith.constant 0 : i32
      %dma_wait3A_1964 = tpu.memref_slice %arg11[%dma_wait3A_1960, %dma_wait3A_1962, %dma_wait3A_1963] : memref<4x64x128xf32, #tpu.memory_space<vmem>> -> memref<1x64x128xf32, #tpu.memory_space<vmem>>
      %dma_wait3A_1965 = tpu.memref_squeeze %dma_wait3A_1964 : memref<1x64x128xf32, #tpu.memory_space<vmem>> -> memref<64x128xf32, #tpu.memory_space<vmem>>
      %dma_wait3A_1966 = arith.constant 0 : i32
      %dma_wait3A_1967 = tpu.memref_slice %arg10[%dma_wait3A_1961, %dma_wait3A_1966] : memref<8x64xi32, #tpu.memory_space<vmem>> -> memref<1x64xi32, #tpu.memory_space<vmem>>
      %dma_wait3A_1968 = tpu.memref_squeeze %dma_wait3A_1967 : memref<1x64xi32, #tpu.memory_space<vmem>> -> memref<64xi32, #tpu.memory_space<vmem>>
      %dma_wait3A_1969 = arith.constant 0 : i32
      %dma_wait3A_1970 = arith.constant 0 : i32
      %dma_wait3A_1971 = tpu.memref_slice %arg13[%dma_wait3A_1969, %dma_wait3A_1970] : memref<10240x128xf32, #tpu.memory_space<vmem_shared>> -> memref<10240x128xf32, #tpu.memory_space<vmem_shared>>
      tpu.wait_indirect_dma semaphore(%arg26 : memref<!tpu.dma_semaphore, #tpu.memory_space<semaphore_mem>>) src(%dma_wait3A_1965 : memref<64x128xf32, #tpu.memory_space<vmem>>) dst(%dma_wait3A_1971 : memref<10240x128xf32, #tpu.memory_space<vmem_shared>>)
      %add3A_1972 = arith.constant 0 : i32
      %add3A_1973 = arith.addi %mul3A_1931, %add3A_1972 : i32
      %add3A_1974 = arith.constant 4 : i32
      %add3A_1975 = arith.addi %add3A_1973, %add3A_1974 : i32
      %dma_start3A_1976 = arith.constant 4 : i32
      %dma_start3A_1977 = arith.constant 0 : i32
      %dma_start3A_1978 = tpu.memref_slice %arg9[%dma_start3A_1976, %dma_start3A_1977] : memref<8x64xi32, #tpu.memory_space<vmem>> -> memref<1x64xi32, #tpu.memory_space<vmem>>
      %dma_start3A_1979 = tpu.memref_squeeze %dma_start3A_1978 : memref<1x64xi32, #tpu.memory_space<vmem>> -> memref<64xi32, #tpu.memory_space<vmem>>
      %dma_start3A_1980 = arith.constant 0 : i32
      %dma_start3A_1981 = tpu.memref_slice %arg3[%add3A, %add3A_1975, %dma_start3A_1980] : memref<32x160x64xi32, #tpu.memory_space<hbm>> -> memref<1x1x64xi32, #tpu.memory_space<hbm>>
      %dma_start3A_1982 = tpu.memref_squeeze %dma_start3A_1981 : memref<1x1x64xi32, #tpu.memory_space<hbm>> -> memref<64xi32, #tpu.memory_space<hbm>>
      %dma_start3A_1983 = arith.constant 0 : i32
      %dma_start3A_1984 = tpu.memref_slice %arg9[%dma_start3A_1976, %dma_start3A_1983] : memref<8x64xi32, #tpu.memory_space<vmem>> -> memref<1x64xi32, #tpu.memory_space<vmem>>
      %dma_start3A_1985 = tpu.memref_squeeze %dma_start3A_1984 : memref<1x64xi32, #tpu.memory_space<vmem>> -> memref<64xi32, #tpu.memory_space<vmem>>
      %dma_start3A_1986 = arith.constant 0 : i32
      %dma_start3A_1987 = tpu.memref_slice %arg3[%add3A, %add3A_1975, %dma_start3A_1986] : memref<32x160x64xi32, #tpu.memory_space<hbm>> -> memref<1x1x64xi32, #tpu.memory_space<hbm>>
      %dma_start3A_1988 = tpu.memref_squeeze %dma_start3A_1987 : memref<1x1x64xi32, #tpu.memory_space<hbm>> -> memref<64xi32, #tpu.memory_space<hbm>>
      tpu.enqueue_dma source(%dma_start3A_1988 : memref<64xi32, #tpu.memory_space<hbm>>) target(%dma_start3A_1985 : memref<64xi32, #tpu.memory_space<vmem>>) target_semaphore(%arg18 : memref<!tpu.dma_semaphore, #tpu.memory_space<semaphore_mem>>)
      %dma_start3A_1989 = arith.constant 4 : i32
      %dma_start3A_1990 = arith.constant 0 : i32
      %dma_start3A_1991 = tpu.memref_slice %arg10[%dma_start3A_1989, %dma_start3A_1990] : memref<8x64xi32, #tpu.memory_space<vmem>> -> memref<1x64xi32, #tpu.memory_space<vmem>>
      %dma_start3A_1992 = tpu.memref_squeeze %dma_start3A_1991 : memref<1x64xi32, #tpu.memory_space<vmem>> -> memref<64xi32, #tpu.memory_space<vmem>>
      %dma_start3A_1993 = arith.constant 0 : i32
      %dma_start3A_1994 = tpu.memref_slice %arg4[%add3A, %add3A_1975, %dma_start3A_1993] : memref<32x160x64xi32, #tpu.memory_space<hbm>> -> memref<1x1x64xi32, #tpu.memory_space<hbm>>
      %dma_start3A_1995 = tpu.memref_squeeze %dma_start3A_1994 : memref<1x1x64xi32, #tpu.memory_space<hbm>> -> memref<64xi32, #tpu.memory_space<hbm>>
      %dma_start3A_1996 = arith.constant 0 : i32
      %dma_start3A_1997 = tpu.memref_slice %arg10[%dma_start3A_1989, %dma_start3A_1996] : memref<8x64xi32, #tpu.memory_space<vmem>> -> memref<1x64xi32, #tpu.memory_space<vmem>>
      %dma_start3A_1998 = tpu.memref_squeeze %dma_start3A_1997 : memref<1x64xi32, #tpu.memory_space<vmem>> -> memref<64xi32, #tpu.memory_space<vmem>>
      %dma_start3A_1999 = arith.constant 0 : i32
      %dma_start3A_2000 = tpu.memref_slice %arg4[%add3A, %add3A_1975, %dma_start3A_1999] : memref<32x160x64xi32, #tpu.memory_space<hbm>> -> memref<1x1x64xi32, #tpu.memory_space<hbm>>
      %dma_start3A_2001 = tpu.memref_squeeze %dma_start3A_2000 : memref<1x1x64xi32, #tpu.memory_space<hbm>> -> memref<64xi32, #tpu.memory_space<hbm>>
      tpu.enqueue_dma source(%dma_start3A_2001 : memref<64xi32, #tpu.memory_space<hbm>>) target(%dma_start3A_1998 : memref<64xi32, #tpu.memory_space<vmem>>) target_semaphore(%arg18 : memref<!tpu.dma_semaphore, #tpu.memory_space<semaphore_mem>>)
      %dma_start3A_2002 = arith.constant 0 : i32
      %dma_start3A_2003 = arith.constant 0 : i32
      %dma_start3A_2004 = arith.constant 0 : i32
      %dma_start3A_2005 = arith.constant 0 : i32
      %dma_start3A_2006 = tpu.memref_slice %arg11[%dma_start3A_2003, %dma_start3A_2004, %dma_start3A_2005] : memref<4x64x128xf32, #tpu.memory_space<vmem>> -> memref<1x64x128xf32, #tpu.memory_space<vmem>>
      %dma_start3A_2007 = tpu.memref_squeeze %dma_start3A_2006 : memref<1x64x128xf32, #tpu.memory_space<vmem>> -> memref<64x128xf32, #tpu.memory_space<vmem>>
      %dma_start3A_2008 = arith.constant 0 : i32
      %dma_start3A_2009 = tpu.memref_slice %arg9[%dma_start3A_2002, %dma_start3A_2008] : memref<8x64xi32, #tpu.memory_space<vmem>> -> memref<1x64xi32, #tpu.memory_space<vmem>>
      %dma_start3A_2010 = tpu.memref_squeeze %dma_start3A_2009 : memref<1x64xi32, #tpu.memory_space<vmem>> -> memref<64xi32, #tpu.memory_space<vmem>>
      %dma_start3A_2011 = arith.constant 0 : i32
      %dma_start3A_2012 = arith.constant 0 : i32
      %dma_start3A_2013 = tpu.memref_slice %arg2[%dma_start3A_2011, %dma_start3A_2012] : memref<10000x128xf32, #tpu.memory_space<hbm>> -> memref<10000x128xf32, #tpu.memory_space<hbm>>
      tpu.enqueue_indirect_dma source(%dma_start3A_2013 : memref<10000x128xf32, #tpu.memory_space<hbm>>) target(%dma_start3A_2007 : memref<64x128xf32, #tpu.memory_space<vmem>>) offsets(%dma_start3A_2010 : memref<64xi32, #tpu.memory_space<vmem>>) semaphore(%arg22 : memref<!tpu.dma_semaphore, #tpu.memory_space<semaphore_mem>>)
      %dma_wait3A_2014 = arith.constant 0 : i32
      %dma_wait3A_2015 = arith.constant 1 : i32
      %dma_wait3A_2016 = arith.constant 0 : i32
      %dma_wait3A_2017 = tpu.memref_slice %arg9[%dma_wait3A_2015, %dma_wait3A_2016] : memref<8x64xi32, #tpu.memory_space<vmem>> -> memref<1x64xi32, #tpu.memory_space<vmem>>
      %dma_wait3A_2018 = tpu.memref_squeeze %dma_wait3A_2017 : memref<1x64xi32, #tpu.memory_space<vmem>> -> memref<64xi32, #tpu.memory_space<vmem>>
      %dma_wait3A_2019 = arith.constant 0 : i32
      %dma_wait3A_2020 = tpu.memref_slice %arg3[%add3A, %dma_wait3A_2014, %dma_wait3A_2019] : memref<32x160x64xi32, #tpu.memory_space<hbm>> -> memref<1x1x64xi32, #tpu.memory_space<hbm>>
      %dma_wait3A_2021 = tpu.memref_squeeze %dma_wait3A_2020 : memref<1x1x64xi32, #tpu.memory_space<hbm>> -> memref<64xi32, #tpu.memory_space<hbm>>
      %dma_wait3A_2022 = arith.constant 0 : i32
      %dma_wait3A_2023 = tpu.memref_slice %arg9[%dma_wait3A_2015, %dma_wait3A_2022] : memref<8x64xi32, #tpu.memory_space<vmem>> -> memref<1x64xi32, #tpu.memory_space<vmem>>
      %dma_wait3A_2024 = tpu.memref_squeeze %dma_wait3A_2023 : memref<1x64xi32, #tpu.memory_space<vmem>> -> memref<64xi32, #tpu.memory_space<vmem>>
      %dma_wait3A_2025 = arith.constant 0 : i32
      %dma_wait3A_2026 = tpu.memref_slice %arg3[%add3A, %dma_wait3A_2014, %dma_wait3A_2025] : memref<32x160x64xi32, #tpu.memory_space<hbm>> -> memref<1x1x64xi32, #tpu.memory_space<hbm>>
      %dma_wait3A_2027 = tpu.memref_squeeze %dma_wait3A_2026 : memref<1x1x64xi32, #tpu.memory_space<hbm>> -> memref<64xi32, #tpu.memory_space<hbm>>
      tpu.wait_dma2 semaphore(%arg15 : memref<!tpu.dma_semaphore, #tpu.memory_space<semaphore_mem>>) src(%dma_wait3A_2027 : memref<64xi32, #tpu.memory_space<hbm>>) dst(%dma_wait3A_2024 : memref<64xi32, #tpu.memory_space<vmem>>)
      %dma_wait3A_2028 = arith.constant 0 : i32
      %dma_wait3A_2029 = arith.constant 1 : i32
      %dma_wait3A_2030 = arith.constant 0 : i32
      %dma_wait3A_2031 = tpu.memref_slice %arg10[%dma_wait3A_2029, %dma_wait3A_2030] : memref<8x64xi32, #tpu.memory_space<vmem>> -> memref<1x64xi32, #tpu.memory_space<vmem>>
      %dma_wait3A_2032 = tpu.memref_squeeze %dma_wait3A_2031 : memref<1x64xi32, #tpu.memory_space<vmem>> -> memref<64xi32, #tpu.memory_space<vmem>>
      %dma_wait3A_2033 = arith.constant 0 : i32
      %dma_wait3A_2034 = tpu.memref_slice %arg4[%add3A, %dma_wait3A_2028, %dma_wait3A_2033] : memref<32x160x64xi32, #tpu.memory_space<hbm>> -> memref<1x1x64xi32, #tpu.memory_space<hbm>>
      %dma_wait3A_2035 = tpu.memref_squeeze %dma_wait3A_2034 : memref<1x1x64xi32, #tpu.memory_space<hbm>> -> memref<64xi32, #tpu.memory_space<hbm>>
      %dma_wait3A_2036 = arith.constant 0 : i32
      %dma_wait3A_2037 = tpu.memref_slice %arg10[%dma_wait3A_2029, %dma_wait3A_2036] : memref<8x64xi32, #tpu.memory_space<vmem>> -> memref<1x64xi32, #tpu.memory_space<vmem>>
      %dma_wait3A_2038 = tpu.memref_squeeze %dma_wait3A_2037 : memref<1x64xi32, #tpu.memory_space<vmem>> -> memref<64xi32, #tpu.memory_space<vmem>>
      %dma_wait3A_2039 = arith.constant 0 : i32
      %dma_wait3A_2040 = tpu.memref_slice %arg4[%add3A, %dma_wait3A_2028, %dma_wait3A_2039] : memref<32x160x64xi32, #tpu.memory_space<hbm>> -> memref<1x1x64xi32, #tpu.memory_space<hbm>>
      %dma_wait3A_2041 = tpu.memref_squeeze %dma_wait3A_2040 : memref<1x1x64xi32, #tpu.memory_space<hbm>> -> memref<64xi32, #tpu.memory_space<hbm>>
      tpu.wait_dma2 semaphore(%arg15 : memref<!tpu.dma_semaphore, #tpu.memory_space<semaphore_mem>>) src(%dma_wait3A_2041 : memref<64xi32, #tpu.memory_space<hbm>>) dst(%dma_wait3A_2038 : memref<64xi32, #tpu.memory_space<vmem>>)
      %dma_wait3A_2042 = arith.constant 1 : i32
      %dma_wait3A_2043 = arith.constant 0 : i32
      %dma_wait3A_2044 = arith.constant 0 : i32
      %dma_wait3A_2045 = arith.constant 0 : i32
      %dma_wait3A_2046 = tpu.memref_slice %arg11[%dma_wait3A_2042, %dma_wait3A_2044, %dma_wait3A_2045] : memref<4x64x128xf32, #tpu.memory_space<vmem>> -> memref<1x64x128xf32, #tpu.memory_space<vmem>>
      %dma_wait3A_2047 = tpu.memref_squeeze %dma_wait3A_2046 : memref<1x64x128xf32, #tpu.memory_space<vmem>> -> memref<64x128xf32, #tpu.memory_space<vmem>>
      %dma_wait3A_2048 = arith.constant 0 : i32
      %dma_wait3A_2049 = tpu.memref_slice %arg10[%dma_wait3A_2043, %dma_wait3A_2048] : memref<8x64xi32, #tpu.memory_space<vmem>> -> memref<1x64xi32, #tpu.memory_space<vmem>>
      %dma_wait3A_2050 = tpu.memref_squeeze %dma_wait3A_2049 : memref<1x64xi32, #tpu.memory_space<vmem>> -> memref<64xi32, #tpu.memory_space<vmem>>
      %dma_wait3A_2051 = arith.constant 0 : i32
      %dma_wait3A_2052 = arith.constant 0 : i32
      %dma_wait3A_2053 = tpu.memref_slice %arg13[%dma_wait3A_2051, %dma_wait3A_2052] : memref<10240x128xf32, #tpu.memory_space<vmem_shared>> -> memref<10240x128xf32, #tpu.memory_space<vmem_shared>>
      tpu.wait_indirect_dma semaphore(%arg27 : memref<!tpu.dma_semaphore, #tpu.memory_space<semaphore_mem>>) src(%dma_wait3A_2047 : memref<64x128xf32, #tpu.memory_space<vmem>>) dst(%dma_wait3A_2053 : memref<10240x128xf32, #tpu.memory_space<vmem_shared>>)
      %add3A_2054 = arith.constant 1 : i32
      %add3A_2055 = arith.addi %mul3A_1931, %add3A_2054 : i32
      %add3A_2056 = arith.constant 4 : i32
      %add3A_2057 = arith.addi %add3A_2055, %add3A_2056 : i32
      %dma_start3A_2058 = arith.constant 5 : i32
      %dma_start3A_2059 = arith.constant 0 : i32
      %dma_start3A_2060 = tpu.memref_slice %arg9[%dma_start3A_2058, %dma_start3A_2059] : memref<8x64xi32, #tpu.memory_space<vmem>> -> memref<1x64xi32, #tpu.memory_space<vmem>>
      %dma_start3A_2061 = tpu.memref_squeeze %dma_start3A_2060 : memref<1x64xi32, #tpu.memory_space<vmem>> -> memref<64xi32, #tpu.memory_space<vmem>>
      %dma_start3A_2062 = arith.constant 0 : i32
      %dma_start3A_2063 = tpu.memref_slice %arg3[%add3A, %add3A_2057, %dma_start3A_2062] : memref<32x160x64xi32, #tpu.memory_space<hbm>> -> memref<1x1x64xi32, #tpu.memory_space<hbm>>
      %dma_start3A_2064 = tpu.memref_squeeze %dma_start3A_2063 : memref<1x1x64xi32, #tpu.memory_space<hbm>> -> memref<64xi32, #tpu.memory_space<hbm>>
      %dma_start3A_2065 = arith.constant 0 : i32
      %dma_start3A_2066 = tpu.memref_slice %arg9[%dma_start3A_2058, %dma_start3A_2065] : memref<8x64xi32, #tpu.memory_space<vmem>> -> memref<1x64xi32, #tpu.memory_space<vmem>>
      %dma_start3A_2067 = tpu.memref_squeeze %dma_start3A_2066 : memref<1x64xi32, #tpu.memory_space<vmem>> -> memref<64xi32, #tpu.memory_space<vmem>>
      %dma_start3A_2068 = arith.constant 0 : i32
      %dma_start3A_2069 = tpu.memref_slice %arg3[%add3A, %add3A_2057, %dma_start3A_2068] : memref<32x160x64xi32, #tpu.memory_space<hbm>> -> memref<1x1x64xi32, #tpu.memory_space<hbm>>
      %dma_start3A_2070 = tpu.memref_squeeze %dma_start3A_2069 : memref<1x1x64xi32, #tpu.memory_space<hbm>> -> memref<64xi32, #tpu.memory_space<hbm>>
      tpu.enqueue_dma source(%dma_start3A_2070 : memref<64xi32, #tpu.memory_space<hbm>>) target(%dma_start3A_2067 : memref<64xi32, #tpu.memory_space<vmem>>) target_semaphore(%arg19 : memref<!tpu.dma_semaphore, #tpu.memory_space<semaphore_mem>>)
      %dma_start3A_2071 = arith.constant 5 : i32
      %dma_start3A_2072 = arith.constant 0 : i32
      %dma_start3A_2073 = tpu.memref_slice %arg10[%dma_start3A_2071, %dma_start3A_2072] : memref<8x64xi32, #tpu.memory_space<vmem>> -> memref<1x64xi32, #tpu.memory_space<vmem>>
      %dma_start3A_2074 = tpu.memref_squeeze %dma_start3A_2073 : memref<1x64xi32, #tpu.memory_space<vmem>> -> memref<64xi32, #tpu.memory_space<vmem>>
      %dma_start3A_2075 = arith.constant 0 : i32
      %dma_start3A_2076 = tpu.memref_slice %arg4[%add3A, %add3A_2057, %dma_start3A_2075] : memref<32x160x64xi32, #tpu.memory_space<hbm>> -> memref<1x1x64xi32, #tpu.memory_space<hbm>>
      %dma_start3A_2077 = tpu.memref_squeeze %dma_start3A_2076 : memref<1x1x64xi32, #tpu.memory_space<hbm>> -> memref<64xi32, #tpu.memory_space<hbm>>
      %dma_start3A_2078 = arith.constant 0 : i32
      %dma_start3A_2079 = tpu.memref_slice %arg10[%dma_start3A_2071, %dma_start3A_2078] : memref<8x64xi32, #tpu.memory_space<vmem>> -> memref<1x64xi32, #tpu.memory_space<vmem>>
      %dma_start3A_2080 = tpu.memref_squeeze %dma_start3A_2079 : memref<1x64xi32, #tpu.memory_space<vmem>> -> memref<64xi32, #tpu.memory_space<vmem>>
      %dma_start3A_2081 = arith.constant 0 : i32
      %dma_start3A_2082 = tpu.memref_slice %arg4[%add3A, %add3A_2057, %dma_start3A_2081] : memref<32x160x64xi32, #tpu.memory_space<hbm>> -> memref<1x1x64xi32, #tpu.memory_space<hbm>>
      %dma_start3A_2083 = tpu.memref_squeeze %dma_start3A_2082 : memref<1x1x64xi32, #tpu.memory_space<hbm>> -> memref<64xi32, #tpu.memory_space<hbm>>
      tpu.enqueue_dma source(%dma_start3A_2083 : memref<64xi32, #tpu.memory_space<hbm>>) target(%dma_start3A_2080 : memref<64xi32, #tpu.memory_space<vmem>>) target_semaphore(%arg19 : memref<!tpu.dma_semaphore, #tpu.memory_space<semaphore_mem>>)
      %dma_start3A_2084 = arith.constant 1 : i32
      %dma_start3A_2085 = arith.constant 1 : i32
      %dma_start3A_2086 = arith.constant 0 : i32
      %dma_start3A_2087 = arith.constant 0 : i32
      %dma_start3A_2088 = tpu.memref_slice %arg11[%dma_start3A_2085, %dma_start3A_2086, %dma_start3A_2087] : memref<4x64x128xf32, #tpu.memory_space<vmem>> -> memref<1x64x128xf32, #tpu.memory_space<vmem>>
      %dma_start3A_2089 = tpu.memref_squeeze %dma_start3A_2088 : memref<1x64x128xf32, #tpu.memory_space<vmem>> -> memref<64x128xf32, #tpu.memory_space<vmem>>
      %dma_start3A_2090 = arith.constant 0 : i32
      %dma_start3A_2091 = tpu.memref_slice %arg9[%dma_start3A_2084, %dma_start3A_2090] : memref<8x64xi32, #tpu.memory_space<vmem>> -> memref<1x64xi32, #tpu.memory_space<vmem>>
      %dma_start3A_2092 = tpu.memref_squeeze %dma_start3A_2091 : memref<1x64xi32, #tpu.memory_space<vmem>> -> memref<64xi32, #tpu.memory_space<vmem>>
      %dma_start3A_2093 = arith.constant 0 : i32
      %dma_start3A_2094 = arith.constant 0 : i32
      %dma_start3A_2095 = tpu.memref_slice %arg2[%dma_start3A_2093, %dma_start3A_2094] : memref<10000x128xf32, #tpu.memory_space<hbm>> -> memref<10000x128xf32, #tpu.memory_space<hbm>>
      tpu.enqueue_indirect_dma source(%dma_start3A_2095 : memref<10000x128xf32, #tpu.memory_space<hbm>>) target(%dma_start3A_2089 : memref<64x128xf32, #tpu.memory_space<vmem>>) offsets(%dma_start3A_2092 : memref<64xi32, #tpu.memory_space<vmem>>) semaphore(%arg23 : memref<!tpu.dma_semaphore, #tpu.memory_space<semaphore_mem>>)
      %dma_wait3A_2096 = arith.constant 0 : i32
      %dma_wait3A_2097 = arith.constant 2 : i32
      %dma_wait3A_2098 = arith.constant 0 : i32
      %dma_wait3A_2099 = tpu.memref_slice %arg9[%dma_wait3A_2097, %dma_wait3A_2098] : memref<8x64xi32, #tpu.memory_space<vmem>> -> memref<1x64xi32, #tpu.memory_space<vmem>>
      %dma_wait3A_2100 = tpu.memref_squeeze %dma_wait3A_2099 : memref<1x64xi32, #tpu.memory_space<vmem>> -> memref<64xi32, #tpu.memory_space<vmem>>
      %dma_wait3A_2101 = arith.constant 0 : i32
      %dma_wait3A_2102 = tpu.memref_slice %arg3[%add3A, %dma_wait3A_2096, %dma_wait3A_2101] : memref<32x160x64xi32, #tpu.memory_space<hbm>> -> memref<1x1x64xi32, #tpu.memory_space<hbm>>
      %dma_wait3A_2103 = tpu.memref_squeeze %dma_wait3A_2102 : memref<1x1x64xi32, #tpu.memory_space<hbm>> -> memref<64xi32, #tpu.memory_space<hbm>>
      %dma_wait3A_2104 = arith.constant 0 : i32
      %dma_wait3A_2105 = tpu.memref_slice %arg9[%dma_wait3A_2097, %dma_wait3A_2104] : memref<8x64xi32, #tpu.memory_space<vmem>> -> memref<1x64xi32, #tpu.memory_space<vmem>>
      %dma_wait3A_2106 = tpu.memref_squeeze %dma_wait3A_2105 : memref<1x64xi32, #tpu.memory_space<vmem>> -> memref<64xi32, #tpu.memory_space<vmem>>
      %dma_wait3A_2107 = arith.constant 0 : i32
      %dma_wait3A_2108 = tpu.memref_slice %arg3[%add3A, %dma_wait3A_2096, %dma_wait3A_2107] : memref<32x160x64xi32, #tpu.memory_space<hbm>> -> memref<1x1x64xi32, #tpu.memory_space<hbm>>
      %dma_wait3A_2109 = tpu.memref_squeeze %dma_wait3A_2108 : memref<1x1x64xi32, #tpu.memory_space<hbm>> -> memref<64xi32, #tpu.memory_space<hbm>>
      tpu.wait_dma2 semaphore(%arg16 : memref<!tpu.dma_semaphore, #tpu.memory_space<semaphore_mem>>) src(%dma_wait3A_2109 : memref<64xi32, #tpu.memory_space<hbm>>) dst(%dma_wait3A_2106 : memref<64xi32, #tpu.memory_space<vmem>>)
      %dma_wait3A_2110 = arith.constant 0 : i32
      %dma_wait3A_2111 = arith.constant 2 : i32
      %dma_wait3A_2112 = arith.constant 0 : i32
      %dma_wait3A_2113 = tpu.memref_slice %arg10[%dma_wait3A_2111, %dma_wait3A_2112] : memref<8x64xi32, #tpu.memory_space<vmem>> -> memref<1x64xi32, #tpu.memory_space<vmem>>
      %dma_wait3A_2114 = tpu.memref_squeeze %dma_wait3A_2113 : memref<1x64xi32, #tpu.memory_space<vmem>> -> memref<64xi32, #tpu.memory_space<vmem>>
      %dma_wait3A_2115 = arith.constant 0 : i32
      %dma_wait3A_2116 = tpu.memref_slice %arg4[%add3A, %dma_wait3A_2110, %dma_wait3A_2115] : memref<32x160x64xi32, #tpu.memory_space<hbm>> -> memref<1x1x64xi32, #tpu.memory_space<hbm>>
      %dma_wait3A_2117 = tpu.memref_squeeze %dma_wait3A_2116 : memref<1x1x64xi32, #tpu.memory_space<hbm>> -> memref<64xi32, #tpu.memory_space<hbm>>
      %dma_wait3A_2118 = arith.constant 0 : i32
      %dma_wait3A_2119 = tpu.memref_slice %arg10[%dma_wait3A_2111, %dma_wait3A_2118] : memref<8x64xi32, #tpu.memory_space<vmem>> -> memref<1x64xi32, #tpu.memory_space<vmem>>
      %dma_wait3A_2120 = tpu.memref_squeeze %dma_wait3A_2119 : memref<1x64xi32, #tpu.memory_space<vmem>> -> memref<64xi32, #tpu.memory_space<vmem>>
      %dma_wait3A_2121 = arith.constant 0 : i32
      %dma_wait3A_2122 = tpu.memref_slice %arg4[%add3A, %dma_wait3A_2110, %dma_wait3A_2121] : memref<32x160x64xi32, #tpu.memory_space<hbm>> -> memref<1x1x64xi32, #tpu.memory_space<hbm>>
      %dma_wait3A_2123 = tpu.memref_squeeze %dma_wait3A_2122 : memref<1x1x64xi32, #tpu.memory_space<hbm>> -> memref<64xi32, #tpu.memory_space<hbm>>
      tpu.wait_dma2 semaphore(%arg16 : memref<!tpu.dma_semaphore, #tpu.memory_space<semaphore_mem>>) src(%dma_wait3A_2123 : memref<64xi32, #tpu.memory_space<hbm>>) dst(%dma_wait3A_2120 : memref<64xi32, #tpu.memory_space<vmem>>)
      %dma_wait3A_2124 = arith.constant 2 : i32
      %dma_wait3A_2125 = arith.constant 0 : i32
      %dma_wait3A_2126 = arith.constant 0 : i32
      %dma_wait3A_2127 = arith.constant 0 : i32
      %dma_wait3A_2128 = tpu.memref_slice %arg11[%dma_wait3A_2124, %dma_wait3A_2126, %dma_wait3A_2127] : memref<4x64x128xf32, #tpu.memory_space<vmem>> -> memref<1x64x128xf32, #tpu.memory_space<vmem>>
      %dma_wait3A_2129 = tpu.memref_squeeze %dma_wait3A_2128 : memref<1x64x128xf32, #tpu.memory_space<vmem>> -> memref<64x128xf32, #tpu.memory_space<vmem>>
      %dma_wait3A_2130 = arith.constant 0 : i32
      %dma_wait3A_2131 = tpu.memref_slice %arg10[%dma_wait3A_2125, %dma_wait3A_2130] : memref<8x64xi32, #tpu.memory_space<vmem>> -> memref<1x64xi32, #tpu.memory_space<vmem>>
      %dma_wait3A_2132 = tpu.memref_squeeze %dma_wait3A_2131 : memref<1x64xi32, #tpu.memory_space<vmem>> -> memref<64xi32, #tpu.memory_space<vmem>>
      %dma_wait3A_2133 = arith.constant 0 : i32
      %dma_wait3A_2134 = arith.constant 0 : i32
      %dma_wait3A_2135 = tpu.memref_slice %arg13[%dma_wait3A_2133, %dma_wait3A_2134] : memref<10240x128xf32, #tpu.memory_space<vmem_shared>> -> memref<10240x128xf32, #tpu.memory_space<vmem_shared>>
      tpu.wait_indirect_dma semaphore(%arg28 : memref<!tpu.dma_semaphore, #tpu.memory_space<semaphore_mem>>) src(%dma_wait3A_2129 : memref<64x128xf32, #tpu.memory_space<vmem>>) dst(%dma_wait3A_2135 : memref<10240x128xf32, #tpu.memory_space<vmem_shared>>)
      %add3A_2136 = arith.constant 2 : i32
      %add3A_2137 = arith.addi %mul3A_1931, %add3A_2136 : i32
      %add3A_2138 = arith.constant 4 : i32
      %add3A_2139 = arith.addi %add3A_2137, %add3A_2138 : i32
      %dma_start3A_2140 = arith.constant 6 : i32
      %dma_start3A_2141 = arith.constant 0 : i32
      %dma_start3A_2142 = tpu.memref_slice %arg9[%dma_start3A_2140, %dma_start3A_2141] : memref<8x64xi32, #tpu.memory_space<vmem>> -> memref<1x64xi32, #tpu.memory_space<vmem>>
      %dma_start3A_2143 = tpu.memref_squeeze %dma_start3A_2142 : memref<1x64xi32, #tpu.memory_space<vmem>> -> memref<64xi32, #tpu.memory_space<vmem>>
      %dma_start3A_2144 = arith.constant 0 : i32
      %dma_start3A_2145 = tpu.memref_slice %arg3[%add3A, %add3A_2139, %dma_start3A_2144] : memref<32x160x64xi32, #tpu.memory_space<hbm>> -> memref<1x1x64xi32, #tpu.memory_space<hbm>>
      %dma_start3A_2146 = tpu.memref_squeeze %dma_start3A_2145 : memref<1x1x64xi32, #tpu.memory_space<hbm>> -> memref<64xi32, #tpu.memory_space<hbm>>
      %dma_start3A_2147 = arith.constant 0 : i32
      %dma_start3A_2148 = tpu.memref_slice %arg9[%dma_start3A_2140, %dma_start3A_2147] : memref<8x64xi32, #tpu.memory_space<vmem>> -> memref<1x64xi32, #tpu.memory_space<vmem>>
      %dma_start3A_2149 = tpu.memref_squeeze %dma_start3A_2148 : memref<1x64xi32, #tpu.memory_space<vmem>> -> memref<64xi32, #tpu.memory_space<vmem>>
      %dma_start3A_2150 = arith.constant 0 : i32
      %dma_start3A_2151 = tpu.memref_slice %arg3[%add3A, %add3A_2139, %dma_start3A_2150] : memref<32x160x64xi32, #tpu.memory_space<hbm>> -> memref<1x1x64xi32, #tpu.memory_space<hbm>>
      %dma_start3A_2152 = tpu.memref_squeeze %dma_start3A_2151 : memref<1x1x64xi32, #tpu.memory_space<hbm>> -> memref<64xi32, #tpu.memory_space<hbm>>
      tpu.enqueue_dma source(%dma_start3A_2152 : memref<64xi32, #tpu.memory_space<hbm>>) target(%dma_start3A_2149 : memref<64xi32, #tpu.memory_space<vmem>>) target_semaphore(%arg20 : memref<!tpu.dma_semaphore, #tpu.memory_space<semaphore_mem>>)
      %dma_start3A_2153 = arith.constant 6 : i32
      %dma_start3A_2154 = arith.constant 0 : i32
      %dma_start3A_2155 = tpu.memref_slice %arg10[%dma_start3A_2153, %dma_start3A_2154] : memref<8x64xi32, #tpu.memory_space<vmem>> -> memref<1x64xi32, #tpu.memory_space<vmem>>
      %dma_start3A_2156 = tpu.memref_squeeze %dma_start3A_2155 : memref<1x64xi32, #tpu.memory_space<vmem>> -> memref<64xi32, #tpu.memory_space<vmem>>
      %dma_start3A_2157 = arith.constant 0 : i32
      %dma_start3A_2158 = tpu.memref_slice %arg4[%add3A, %add3A_2139, %dma_start3A_2157] : memref<32x160x64xi32, #tpu.memory_space<hbm>> -> memref<1x1x64xi32, #tpu.memory_space<hbm>>
      %dma_start3A_2159 = tpu.memref_squeeze %dma_start3A_2158 : memref<1x1x64xi32, #tpu.memory_space<hbm>> -> memref<64xi32, #tpu.memory_space<hbm>>
      %dma_start3A_2160 = arith.constant 0 : i32
      %dma_start3A_2161 = tpu.memref_slice %arg10[%dma_start3A_2153, %dma_start3A_2160] : memref<8x64xi32, #tpu.memory_space<vmem>> -> memref<1x64xi32, #tpu.memory_space<vmem>>
      %dma_start3A_2162 = tpu.memref_squeeze %dma_start3A_2161 : memref<1x64xi32, #tpu.memory_space<vmem>> -> memref<64xi32, #tpu.memory_space<vmem>>
      %dma_start3A_2163 = arith.constant 0 : i32
      %dma_start3A_2164 = tpu.memref_slice %arg4[%add3A, %add3A_2139, %dma_start3A_2163] : memref<32x160x64xi32, #tpu.memory_space<hbm>> -> memref<1x1x64xi32, #tpu.memory_space<hbm>>
      %dma_start3A_2165 = tpu.memref_squeeze %dma_start3A_2164 : memref<1x1x64xi32, #tpu.memory_space<hbm>> -> memref<64xi32, #tpu.memory_space<hbm>>
      tpu.enqueue_dma source(%dma_start3A_2165 : memref<64xi32, #tpu.memory_space<hbm>>) target(%dma_start3A_2162 : memref<64xi32, #tpu.memory_space<vmem>>) target_semaphore(%arg20 : memref<!tpu.dma_semaphore, #tpu.memory_space<semaphore_mem>>)
      %dma_start3A_2166 = arith.constant 2 : i32
      %dma_start3A_2167 = arith.constant 2 : i32
      %dma_start3A_2168 = arith.constant 0 : i32
      %dma_start3A_2169 = arith.constant 0 : i32
      %dma_start3A_2170 = tpu.memref_slice %arg11[%dma_start3A_2167, %dma_start3A_2168, %dma_start3A_2169] : memref<4x64x128xf32, #tpu.memory_space<vmem>> -> memref<1x64x128xf32, #tpu.memory_space<vmem>>
      %dma_start3A_2171 = tpu.memref_squeeze %dma_start3A_2170 : memref<1x64x128xf32, #tpu.memory_space<vmem>> -> memref<64x128xf32, #tpu.memory_space<vmem>>
      %dma_start3A_2172 = arith.constant 0 : i32
      %dma_start3A_2173 = tpu.memref_slice %arg9[%dma_start3A_2166, %dma_start3A_2172] : memref<8x64xi32, #tpu.memory_space<vmem>> -> memref<1x64xi32, #tpu.memory_space<vmem>>
      %dma_start3A_2174 = tpu.memref_squeeze %dma_start3A_2173 : memref<1x64xi32, #tpu.memory_space<vmem>> -> memref<64xi32, #tpu.memory_space<vmem>>
      %dma_start3A_2175 = arith.constant 0 : i32
      %dma_start3A_2176 = arith.constant 0 : i32
      %dma_start3A_2177 = tpu.memref_slice %arg2[%dma_start3A_2175, %dma_start3A_2176] : memref<10000x128xf32, #tpu.memory_space<hbm>> -> memref<10000x128xf32, #tpu.memory_space<hbm>>
      tpu.enqueue_indirect_dma source(%dma_start3A_2177 : memref<10000x128xf32, #tpu.memory_space<hbm>>) target(%dma_start3A_2171 : memref<64x128xf32, #tpu.memory_space<vmem>>) offsets(%dma_start3A_2174 : memref<64xi32, #tpu.memory_space<vmem>>) semaphore(%arg24 : memref<!tpu.dma_semaphore, #tpu.memory_space<semaphore_mem>>)
      %dma_wait3A_2178 = arith.constant 0 : i32
      %dma_wait3A_2179 = arith.constant 3 : i32
      %dma_wait3A_2180 = arith.constant 0 : i32
      %dma_wait3A_2181 = tpu.memref_slice %arg9[%dma_wait3A_2179, %dma_wait3A_2180] : memref<8x64xi32, #tpu.memory_space<vmem>> -> memref<1x64xi32, #tpu.memory_space<vmem>>
      %dma_wait3A_2182 = tpu.memref_squeeze %dma_wait3A_2181 : memref<1x64xi32, #tpu.memory_space<vmem>> -> memref<64xi32, #tpu.memory_space<vmem>>
      %dma_wait3A_2183 = arith.constant 0 : i32
      %dma_wait3A_2184 = tpu.memref_slice %arg3[%add3A, %dma_wait3A_2178, %dma_wait3A_2183] : memref<32x160x64xi32, #tpu.memory_space<hbm>> -> memref<1x1x64xi32, #tpu.memory_space<hbm>>
      %dma_wait3A_2185 = tpu.memref_squeeze %dma_wait3A_2184 : memref<1x1x64xi32, #tpu.memory_space<hbm>> -> memref<64xi32, #tpu.memory_space<hbm>>
      %dma_wait3A_2186 = arith.constant 0 : i32
      %dma_wait3A_2187 = tpu.memref_slice %arg9[%dma_wait3A_2179, %dma_wait3A_2186] : memref<8x64xi32, #tpu.memory_space<vmem>> -> memref<1x64xi32, #tpu.memory_space<vmem>>
      %dma_wait3A_2188 = tpu.memref_squeeze %dma_wait3A_2187 : memref<1x64xi32, #tpu.memory_space<vmem>> -> memref<64xi32, #tpu.memory_space<vmem>>
      %dma_wait3A_2189 = arith.constant 0 : i32
      %dma_wait3A_2190 = tpu.memref_slice %arg3[%add3A, %dma_wait3A_2178, %dma_wait3A_2189] : memref<32x160x64xi32, #tpu.memory_space<hbm>> -> memref<1x1x64xi32, #tpu.memory_space<hbm>>
      %dma_wait3A_2191 = tpu.memref_squeeze %dma_wait3A_2190 : memref<1x1x64xi32, #tpu.memory_space<hbm>> -> memref<64xi32, #tpu.memory_space<hbm>>
      tpu.wait_dma2 semaphore(%arg17 : memref<!tpu.dma_semaphore, #tpu.memory_space<semaphore_mem>>) src(%dma_wait3A_2191 : memref<64xi32, #tpu.memory_space<hbm>>) dst(%dma_wait3A_2188 : memref<64xi32, #tpu.memory_space<vmem>>)
      %dma_wait3A_2192 = arith.constant 0 : i32
      %dma_wait3A_2193 = arith.constant 3 : i32
      %dma_wait3A_2194 = arith.constant 0 : i32
      %dma_wait3A_2195 = tpu.memref_slice %arg10[%dma_wait3A_2193, %dma_wait3A_2194] : memref<8x64xi32, #tpu.memory_space<vmem>> -> memref<1x64xi32, #tpu.memory_space<vmem>>
      %dma_wait3A_2196 = tpu.memref_squeeze %dma_wait3A_2195 : memref<1x64xi32, #tpu.memory_space<vmem>> -> memref<64xi32, #tpu.memory_space<vmem>>
      %dma_wait3A_2197 = arith.constant 0 : i32
      %dma_wait3A_2198 = tpu.memref_slice %arg4[%add3A, %dma_wait3A_2192, %dma_wait3A_2197] : memref<32x160x64xi32, #tpu.memory_space<hbm>> -> memref<1x1x64xi32, #tpu.memory_space<hbm>>
      %dma_wait3A_2199 = tpu.memref_squeeze %dma_wait3A_2198 : memref<1x1x64xi32, #tpu.memory_space<hbm>> -> memref<64xi32, #tpu.memory_space<hbm>>
      %dma_wait3A_2200 = arith.constant 0 : i32
      %dma_wait3A_2201 = tpu.memref_slice %arg10[%dma_wait3A_2193, %dma_wait3A_2200] : memref<8x64xi32, #tpu.memory_space<vmem>> -> memref<1x64xi32, #tpu.memory_space<vmem>>
      %dma_wait3A_2202 = tpu.memref_squeeze %dma_wait3A_2201 : memref<1x64xi32, #tpu.memory_space<vmem>> -> memref<64xi32, #tpu.memory_space<vmem>>
      %dma_wait3A_2203 = arith.constant 0 : i32
      %dma_wait3A_2204 = tpu.memref_slice %arg4[%add3A, %dma_wait3A_2192, %dma_wait3A_2203] : memref<32x160x64xi32, #tpu.memory_space<hbm>> -> memref<1x1x64xi32, #tpu.memory_space<hbm>>
      %dma_wait3A_2205 = tpu.memref_squeeze %dma_wait3A_2204 : memref<1x1x64xi32, #tpu.memory_space<hbm>> -> memref<64xi32, #tpu.memory_space<hbm>>
      tpu.wait_dma2 semaphore(%arg17 : memref<!tpu.dma_semaphore, #tpu.memory_space<semaphore_mem>>) src(%dma_wait3A_2205 : memref<64xi32, #tpu.memory_space<hbm>>) dst(%dma_wait3A_2202 : memref<64xi32, #tpu.memory_space<vmem>>)
      %dma_wait3A_2206 = arith.constant 3 : i32
      %dma_wait3A_2207 = arith.constant 0 : i32
      %dma_wait3A_2208 = arith.constant 0 : i32
      %dma_wait3A_2209 = arith.constant 0 : i32
      %dma_wait3A_2210 = tpu.memref_slice %arg11[%dma_wait3A_2206, %dma_wait3A_2208, %dma_wait3A_2209] : memref<4x64x128xf32, #tpu.memory_space<vmem>> -> memref<1x64x128xf32, #tpu.memory_space<vmem>>
      %dma_wait3A_2211 = tpu.memref_squeeze %dma_wait3A_2210 : memref<1x64x128xf32, #tpu.memory_space<vmem>> -> memref<64x128xf32, #tpu.memory_space<vmem>>
      %dma_wait3A_2212 = arith.constant 0 : i32
      %dma_wait3A_2213 = tpu.memref_slice %arg10[%dma_wait3A_2207, %dma_wait3A_2212] : memref<8x64xi32, #tpu.memory_space<vmem>> -> memref<1x64xi32, #tpu.memory_space<vmem>>
      %dma_wait3A_2214 = tpu.memref_squeeze %dma_wait3A_2213 : memref<1x64xi32, #tpu.memory_space<vmem>> -> memref<64xi32, #tpu.memory_space<vmem>>
      %dma_wait3A_2215 = arith.constant 0 : i32
      %dma_wait3A_2216 = arith.constant 0 : i32
      %dma_wait3A_2217 = tpu.memref_slice %arg13[%dma_wait3A_2215, %dma_wait3A_2216] : memref<10240x128xf32, #tpu.memory_space<vmem_shared>> -> memref<10240x128xf32, #tpu.memory_space<vmem_shared>>
      tpu.wait_indirect_dma semaphore(%arg29 : memref<!tpu.dma_semaphore, #tpu.memory_space<semaphore_mem>>) src(%dma_wait3A_2211 : memref<64x128xf32, #tpu.memory_space<vmem>>) dst(%dma_wait3A_2217 : memref<10240x128xf32, #tpu.memory_space<vmem_shared>>)
      %add3A_2218 = arith.constant 3 : i32
      %add3A_2219 = arith.addi %mul3A_1931, %add3A_2218 : i32
      %add3A_2220 = arith.constant 4 : i32
      %add3A_2221 = arith.addi %add3A_2219, %add3A_2220 : i32
      %dma_start3A_2222 = arith.constant 7 : i32
      %dma_start3A_2223 = arith.constant 0 : i32
      %dma_start3A_2224 = tpu.memref_slice %arg9[%dma_start3A_2222, %dma_start3A_2223] : memref<8x64xi32, #tpu.memory_space<vmem>> -> memref<1x64xi32, #tpu.memory_space<vmem>>
      %dma_start3A_2225 = tpu.memref_squeeze %dma_start3A_2224 : memref<1x64xi32, #tpu.memory_space<vmem>> -> memref<64xi32, #tpu.memory_space<vmem>>
      %dma_start3A_2226 = arith.constant 0 : i32
      %dma_start3A_2227 = tpu.memref_slice %arg3[%add3A, %add3A_2221, %dma_start3A_2226] : memref<32x160x64xi32, #tpu.memory_space<hbm>> -> memref<1x1x64xi32, #tpu.memory_space<hbm>>
      %dma_start3A_2228 = tpu.memref_squeeze %dma_start3A_2227 : memref<1x1x64xi32, #tpu.memory_space<hbm>> -> memref<64xi32, #tpu.memory_space<hbm>>
      %dma_start3A_2229 = arith.constant 0 : i32
      %dma_start3A_2230 = tpu.memref_slice %arg9[%dma_start3A_2222, %dma_start3A_2229] : memref<8x64xi32, #tpu.memory_space<vmem>> -> memref<1x64xi32, #tpu.memory_space<vmem>>
      %dma_start3A_2231 = tpu.memref_squeeze %dma_start3A_2230 : memref<1x64xi32, #tpu.memory_space<vmem>> -> memref<64xi32, #tpu.memory_space<vmem>>
      %dma_start3A_2232 = arith.constant 0 : i32
      %dma_start3A_2233 = tpu.memref_slice %arg3[%add3A, %add3A_2221, %dma_start3A_2232] : memref<32x160x64xi32, #tpu.memory_space<hbm>> -> memref<1x1x64xi32, #tpu.memory_space<hbm>>
      %dma_start3A_2234 = tpu.memref_squeeze %dma_start3A_2233 : memref<1x1x64xi32, #tpu.memory_space<hbm>> -> memref<64xi32, #tpu.memory_space<hbm>>
      tpu.enqueue_dma source(%dma_start3A_2234 : memref<64xi32, #tpu.memory_space<hbm>>) target(%dma_start3A_2231 : memref<64xi32, #tpu.memory_space<vmem>>) target_semaphore(%arg21 : memref<!tpu.dma_semaphore, #tpu.memory_space<semaphore_mem>>)
      %dma_start3A_2235 = arith.constant 7 : i32
      %dma_start3A_2236 = arith.constant 0 : i32
      %dma_start3A_2237 = tpu.memref_slice %arg10[%dma_start3A_2235, %dma_start3A_2236] : memref<8x64xi32, #tpu.memory_space<vmem>> -> memref<1x64xi32, #tpu.memory_space<vmem>>
      %dma_start3A_2238 = tpu.memref_squeeze %dma_start3A_2237 : memref<1x64xi32, #tpu.memory_space<vmem>> -> memref<64xi32, #tpu.memory_space<vmem>>
      %dma_start3A_2239 = arith.constant 0 : i32
      %dma_start3A_2240 = tpu.memref_slice %arg4[%add3A, %add3A_2221, %dma_start3A_2239] : memref<32x160x64xi32, #tpu.memory_space<hbm>> -> memref<1x1x64xi32, #tpu.memory_space<hbm>>
      %dma_start3A_2241 = tpu.memref_squeeze %dma_start3A_2240 : memref<1x1x64xi32, #tpu.memory_space<hbm>> -> memref<64xi32, #tpu.memory_space<hbm>>
      %dma_start3A_2242 = arith.constant 0 : i32
      %dma_start3A_2243 = tpu.memref_slice %arg10[%dma_start3A_2235, %dma_start3A_2242] : memref<8x64xi32, #tpu.memory_space<vmem>> -> memref<1x64xi32, #tpu.memory_space<vmem>>
      %dma_start3A_2244 = tpu.memref_squeeze %dma_start3A_2243 : memref<1x64xi32, #tpu.memory_space<vmem>> -> memref<64xi32, #tpu.memory_space<vmem>>
      %dma_start3A_2245 = arith.constant 0 : i32
      %dma_start3A_2246 = tpu.memref_slice %arg4[%add3A, %add3A_2221, %dma_start3A_2245] : memref<32x160x64xi32, #tpu.memory_space<hbm>> -> memref<1x1x64xi32, #tpu.memory_space<hbm>>
      %dma_start3A_2247 = tpu.memref_squeeze %dma_start3A_2246 : memref<1x1x64xi32, #tpu.memory_space<hbm>> -> memref<64xi32, #tpu.memory_space<hbm>>
      tpu.enqueue_dma source(%dma_start3A_2247 : memref<64xi32, #tpu.memory_space<hbm>>) target(%dma_start3A_2244 : memref<64xi32, #tpu.memory_space<vmem>>) target_semaphore(%arg21 : memref<!tpu.dma_semaphore, #tpu.memory_space<semaphore_mem>>)
      %dma_start3A_2248 = arith.constant 3 : i32
      %dma_start3A_2249 = arith.constant 3 : i32
      %dma_start3A_2250 = arith.constant 0 : i32
      %dma_start3A_2251 = arith.constant 0 : i32
      %dma_start3A_2252 = tpu.memref_slice %arg11[%dma_start3A_2249, %dma_start3A_2250, %dma_start3A_2251] : memref<4x64x128xf32, #tpu.memory_space<vmem>> -> memref<1x64x128xf32, #tpu.memory_space<vmem>>
      %dma_start3A_2253 = tpu.memref_squeeze %dma_start3A_2252 : memref<1x64x128xf32, #tpu.memory_space<vmem>> -> memref<64x128xf32, #tpu.memory_space<vmem>>
      %dma_start3A_2254 = arith.constant 0 : i32
      %dma_start3A_2255 = tpu.memref_slice %arg9[%dma_start3A_2248, %dma_start3A_2254] : memref<8x64xi32, #tpu.memory_space<vmem>> -> memref<1x64xi32, #tpu.memory_space<vmem>>
      %dma_start3A_2256 = tpu.memref_squeeze %dma_start3A_2255 : memref<1x64xi32, #tpu.memory_space<vmem>> -> memref<64xi32, #tpu.memory_space<vmem>>
      %dma_start3A_2257 = arith.constant 0 : i32
      %dma_start3A_2258 = arith.constant 0 : i32
      %dma_start3A_2259 = tpu.memref_slice %arg2[%dma_start3A_2257, %dma_start3A_2258] : memref<10000x128xf32, #tpu.memory_space<hbm>> -> memref<10000x128xf32, #tpu.memory_space<hbm>>
      tpu.enqueue_indirect_dma source(%dma_start3A_2259 : memref<10000x128xf32, #tpu.memory_space<hbm>>) target(%dma_start3A_2253 : memref<64x128xf32, #tpu.memory_space<vmem>>) offsets(%dma_start3A_2256 : memref<64xi32, #tpu.memory_space<vmem>>) semaphore(%arg25 : memref<!tpu.dma_semaphore, #tpu.memory_space<semaphore_mem>>)
      %dma_wait3A_2260 = arith.constant 0 : i32
      %dma_wait3A_2261 = arith.constant 0 : i32
      %dma_wait3A_2262 = arith.constant 0 : i32
      %dma_wait3A_2263 = arith.constant 0 : i32
      %dma_wait3A_2264 = tpu.memref_slice %arg11[%dma_wait3A_2261, %dma_wait3A_2262, %dma_wait3A_2263] : memref<4x64x128xf32, #tpu.memory_space<vmem>> -> memref<1x64x128xf32, #tpu.memory_space<vmem>>
      %dma_wait3A_2265 = tpu.memref_squeeze %dma_wait3A_2264 : memref<1x64x128xf32, #tpu.memory_space<vmem>> -> memref<64x128xf32, #tpu.memory_space<vmem>>
      %dma_wait3A_2266 = arith.constant 0 : i32
      %dma_wait3A_2267 = tpu.memref_slice %arg9[%dma_wait3A_2260, %dma_wait3A_2266] : memref<8x64xi32, #tpu.memory_space<vmem>> -> memref<1x64xi32, #tpu.memory_space<vmem>>
      %dma_wait3A_2268 = tpu.memref_squeeze %dma_wait3A_2267 : memref<1x64xi32, #tpu.memory_space<vmem>> -> memref<64xi32, #tpu.memory_space<vmem>>
      %dma_wait3A_2269 = arith.constant 0 : i32
      %dma_wait3A_2270 = arith.constant 0 : i32
      %dma_wait3A_2271 = tpu.memref_slice %arg2[%dma_wait3A_2269, %dma_wait3A_2270] : memref<10000x128xf32, #tpu.memory_space<hbm>> -> memref<10000x128xf32, #tpu.memory_space<hbm>>
      tpu.wait_indirect_dma semaphore(%arg22 : memref<!tpu.dma_semaphore, #tpu.memory_space<semaphore_mem>>) src(%dma_wait3A_2271 : memref<10000x128xf32, #tpu.memory_space<hbm>>) dst(%dma_wait3A_2265 : memref<64x128xf32, #tpu.memory_space<vmem>>)
      %dma_start3A_2272 = arith.constant 0 : i32
      %dma_start3A_2273 = arith.constant 0 : i32
      %dma_start3A_2274 = arith.constant 0 : i32
      %dma_start3A_2275 = arith.constant 0 : i32
      %dma_start3A_2276 = tpu.memref_slice %arg11[%dma_start3A_2272, %dma_start3A_2274, %dma_start3A_2275] : memref<4x64x128xf32, #tpu.memory_space<vmem>> -> memref<1x64x128xf32, #tpu.memory_space<vmem>>
      %dma_start3A_2277 = tpu.memref_squeeze %dma_start3A_2276 : memref<1x64x128xf32, #tpu.memory_space<vmem>> -> memref<64x128xf32, #tpu.memory_space<vmem>>
      %dma_start3A_2278 = arith.constant 0 : i32
      %dma_start3A_2279 = tpu.memref_slice %arg10[%dma_start3A_2273, %dma_start3A_2278] : memref<8x64xi32, #tpu.memory_space<vmem>> -> memref<1x64xi32, #tpu.memory_space<vmem>>
      %dma_start3A_2280 = tpu.memref_squeeze %dma_start3A_2279 : memref<1x64xi32, #tpu.memory_space<vmem>> -> memref<64xi32, #tpu.memory_space<vmem>>
      %dma_start3A_2281 = arith.constant 0 : i32
      %dma_start3A_2282 = arith.constant 0 : i32
      %dma_start3A_2283 = tpu.memref_slice %arg13[%dma_start3A_2281, %dma_start3A_2282] : memref<10240x128xf32, #tpu.memory_space<vmem_shared>> -> memref<10240x128xf32, #tpu.memory_space<vmem_shared>>
      tpu.enqueue_indirect_dma source(%dma_start3A_2277 : memref<64x128xf32, #tpu.memory_space<vmem>>) target(%dma_start3A_2283 : memref<10240x128xf32, #tpu.memory_space<vmem_shared>>) offsets(%dma_start3A_2280 : memref<64xi32, #tpu.memory_space<vmem>>) semaphore(%arg26 : memref<!tpu.dma_semaphore, #tpu.memory_space<semaphore_mem>>) {add = true}
      %get3A_2284 = arith.constant 0 : i32
      %get3A_2285 = arith.index_cast %get3A_2284 : i32 to index
      %get3A_2286 = arith.constant 0 : index
      %get3A_2287 = tpu.vector_load %arg10[%get3A_2285, %get3A_2286] {strides = array<i32>} : memref<8x64xi32, #tpu.memory_space<vmem>>, vector<16xi32>,
      tpu.vector_store_idx %arg12[%get3A_2287], %broadcast_in_dim3A_3 {add = true} : memref<10240xf32, #tpu.memory_space<vmem>>[vector<16xi32>], vector<16xf32>,
      %get3A_2288 = arith.constant 0 : i32
      %get3A_2289 = arith.index_cast %get3A_2288 : i32 to index
      %get3A_2290 = arith.constant 16 : index
      %get3A_2291 = tpu.vector_load %arg10[%get3A_2289, %get3A_2290] {strides = array<i32>} : memref<8x64xi32, #tpu.memory_space<vmem>>, vector<16xi32>,
      tpu.vector_store_idx %arg12[%get3A_2291], %broadcast_in_dim3A_3 {add = true} : memref<10240xf32, #tpu.memory_space<vmem>>[vector<16xi32>], vector<16xf32>,
      %get3A_2292 = arith.constant 0 : i32
      %get3A_2293 = arith.index_cast %get3A_2292 : i32 to index
      %get3A_2294 = arith.constant 32 : index
      %get3A_2295 = tpu.vector_load %arg10[%get3A_2293, %get3A_2294] {strides = array<i32>} : memref<8x64xi32, #tpu.memory_space<vmem>>, vector<16xi32>,
      tpu.vector_store_idx %arg12[%get3A_2295], %broadcast_in_dim3A_3 {add = true} : memref<10240xf32, #tpu.memory_space<vmem>>[vector<16xi32>], vector<16xf32>,
      %get3A_2296 = arith.constant 0 : i32
      %get3A_2297 = arith.index_cast %get3A_2296 : i32 to index
      %get3A_2298 = arith.constant 48 : index
      %get3A_2299 = tpu.vector_load %arg10[%get3A_2297, %get3A_2298] {strides = array<i32>} : memref<8x64xi32, #tpu.memory_space<vmem>>, vector<16xi32>,
      tpu.vector_store_idx %arg12[%get3A_2299], %broadcast_in_dim3A_3 {add = true} : memref<10240xf32, #tpu.memory_space<vmem>>[vector<16xi32>], vector<16xf32>,
      %dma_wait3A_2300 = arith.constant 0 : i32
      %dma_wait3A_2301 = arith.constant 1 : i32
      %dma_wait3A_2302 = arith.constant 0 : i32
      %dma_wait3A_2303 = arith.constant 0 : i32
      %dma_wait3A_2304 = tpu.memref_slice %arg11[%dma_wait3A_2301, %dma_wait3A_2302, %dma_wait3A_2303] : memref<4x64x128xf32, #tpu.memory_space<vmem>> -> memref<1x64x128xf32, #tpu.memory_space<vmem>>
      %dma_wait3A_2305 = tpu.memref_squeeze %dma_wait3A_2304 : memref<1x64x128xf32, #tpu.memory_space<vmem>> -> memref<64x128xf32, #tpu.memory_space<vmem>>
      %dma_wait3A_2306 = arith.constant 0 : i32
      %dma_wait3A_2307 = tpu.memref_slice %arg9[%dma_wait3A_2300, %dma_wait3A_2306] : memref<8x64xi32, #tpu.memory_space<vmem>> -> memref<1x64xi32, #tpu.memory_space<vmem>>
      %dma_wait3A_2308 = tpu.memref_squeeze %dma_wait3A_2307 : memref<1x64xi32, #tpu.memory_space<vmem>> -> memref<64xi32, #tpu.memory_space<vmem>>
      %dma_wait3A_2309 = arith.constant 0 : i32
      %dma_wait3A_2310 = arith.constant 0 : i32
      %dma_wait3A_2311 = tpu.memref_slice %arg2[%dma_wait3A_2309, %dma_wait3A_2310] : memref<10000x128xf32, #tpu.memory_space<hbm>> -> memref<10000x128xf32, #tpu.memory_space<hbm>>
      tpu.wait_indirect_dma semaphore(%arg23 : memref<!tpu.dma_semaphore, #tpu.memory_space<semaphore_mem>>) src(%dma_wait3A_2311 : memref<10000x128xf32, #tpu.memory_space<hbm>>) dst(%dma_wait3A_2305 : memref<64x128xf32, #tpu.memory_space<vmem>>)
      %dma_start3A_2312 = arith.constant 1 : i32
      %dma_start3A_2313 = arith.constant 1 : i32
      %dma_start3A_2314 = arith.constant 0 : i32
      %dma_start3A_2315 = arith.constant 0 : i32
      %dma_start3A_2316 = tpu.memref_slice %arg11[%dma_start3A_2312, %dma_start3A_2314, %dma_start3A_2315] : memref<4x64x128xf32, #tpu.memory_space<vmem>> -> memref<1x64x128xf32, #tpu.memory_space<vmem>>
      %dma_start3A_2317 = tpu.memref_squeeze %dma_start3A_2316 : memref<1x64x128xf32, #tpu.memory_space<vmem>> -> memref<64x128xf32, #tpu.memory_space<vmem>>
      %dma_start3A_2318 = arith.constant 0 : i32
      %dma_start3A_2319 = tpu.memref_slice %arg10[%dma_start3A_2313, %dma_start3A_2318] : memref<8x64xi32, #tpu.memory_space<vmem>> -> memref<1x64xi32, #tpu.memory_space<vmem>>
      %dma_start3A_2320 = tpu.memref_squeeze %dma_start3A_2319 : memref<1x64xi32, #tpu.memory_space<vmem>> -> memref<64xi32, #tpu.memory_space<vmem>>
      %dma_start3A_2321 = arith.constant 0 : i32
      %dma_start3A_2322 = arith.constant 0 : i32
      %dma_start3A_2323 = tpu.memref_slice %arg13[%dma_start3A_2321, %dma_start3A_2322] : memref<10240x128xf32, #tpu.memory_space<vmem_shared>> -> memref<10240x128xf32, #tpu.memory_space<vmem_shared>>
      tpu.enqueue_indirect_dma source(%dma_start3A_2317 : memref<64x128xf32, #tpu.memory_space<vmem>>) target(%dma_start3A_2323 : memref<10240x128xf32, #tpu.memory_space<vmem_shared>>) offsets(%dma_start3A_2320 : memref<64xi32, #tpu.memory_space<vmem>>) semaphore(%arg27 : memref<!tpu.dma_semaphore, #tpu.memory_space<semaphore_mem>>) {add = true}
      %get3A_2324 = arith.constant 1 : i32
      %get3A_2325 = arith.index_cast %get3A_2324 : i32 to index
      %get3A_2326 = arith.constant 0 : index
      %get3A_2327 = tpu.vector_load %arg10[%get3A_2325, %get3A_2326] {strides = array<i32>} : memref<8x64xi32, #tpu.memory_space<vmem>>, vector<16xi32>,
      tpu.vector_store_idx %arg12[%get3A_2327], %broadcast_in_dim3A_3 {add = true} : memref<10240xf32, #tpu.memory_space<vmem>>[vector<16xi32>], vector<16xf32>,
      %get3A_2328 = arith.constant 1 : i32
      %get3A_2329 = arith.index_cast %get3A_2328 : i32 to index
      %get3A_2330 = arith.constant 16 : index
      %get3A_2331 = tpu.vector_load %arg10[%get3A_2329, %get3A_2330] {strides = array<i32>} : memref<8x64xi32, #tpu.memory_space<vmem>>, vector<16xi32>,
      tpu.vector_store_idx %arg12[%get3A_2331], %broadcast_in_dim3A_3 {add = true} : memref<10240xf32, #tpu.memory_space<vmem>>[vector<16xi32>], vector<16xf32>,
      %get3A_2332 = arith.constant 1 : i32
      %get3A_2333 = arith.index_cast %get3A_2332 : i32 to index
      %get3A_2334 = arith.constant 32 : index
      %get3A_2335 = tpu.vector_load %arg10[%get3A_2333, %get3A_2334] {strides = array<i32>} : memref<8x64xi32, #tpu.memory_space<vmem>>, vector<16xi32>,
      tpu.vector_store_idx %arg12[%get3A_2335], %broadcast_in_dim3A_3 {add = true} : memref<10240xf32, #tpu.memory_space<vmem>>[vector<16xi32>], vector<16xf32>,
      %get3A_2336 = arith.constant 1 : i32
      %get3A_2337 = arith.index_cast %get3A_2336 : i32 to index
      %get3A_2338 = arith.constant 48 : index
      %get3A_2339 = tpu.vector_load %arg10[%get3A_2337, %get3A_2338] {strides = array<i32>} : memref<8x64xi32, #tpu.memory_space<vmem>>, vector<16xi32>,
      tpu.vector_store_idx %arg12[%get3A_2339], %broadcast_in_dim3A_3 {add = true} : memref<10240xf32, #tpu.memory_space<vmem>>[vector<16xi32>], vector<16xf32>,
      %dma_wait3A_2340 = arith.constant 0 : i32
      %dma_wait3A_2341 = arith.constant 2 : i32
      %dma_wait3A_2342 = arith.constant 0 : i32
      %dma_wait3A_2343 = arith.constant 0 : i32
      %dma_wait3A_2344 = tpu.memref_slice %arg11[%dma_wait3A_2341, %dma_wait3A_2342, %dma_wait3A_2343] : memref<4x64x128xf32, #tpu.memory_space<vmem>> -> memref<1x64x128xf32, #tpu.memory_space<vmem>>
      %dma_wait3A_2345 = tpu.memref_squeeze %dma_wait3A_2344 : memref<1x64x128xf32, #tpu.memory_space<vmem>> -> memref<64x128xf32, #tpu.memory_space<vmem>>
      %dma_wait3A_2346 = arith.constant 0 : i32
      %dma_wait3A_2347 = tpu.memref_slice %arg9[%dma_wait3A_2340, %dma_wait3A_2346] : memref<8x64xi32, #tpu.memory_space<vmem>> -> memref<1x64xi32, #tpu.memory_space<vmem>>
      %dma_wait3A_2348 = tpu.memref_squeeze %dma_wait3A_2347 : memref<1x64xi32, #tpu.memory_space<vmem>> -> memref<64xi32, #tpu.memory_space<vmem>>
      %dma_wait3A_2349 = arith.constant 0 : i32
      %dma_wait3A_2350 = arith.constant 0 : i32
      %dma_wait3A_2351 = tpu.memref_slice %arg2[%dma_wait3A_2349, %dma_wait3A_2350] : memref<10000x128xf32, #tpu.memory_space<hbm>> -> memref<10000x128xf32, #tpu.memory_space<hbm>>
      tpu.wait_indirect_dma semaphore(%arg24 : memref<!tpu.dma_semaphore, #tpu.memory_space<semaphore_mem>>) src(%dma_wait3A_2351 : memref<10000x128xf32, #tpu.memory_space<hbm>>) dst(%dma_wait3A_2345 : memref<64x128xf32, #tpu.memory_space<vmem>>)
      %dma_start3A_2352 = arith.constant 2 : i32
      %dma_start3A_2353 = arith.constant 2 : i32
      %dma_start3A_2354 = arith.constant 0 : i32
      %dma_start3A_2355 = arith.constant 0 : i32
      %dma_start3A_2356 = tpu.memref_slice %arg11[%dma_start3A_2352, %dma_start3A_2354, %dma_start3A_2355] : memref<4x64x128xf32, #tpu.memory_space<vmem>> -> memref<1x64x128xf32, #tpu.memory_space<vmem>>
      %dma_start3A_2357 = tpu.memref_squeeze %dma_start3A_2356 : memref<1x64x128xf32, #tpu.memory_space<vmem>> -> memref<64x128xf32, #tpu.memory_space<vmem>>
      %dma_start3A_2358 = arith.constant 0 : i32
      %dma_start3A_2359 = tpu.memref_slice %arg10[%dma_start3A_2353, %dma_start3A_2358] : memref<8x64xi32, #tpu.memory_space<vmem>> -> memref<1x64xi32, #tpu.memory_space<vmem>>
      %dma_start3A_2360 = tpu.memref_squeeze %dma_start3A_2359 : memref<1x64xi32, #tpu.memory_space<vmem>> -> memref<64xi32, #tpu.memory_space<vmem>>
      %dma_start3A_2361 = arith.constant 0 : i32
      %dma_start3A_2362 = arith.constant 0 : i32
      %dma_start3A_2363 = tpu.memref_slice %arg13[%dma_start3A_2361, %dma_start3A_2362] : memref<10240x128xf32, #tpu.memory_space<vmem_shared>> -> memref<10240x128xf32, #tpu.memory_space<vmem_shared>>
      tpu.enqueue_indirect_dma source(%dma_start3A_2357 : memref<64x128xf32, #tpu.memory_space<vmem>>) target(%dma_start3A_2363 : memref<10240x128xf32, #tpu.memory_space<vmem_shared>>) offsets(%dma_start3A_2360 : memref<64xi32, #tpu.memory_space<vmem>>) semaphore(%arg28 : memref<!tpu.dma_semaphore, #tpu.memory_space<semaphore_mem>>) {add = true}
      %get3A_2364 = arith.constant 2 : i32
      %get3A_2365 = arith.index_cast %get3A_2364 : i32 to index
      %get3A_2366 = arith.constant 0 : index
      %get3A_2367 = tpu.vector_load %arg10[%get3A_2365, %get3A_2366] {strides = array<i32>} : memref<8x64xi32, #tpu.memory_space<vmem>>, vector<16xi32>,
      tpu.vector_store_idx %arg12[%get3A_2367], %broadcast_in_dim3A_3 {add = true} : memref<10240xf32, #tpu.memory_space<vmem>>[vector<16xi32>], vector<16xf32>,
      %get3A_2368 = arith.constant 2 : i32
      %get3A_2369 = arith.index_cast %get3A_2368 : i32 to index
      %get3A_2370 = arith.constant 16 : index
      %get3A_2371 = tpu.vector_load %arg10[%get3A_2369, %get3A_2370] {strides = array<i32>} : memref<8x64xi32, #tpu.memory_space<vmem>>, vector<16xi32>,
      tpu.vector_store_idx %arg12[%get3A_2371], %broadcast_in_dim3A_3 {add = true} : memref<10240xf32, #tpu.memory_space<vmem>>[vector<16xi32>], vector<16xf32>,
      %get3A_2372 = arith.constant 2 : i32
      %get3A_2373 = arith.index_cast %get3A_2372 : i32 to index
      %get3A_2374 = arith.constant 32 : index
      %get3A_2375 = tpu.vector_load %arg10[%get3A_2373, %get3A_2374] {strides = array<i32>} : memref<8x64xi32, #tpu.memory_space<vmem>>, vector<16xi32>,
      tpu.vector_store_idx %arg12[%get3A_2375], %broadcast_in_dim3A_3 {add = true} : memref<10240xf32, #tpu.memory_space<vmem>>[vector<16xi32>], vector<16xf32>,
      %get3A_2376 = arith.constant 2 : i32
      %get3A_2377 = arith.index_cast %get3A_2376 : i32 to index
      %get3A_2378 = arith.constant 48 : index
      %get3A_2379 = tpu.vector_load %arg10[%get3A_2377, %get3A_2378] {strides = array<i32>} : memref<8x64xi32, #tpu.memory_space<vmem>>, vector<16xi32>,
      tpu.vector_store_idx %arg12[%get3A_2379], %broadcast_in_dim3A_3 {add = true} : memref<10240xf32, #tpu.memory_space<vmem>>[vector<16xi32>], vector<16xf32>,
      %dma_wait3A_2380 = arith.constant 0 : i32
      %dma_wait3A_2381 = arith.constant 3 : i32
      %dma_wait3A_2382 = arith.constant 0 : i32
      %dma_wait3A_2383 = arith.constant 0 : i32
      %dma_wait3A_2384 = tpu.memref_slice %arg11[%dma_wait3A_2381, %dma_wait3A_2382, %dma_wait3A_2383] : memref<4x64x128xf32, #tpu.memory_space<vmem>> -> memref<1x64x128xf32, #tpu.memory_space<vmem>>
      %dma_wait3A_2385 = tpu.memref_squeeze %dma_wait3A_2384 : memref<1x64x128xf32, #tpu.memory_space<vmem>> -> memref<64x128xf32, #tpu.memory_space<vmem>>
      %dma_wait3A_2386 = arith.constant 0 : i32
      %dma_wait3A_2387 = tpu.memref_slice %arg9[%dma_wait3A_2380, %dma_wait3A_2386] : memref<8x64xi32, #tpu.memory_space<vmem>> -> memref<1x64xi32, #tpu.memory_space<vmem>>
      %dma_wait3A_2388 = tpu.memref_squeeze %dma_wait3A_2387 : memref<1x64xi32, #tpu.memory_space<vmem>> -> memref<64xi32, #tpu.memory_space<vmem>>
      %dma_wait3A_2389 = arith.constant 0 : i32
      %dma_wait3A_2390 = arith.constant 0 : i32
      %dma_wait3A_2391 = tpu.memref_slice %arg2[%dma_wait3A_2389, %dma_wait3A_2390] : memref<10000x128xf32, #tpu.memory_space<hbm>> -> memref<10000x128xf32, #tpu.memory_space<hbm>>
      tpu.wait_indirect_dma semaphore(%arg25 : memref<!tpu.dma_semaphore, #tpu.memory_space<semaphore_mem>>) src(%dma_wait3A_2391 : memref<10000x128xf32, #tpu.memory_space<hbm>>) dst(%dma_wait3A_2385 : memref<64x128xf32, #tpu.memory_space<vmem>>)
      %dma_start3A_2392 = arith.constant 3 : i32
      %dma_start3A_2393 = arith.constant 3 : i32
      %dma_start3A_2394 = arith.constant 0 : i32
      %dma_start3A_2395 = arith.constant 0 : i32
      %dma_start3A_2396 = tpu.memref_slice %arg11[%dma_start3A_2392, %dma_start3A_2394, %dma_start3A_2395] : memref<4x64x128xf32, #tpu.memory_space<vmem>> -> memref<1x64x128xf32, #tpu.memory_space<vmem>>
      %dma_start3A_2397 = tpu.memref_squeeze %dma_start3A_2396 : memref<1x64x128xf32, #tpu.memory_space<vmem>> -> memref<64x128xf32, #tpu.memory_space<vmem>>
      %dma_start3A_2398 = arith.constant 0 : i32
      %dma_start3A_2399 = tpu.memref_slice %arg10[%dma_start3A_2393, %dma_start3A_2398] : memref<8x64xi32, #tpu.memory_space<vmem>> -> memref<1x64xi32, #tpu.memory_space<vmem>>
      %dma_start3A_2400 = tpu.memref_squeeze %dma_start3A_2399 : memref<1x64xi32, #tpu.memory_space<vmem>> -> memref<64xi32, #tpu.memory_space<vmem>>
      %dma_start3A_2401 = arith.constant 0 : i32
      %dma_start3A_2402 = arith.constant 0 : i32
      %dma_start3A_2403 = tpu.memref_slice %arg13[%dma_start3A_2401, %dma_start3A_2402] : memref<10240x128xf32, #tpu.memory_space<vmem_shared>> -> memref<10240x128xf32, #tpu.memory_space<vmem_shared>>
      tpu.enqueue_indirect_dma source(%dma_start3A_2397 : memref<64x128xf32, #tpu.memory_space<vmem>>) target(%dma_start3A_2403 : memref<10240x128xf32, #tpu.memory_space<vmem_shared>>) offsets(%dma_start3A_2400 : memref<64xi32, #tpu.memory_space<vmem>>) semaphore(%arg29 : memref<!tpu.dma_semaphore, #tpu.memory_space<semaphore_mem>>) {add = true}
      %get3A_2404 = arith.constant 3 : i32
      %get3A_2405 = arith.index_cast %get3A_2404 : i32 to index
      %get3A_2406 = arith.constant 0 : index
      %get3A_2407 = tpu.vector_load %arg10[%get3A_2405, %get3A_2406] {strides = array<i32>} : memref<8x64xi32, #tpu.memory_space<vmem>>, vector<16xi32>,
      tpu.vector_store_idx %arg12[%get3A_2407], %broadcast_in_dim3A_3 {add = true} : memref<10240xf32, #tpu.memory_space<vmem>>[vector<16xi32>], vector<16xf32>,
      %get3A_2408 = arith.constant 3 : i32
      %get3A_2409 = arith.index_cast %get3A_2408 : i32 to index
      %get3A_2410 = arith.constant 16 : index
      %get3A_2411 = tpu.vector_load %arg10[%get3A_2409, %get3A_2410] {strides = array<i32>} : memref<8x64xi32, #tpu.memory_space<vmem>>, vector<16xi32>,
      tpu.vector_store_idx %arg12[%get3A_2411], %broadcast_in_dim3A_3 {add = true} : memref<10240xf32, #tpu.memory_space<vmem>>[vector<16xi32>], vector<16xf32>,
      %get3A_2412 = arith.constant 3 : i32
      %get3A_2413 = arith.index_cast %get3A_2412 : i32 to index
      %get3A_2414 = arith.constant 32 : index
      %get3A_2415 = tpu.vector_load %arg10[%get3A_2413, %get3A_2414] {strides = array<i32>} : memref<8x64xi32, #tpu.memory_space<vmem>>, vector<16xi32>,
      tpu.vector_store_idx %arg12[%get3A_2415], %broadcast_in_dim3A_3 {add = true} : memref<10240xf32, #tpu.memory_space<vmem>>[vector<16xi32>], vector<16xf32>,
      %get3A_2416 = arith.constant 3 : i32
      %get3A_2417 = arith.index_cast %get3A_2416 : i32 to index
      %get3A_2418 = arith.constant 48 : index
      %get3A_2419 = tpu.vector_load %arg10[%get3A_2417, %get3A_2418] {strides = array<i32>} : memref<8x64xi32, #tpu.memory_space<vmem>>, vector<16xi32>,
      tpu.vector_store_idx %arg12[%get3A_2419], %broadcast_in_dim3A_3 {add = true} : memref<10240xf32, #tpu.memory_space<vmem>>[vector<16xi32>], vector<16xf32>,
      %add3A_2420 = arith.constant 4 : i32
      %add3A_2421 = arith.addi %mul3A_1931, %add3A_2420 : i32
      %dma_wait3A_2422 = arith.constant 0 : i32
      %dma_wait3A_2423 = arith.constant 4 : i32
      %dma_wait3A_2424 = arith.constant 0 : i32
      %dma_wait3A_2425 = tpu.memref_slice %arg9[%dma_wait3A_2423, %dma_wait3A_2424] : memref<8x64xi32, #tpu.memory_space<vmem>> -> memref<1x64xi32, #tpu.memory_space<vmem>>
      %dma_wait3A_2426 = tpu.memref_squeeze %dma_wait3A_2425 : memref<1x64xi32, #tpu.memory_space<vmem>> -> memref<64xi32, #tpu.memory_space<vmem>>
      %dma_wait3A_2427 = arith.constant 0 : i32
      %dma_wait3A_2428 = tpu.memref_slice %arg3[%add3A, %dma_wait3A_2422, %dma_wait3A_2427] : memref<32x160x64xi32, #tpu.memory_space<hbm>> -> memref<1x1x64xi32, #tpu.memory_space<hbm>>
      %dma_wait3A_2429 = tpu.memref_squeeze %dma_wait3A_2428 : memref<1x1x64xi32, #tpu.memory_space<hbm>> -> memref<64xi32, #tpu.memory_space<hbm>>
      %dma_wait3A_2430 = arith.constant 0 : i32
      %dma_wait3A_2431 = tpu.memref_slice %arg9[%dma_wait3A_2423, %dma_wait3A_2430] : memref<8x64xi32, #tpu.memory_space<vmem>> -> memref<1x64xi32, #tpu.memory_space<vmem>>
      %dma_wait3A_2432 = tpu.memref_squeeze %dma_wait3A_2431 : memref<1x64xi32, #tpu.memory_space<vmem>> -> memref<64xi32, #tpu.memory_space<vmem>>
      %dma_wait3A_2433 = arith.constant 0 : i32
      %dma_wait3A_2434 = tpu.memref_slice %arg3[%add3A, %dma_wait3A_2422, %dma_wait3A_2433] : memref<32x160x64xi32, #tpu.memory_space<hbm>> -> memref<1x1x64xi32, #tpu.memory_space<hbm>>
      %dma_wait3A_2435 = tpu.memref_squeeze %dma_wait3A_2434 : memref<1x1x64xi32, #tpu.memory_space<hbm>> -> memref<64xi32, #tpu.memory_space<hbm>>
      tpu.wait_dma2 semaphore(%arg18 : memref<!tpu.dma_semaphore, #tpu.memory_space<semaphore_mem>>) src(%dma_wait3A_2435 : memref<64xi32, #tpu.memory_space<hbm>>) dst(%dma_wait3A_2432 : memref<64xi32, #tpu.memory_space<vmem>>)
      %dma_wait3A_2436 = arith.constant 0 : i32
      %dma_wait3A_2437 = arith.constant 4 : i32
      %dma_wait3A_2438 = arith.constant 0 : i32
      %dma_wait3A_2439 = tpu.memref_slice %arg10[%dma_wait3A_2437, %dma_wait3A_2438] : memref<8x64xi32, #tpu.memory_space<vmem>> -> memref<1x64xi32, #tpu.memory_space<vmem>>
      %dma_wait3A_2440 = tpu.memref_squeeze %dma_wait3A_2439 : memref<1x64xi32, #tpu.memory_space<vmem>> -> memref<64xi32, #tpu.memory_space<vmem>>
      %dma_wait3A_2441 = arith.constant 0 : i32
      %dma_wait3A_2442 = tpu.memref_slice %arg4[%add3A, %dma_wait3A_2436, %dma_wait3A_2441] : memref<32x160x64xi32, #tpu.memory_space<hbm>> -> memref<1x1x64xi32, #tpu.memory_space<hbm>>
      %dma_wait3A_2443 = tpu.memref_squeeze %dma_wait3A_2442 : memref<1x1x64xi32, #tpu.memory_space<hbm>> -> memref<64xi32, #tpu.memory_space<hbm>>
      %dma_wait3A_2444 = arith.constant 0 : i32
      %dma_wait3A_2445 = tpu.memref_slice %arg10[%dma_wait3A_2437, %dma_wait3A_2444] : memref<8x64xi32, #tpu.memory_space<vmem>> -> memref<1x64xi32, #tpu.memory_space<vmem>>
      %dma_wait3A_2446 = tpu.memref_squeeze %dma_wait3A_2445 : memref<1x64xi32, #tpu.memory_space<vmem>> -> memref<64xi32, #tpu.memory_space<vmem>>
      %dma_wait3A_2447 = arith.constant 0 : i32
      %dma_wait3A_2448 = tpu.memref_slice %arg4[%add3A, %dma_wait3A_2436, %dma_wait3A_2447] : memref<32x160x64xi32, #tpu.memory_space<hbm>> -> memref<1x1x64xi32, #tpu.memory_space<hbm>>
      %dma_wait3A_2449 = tpu.memref_squeeze %dma_wait3A_2448 : memref<1x1x64xi32, #tpu.memory_space<hbm>> -> memref<64xi32, #tpu.memory_space<hbm>>
      tpu.wait_dma2 semaphore(%arg18 : memref<!tpu.dma_semaphore, #tpu.memory_space<semaphore_mem>>) src(%dma_wait3A_2449 : memref<64xi32, #tpu.memory_space<hbm>>) dst(%dma_wait3A_2446 : memref<64xi32, #tpu.memory_space<vmem>>)
      %dma_wait3A_2450 = arith.constant 0 : i32
      %dma_wait3A_2451 = arith.constant 0 : i32
      %dma_wait3A_2452 = arith.constant 0 : i32
      %dma_wait3A_2453 = arith.constant 0 : i32
      %dma_wait3A_2454 = tpu.memref_slice %arg11[%dma_wait3A_2450, %dma_wait3A_2452, %dma_wait3A_2453] : memref<4x64x128xf32, #tpu.memory_space<vmem>> -> memref<1x64x128xf32, #tpu.memory_space<vmem>>
      %dma_wait3A_2455 = tpu.memref_squeeze %dma_wait3A_2454 : memref<1x64x128xf32, #tpu.memory_space<vmem>> -> memref<64x128xf32, #tpu.memory_space<vmem>>
      %dma_wait3A_2456 = arith.constant 0 : i32
      %dma_wait3A_2457 = tpu.memref_slice %arg10[%dma_wait3A_2451, %dma_wait3A_2456] : memref<8x64xi32, #tpu.memory_space<vmem>> -> memref<1x64xi32, #tpu.memory_space<vmem>>
      %dma_wait3A_2458 = tpu.memref_squeeze %dma_wait3A_2457 : memref<1x64xi32, #tpu.memory_space<vmem>> -> memref<64xi32, #tpu.memory_space<vmem>>
      %dma_wait3A_2459 = arith.constant 0 : i32
      %dma_wait3A_2460 = arith.constant 0 : i32
      %dma_wait3A_2461 = tpu.memref_slice %arg13[%dma_wait3A_2459, %dma_wait3A_2460] : memref<10240x128xf32, #tpu.memory_space<vmem_shared>> -> memref<10240x128xf32, #tpu.memory_space<vmem_shared>>
      tpu.wait_indirect_dma semaphore(%arg26 : memref<!tpu.dma_semaphore, #tpu.memory_space<semaphore_mem>>) src(%dma_wait3A_2455 : memref<64x128xf32, #tpu.memory_space<vmem>>) dst(%dma_wait3A_2461 : memref<10240x128xf32, #tpu.memory_space<vmem_shared>>)
      %add3A_2462 = arith.constant 0 : i32
      %add3A_2463 = arith.addi %add3A_2421, %add3A_2462 : i32
      %add3A_2464 = arith.constant 4 : i32
      %add3A_2465 = arith.addi %add3A_2463, %add3A_2464 : i32
      %dma_start3A_2466 = arith.constant 0 : i32
      %dma_start3A_2467 = arith.constant 0 : i32
      %dma_start3A_2468 = tpu.memref_slice %arg9[%dma_start3A_2466, %dma_start3A_2467] : memref<8x64xi32, #tpu.memory_space<vmem>> -> memref<1x64xi32, #tpu.memory_space<vmem>>
      %dma_start3A_2469 = tpu.memref_squeeze %dma_start3A_2468 : memref<1x64xi32, #tpu.memory_space<vmem>> -> memref<64xi32, #tpu.memory_space<vmem>>
      %dma_start3A_2470 = arith.constant 0 : i32
      %dma_start3A_2471 = tpu.memref_slice %arg3[%add3A, %add3A_2465, %dma_start3A_2470] : memref<32x160x64xi32, #tpu.memory_space<hbm>> -> memref<1x1x64xi32, #tpu.memory_space<hbm>>
      %dma_start3A_2472 = tpu.memref_squeeze %dma_start3A_2471 : memref<1x1x64xi32, #tpu.memory_space<hbm>> -> memref<64xi32, #tpu.memory_space<hbm>>
      %dma_start3A_2473 = arith.constant 0 : i32
      %dma_start3A_2474 = tpu.memref_slice %arg9[%dma_start3A_2466, %dma_start3A_2473] : memref<8x64xi32, #tpu.memory_space<vmem>> -> memref<1x64xi32, #tpu.memory_space<vmem>>
      %dma_start3A_2475 = tpu.memref_squeeze %dma_start3A_2474 : memref<1x64xi32, #tpu.memory_space<vmem>> -> memref<64xi32, #tpu.memory_space<vmem>>
      %dma_start3A_2476 = arith.constant 0 : i32
      %dma_start3A_2477 = tpu.memref_slice %arg3[%add3A, %add3A_2465, %dma_start3A_2476] : memref<32x160x64xi32, #tpu.memory_space<hbm>> -> memref<1x1x64xi32, #tpu.memory_space<hbm>>
      %dma_start3A_2478 = tpu.memref_squeeze %dma_start3A_2477 : memref<1x1x64xi32, #tpu.memory_space<hbm>> -> memref<64xi32, #tpu.memory_space<hbm>>
      tpu.enqueue_dma source(%dma_start3A_2478 : memref<64xi32, #tpu.memory_space<hbm>>) target(%dma_start3A_2475 : memref<64xi32, #tpu.memory_space<vmem>>) target_semaphore(%arg14 : memref<!tpu.dma_semaphore, #tpu.memory_space<semaphore_mem>>)
      %dma_start3A_2479 = arith.constant 0 : i32
      %dma_start3A_2480 = arith.constant 0 : i32
      %dma_start3A_2481 = tpu.memref_slice %arg10[%dma_start3A_2479, %dma_start3A_2480] : memref<8x64xi32, #tpu.memory_space<vmem>> -> memref<1x64xi32, #tpu.memory_space<vmem>>
      %dma_start3A_2482 = tpu.memref_squeeze %dma_start3A_2481 : memref<1x64xi32, #tpu.memory_space<vmem>> -> memref<64xi32, #tpu.memory_space<vmem>>
      %dma_start3A_2483 = arith.constant 0 : i32
      %dma_start3A_2484 = tpu.memref_slice %arg4[%add3A, %add3A_2465, %dma_start3A_2483] : memref<32x160x64xi32, #tpu.memory_space<hbm>> -> memref<1x1x64xi32, #tpu.memory_space<hbm>>
      %dma_start3A_2485 = tpu.memref_squeeze %dma_start3A_2484 : memref<1x1x64xi32, #tpu.memory_space<hbm>> -> memref<64xi32, #tpu.memory_space<hbm>>
      %dma_start3A_2486 = arith.constant 0 : i32
      %dma_start3A_2487 = tpu.memref_slice %arg10[%dma_start3A_2479, %dma_start3A_2486] : memref<8x64xi32, #tpu.memory_space<vmem>> -> memref<1x64xi32, #tpu.memory_space<vmem>>
      %dma_start3A_2488 = tpu.memref_squeeze %dma_start3A_2487 : memref<1x64xi32, #tpu.memory_space<vmem>> -> memref<64xi32, #tpu.memory_space<vmem>>
      %dma_start3A_2489 = arith.constant 0 : i32
      %dma_start3A_2490 = tpu.memref_slice %arg4[%add3A, %add3A_2465, %dma_start3A_2489] : memref<32x160x64xi32, #tpu.memory_space<hbm>> -> memref<1x1x64xi32, #tpu.memory_space<hbm>>
      %dma_start3A_2491 = tpu.memref_squeeze %dma_start3A_2490 : memref<1x1x64xi32, #tpu.memory_space<hbm>> -> memref<64xi32, #tpu.memory_space<hbm>>
      tpu.enqueue_dma source(%dma_start3A_2491 : memref<64xi32, #tpu.memory_space<hbm>>) target(%dma_start3A_2488 : memref<64xi32, #tpu.memory_space<vmem>>) target_semaphore(%arg14 : memref<!tpu.dma_semaphore, #tpu.memory_space<semaphore_mem>>)
      %dma_start3A_2492 = arith.constant 4 : i32
      %dma_start3A_2493 = arith.constant 0 : i32
      %dma_start3A_2494 = arith.constant 0 : i32
      %dma_start3A_2495 = arith.constant 0 : i32
      %dma_start3A_2496 = tpu.memref_slice %arg11[%dma_start3A_2493, %dma_start3A_2494, %dma_start3A_2495] : memref<4x64x128xf32, #tpu.memory_space<vmem>> -> memref<1x64x128xf32, #tpu.memory_space<vmem>>
      %dma_start3A_2497 = tpu.memref_squeeze %dma_start3A_2496 : memref<1x64x128xf32, #tpu.memory_space<vmem>> -> memref<64x128xf32, #tpu.memory_space<vmem>>
      %dma_start3A_2498 = arith.constant 0 : i32
      %dma_start3A_2499 = tpu.memref_slice %arg9[%dma_start3A_2492, %dma_start3A_2498] : memref<8x64xi32, #tpu.memory_space<vmem>> -> memref<1x64xi32, #tpu.memory_space<vmem>>
      %dma_start3A_2500 = tpu.memref_squeeze %dma_start3A_2499 : memref<1x64xi32, #tpu.memory_space<vmem>> -> memref<64xi32, #tpu.memory_space<vmem>>
      %dma_start3A_2501 = arith.constant 0 : i32
      %dma_start3A_2502 = arith.constant 0 : i32
      %dma_start3A_2503 = tpu.memref_slice %arg2[%dma_start3A_2501, %dma_start3A_2502] : memref<10000x128xf32, #tpu.memory_space<hbm>> -> memref<10000x128xf32, #tpu.memory_space<hbm>>
      tpu.enqueue_indirect_dma source(%dma_start3A_2503 : memref<10000x128xf32, #tpu.memory_space<hbm>>) target(%dma_start3A_2497 : memref<64x128xf32, #tpu.memory_space<vmem>>) offsets(%dma_start3A_2500 : memref<64xi32, #tpu.memory_space<vmem>>) semaphore(%arg22 : memref<!tpu.dma_semaphore, #tpu.memory_space<semaphore_mem>>)
      %dma_wait3A_2504 = arith.constant 0 : i32
      %dma_wait3A_2505 = arith.constant 5 : i32
      %dma_wait3A_2506 = arith.constant 0 : i32
      %dma_wait3A_2507 = tpu.memref_slice %arg9[%dma_wait3A_2505, %dma_wait3A_2506] : memref<8x64xi32, #tpu.memory_space<vmem>> -> memref<1x64xi32, #tpu.memory_space<vmem>>
      %dma_wait3A_2508 = tpu.memref_squeeze %dma_wait3A_2507 : memref<1x64xi32, #tpu.memory_space<vmem>> -> memref<64xi32, #tpu.memory_space<vmem>>
      %dma_wait3A_2509 = arith.constant 0 : i32
      %dma_wait3A_2510 = tpu.memref_slice %arg3[%add3A, %dma_wait3A_2504, %dma_wait3A_2509] : memref<32x160x64xi32, #tpu.memory_space<hbm>> -> memref<1x1x64xi32, #tpu.memory_space<hbm>>
      %dma_wait3A_2511 = tpu.memref_squeeze %dma_wait3A_2510 : memref<1x1x64xi32, #tpu.memory_space<hbm>> -> memref<64xi32, #tpu.memory_space<hbm>>
      %dma_wait3A_2512 = arith.constant 0 : i32
      %dma_wait3A_2513 = tpu.memref_slice %arg9[%dma_wait3A_2505, %dma_wait3A_2512] : memref<8x64xi32, #tpu.memory_space<vmem>> -> memref<1x64xi32, #tpu.memory_space<vmem>>
      %dma_wait3A_2514 = tpu.memref_squeeze %dma_wait3A_2513 : memref<1x64xi32, #tpu.memory_space<vmem>> -> memref<64xi32, #tpu.memory_space<vmem>>
      %dma_wait3A_2515 = arith.constant 0 : i32
      %dma_wait3A_2516 = tpu.memref_slice %arg3[%add3A, %dma_wait3A_2504, %dma_wait3A_2515] : memref<32x160x64xi32, #tpu.memory_space<hbm>> -> memref<1x1x64xi32, #tpu.memory_space<hbm>>
      %dma_wait3A_2517 = tpu.memref_squeeze %dma_wait3A_2516 : memref<1x1x64xi32, #tpu.memory_space<hbm>> -> memref<64xi32, #tpu.memory_space<hbm>>
      tpu.wait_dma2 semaphore(%arg19 : memref<!tpu.dma_semaphore, #tpu.memory_space<semaphore_mem>>) src(%dma_wait3A_2517 : memref<64xi32, #tpu.memory_space<hbm>>) dst(%dma_wait3A_2514 : memref<64xi32, #tpu.memory_space<vmem>>)
      %dma_wait3A_2518 = arith.constant 0 : i32
      %dma_wait3A_2519 = arith.constant 5 : i32
      %dma_wait3A_2520 = arith.constant 0 : i32
      %dma_wait3A_2521 = tpu.memref_slice %arg10[%dma_wait3A_2519, %dma_wait3A_2520] : memref<8x64xi32, #tpu.memory_space<vmem>> -> memref<1x64xi32, #tpu.memory_space<vmem>>
      %dma_wait3A_2522 = tpu.memref_squeeze %dma_wait3A_2521 : memref<1x64xi32, #tpu.memory_space<vmem>> -> memref<64xi32, #tpu.memory_space<vmem>>
      %dma_wait3A_2523 = arith.constant 0 : i32
      %dma_wait3A_2524 = tpu.memref_slice %arg4[%add3A, %dma_wait3A_2518, %dma_wait3A_2523] : memref<32x160x64xi32, #tpu.memory_space<hbm>> -> memref<1x1x64xi32, #tpu.memory_space<hbm>>
      %dma_wait3A_2525 = tpu.memref_squeeze %dma_wait3A_2524 : memref<1x1x64xi32, #tpu.memory_space<hbm>> -> memref<64xi32, #tpu.memory_space<hbm>>
      %dma_wait3A_2526 = arith.constant 0 : i32
      %dma_wait3A_2527 = tpu.memref_slice %arg10[%dma_wait3A_2519, %dma_wait3A_2526] : memref<8x64xi32, #tpu.memory_space<vmem>> -> memref<1x64xi32, #tpu.memory_space<vmem>>
      %dma_wait3A_2528 = tpu.memref_squeeze %dma_wait3A_2527 : memref<1x64xi32, #tpu.memory_space<vmem>> -> memref<64xi32, #tpu.memory_space<vmem>>
      %dma_wait3A_2529 = arith.constant 0 : i32
      %dma_wait3A_2530 = tpu.memref_slice %arg4[%add3A, %dma_wait3A_2518, %dma_wait3A_2529] : memref<32x160x64xi32, #tpu.memory_space<hbm>> -> memref<1x1x64xi32, #tpu.memory_space<hbm>>
      %dma_wait3A_2531 = tpu.memref_squeeze %dma_wait3A_2530 : memref<1x1x64xi32, #tpu.memory_space<hbm>> -> memref<64xi32, #tpu.memory_space<hbm>>
      tpu.wait_dma2 semaphore(%arg19 : memref<!tpu.dma_semaphore, #tpu.memory_space<semaphore_mem>>) src(%dma_wait3A_2531 : memref<64xi32, #tpu.memory_space<hbm>>) dst(%dma_wait3A_2528 : memref<64xi32, #tpu.memory_space<vmem>>)
      %dma_wait3A_2532 = arith.constant 1 : i32
      %dma_wait3A_2533 = arith.constant 0 : i32
      %dma_wait3A_2534 = arith.constant 0 : i32
      %dma_wait3A_2535 = arith.constant 0 : i32
      %dma_wait3A_2536 = tpu.memref_slice %arg11[%dma_wait3A_2532, %dma_wait3A_2534, %dma_wait3A_2535] : memref<4x64x128xf32, #tpu.memory_space<vmem>> -> memref<1x64x128xf32, #tpu.memory_space<vmem>>
      %dma_wait3A_2537 = tpu.memref_squeeze %dma_wait3A_2536 : memref<1x64x128xf32, #tpu.memory_space<vmem>> -> memref<64x128xf32, #tpu.memory_space<vmem>>
      %dma_wait3A_2538 = arith.constant 0 : i32
      %dma_wait3A_2539 = tpu.memref_slice %arg10[%dma_wait3A_2533, %dma_wait3A_2538] : memref<8x64xi32, #tpu.memory_space<vmem>> -> memref<1x64xi32, #tpu.memory_space<vmem>>
      %dma_wait3A_2540 = tpu.memref_squeeze %dma_wait3A_2539 : memref<1x64xi32, #tpu.memory_space<vmem>> -> memref<64xi32, #tpu.memory_space<vmem>>
      %dma_wait3A_2541 = arith.constant 0 : i32
      %dma_wait3A_2542 = arith.constant 0 : i32
      %dma_wait3A_2543 = tpu.memref_slice %arg13[%dma_wait3A_2541, %dma_wait3A_2542] : memref<10240x128xf32, #tpu.memory_space<vmem_shared>> -> memref<10240x128xf32, #tpu.memory_space<vmem_shared>>
      tpu.wait_indirect_dma semaphore(%arg27 : memref<!tpu.dma_semaphore, #tpu.memory_space<semaphore_mem>>) src(%dma_wait3A_2537 : memref<64x128xf32, #tpu.memory_space<vmem>>) dst(%dma_wait3A_2543 : memref<10240x128xf32, #tpu.memory_space<vmem_shared>>)
      %add3A_2544 = arith.constant 1 : i32
      %add3A_2545 = arith.addi %add3A_2421, %add3A_2544 : i32
      %add3A_2546 = arith.constant 4 : i32
      %add3A_2547 = arith.addi %add3A_2545, %add3A_2546 : i32
      %dma_start3A_2548 = arith.constant 1 : i32
      %dma_start3A_2549 = arith.constant 0 : i32
      %dma_start3A_2550 = tpu.memref_slice %arg9[%dma_start3A_2548, %dma_start3A_2549] : memref<8x64xi32, #tpu.memory_space<vmem>> -> memref<1x64xi32, #tpu.memory_space<vmem>>
      %dma_start3A_2551 = tpu.memref_squeeze %dma_start3A_2550 : memref<1x64xi32, #tpu.memory_space<vmem>> -> memref<64xi32, #tpu.memory_space<vmem>>
      %dma_start3A_2552 = arith.constant 0 : i32
      %dma_start3A_2553 = tpu.memref_slice %arg3[%add3A, %add3A_2547, %dma_start3A_2552] : memref<32x160x64xi32, #tpu.memory_space<hbm>> -> memref<1x1x64xi32, #tpu.memory_space<hbm>>
      %dma_start3A_2554 = tpu.memref_squeeze %dma_start3A_2553 : memref<1x1x64xi32, #tpu.memory_space<hbm>> -> memref<64xi32, #tpu.memory_space<hbm>>
      %dma_start3A_2555 = arith.constant 0 : i32
      %dma_start3A_2556 = tpu.memref_slice %arg9[%dma_start3A_2548, %dma_start3A_2555] : memref<8x64xi32, #tpu.memory_space<vmem>> -> memref<1x64xi32, #tpu.memory_space<vmem>>
      %dma_start3A_2557 = tpu.memref_squeeze %dma_start3A_2556 : memref<1x64xi32, #tpu.memory_space<vmem>> -> memref<64xi32, #tpu.memory_space<vmem>>
      %dma_start3A_2558 = arith.constant 0 : i32
      %dma_start3A_2559 = tpu.memref_slice %arg3[%add3A, %add3A_2547, %dma_start3A_2558] : memref<32x160x64xi32, #tpu.memory_space<hbm>> -> memref<1x1x64xi32, #tpu.memory_space<hbm>>
      %dma_start3A_2560 = tpu.memref_squeeze %dma_start3A_2559 : memref<1x1x64xi32, #tpu.memory_space<hbm>> -> memref<64xi32, #tpu.memory_space<hbm>>
      tpu.enqueue_dma source(%dma_start3A_2560 : memref<64xi32, #tpu.memory_space<hbm>>) target(%dma_start3A_2557 : memref<64xi32, #tpu.memory_space<vmem>>) target_semaphore(%arg15 : memref<!tpu.dma_semaphore, #tpu.memory_space<semaphore_mem>>)
      %dma_start3A_2561 = arith.constant 1 : i32
      %dma_start3A_2562 = arith.constant 0 : i32
      %dma_start3A_2563 = tpu.memref_slice %arg10[%dma_start3A_2561, %dma_start3A_2562] : memref<8x64xi32, #tpu.memory_space<vmem>> -> memref<1x64xi32, #tpu.memory_space<vmem>>
      %dma_start3A_2564 = tpu.memref_squeeze %dma_start3A_2563 : memref<1x64xi32, #tpu.memory_space<vmem>> -> memref<64xi32, #tpu.memory_space<vmem>>
      %dma_start3A_2565 = arith.constant 0 : i32
      %dma_start3A_2566 = tpu.memref_slice %arg4[%add3A, %add3A_2547, %dma_start3A_2565] : memref<32x160x64xi32, #tpu.memory_space<hbm>> -> memref<1x1x64xi32, #tpu.memory_space<hbm>>
      %dma_start3A_2567 = tpu.memref_squeeze %dma_start3A_2566 : memref<1x1x64xi32, #tpu.memory_space<hbm>> -> memref<64xi32, #tpu.memory_space<hbm>>
      %dma_start3A_2568 = arith.constant 0 : i32
      %dma_start3A_2569 = tpu.memref_slice %arg10[%dma_start3A_2561, %dma_start3A_2568] : memref<8x64xi32, #tpu.memory_space<vmem>> -> memref<1x64xi32, #tpu.memory_space<vmem>>
      %dma_start3A_2570 = tpu.memref_squeeze %dma_start3A_2569 : memref<1x64xi32, #tpu.memory_space<vmem>> -> memref<64xi32, #tpu.memory_space<vmem>>
      %dma_start3A_2571 = arith.constant 0 : i32
      %dma_start3A_2572 = tpu.memref_slice %arg4[%add3A, %add3A_2547, %dma_start3A_2571] : memref<32x160x64xi32, #tpu.memory_space<hbm>> -> memref<1x1x64xi32, #tpu.memory_space<hbm>>
      %dma_start3A_2573 = tpu.memref_squeeze %dma_start3A_2572 : memref<1x1x64xi32, #tpu.memory_space<hbm>> -> memref<64xi32, #tpu.memory_space<hbm>>
      tpu.enqueue_dma source(%dma_start3A_2573 : memref<64xi32, #tpu.memory_space<hbm>>) target(%dma_start3A_2570 : memref<64xi32, #tpu.memory_space<vmem>>) target_semaphore(%arg15 : memref<!tpu.dma_semaphore, #tpu.memory_space<semaphore_mem>>)
      %dma_start3A_2574 = arith.constant 5 : i32
      %dma_start3A_2575 = arith.constant 1 : i32
      %dma_start3A_2576 = arith.constant 0 : i32
      %dma_start3A_2577 = arith.constant 0 : i32
      %dma_start3A_2578 = tpu.memref_slice %arg11[%dma_start3A_2575, %dma_start3A_2576, %dma_start3A_2577] : memref<4x64x128xf32, #tpu.memory_space<vmem>> -> memref<1x64x128xf32, #tpu.memory_space<vmem>>
      %dma_start3A_2579 = tpu.memref_squeeze %dma_start3A_2578 : memref<1x64x128xf32, #tpu.memory_space<vmem>> -> memref<64x128xf32, #tpu.memory_space<vmem>>
      %dma_start3A_2580 = arith.constant 0 : i32
      %dma_start3A_2581 = tpu.memref_slice %arg9[%dma_start3A_2574, %dma_start3A_2580] : memref<8x64xi32, #tpu.memory_space<vmem>> -> memref<1x64xi32, #tpu.memory_space<vmem>>
      %dma_start3A_2582 = tpu.memref_squeeze %dma_start3A_2581 : memref<1x64xi32, #tpu.memory_space<vmem>> -> memref<64xi32, #tpu.memory_space<vmem>>
      %dma_start3A_2583 = arith.constant 0 : i32
      %dma_start3A_2584 = arith.constant 0 : i32
      %dma_start3A_2585 = tpu.memref_slice %arg2[%dma_start3A_2583, %dma_start3A_2584] : memref<10000x128xf32, #tpu.memory_space<hbm>> -> memref<10000x128xf32, #tpu.memory_space<hbm>>
      tpu.enqueue_indirect_dma source(%dma_start3A_2585 : memref<10000x128xf32, #tpu.memory_space<hbm>>) target(%dma_start3A_2579 : memref<64x128xf32, #tpu.memory_space<vmem>>) offsets(%dma_start3A_2582 : memref<64xi32, #tpu.memory_space<vmem>>) semaphore(%arg23 : memref<!tpu.dma_semaphore, #tpu.memory_space<semaphore_mem>>)
      %dma_wait3A_2586 = arith.constant 0 : i32
      %dma_wait3A_2587 = arith.constant 6 : i32
      %dma_wait3A_2588 = arith.constant 0 : i32
      %dma_wait3A_2589 = tpu.memref_slice %arg9[%dma_wait3A_2587, %dma_wait3A_2588] : memref<8x64xi32, #tpu.memory_space<vmem>> -> memref<1x64xi32, #tpu.memory_space<vmem>>
      %dma_wait3A_2590 = tpu.memref_squeeze %dma_wait3A_2589 : memref<1x64xi32, #tpu.memory_space<vmem>> -> memref<64xi32, #tpu.memory_space<vmem>>
      %dma_wait3A_2591 = arith.constant 0 : i32
      %dma_wait3A_2592 = tpu.memref_slice %arg3[%add3A, %dma_wait3A_2586, %dma_wait3A_2591] : memref<32x160x64xi32, #tpu.memory_space<hbm>> -> memref<1x1x64xi32, #tpu.memory_space<hbm>>
      %dma_wait3A_2593 = tpu.memref_squeeze %dma_wait3A_2592 : memref<1x1x64xi32, #tpu.memory_space<hbm>> -> memref<64xi32, #tpu.memory_space<hbm>>
      %dma_wait3A_2594 = arith.constant 0 : i32
      %dma_wait3A_2595 = tpu.memref_slice %arg9[%dma_wait3A_2587, %dma_wait3A_2594] : memref<8x64xi32, #tpu.memory_space<vmem>> -> memref<1x64xi32, #tpu.memory_space<vmem>>
      %dma_wait3A_2596 = tpu.memref_squeeze %dma_wait3A_2595 : memref<1x64xi32, #tpu.memory_space<vmem>> -> memref<64xi32, #tpu.memory_space<vmem>>
      %dma_wait3A_2597 = arith.constant 0 : i32
      %dma_wait3A_2598 = tpu.memref_slice %arg3[%add3A, %dma_wait3A_2586, %dma_wait3A_2597] : memref<32x160x64xi32, #tpu.memory_space<hbm>> -> memref<1x1x64xi32, #tpu.memory_space<hbm>>
      %dma_wait3A_2599 = tpu.memref_squeeze %dma_wait3A_2598 : memref<1x1x64xi32, #tpu.memory_space<hbm>> -> memref<64xi32, #tpu.memory_space<hbm>>
      tpu.wait_dma2 semaphore(%arg20 : memref<!tpu.dma_semaphore, #tpu.memory_space<semaphore_mem>>) src(%dma_wait3A_2599 : memref<64xi32, #tpu.memory_space<hbm>>) dst(%dma_wait3A_2596 : memref<64xi32, #tpu.memory_space<vmem>>)
      %dma_wait3A_2600 = arith.constant 0 : i32
      %dma_wait3A_2601 = arith.constant 6 : i32
      %dma_wait3A_2602 = arith.constant 0 : i32
      %dma_wait3A_2603 = tpu.memref_slice %arg10[%dma_wait3A_2601, %dma_wait3A_2602] : memref<8x64xi32, #tpu.memory_space<vmem>> -> memref<1x64xi32, #tpu.memory_space<vmem>>
      %dma_wait3A_2604 = tpu.memref_squeeze %dma_wait3A_2603 : memref<1x64xi32, #tpu.memory_space<vmem>> -> memref<64xi32, #tpu.memory_space<vmem>>
      %dma_wait3A_2605 = arith.constant 0 : i32
      %dma_wait3A_2606 = tpu.memref_slice %arg4[%add3A, %dma_wait3A_2600, %dma_wait3A_2605] : memref<32x160x64xi32, #tpu.memory_space<hbm>> -> memref<1x1x64xi32, #tpu.memory_space<hbm>>
      %dma_wait3A_2607 = tpu.memref_squeeze %dma_wait3A_2606 : memref<1x1x64xi32, #tpu.memory_space<hbm>> -> memref<64xi32, #tpu.memory_space<hbm>>
      %dma_wait3A_2608 = arith.constant 0 : i32
      %dma_wait3A_2609 = tpu.memref_slice %arg10[%dma_wait3A_2601, %dma_wait3A_2608] : memref<8x64xi32, #tpu.memory_space<vmem>> -> memref<1x64xi32, #tpu.memory_space<vmem>>
      %dma_wait3A_2610 = tpu.memref_squeeze %dma_wait3A_2609 : memref<1x64xi32, #tpu.memory_space<vmem>> -> memref<64xi32, #tpu.memory_space<vmem>>
      %dma_wait3A_2611 = arith.constant 0 : i32
      %dma_wait3A_2612 = tpu.memref_slice %arg4[%add3A, %dma_wait3A_2600, %dma_wait3A_2611] : memref<32x160x64xi32, #tpu.memory_space<hbm>> -> memref<1x1x64xi32, #tpu.memory_space<hbm>>
      %dma_wait3A_2613 = tpu.memref_squeeze %dma_wait3A_2612 : memref<1x1x64xi32, #tpu.memory_space<hbm>> -> memref<64xi32, #tpu.memory_space<hbm>>
      tpu.wait_dma2 semaphore(%arg20 : memref<!tpu.dma_semaphore, #tpu.memory_space<semaphore_mem>>) src(%dma_wait3A_2613 : memref<64xi32, #tpu.memory_space<hbm>>) dst(%dma_wait3A_2610 : memref<64xi32, #tpu.memory_space<vmem>>)
      %dma_wait3A_2614 = arith.constant 2 : i32
      %dma_wait3A_2615 = arith.constant 0 : i32
      %dma_wait3A_2616 = arith.constant 0 : i32
      %dma_wait3A_2617 = arith.constant 0 : i32
      %dma_wait3A_2618 = tpu.memref_slice %arg11[%dma_wait3A_2614, %dma_wait3A_2616, %dma_wait3A_2617] : memref<4x64x128xf32, #tpu.memory_space<vmem>> -> memref<1x64x128xf32, #tpu.memory_space<vmem>>
      %dma_wait3A_2619 = tpu.memref_squeeze %dma_wait3A_2618 : memref<1x64x128xf32, #tpu.memory_space<vmem>> -> memref<64x128xf32, #tpu.memory_space<vmem>>
      %dma_wait3A_2620 = arith.constant 0 : i32
      %dma_wait3A_2621 = tpu.memref_slice %arg10[%dma_wait3A_2615, %dma_wait3A_2620] : memref<8x64xi32, #tpu.memory_space<vmem>> -> memref<1x64xi32, #tpu.memory_space<vmem>>
      %dma_wait3A_2622 = tpu.memref_squeeze %dma_wait3A_2621 : memref<1x64xi32, #tpu.memory_space<vmem>> -> memref<64xi32, #tpu.memory_space<vmem>>
      %dma_wait3A_2623 = arith.constant 0 : i32
      %dma_wait3A_2624 = arith.constant 0 : i32
      %dma_wait3A_2625 = tpu.memref_slice %arg13[%dma_wait3A_2623, %dma_wait3A_2624] : memref<10240x128xf32, #tpu.memory_space<vmem_shared>> -> memref<10240x128xf32, #tpu.memory_space<vmem_shared>>
      tpu.wait_indirect_dma semaphore(%arg28 : memref<!tpu.dma_semaphore, #tpu.memory_space<semaphore_mem>>) src(%dma_wait3A_2619 : memref<64x128xf32, #tpu.memory_space<vmem>>) dst(%dma_wait3A_2625 : memref<10240x128xf32, #tpu.memory_space<vmem_shared>>)
      %add3A_2626 = arith.constant 2 : i32
      %add3A_2627 = arith.addi %add3A_2421, %add3A_2626 : i32
      %add3A_2628 = arith.constant 4 : i32
      %add3A_2629 = arith.addi %add3A_2627, %add3A_2628 : i32
      %dma_start3A_2630 = arith.constant 2 : i32
      %dma_start3A_2631 = arith.constant 0 : i32
      %dma_start3A_2632 = tpu.memref_slice %arg9[%dma_start3A_2630, %dma_start3A_2631] : memref<8x64xi32, #tpu.memory_space<vmem>> -> memref<1x64xi32, #tpu.memory_space<vmem>>
      %dma_start3A_2633 = tpu.memref_squeeze %dma_start3A_2632 : memref<1x64xi32, #tpu.memory_space<vmem>> -> memref<64xi32, #tpu.memory_space<vmem>>
      %dma_start3A_2634 = arith.constant 0 : i32
      %dma_start3A_2635 = tpu.memref_slice %arg3[%add3A, %add3A_2629, %dma_start3A_2634] : memref<32x160x64xi32, #tpu.memory_space<hbm>> -> memref<1x1x64xi32, #tpu.memory_space<hbm>>
      %dma_start3A_2636 = tpu.memref_squeeze %dma_start3A_2635 : memref<1x1x64xi32, #tpu.memory_space<hbm>> -> memref<64xi32, #tpu.memory_space<hbm>>
      %dma_start3A_2637 = arith.constant 0 : i32
      %dma_start3A_2638 = tpu.memref_slice %arg9[%dma_start3A_2630, %dma_start3A_2637] : memref<8x64xi32, #tpu.memory_space<vmem>> -> memref<1x64xi32, #tpu.memory_space<vmem>>
      %dma_start3A_2639 = tpu.memref_squeeze %dma_start3A_2638 : memref<1x64xi32, #tpu.memory_space<vmem>> -> memref<64xi32, #tpu.memory_space<vmem>>
      %dma_start3A_2640 = arith.constant 0 : i32
      %dma_start3A_2641 = tpu.memref_slice %arg3[%add3A, %add3A_2629, %dma_start3A_2640] : memref<32x160x64xi32, #tpu.memory_space<hbm>> -> memref<1x1x64xi32, #tpu.memory_space<hbm>>
      %dma_start3A_2642 = tpu.memref_squeeze %dma_start3A_2641 : memref<1x1x64xi32, #tpu.memory_space<hbm>> -> memref<64xi32, #tpu.memory_space<hbm>>
      tpu.enqueue_dma source(%dma_start3A_2642 : memref<64xi32, #tpu.memory_space<hbm>>) target(%dma_start3A_2639 : memref<64xi32, #tpu.memory_space<vmem>>) target_semaphore(%arg16 : memref<!tpu.dma_semaphore, #tpu.memory_space<semaphore_mem>>)
      %dma_start3A_2643 = arith.constant 2 : i32
      %dma_start3A_2644 = arith.constant 0 : i32
      %dma_start3A_2645 = tpu.memref_slice %arg10[%dma_start3A_2643, %dma_start3A_2644] : memref<8x64xi32, #tpu.memory_space<vmem>> -> memref<1x64xi32, #tpu.memory_space<vmem>>
      %dma_start3A_2646 = tpu.memref_squeeze %dma_start3A_2645 : memref<1x64xi32, #tpu.memory_space<vmem>> -> memref<64xi32, #tpu.memory_space<vmem>>
      %dma_start3A_2647 = arith.constant 0 : i32
      %dma_start3A_2648 = tpu.memref_slice %arg4[%add3A, %add3A_2629, %dma_start3A_2647] : memref<32x160x64xi32, #tpu.memory_space<hbm>> -> memref<1x1x64xi32, #tpu.memory_space<hbm>>
      %dma_start3A_2649 = tpu.memref_squeeze %dma_start3A_2648 : memref<1x1x64xi32, #tpu.memory_space<hbm>> -> memref<64xi32, #tpu.memory_space<hbm>>
      %dma_start3A_2650 = arith.constant 0 : i32
      %dma_start3A_2651 = tpu.memref_slice %arg10[%dma_start3A_2643, %dma_start3A_2650] : memref<8x64xi32, #tpu.memory_space<vmem>> -> memref<1x64xi32, #tpu.memory_space<vmem>>
      %dma_start3A_2652 = tpu.memref_squeeze %dma_start3A_2651 : memref<1x64xi32, #tpu.memory_space<vmem>> -> memref<64xi32, #tpu.memory_space<vmem>>
      %dma_start3A_2653 = arith.constant 0 : i32
      %dma_start3A_2654 = tpu.memref_slice %arg4[%add3A, %add3A_2629, %dma_start3A_2653] : memref<32x160x64xi32, #tpu.memory_space<hbm>> -> memref<1x1x64xi32, #tpu.memory_space<hbm>>
      %dma_start3A_2655 = tpu.memref_squeeze %dma_start3A_2654 : memref<1x1x64xi32, #tpu.memory_space<hbm>> -> memref<64xi32, #tpu.memory_space<hbm>>
      tpu.enqueue_dma source(%dma_start3A_2655 : memref<64xi32, #tpu.memory_space<hbm>>) target(%dma_start3A_2652 : memref<64xi32, #tpu.memory_space<vmem>>) target_semaphore(%arg16 : memref<!tpu.dma_semaphore, #tpu.memory_space<semaphore_mem>>)
      %dma_start3A_2656 = arith.constant 6 : i32
      %dma_start3A_2657 = arith.constant 2 : i32
      %dma_start3A_2658 = arith.constant 0 : i32
      %dma_start3A_2659 = arith.constant 0 : i32
      %dma_start3A_2660 = tpu.memref_slice %arg11[%dma_start3A_2657, %dma_start3A_2658, %dma_start3A_2659] : memref<4x64x128xf32, #tpu.memory_space<vmem>> -> memref<1x64x128xf32, #tpu.memory_space<vmem>>
      %dma_start3A_2661 = tpu.memref_squeeze %dma_start3A_2660 : memref<1x64x128xf32, #tpu.memory_space<vmem>> -> memref<64x128xf32, #tpu.memory_space<vmem>>
      %dma_start3A_2662 = arith.constant 0 : i32
      %dma_start3A_2663 = tpu.memref_slice %arg9[%dma_start3A_2656, %dma_start3A_2662] : memref<8x64xi32, #tpu.memory_space<vmem>> -> memref<1x64xi32, #tpu.memory_space<vmem>>
      %dma_start3A_2664 = tpu.memref_squeeze %dma_start3A_2663 : memref<1x64xi32, #tpu.memory_space<vmem>> -> memref<64xi32, #tpu.memory_space<vmem>>
      %dma_start3A_2665 = arith.constant 0 : i32
      %dma_start3A_2666 = arith.constant 0 : i32
      %dma_start3A_2667 = tpu.memref_slice %arg2[%dma_start3A_2665, %dma_start3A_2666] : memref<10000x128xf32, #tpu.memory_space<hbm>> -> memref<10000x128xf32, #tpu.memory_space<hbm>>
      tpu.enqueue_indirect_dma source(%dma_start3A_2667 : memref<10000x128xf32, #tpu.memory_space<hbm>>) target(%dma_start3A_2661 : memref<64x128xf32, #tpu.memory_space<vmem>>) offsets(%dma_start3A_2664 : memref<64xi32, #tpu.memory_space<vmem>>) semaphore(%arg24 : memref<!tpu.dma_semaphore, #tpu.memory_space<semaphore_mem>>)
      %dma_wait3A_2668 = arith.constant 0 : i32
      %dma_wait3A_2669 = arith.constant 7 : i32
      %dma_wait3A_2670 = arith.constant 0 : i32
      %dma_wait3A_2671 = tpu.memref_slice %arg9[%dma_wait3A_2669, %dma_wait3A_2670] : memref<8x64xi32, #tpu.memory_space<vmem>> -> memref<1x64xi32, #tpu.memory_space<vmem>>
      %dma_wait3A_2672 = tpu.memref_squeeze %dma_wait3A_2671 : memref<1x64xi32, #tpu.memory_space<vmem>> -> memref<64xi32, #tpu.memory_space<vmem>>
      %dma_wait3A_2673 = arith.constant 0 : i32
      %dma_wait3A_2674 = tpu.memref_slice %arg3[%add3A, %dma_wait3A_2668, %dma_wait3A_2673] : memref<32x160x64xi32, #tpu.memory_space<hbm>> -> memref<1x1x64xi32, #tpu.memory_space<hbm>>
      %dma_wait3A_2675 = tpu.memref_squeeze %dma_wait3A_2674 : memref<1x1x64xi32, #tpu.memory_space<hbm>> -> memref<64xi32, #tpu.memory_space<hbm>>
      %dma_wait3A_2676 = arith.constant 0 : i32
      %dma_wait3A_2677 = tpu.memref_slice %arg9[%dma_wait3A_2669, %dma_wait3A_2676] : memref<8x64xi32, #tpu.memory_space<vmem>> -> memref<1x64xi32, #tpu.memory_space<vmem>>
      %dma_wait3A_2678 = tpu.memref_squeeze %dma_wait3A_2677 : memref<1x64xi32, #tpu.memory_space<vmem>> -> memref<64xi32, #tpu.memory_space<vmem>>
      %dma_wait3A_2679 = arith.constant 0 : i32
      %dma_wait3A_2680 = tpu.memref_slice %arg3[%add3A, %dma_wait3A_2668, %dma_wait3A_2679] : memref<32x160x64xi32, #tpu.memory_space<hbm>> -> memref<1x1x64xi32, #tpu.memory_space<hbm>>
      %dma_wait3A_2681 = tpu.memref_squeeze %dma_wait3A_2680 : memref<1x1x64xi32, #tpu.memory_space<hbm>> -> memref<64xi32, #tpu.memory_space<hbm>>
      tpu.wait_dma2 semaphore(%arg21 : memref<!tpu.dma_semaphore, #tpu.memory_space<semaphore_mem>>) src(%dma_wait3A_2681 : memref<64xi32, #tpu.memory_space<hbm>>) dst(%dma_wait3A_2678 : memref<64xi32, #tpu.memory_space<vmem>>)
      %dma_wait3A_2682 = arith.constant 0 : i32
      %dma_wait3A_2683 = arith.constant 7 : i32
      %dma_wait3A_2684 = arith.constant 0 : i32
      %dma_wait3A_2685 = tpu.memref_slice %arg10[%dma_wait3A_2683, %dma_wait3A_2684] : memref<8x64xi32, #tpu.memory_space<vmem>> -> memref<1x64xi32, #tpu.memory_space<vmem>>
      %dma_wait3A_2686 = tpu.memref_squeeze %dma_wait3A_2685 : memref<1x64xi32, #tpu.memory_space<vmem>> -> memref<64xi32, #tpu.memory_space<vmem>>
      %dma_wait3A_2687 = arith.constant 0 : i32
      %dma_wait3A_2688 = tpu.memref_slice %arg4[%add3A, %dma_wait3A_2682, %dma_wait3A_2687] : memref<32x160x64xi32, #tpu.memory_space<hbm>> -> memref<1x1x64xi32, #tpu.memory_space<hbm>>
      %dma_wait3A_2689 = tpu.memref_squeeze %dma_wait3A_2688 : memref<1x1x64xi32, #tpu.memory_space<hbm>> -> memref<64xi32, #tpu.memory_space<hbm>>
      %dma_wait3A_2690 = arith.constant 0 : i32
      %dma_wait3A_2691 = tpu.memref_slice %arg10[%dma_wait3A_2683, %dma_wait3A_2690] : memref<8x64xi32, #tpu.memory_space<vmem>> -> memref<1x64xi32, #tpu.memory_space<vmem>>
      %dma_wait3A_2692 = tpu.memref_squeeze %dma_wait3A_2691 : memref<1x64xi32, #tpu.memory_space<vmem>> -> memref<64xi32, #tpu.memory_space<vmem>>
      %dma_wait3A_2693 = arith.constant 0 : i32
      %dma_wait3A_2694 = tpu.memref_slice %arg4[%add3A, %dma_wait3A_2682, %dma_wait3A_2693] : memref<32x160x64xi32, #tpu.memory_space<hbm>> -> memref<1x1x64xi32, #tpu.memory_space<hbm>>
      %dma_wait3A_2695 = tpu.memref_squeeze %dma_wait3A_2694 : memref<1x1x64xi32, #tpu.memory_space<hbm>> -> memref<64xi32, #tpu.memory_space<hbm>>
      tpu.wait_dma2 semaphore(%arg21 : memref<!tpu.dma_semaphore, #tpu.memory_space<semaphore_mem>>) src(%dma_wait3A_2695 : memref<64xi32, #tpu.memory_space<hbm>>) dst(%dma_wait3A_2692 : memref<64xi32, #tpu.memory_space<vmem>>)
      %dma_wait3A_2696 = arith.constant 3 : i32
      %dma_wait3A_2697 = arith.constant 0 : i32
      %dma_wait3A_2698 = arith.constant 0 : i32
      %dma_wait3A_2699 = arith.constant 0 : i32
      %dma_wait3A_2700 = tpu.memref_slice %arg11[%dma_wait3A_2696, %dma_wait3A_2698, %dma_wait3A_2699] : memref<4x64x128xf32, #tpu.memory_space<vmem>> -> memref<1x64x128xf32, #tpu.memory_space<vmem>>
      %dma_wait3A_2701 = tpu.memref_squeeze %dma_wait3A_2700 : memref<1x64x128xf32, #tpu.memory_space<vmem>> -> memref<64x128xf32, #tpu.memory_space<vmem>>
      %dma_wait3A_2702 = arith.constant 0 : i32
      %dma_wait3A_2703 = tpu.memref_slice %arg10[%dma_wait3A_2697, %dma_wait3A_2702] : memref<8x64xi32, #tpu.memory_space<vmem>> -> memref<1x64xi32, #tpu.memory_space<vmem>>
      %dma_wait3A_2704 = tpu.memref_squeeze %dma_wait3A_2703 : memref<1x64xi32, #tpu.memory_space<vmem>> -> memref<64xi32, #tpu.memory_space<vmem>>
      %dma_wait3A_2705 = arith.constant 0 : i32
      %dma_wait3A_2706 = arith.constant 0 : i32
      %dma_wait3A_2707 = tpu.memref_slice %arg13[%dma_wait3A_2705, %dma_wait3A_2706] : memref<10240x128xf32, #tpu.memory_space<vmem_shared>> -> memref<10240x128xf32, #tpu.memory_space<vmem_shared>>
      tpu.wait_indirect_dma semaphore(%arg29 : memref<!tpu.dma_semaphore, #tpu.memory_space<semaphore_mem>>) src(%dma_wait3A_2701 : memref<64x128xf32, #tpu.memory_space<vmem>>) dst(%dma_wait3A_2707 : memref<10240x128xf32, #tpu.memory_space<vmem_shared>>)
      %add3A_2708 = arith.constant 3 : i32
      %add3A_2709 = arith.addi %add3A_2421, %add3A_2708 : i32
      %add3A_2710 = arith.constant 4 : i32
      %add3A_2711 = arith.addi %add3A_2709, %add3A_2710 : i32
      %dma_start3A_2712 = arith.constant 3 : i32
      %dma_start3A_2713 = arith.constant 0 : i32
      %dma_start3A_2714 = tpu.memref_slice %arg9[%dma_start3A_2712, %dma_start3A_2713] : memref<8x64xi32, #tpu.memory_space<vmem>> -> memref<1x64xi32, #tpu.memory_space<vmem>>
      %dma_start3A_2715 = tpu.memref_squeeze %dma_start3A_2714 : memref<1x64xi32, #tpu.memory_space<vmem>> -> memref<64xi32, #tpu.memory_space<vmem>>
      %dma_start3A_2716 = arith.constant 0 : i32
      %dma_start3A_2717 = tpu.memref_slice %arg3[%add3A, %add3A_2711, %dma_start3A_2716] : memref<32x160x64xi32, #tpu.memory_space<hbm>> -> memref<1x1x64xi32, #tpu.memory_space<hbm>>
      %dma_start3A_2718 = tpu.memref_squeeze %dma_start3A_2717 : memref<1x1x64xi32, #tpu.memory_space<hbm>> -> memref<64xi32, #tpu.memory_space<hbm>>
      %dma_start3A_2719 = arith.constant 0 : i32
      %dma_start3A_2720 = tpu.memref_slice %arg9[%dma_start3A_2712, %dma_start3A_2719] : memref<8x64xi32, #tpu.memory_space<vmem>> -> memref<1x64xi32, #tpu.memory_space<vmem>>
      %dma_start3A_2721 = tpu.memref_squeeze %dma_start3A_2720 : memref<1x64xi32, #tpu.memory_space<vmem>> -> memref<64xi32, #tpu.memory_space<vmem>>
      %dma_start3A_2722 = arith.constant 0 : i32
      %dma_start3A_2723 = tpu.memref_slice %arg3[%add3A, %add3A_2711, %dma_start3A_2722] : memref<32x160x64xi32, #tpu.memory_space<hbm>> -> memref<1x1x64xi32, #tpu.memory_space<hbm>>
      %dma_start3A_2724 = tpu.memref_squeeze %dma_start3A_2723 : memref<1x1x64xi32, #tpu.memory_space<hbm>> -> memref<64xi32, #tpu.memory_space<hbm>>
      tpu.enqueue_dma source(%dma_start3A_2724 : memref<64xi32, #tpu.memory_space<hbm>>) target(%dma_start3A_2721 : memref<64xi32, #tpu.memory_space<vmem>>) target_semaphore(%arg17 : memref<!tpu.dma_semaphore, #tpu.memory_space<semaphore_mem>>)
      %dma_start3A_2725 = arith.constant 3 : i32
      %dma_start3A_2726 = arith.constant 0 : i32
      %dma_start3A_2727 = tpu.memref_slice %arg10[%dma_start3A_2725, %dma_start3A_2726] : memref<8x64xi32, #tpu.memory_space<vmem>> -> memref<1x64xi32, #tpu.memory_space<vmem>>
      %dma_start3A_2728 = tpu.memref_squeeze %dma_start3A_2727 : memref<1x64xi32, #tpu.memory_space<vmem>> -> memref<64xi32, #tpu.memory_space<vmem>>
      %dma_start3A_2729 = arith.constant 0 : i32
      %dma_start3A_2730 = tpu.memref_slice %arg4[%add3A, %add3A_2711, %dma_start3A_2729] : memref<32x160x64xi32, #tpu.memory_space<hbm>> -> memref<1x1x64xi32, #tpu.memory_space<hbm>>
      %dma_start3A_2731 = tpu.memref_squeeze %dma_start3A_2730 : memref<1x1x64xi32, #tpu.memory_space<hbm>> -> memref<64xi32, #tpu.memory_space<hbm>>
      %dma_start3A_2732 = arith.constant 0 : i32
      %dma_start3A_2733 = tpu.memref_slice %arg10[%dma_start3A_2725, %dma_start3A_2732] : memref<8x64xi32, #tpu.memory_space<vmem>> -> memref<1x64xi32, #tpu.memory_space<vmem>>
      %dma_start3A_2734 = tpu.memref_squeeze %dma_start3A_2733 : memref<1x64xi32, #tpu.memory_space<vmem>> -> memref<64xi32, #tpu.memory_space<vmem>>
      %dma_start3A_2735 = arith.constant 0 : i32
      %dma_start3A_2736 = tpu.memref_slice %arg4[%add3A, %add3A_2711, %dma_start3A_2735] : memref<32x160x64xi32, #tpu.memory_space<hbm>> -> memref<1x1x64xi32, #tpu.memory_space<hbm>>
      %dma_start3A_2737 = tpu.memref_squeeze %dma_start3A_2736 : memref<1x1x64xi32, #tpu.memory_space<hbm>> -> memref<64xi32, #tpu.memory_space<hbm>>
      tpu.enqueue_dma source(%dma_start3A_2737 : memref<64xi32, #tpu.memory_space<hbm>>) target(%dma_start3A_2734 : memref<64xi32, #tpu.memory_space<vmem>>) target_semaphore(%arg17 : memref<!tpu.dma_semaphore, #tpu.memory_space<semaphore_mem>>)
      %dma_start3A_2738 = arith.constant 7 : i32
      %dma_start3A_2739 = arith.constant 3 : i32
      %dma_start3A_2740 = arith.constant 0 : i32
      %dma_start3A_2741 = arith.constant 0 : i32
      %dma_start3A_2742 = tpu.memref_slice %arg11[%dma_start3A_2739, %dma_start3A_2740, %dma_start3A_2741] : memref<4x64x128xf32, #tpu.memory_space<vmem>> -> memref<1x64x128xf32, #tpu.memory_space<vmem>>
      %dma_start3A_2743 = tpu.memref_squeeze %dma_start3A_2742 : memref<1x64x128xf32, #tpu.memory_space<vmem>> -> memref<64x128xf32, #tpu.memory_space<vmem>>
      %dma_start3A_2744 = arith.constant 0 : i32
      %dma_start3A_2745 = tpu.memref_slice %arg9[%dma_start3A_2738, %dma_start3A_2744] : memref<8x64xi32, #tpu.memory_space<vmem>> -> memref<1x64xi32, #tpu.memory_space<vmem>>
      %dma_start3A_2746 = tpu.memref_squeeze %dma_start3A_2745 : memref<1x64xi32, #tpu.memory_space<vmem>> -> memref<64xi32, #tpu.memory_space<vmem>>
      %dma_start3A_2747 = arith.constant 0 : i32
      %dma_start3A_2748 = arith.constant 0 : i32
      %dma_start3A_2749 = tpu.memref_slice %arg2[%dma_start3A_2747, %dma_start3A_2748] : memref<10000x128xf32, #tpu.memory_space<hbm>> -> memref<10000x128xf32, #tpu.memory_space<hbm>>
      tpu.enqueue_indirect_dma source(%dma_start3A_2749 : memref<10000x128xf32, #tpu.memory_space<hbm>>) target(%dma_start3A_2743 : memref<64x128xf32, #tpu.memory_space<vmem>>) offsets(%dma_start3A_2746 : memref<64xi32, #tpu.memory_space<vmem>>) semaphore(%arg25 : memref<!tpu.dma_semaphore, #tpu.memory_space<semaphore_mem>>)
      %dma_wait3A_2750 = arith.constant 0 : i32
      %dma_wait3A_2751 = arith.constant 0 : i32
      %dma_wait3A_2752 = arith.constant 0 : i32
      %dma_wait3A_2753 = arith.constant 0 : i32
      %dma_wait3A_2754 = tpu.memref_slice %arg11[%dma_wait3A_2751, %dma_wait3A_2752, %dma_wait3A_2753] : memref<4x64x128xf32, #tpu.memory_space<vmem>> -> memref<1x64x128xf32, #tpu.memory_space<vmem>>
      %dma_wait3A_2755 = tpu.memref_squeeze %dma_wait3A_2754 : memref<1x64x128xf32, #tpu.memory_space<vmem>> -> memref<64x128xf32, #tpu.memory_space<vmem>>
      %dma_wait3A_2756 = arith.constant 0 : i32
      %dma_wait3A_2757 = tpu.memref_slice %arg9[%dma_wait3A_2750, %dma_wait3A_2756] : memref<8x64xi32, #tpu.memory_space<vmem>> -> memref<1x64xi32, #tpu.memory_space<vmem>>
      %dma_wait3A_2758 = tpu.memref_squeeze %dma_wait3A_2757 : memref<1x64xi32, #tpu.memory_space<vmem>> -> memref<64xi32, #tpu.memory_space<vmem>>
      %dma_wait3A_2759 = arith.constant 0 : i32
      %dma_wait3A_2760 = arith.constant 0 : i32
      %dma_wait3A_2761 = tpu.memref_slice %arg2[%dma_wait3A_2759, %dma_wait3A_2760] : memref<10000x128xf32, #tpu.memory_space<hbm>> -> memref<10000x128xf32, #tpu.memory_space<hbm>>
      tpu.wait_indirect_dma semaphore(%arg22 : memref<!tpu.dma_semaphore, #tpu.memory_space<semaphore_mem>>) src(%dma_wait3A_2761 : memref<10000x128xf32, #tpu.memory_space<hbm>>) dst(%dma_wait3A_2755 : memref<64x128xf32, #tpu.memory_space<vmem>>)
      %dma_start3A_2762 = arith.constant 0 : i32
      %dma_start3A_2763 = arith.constant 4 : i32
      %dma_start3A_2764 = arith.constant 0 : i32
      %dma_start3A_2765 = arith.constant 0 : i32
      %dma_start3A_2766 = tpu.memref_slice %arg11[%dma_start3A_2762, %dma_start3A_2764, %dma_start3A_2765] : memref<4x64x128xf32, #tpu.memory_space<vmem>> -> memref<1x64x128xf32, #tpu.memory_space<vmem>>
      %dma_start3A_2767 = tpu.memref_squeeze %dma_start3A_2766 : memref<1x64x128xf32, #tpu.memory_space<vmem>> -> memref<64x128xf32, #tpu.memory_space<vmem>>
      %dma_start3A_2768 = arith.constant 0 : i32
      %dma_start3A_2769 = tpu.memref_slice %arg10[%dma_start3A_2763, %dma_start3A_2768] : memref<8x64xi32, #tpu.memory_space<vmem>> -> memref<1x64xi32, #tpu.memory_space<vmem>>
      %dma_start3A_2770 = tpu.memref_squeeze %dma_start3A_2769 : memref<1x64xi32, #tpu.memory_space<vmem>> -> memref<64xi32, #tpu.memory_space<vmem>>
      %dma_start3A_2771 = arith.constant 0 : i32
      %dma_start3A_2772 = arith.constant 0 : i32
      %dma_start3A_2773 = tpu.memref_slice %arg13[%dma_start3A_2771, %dma_start3A_2772] : memref<10240x128xf32, #tpu.memory_space<vmem_shared>> -> memref<10240x128xf32, #tpu.memory_space<vmem_shared>>
      tpu.enqueue_indirect_dma source(%dma_start3A_2767 : memref<64x128xf32, #tpu.memory_space<vmem>>) target(%dma_start3A_2773 : memref<10240x128xf32, #tpu.memory_space<vmem_shared>>) offsets(%dma_start3A_2770 : memref<64xi32, #tpu.memory_space<vmem>>) semaphore(%arg26 : memref<!tpu.dma_semaphore, #tpu.memory_space<semaphore_mem>>) {add = true}
      %get3A_2774 = arith.constant 4 : i32
      %get3A_2775 = arith.index_cast %get3A_2774 : i32 to index
      %get3A_2776 = arith.constant 0 : index
      %get3A_2777 = tpu.vector_load %arg10[%get3A_2775, %get3A_2776] {strides = array<i32>} : memref<8x64xi32, #tpu.memory_space<vmem>>, vector<16xi32>,
      tpu.vector_store_idx %arg12[%get3A_2777], %broadcast_in_dim3A_3 {add = true} : memref<10240xf32, #tpu.memory_space<vmem>>[vector<16xi32>], vector<16xf32>,
      %get3A_2778 = arith.constant 4 : i32
      %get3A_2779 = arith.index_cast %get3A_2778 : i32 to index
      %get3A_2780 = arith.constant 16 : index
      %get3A_2781 = tpu.vector_load %arg10[%get3A_2779, %get3A_2780] {strides = array<i32>} : memref<8x64xi32, #tpu.memory_space<vmem>>, vector<16xi32>,
      tpu.vector_store_idx %arg12[%get3A_2781], %broadcast_in_dim3A_3 {add = true} : memref<10240xf32, #tpu.memory_space<vmem>>[vector<16xi32>], vector<16xf32>,
      %get3A_2782 = arith.constant 4 : i32
      %get3A_2783 = arith.index_cast %get3A_2782 : i32 to index
      %get3A_2784 = arith.constant 32 : index
      %get3A_2785 = tpu.vector_load %arg10[%get3A_2783, %get3A_2784] {strides = array<i32>} : memref<8x64xi32, #tpu.memory_space<vmem>>, vector<16xi32>,
      tpu.vector_store_idx %arg12[%get3A_2785], %broadcast_in_dim3A_3 {add = true} : memref<10240xf32, #tpu.memory_space<vmem>>[vector<16xi32>], vector<16xf32>,
      %get3A_2786 = arith.constant 4 : i32
      %get3A_2787 = arith.index_cast %get3A_2786 : i32 to index
      %get3A_2788 = arith.constant 48 : index
      %get3A_2789 = tpu.vector_load %arg10[%get3A_2787, %get3A_2788] {strides = array<i32>} : memref<8x64xi32, #tpu.memory_space<vmem>>, vector<16xi32>,
      tpu.vector_store_idx %arg12[%get3A_2789], %broadcast_in_dim3A_3 {add = true} : memref<10240xf32, #tpu.memory_space<vmem>>[vector<16xi32>], vector<16xf32>,
      %dma_wait3A_2790 = arith.constant 0 : i32
      %dma_wait3A_2791 = arith.constant 1 : i32
      %dma_wait3A_2792 = arith.constant 0 : i32
      %dma_wait3A_2793 = arith.constant 0 : i32
      %dma_wait3A_2794 = tpu.memref_slice %arg11[%dma_wait3A_2791, %dma_wait3A_2792, %dma_wait3A_2793] : memref<4x64x128xf32, #tpu.memory_space<vmem>> -> memref<1x64x128xf32, #tpu.memory_space<vmem>>
      %dma_wait3A_2795 = tpu.memref_squeeze %dma_wait3A_2794 : memref<1x64x128xf32, #tpu.memory_space<vmem>> -> memref<64x128xf32, #tpu.memory_space<vmem>>
      %dma_wait3A_2796 = arith.constant 0 : i32
      %dma_wait3A_2797 = tpu.memref_slice %arg9[%dma_wait3A_2790, %dma_wait3A_2796] : memref<8x64xi32, #tpu.memory_space<vmem>> -> memref<1x64xi32, #tpu.memory_space<vmem>>
      %dma_wait3A_2798 = tpu.memref_squeeze %dma_wait3A_2797 : memref<1x64xi32, #tpu.memory_space<vmem>> -> memref<64xi32, #tpu.memory_space<vmem>>
      %dma_wait3A_2799 = arith.constant 0 : i32
      %dma_wait3A_2800 = arith.constant 0 : i32
      %dma_wait3A_2801 = tpu.memref_slice %arg2[%dma_wait3A_2799, %dma_wait3A_2800] : memref<10000x128xf32, #tpu.memory_space<hbm>> -> memref<10000x128xf32, #tpu.memory_space<hbm>>
      tpu.wait_indirect_dma semaphore(%arg23 : memref<!tpu.dma_semaphore, #tpu.memory_space<semaphore_mem>>) src(%dma_wait3A_2801 : memref<10000x128xf32, #tpu.memory_space<hbm>>) dst(%dma_wait3A_2795 : memref<64x128xf32, #tpu.memory_space<vmem>>)
      %dma_start3A_2802 = arith.constant 1 : i32
      %dma_start3A_2803 = arith.constant 5 : i32
      %dma_start3A_2804 = arith.constant 0 : i32
      %dma_start3A_2805 = arith.constant 0 : i32
      %dma_start3A_2806 = tpu.memref_slice %arg11[%dma_start3A_2802, %dma_start3A_2804, %dma_start3A_2805] : memref<4x64x128xf32, #tpu.memory_space<vmem>> -> memref<1x64x128xf32, #tpu.memory_space<vmem>>
      %dma_start3A_2807 = tpu.memref_squeeze %dma_start3A_2806 : memref<1x64x128xf32, #tpu.memory_space<vmem>> -> memref<64x128xf32, #tpu.memory_space<vmem>>
      %dma_start3A_2808 = arith.constant 0 : i32
      %dma_start3A_2809 = tpu.memref_slice %arg10[%dma_start3A_2803, %dma_start3A_2808] : memref<8x64xi32, #tpu.memory_space<vmem>> -> memref<1x64xi32, #tpu.memory_space<vmem>>
      %dma_start3A_2810 = tpu.memref_squeeze %dma_start3A_2809 : memref<1x64xi32, #tpu.memory_space<vmem>> -> memref<64xi32, #tpu.memory_space<vmem>>
      %dma_start3A_2811 = arith.constant 0 : i32
      %dma_start3A_2812 = arith.constant 0 : i32
      %dma_start3A_2813 = tpu.memref_slice %arg13[%dma_start3A_2811, %dma_start3A_2812] : memref<10240x128xf32, #tpu.memory_space<vmem_shared>> -> memref<10240x128xf32, #tpu.memory_space<vmem_shared>>
      tpu.enqueue_indirect_dma source(%dma_start3A_2807 : memref<64x128xf32, #tpu.memory_space<vmem>>) target(%dma_start3A_2813 : memref<10240x128xf32, #tpu.memory_space<vmem_shared>>) offsets(%dma_start3A_2810 : memref<64xi32, #tpu.memory_space<vmem>>) semaphore(%arg27 : memref<!tpu.dma_semaphore, #tpu.memory_space<semaphore_mem>>) {add = true}
      %get3A_2814 = arith.constant 5 : i32
      %get3A_2815 = arith.index_cast %get3A_2814 : i32 to index
      %get3A_2816 = arith.constant 0 : index
      %get3A_2817 = tpu.vector_load %arg10[%get3A_2815, %get3A_2816] {strides = array<i32>} : memref<8x64xi32, #tpu.memory_space<vmem>>, vector<16xi32>,
      tpu.vector_store_idx %arg12[%get3A_2817], %broadcast_in_dim3A_3 {add = true} : memref<10240xf32, #tpu.memory_space<vmem>>[vector<16xi32>], vector<16xf32>,
      %get3A_2818 = arith.constant 5 : i32
      %get3A_2819 = arith.index_cast %get3A_2818 : i32 to index
      %get3A_2820 = arith.constant 16 : index
      %get3A_2821 = tpu.vector_load %arg10[%get3A_2819, %get3A_2820] {strides = array<i32>} : memref<8x64xi32, #tpu.memory_space<vmem>>, vector<16xi32>,
      tpu.vector_store_idx %arg12[%get3A_2821], %broadcast_in_dim3A_3 {add = true} : memref<10240xf32, #tpu.memory_space<vmem>>[vector<16xi32>], vector<16xf32>,
      %get3A_2822 = arith.constant 5 : i32
      %get3A_2823 = arith.index_cast %get3A_2822 : i32 to index
      %get3A_2824 = arith.constant 32 : index
      %get3A_2825 = tpu.vector_load %arg10[%get3A_2823, %get3A_2824] {strides = array<i32>} : memref<8x64xi32, #tpu.memory_space<vmem>>, vector<16xi32>,
      tpu.vector_store_idx %arg12[%get3A_2825], %broadcast_in_dim3A_3 {add = true} : memref<10240xf32, #tpu.memory_space<vmem>>[vector<16xi32>], vector<16xf32>,
      %get3A_2826 = arith.constant 5 : i32
      %get3A_2827 = arith.index_cast %get3A_2826 : i32 to index
      %get3A_2828 = arith.constant 48 : index
      %get3A_2829 = tpu.vector_load %arg10[%get3A_2827, %get3A_2828] {strides = array<i32>} : memref<8x64xi32, #tpu.memory_space<vmem>>, vector<16xi32>,
      tpu.vector_store_idx %arg12[%get3A_2829], %broadcast_in_dim3A_3 {add = true} : memref<10240xf32, #tpu.memory_space<vmem>>[vector<16xi32>], vector<16xf32>,
      %dma_wait3A_2830 = arith.constant 0 : i32
      %dma_wait3A_2831 = arith.constant 2 : i32
      %dma_wait3A_2832 = arith.constant 0 : i32
      %dma_wait3A_2833 = arith.constant 0 : i32
      %dma_wait3A_2834 = tpu.memref_slice %arg11[%dma_wait3A_2831, %dma_wait3A_2832, %dma_wait3A_2833] : memref<4x64x128xf32, #tpu.memory_space<vmem>> -> memref<1x64x128xf32, #tpu.memory_space<vmem>>
      %dma_wait3A_2835 = tpu.memref_squeeze %dma_wait3A_2834 : memref<1x64x128xf32, #tpu.memory_space<vmem>> -> memref<64x128xf32, #tpu.memory_space<vmem>>
      %dma_wait3A_2836 = arith.constant 0 : i32
      %dma_wait3A_2837 = tpu.memref_slice %arg9[%dma_wait3A_2830, %dma_wait3A_2836] : memref<8x64xi32, #tpu.memory_space<vmem>> -> memref<1x64xi32, #tpu.memory_space<vmem>>
      %dma_wait3A_2838 = tpu.memref_squeeze %dma_wait3A_2837 : memref<1x64xi32, #tpu.memory_space<vmem>> -> memref<64xi32, #tpu.memory_space<vmem>>
      %dma_wait3A_2839 = arith.constant 0 : i32
      %dma_wait3A_2840 = arith.constant 0 : i32
      %dma_wait3A_2841 = tpu.memref_slice %arg2[%dma_wait3A_2839, %dma_wait3A_2840] : memref<10000x128xf32, #tpu.memory_space<hbm>> -> memref<10000x128xf32, #tpu.memory_space<hbm>>
      tpu.wait_indirect_dma semaphore(%arg24 : memref<!tpu.dma_semaphore, #tpu.memory_space<semaphore_mem>>) src(%dma_wait3A_2841 : memref<10000x128xf32, #tpu.memory_space<hbm>>) dst(%dma_wait3A_2835 : memref<64x128xf32, #tpu.memory_space<vmem>>)
      %dma_start3A_2842 = arith.constant 2 : i32
      %dma_start3A_2843 = arith.constant 6 : i32
      %dma_start3A_2844 = arith.constant 0 : i32
      %dma_start3A_2845 = arith.constant 0 : i32
      %dma_start3A_2846 = tpu.memref_slice %arg11[%dma_start3A_2842, %dma_start3A_2844, %dma_start3A_2845] : memref<4x64x128xf32, #tpu.memory_space<vmem>> -> memref<1x64x128xf32, #tpu.memory_space<vmem>>
      %dma_start3A_2847 = tpu.memref_squeeze %dma_start3A_2846 : memref<1x64x128xf32, #tpu.memory_space<vmem>> -> memref<64x128xf32, #tpu.memory_space<vmem>>
      %dma_start3A_2848 = arith.constant 0 : i32
      %dma_start3A_2849 = tpu.memref_slice %arg10[%dma_start3A_2843, %dma_start3A_2848] : memref<8x64xi32, #tpu.memory_space<vmem>> -> memref<1x64xi32, #tpu.memory_space<vmem>>
      %dma_start3A_2850 = tpu.memref_squeeze %dma_start3A_2849 : memref<1x64xi32, #tpu.memory_space<vmem>> -> memref<64xi32, #tpu.memory_space<vmem>>
      %dma_start3A_2851 = arith.constant 0 : i32
      %dma_start3A_2852 = arith.constant 0 : i32
      %dma_start3A_2853 = tpu.memref_slice %arg13[%dma_start3A_2851, %dma_start3A_2852] : memref<10240x128xf32, #tpu.memory_space<vmem_shared>> -> memref<10240x128xf32, #tpu.memory_space<vmem_shared>>
      tpu.enqueue_indirect_dma source(%dma_start3A_2847 : memref<64x128xf32, #tpu.memory_space<vmem>>) target(%dma_start3A_2853 : memref<10240x128xf32, #tpu.memory_space<vmem_shared>>) offsets(%dma_start3A_2850 : memref<64xi32, #tpu.memory_space<vmem>>) semaphore(%arg28 : memref<!tpu.dma_semaphore, #tpu.memory_space<semaphore_mem>>) {add = true}
      %get3A_2854 = arith.constant 6 : i32
      %get3A_2855 = arith.index_cast %get3A_2854 : i32 to index
      %get3A_2856 = arith.constant 0 : index
      %get3A_2857 = tpu.vector_load %arg10[%get3A_2855, %get3A_2856] {strides = array<i32>} : memref<8x64xi32, #tpu.memory_space<vmem>>, vector<16xi32>,
      tpu.vector_store_idx %arg12[%get3A_2857], %broadcast_in_dim3A_3 {add = true} : memref<10240xf32, #tpu.memory_space<vmem>>[vector<16xi32>], vector<16xf32>,
      %get3A_2858 = arith.constant 6 : i32
      %get3A_2859 = arith.index_cast %get3A_2858 : i32 to index
      %get3A_2860 = arith.constant 16 : index
      %get3A_2861 = tpu.vector_load %arg10[%get3A_2859, %get3A_2860] {strides = array<i32>} : memref<8x64xi32, #tpu.memory_space<vmem>>, vector<16xi32>,
      tpu.vector_store_idx %arg12[%get3A_2861], %broadcast_in_dim3A_3 {add = true} : memref<10240xf32, #tpu.memory_space<vmem>>[vector<16xi32>], vector<16xf32>,
      %get3A_2862 = arith.constant 6 : i32
      %get3A_2863 = arith.index_cast %get3A_2862 : i32 to index
      %get3A_2864 = arith.constant 32 : index
      %get3A_2865 = tpu.vector_load %arg10[%get3A_2863, %get3A_2864] {strides = array<i32>} : memref<8x64xi32, #tpu.memory_space<vmem>>, vector<16xi32>,
      tpu.vector_store_idx %arg12[%get3A_2865], %broadcast_in_dim3A_3 {add = true} : memref<10240xf32, #tpu.memory_space<vmem>>[vector<16xi32>], vector<16xf32>,
      %get3A_2866 = arith.constant 6 : i32
      %get3A_2867 = arith.index_cast %get3A_2866 : i32 to index
      %get3A_2868 = arith.constant 48 : index
      %get3A_2869 = tpu.vector_load %arg10[%get3A_2867, %get3A_2868] {strides = array<i32>} : memref<8x64xi32, #tpu.memory_space<vmem>>, vector<16xi32>,
      tpu.vector_store_idx %arg12[%get3A_2869], %broadcast_in_dim3A_3 {add = true} : memref<10240xf32, #tpu.memory_space<vmem>>[vector<16xi32>], vector<16xf32>,
      %dma_wait3A_2870 = arith.constant 0 : i32
      %dma_wait3A_2871 = arith.constant 3 : i32
      %dma_wait3A_2872 = arith.constant 0 : i32
      %dma_wait3A_2873 = arith.constant 0 : i32
      %dma_wait3A_2874 = tpu.memref_slice %arg11[%dma_wait3A_2871, %dma_wait3A_2872, %dma_wait3A_2873] : memref<4x64x128xf32, #tpu.memory_space<vmem>> -> memref<1x64x128xf32, #tpu.memory_space<vmem>>
      %dma_wait3A_2875 = tpu.memref_squeeze %dma_wait3A_2874 : memref<1x64x128xf32, #tpu.memory_space<vmem>> -> memref<64x128xf32, #tpu.memory_space<vmem>>
      %dma_wait3A_2876 = arith.constant 0 : i32
      %dma_wait3A_2877 = tpu.memref_slice %arg9[%dma_wait3A_2870, %dma_wait3A_2876] : memref<8x64xi32, #tpu.memory_space<vmem>> -> memref<1x64xi32, #tpu.memory_space<vmem>>
      %dma_wait3A_2878 = tpu.memref_squeeze %dma_wait3A_2877 : memref<1x64xi32, #tpu.memory_space<vmem>> -> memref<64xi32, #tpu.memory_space<vmem>>
      %dma_wait3A_2879 = arith.constant 0 : i32
      %dma_wait3A_2880 = arith.constant 0 : i32
      %dma_wait3A_2881 = tpu.memref_slice %arg2[%dma_wait3A_2879, %dma_wait3A_2880] : memref<10000x128xf32, #tpu.memory_space<hbm>> -> memref<10000x128xf32, #tpu.memory_space<hbm>>
      tpu.wait_indirect_dma semaphore(%arg25 : memref<!tpu.dma_semaphore, #tpu.memory_space<semaphore_mem>>) src(%dma_wait3A_2881 : memref<10000x128xf32, #tpu.memory_space<hbm>>) dst(%dma_wait3A_2875 : memref<64x128xf32, #tpu.memory_space<vmem>>)
      %dma_start3A_2882 = arith.constant 3 : i32
      %dma_start3A_2883 = arith.constant 7 : i32
      %dma_start3A_2884 = arith.constant 0 : i32
      %dma_start3A_2885 = arith.constant 0 : i32
      %dma_start3A_2886 = tpu.memref_slice %arg11[%dma_start3A_2882, %dma_start3A_2884, %dma_start3A_2885] : memref<4x64x128xf32, #tpu.memory_space<vmem>> -> memref<1x64x128xf32, #tpu.memory_space<vmem>>
      %dma_start3A_2887 = tpu.memref_squeeze %dma_start3A_2886 : memref<1x64x128xf32, #tpu.memory_space<vmem>> -> memref<64x128xf32, #tpu.memory_space<vmem>>
      %dma_start3A_2888 = arith.constant 0 : i32
      %dma_start3A_2889 = tpu.memref_slice %arg10[%dma_start3A_2883, %dma_start3A_2888] : memref<8x64xi32, #tpu.memory_space<vmem>> -> memref<1x64xi32, #tpu.memory_space<vmem>>
      %dma_start3A_2890 = tpu.memref_squeeze %dma_start3A_2889 : memref<1x64xi32, #tpu.memory_space<vmem>> -> memref<64xi32, #tpu.memory_space<vmem>>
      %dma_start3A_2891 = arith.constant 0 : i32
      %dma_start3A_2892 = arith.constant 0 : i32
      %dma_start3A_2893 = tpu.memref_slice %arg13[%dma_start3A_2891, %dma_start3A_2892] : memref<10240x128xf32, #tpu.memory_space<vmem_shared>> -> memref<10240x128xf32, #tpu.memory_space<vmem_shared>>
      tpu.enqueue_indirect_dma source(%dma_start3A_2887 : memref<64x128xf32, #tpu.memory_space<vmem>>) target(%dma_start3A_2893 : memref<10240x128xf32, #tpu.memory_space<vmem_shared>>) offsets(%dma_start3A_2890 : memref<64xi32, #tpu.memory_space<vmem>>) semaphore(%arg29 : memref<!tpu.dma_semaphore, #tpu.memory_space<semaphore_mem>>) {add = true}
      %get3A_2894 = arith.constant 7 : i32
      %get3A_2895 = arith.index_cast %get3A_2894 : i32 to index
      %get3A_2896 = arith.constant 0 : index
      %get3A_2897 = tpu.vector_load %arg10[%get3A_2895, %get3A_2896] {strides = array<i32>} : memref<8x64xi32, #tpu.memory_space<vmem>>, vector<16xi32>,
      tpu.vector_store_idx %arg12[%get3A_2897], %broadcast_in_dim3A_3 {add = true} : memref<10240xf32, #tpu.memory_space<vmem>>[vector<16xi32>], vector<16xf32>,
      %get3A_2898 = arith.constant 7 : i32
      %get3A_2899 = arith.index_cast %get3A_2898 : i32 to index
      %get3A_2900 = arith.constant 16 : index
      %get3A_2901 = tpu.vector_load %arg10[%get3A_2899, %get3A_2900] {strides = array<i32>} : memref<8x64xi32, #tpu.memory_space<vmem>>, vector<16xi32>,
      tpu.vector_store_idx %arg12[%get3A_2901], %broadcast_in_dim3A_3 {add = true} : memref<10240xf32, #tpu.memory_space<vmem>>[vector<16xi32>], vector<16xf32>,
      %get3A_2902 = arith.constant 7 : i32
      %get3A_2903 = arith.index_cast %get3A_2902 : i32 to index
      %get3A_2904 = arith.constant 32 : index
      %get3A_2905 = tpu.vector_load %arg10[%get3A_2903, %get3A_2904] {strides = array<i32>} : memref<8x64xi32, #tpu.memory_space<vmem>>, vector<16xi32>,
      tpu.vector_store_idx %arg12[%get3A_2905], %broadcast_in_dim3A_3 {add = true} : memref<10240xf32, #tpu.memory_space<vmem>>[vector<16xi32>], vector<16xf32>,
      %get3A_2906 = arith.constant 7 : i32
      %get3A_2907 = arith.index_cast %get3A_2906 : i32 to index
      %get3A_2908 = arith.constant 48 : index
      %get3A_2909 = tpu.vector_load %arg10[%get3A_2907, %get3A_2908] {strides = array<i32>} : memref<8x64xi32, #tpu.memory_space<vmem>>, vector<16xi32>,
      tpu.vector_store_idx %arg12[%get3A_2909], %broadcast_in_dim3A_3 {add = true} : memref<10240xf32, #tpu.memory_space<vmem>>[vector<16xi32>], vector<16xf32>,
    }
    %scan3A_1029 = arith.constant 18 : i32
    %dma_wait3A_1030 = arith.constant 0 : i32
    %dma_wait3A_1031 = arith.constant 0 : i32
    %dma_wait3A_1032 = arith.constant 0 : i32
    %dma_wait3A_1033 = tpu.memref_slice %arg9[%dma_wait3A_1031, %dma_wait3A_1032] : memref<8x64xi32, #tpu.memory_space<vmem>> -> memref<1x64xi32, #tpu.memory_space<vmem>>
    %dma_wait3A_1034 = tpu.memref_squeeze %dma_wait3A_1033 : memref<1x64xi32, #tpu.memory_space<vmem>> -> memref<64xi32, #tpu.memory_space<vmem>>
    %dma_wait3A_1035 = arith.constant 0 : i32
    %dma_wait3A_1036 = tpu.memref_slice %arg3[%add3A, %dma_wait3A_1030, %dma_wait3A_1035] : memref<32x160x64xi32, #tpu.memory_space<hbm>> -> memref<1x1x64xi32, #tpu.memory_space<hbm>>
    %dma_wait3A_1037 = tpu.memref_squeeze %dma_wait3A_1036 : memref<1x1x64xi32, #tpu.memory_space<hbm>> -> memref<64xi32, #tpu.memory_space<hbm>>
    %dma_wait3A_1038 = arith.constant 0 : i32
    %dma_wait3A_1039 = tpu.memref_slice %arg9[%dma_wait3A_1031, %dma_wait3A_1038] : memref<8x64xi32, #tpu.memory_space<vmem>> -> memref<1x64xi32, #tpu.memory_space<vmem>>
    %dma_wait3A_1040 = tpu.memref_squeeze %dma_wait3A_1039 : memref<1x64xi32, #tpu.memory_space<vmem>> -> memref<64xi32, #tpu.memory_space<vmem>>
    %dma_wait3A_1041 = arith.constant 0 : i32
    %dma_wait3A_1042 = tpu.memref_slice %arg3[%add3A, %dma_wait3A_1030, %dma_wait3A_1041] : memref<32x160x64xi32, #tpu.memory_space<hbm>> -> memref<1x1x64xi32, #tpu.memory_space<hbm>>
    %dma_wait3A_1043 = tpu.memref_squeeze %dma_wait3A_1042 : memref<1x1x64xi32, #tpu.memory_space<hbm>> -> memref<64xi32, #tpu.memory_space<hbm>>
    tpu.wait_dma2 semaphore(%arg14 : memref<!tpu.dma_semaphore, #tpu.memory_space<semaphore_mem>>) src(%dma_wait3A_1043 : memref<64xi32, #tpu.memory_space<hbm>>) dst(%dma_wait3A_1040 : memref<64xi32, #tpu.memory_space<vmem>>)
    %dma_wait3A_1044 = arith.constant 0 : i32
    %dma_wait3A_1045 = arith.constant 0 : i32
    %dma_wait3A_1046 = arith.constant 0 : i32
    %dma_wait3A_1047 = tpu.memref_slice %arg10[%dma_wait3A_1045, %dma_wait3A_1046] : memref<8x64xi32, #tpu.memory_space<vmem>> -> memref<1x64xi32, #tpu.memory_space<vmem>>
    %dma_wait3A_1048 = tpu.memref_squeeze %dma_wait3A_1047 : memref<1x64xi32, #tpu.memory_space<vmem>> -> memref<64xi32, #tpu.memory_space<vmem>>
    %dma_wait3A_1049 = arith.constant 0 : i32
    %dma_wait3A_1050 = tpu.memref_slice %arg4[%add3A, %dma_wait3A_1044, %dma_wait3A_1049] : memref<32x160x64xi32, #tpu.memory_space<hbm>> -> memref<1x1x64xi32, #tpu.memory_space<hbm>>
    %dma_wait3A_1051 = tpu.memref_squeeze %dma_wait3A_1050 : memref<1x1x64xi32, #tpu.memory_space<hbm>> -> memref<64xi32, #tpu.memory_space<hbm>>
    %dma_wait3A_1052 = arith.constant 0 : i32
    %dma_wait3A_1053 = tpu.memref_slice %arg10[%dma_wait3A_1045, %dma_wait3A_1052] : memref<8x64xi32, #tpu.memory_space<vmem>> -> memref<1x64xi32, #tpu.memory_space<vmem>>
    %dma_wait3A_1054 = tpu.memref_squeeze %dma_wait3A_1053 : memref<1x64xi32, #tpu.memory_space<vmem>> -> memref<64xi32, #tpu.memory_space<vmem>>
    %dma_wait3A_1055 = arith.constant 0 : i32
    %dma_wait3A_1056 = tpu.memref_slice %arg4[%add3A, %dma_wait3A_1044, %dma_wait3A_1055] : memref<32x160x64xi32, #tpu.memory_space<hbm>> -> memref<1x1x64xi32, #tpu.memory_space<hbm>>
    %dma_wait3A_1057 = tpu.memref_squeeze %dma_wait3A_1056 : memref<1x1x64xi32, #tpu.memory_space<hbm>> -> memref<64xi32, #tpu.memory_space<hbm>>
    tpu.wait_dma2 semaphore(%arg14 : memref<!tpu.dma_semaphore, #tpu.memory_space<semaphore_mem>>) src(%dma_wait3A_1057 : memref<64xi32, #tpu.memory_space<hbm>>) dst(%dma_wait3A_1054 : memref<64xi32, #tpu.memory_space<vmem>>)
    %dma_wait3A_1058 = arith.constant 0 : i32
    %dma_wait3A_1059 = arith.constant 0 : i32
    %dma_wait3A_1060 = arith.constant 0 : i32
    %dma_wait3A_1061 = arith.constant 0 : i32
    %dma_wait3A_1062 = tpu.memref_slice %arg11[%dma_wait3A_1058, %dma_wait3A_1060, %dma_wait3A_1061] : memref<4x64x128xf32, #tpu.memory_space<vmem>> -> memref<1x64x128xf32, #tpu.memory_space<vmem>>
    %dma_wait3A_1063 = tpu.memref_squeeze %dma_wait3A_1062 : memref<1x64x128xf32, #tpu.memory_space<vmem>> -> memref<64x128xf32, #tpu.memory_space<vmem>>
    %dma_wait3A_1064 = arith.constant 0 : i32
    %dma_wait3A_1065 = tpu.memref_slice %arg10[%dma_wait3A_1059, %dma_wait3A_1064] : memref<8x64xi32, #tpu.memory_space<vmem>> -> memref<1x64xi32, #tpu.memory_space<vmem>>
    %dma_wait3A_1066 = tpu.memref_squeeze %dma_wait3A_1065 : memref<1x64xi32, #tpu.memory_space<vmem>> -> memref<64xi32, #tpu.memory_space<vmem>>
    %dma_wait3A_1067 = arith.constant 0 : i32
    %dma_wait3A_1068 = arith.constant 0 : i32
    %dma_wait3A_1069 = tpu.memref_slice %arg13[%dma_wait3A_1067, %dma_wait3A_1068] : memref<10240x128xf32, #tpu.memory_space<vmem_shared>> -> memref<10240x128xf32, #tpu.memory_space<vmem_shared>>
    tpu.wait_indirect_dma semaphore(%arg26 : memref<!tpu.dma_semaphore, #tpu.memory_space<semaphore_mem>>) src(%dma_wait3A_1063 : memref<64x128xf32, #tpu.memory_space<vmem>>) dst(%dma_wait3A_1069 : memref<10240x128xf32, #tpu.memory_space<vmem_shared>>)
    %dma_start3A_1070 = arith.constant 156 : i32
    %dma_start3A_1071 = arith.constant 4 : i32
    %dma_start3A_1072 = arith.constant 0 : i32
    %dma_start3A_1073 = tpu.memref_slice %arg9[%dma_start3A_1071, %dma_start3A_1072] : memref<8x64xi32, #tpu.memory_space<vmem>> -> memref<1x64xi32, #tpu.memory_space<vmem>>
    %dma_start3A_1074 = tpu.memref_squeeze %dma_start3A_1073 : memref<1x64xi32, #tpu.memory_space<vmem>> -> memref<64xi32, #tpu.memory_space<vmem>>
    %dma_start3A_1075 = arith.constant 0 : i32
    %dma_start3A_1076 = tpu.memref_slice %arg3[%add3A, %dma_start3A_1070, %dma_start3A_1075] : memref<32x160x64xi32, #tpu.memory_space<hbm>> -> memref<1x1x64xi32, #tpu.memory_space<hbm>>
    %dma_start3A_1077 = tpu.memref_squeeze %dma_start3A_1076 : memref<1x1x64xi32, #tpu.memory_space<hbm>> -> memref<64xi32, #tpu.memory_space<hbm>>
    %dma_start3A_1078 = arith.constant 0 : i32
    %dma_start3A_1079 = tpu.memref_slice %arg9[%dma_start3A_1071, %dma_start3A_1078] : memref<8x64xi32, #tpu.memory_space<vmem>> -> memref<1x64xi32, #tpu.memory_space<vmem>>
    %dma_start3A_1080 = tpu.memref_squeeze %dma_start3A_1079 : memref<1x64xi32, #tpu.memory_space<vmem>> -> memref<64xi32, #tpu.memory_space<vmem>>
    %dma_start3A_1081 = arith.constant 0 : i32
    %dma_start3A_1082 = tpu.memref_slice %arg3[%add3A, %dma_start3A_1070, %dma_start3A_1081] : memref<32x160x64xi32, #tpu.memory_space<hbm>> -> memref<1x1x64xi32, #tpu.memory_space<hbm>>
    %dma_start3A_1083 = tpu.memref_squeeze %dma_start3A_1082 : memref<1x1x64xi32, #tpu.memory_space<hbm>> -> memref<64xi32, #tpu.memory_space<hbm>>
    tpu.enqueue_dma source(%dma_start3A_1083 : memref<64xi32, #tpu.memory_space<hbm>>) target(%dma_start3A_1080 : memref<64xi32, #tpu.memory_space<vmem>>) target_semaphore(%arg18 : memref<!tpu.dma_semaphore, #tpu.memory_space<semaphore_mem>>)
    %dma_start3A_1084 = arith.constant 156 : i32
    %dma_start3A_1085 = arith.constant 4 : i32
    %dma_start3A_1086 = arith.constant 0 : i32
    %dma_start3A_1087 = tpu.memref_slice %arg10[%dma_start3A_1085, %dma_start3A_1086] : memref<8x64xi32, #tpu.memory_space<vmem>> -> memref<1x64xi32, #tpu.memory_space<vmem>>
    %dma_start3A_1088 = tpu.memref_squeeze %dma_start3A_1087 : memref<1x64xi32, #tpu.memory_space<vmem>> -> memref<64xi32, #tpu.memory_space<vmem>>
    %dma_start3A_1089 = arith.constant 0 : i32
    %dma_start3A_1090 = tpu.memref_slice %arg4[%add3A, %dma_start3A_1084, %dma_start3A_1089] : memref<32x160x64xi32, #tpu.memory_space<hbm>> -> memref<1x1x64xi32, #tpu.memory_space<hbm>>
    %dma_start3A_1091 = tpu.memref_squeeze %dma_start3A_1090 : memref<1x1x64xi32, #tpu.memory_space<hbm>> -> memref<64xi32, #tpu.memory_space<hbm>>
    %dma_start3A_1092 = arith.constant 0 : i32
    %dma_start3A_1093 = tpu.memref_slice %arg10[%dma_start3A_1085, %dma_start3A_1092] : memref<8x64xi32, #tpu.memory_space<vmem>> -> memref<1x64xi32, #tpu.memory_space<vmem>>
    %dma_start3A_1094 = tpu.memref_squeeze %dma_start3A_1093 : memref<1x64xi32, #tpu.memory_space<vmem>> -> memref<64xi32, #tpu.memory_space<vmem>>
    %dma_start3A_1095 = arith.constant 0 : i32
    %dma_start3A_1096 = tpu.memref_slice %arg4[%add3A, %dma_start3A_1084, %dma_start3A_1095] : memref<32x160x64xi32, #tpu.memory_space<hbm>> -> memref<1x1x64xi32, #tpu.memory_space<hbm>>
    %dma_start3A_1097 = tpu.memref_squeeze %dma_start3A_1096 : memref<1x1x64xi32, #tpu.memory_space<hbm>> -> memref<64xi32, #tpu.memory_space<hbm>>
    tpu.enqueue_dma source(%dma_start3A_1097 : memref<64xi32, #tpu.memory_space<hbm>>) target(%dma_start3A_1094 : memref<64xi32, #tpu.memory_space<vmem>>) target_semaphore(%arg18 : memref<!tpu.dma_semaphore, #tpu.memory_space<semaphore_mem>>)
    %dma_start3A_1098 = arith.constant 0 : i32
    %dma_start3A_1099 = arith.constant 0 : i32
    %dma_start3A_1100 = arith.constant 0 : i32
    %dma_start3A_1101 = arith.constant 0 : i32
    %dma_start3A_1102 = tpu.memref_slice %arg11[%dma_start3A_1099, %dma_start3A_1100, %dma_start3A_1101] : memref<4x64x128xf32, #tpu.memory_space<vmem>> -> memref<1x64x128xf32, #tpu.memory_space<vmem>>
    %dma_start3A_1103 = tpu.memref_squeeze %dma_start3A_1102 : memref<1x64x128xf32, #tpu.memory_space<vmem>> -> memref<64x128xf32, #tpu.memory_space<vmem>>
    %dma_start3A_1104 = arith.constant 0 : i32
    %dma_start3A_1105 = tpu.memref_slice %arg9[%dma_start3A_1098, %dma_start3A_1104] : memref<8x64xi32, #tpu.memory_space<vmem>> -> memref<1x64xi32, #tpu.memory_space<vmem>>
    %dma_start3A_1106 = tpu.memref_squeeze %dma_start3A_1105 : memref<1x64xi32, #tpu.memory_space<vmem>> -> memref<64xi32, #tpu.memory_space<vmem>>
    %dma_start3A_1107 = arith.constant 0 : i32
    %dma_start3A_1108 = arith.constant 0 : i32
    %dma_start3A_1109 = tpu.memref_slice %arg2[%dma_start3A_1107, %dma_start3A_1108] : memref<10000x128xf32, #tpu.memory_space<hbm>> -> memref<10000x128xf32, #tpu.memory_space<hbm>>
    tpu.enqueue_indirect_dma source(%dma_start3A_1109 : memref<10000x128xf32, #tpu.memory_space<hbm>>) target(%dma_start3A_1103 : memref<64x128xf32, #tpu.memory_space<vmem>>) offsets(%dma_start3A_1106 : memref<64xi32, #tpu.memory_space<vmem>>) semaphore(%arg22 : memref<!tpu.dma_semaphore, #tpu.memory_space<semaphore_mem>>)
    %dma_wait3A_1110 = arith.constant 0 : i32
    %dma_wait3A_1111 = arith.constant 1 : i32
    %dma_wait3A_1112 = arith.constant 0 : i32
    %dma_wait3A_1113 = tpu.memref_slice %arg9[%dma_wait3A_1111, %dma_wait3A_1112] : memref<8x64xi32, #tpu.memory_space<vmem>> -> memref<1x64xi32, #tpu.memory_space<vmem>>
    %dma_wait3A_1114 = tpu.memref_squeeze %dma_wait3A_1113 : memref<1x64xi32, #tpu.memory_space<vmem>> -> memref<64xi32, #tpu.memory_space<vmem>>
    %dma_wait3A_1115 = arith.constant 0 : i32
    %dma_wait3A_1116 = tpu.memref_slice %arg3[%add3A, %dma_wait3A_1110, %dma_wait3A_1115] : memref<32x160x64xi32, #tpu.memory_space<hbm>> -> memref<1x1x64xi32, #tpu.memory_space<hbm>>
    %dma_wait3A_1117 = tpu.memref_squeeze %dma_wait3A_1116 : memref<1x1x64xi32, #tpu.memory_space<hbm>> -> memref<64xi32, #tpu.memory_space<hbm>>
    %dma_wait3A_1118 = arith.constant 0 : i32
    %dma_wait3A_1119 = tpu.memref_slice %arg9[%dma_wait3A_1111, %dma_wait3A_1118] : memref<8x64xi32, #tpu.memory_space<vmem>> -> memref<1x64xi32, #tpu.memory_space<vmem>>
    %dma_wait3A_1120 = tpu.memref_squeeze %dma_wait3A_1119 : memref<1x64xi32, #tpu.memory_space<vmem>> -> memref<64xi32, #tpu.memory_space<vmem>>
    %dma_wait3A_1121 = arith.constant 0 : i32
    %dma_wait3A_1122 = tpu.memref_slice %arg3[%add3A, %dma_wait3A_1110, %dma_wait3A_1121] : memref<32x160x64xi32, #tpu.memory_space<hbm>> -> memref<1x1x64xi32, #tpu.memory_space<hbm>>
    %dma_wait3A_1123 = tpu.memref_squeeze %dma_wait3A_1122 : memref<1x1x64xi32, #tpu.memory_space<hbm>> -> memref<64xi32, #tpu.memory_space<hbm>>
    tpu.wait_dma2 semaphore(%arg15 : memref<!tpu.dma_semaphore, #tpu.memory_space<semaphore_mem>>) src(%dma_wait3A_1123 : memref<64xi32, #tpu.memory_space<hbm>>) dst(%dma_wait3A_1120 : memref<64xi32, #tpu.memory_space<vmem>>)
    %dma_wait3A_1124 = arith.constant 0 : i32
    %dma_wait3A_1125 = arith.constant 1 : i32
    %dma_wait3A_1126 = arith.constant 0 : i32
    %dma_wait3A_1127 = tpu.memref_slice %arg10[%dma_wait3A_1125, %dma_wait3A_1126] : memref<8x64xi32, #tpu.memory_space<vmem>> -> memref<1x64xi32, #tpu.memory_space<vmem>>
    %dma_wait3A_1128 = tpu.memref_squeeze %dma_wait3A_1127 : memref<1x64xi32, #tpu.memory_space<vmem>> -> memref<64xi32, #tpu.memory_space<vmem>>
    %dma_wait3A_1129 = arith.constant 0 : i32
    %dma_wait3A_1130 = tpu.memref_slice %arg4[%add3A, %dma_wait3A_1124, %dma_wait3A_1129] : memref<32x160x64xi32, #tpu.memory_space<hbm>> -> memref<1x1x64xi32, #tpu.memory_space<hbm>>
    %dma_wait3A_1131 = tpu.memref_squeeze %dma_wait3A_1130 : memref<1x1x64xi32, #tpu.memory_space<hbm>> -> memref<64xi32, #tpu.memory_space<hbm>>
    %dma_wait3A_1132 = arith.constant 0 : i32
    %dma_wait3A_1133 = tpu.memref_slice %arg10[%dma_wait3A_1125, %dma_wait3A_1132] : memref<8x64xi32, #tpu.memory_space<vmem>> -> memref<1x64xi32, #tpu.memory_space<vmem>>
    %dma_wait3A_1134 = tpu.memref_squeeze %dma_wait3A_1133 : memref<1x64xi32, #tpu.memory_space<vmem>> -> memref<64xi32, #tpu.memory_space<vmem>>
    %dma_wait3A_1135 = arith.constant 0 : i32
    %dma_wait3A_1136 = tpu.memref_slice %arg4[%add3A, %dma_wait3A_1124, %dma_wait3A_1135] : memref<32x160x64xi32, #tpu.memory_space<hbm>> -> memref<1x1x64xi32, #tpu.memory_space<hbm>>
    %dma_wait3A_1137 = tpu.memref_squeeze %dma_wait3A_1136 : memref<1x1x64xi32, #tpu.memory_space<hbm>> -> memref<64xi32, #tpu.memory_space<hbm>>
    tpu.wait_dma2 semaphore(%arg15 : memref<!tpu.dma_semaphore, #tpu.memory_space<semaphore_mem>>) src(%dma_wait3A_1137 : memref<64xi32, #tpu.memory_space<hbm>>) dst(%dma_wait3A_1134 : memref<64xi32, #tpu.memory_space<vmem>>)
    %dma_wait3A_1138 = arith.constant 1 : i32
    %dma_wait3A_1139 = arith.constant 0 : i32
    %dma_wait3A_1140 = arith.constant 0 : i32
    %dma_wait3A_1141 = arith.constant 0 : i32
    %dma_wait3A_1142 = tpu.memref_slice %arg11[%dma_wait3A_1138, %dma_wait3A_1140, %dma_wait3A_1141] : memref<4x64x128xf32, #tpu.memory_space<vmem>> -> memref<1x64x128xf32, #tpu.memory_space<vmem>>
    %dma_wait3A_1143 = tpu.memref_squeeze %dma_wait3A_1142 : memref<1x64x128xf32, #tpu.memory_space<vmem>> -> memref<64x128xf32, #tpu.memory_space<vmem>>
    %dma_wait3A_1144 = arith.constant 0 : i32
    %dma_wait3A_1145 = tpu.memref_slice %arg10[%dma_wait3A_1139, %dma_wait3A_1144] : memref<8x64xi32, #tpu.memory_space<vmem>> -> memref<1x64xi32, #tpu.memory_space<vmem>>
    %dma_wait3A_1146 = tpu.memref_squeeze %dma_wait3A_1145 : memref<1x64xi32, #tpu.memory_space<vmem>> -> memref<64xi32, #tpu.memory_space<vmem>>
    %dma_wait3A_1147 = arith.constant 0 : i32
    %dma_wait3A_1148 = arith.constant 0 : i32
    %dma_wait3A_1149 = tpu.memref_slice %arg13[%dma_wait3A_1147, %dma_wait3A_1148] : memref<10240x128xf32, #tpu.memory_space<vmem_shared>> -> memref<10240x128xf32, #tpu.memory_space<vmem_shared>>
    tpu.wait_indirect_dma semaphore(%arg27 : memref<!tpu.dma_semaphore, #tpu.memory_space<semaphore_mem>>) src(%dma_wait3A_1143 : memref<64x128xf32, #tpu.memory_space<vmem>>) dst(%dma_wait3A_1149 : memref<10240x128xf32, #tpu.memory_space<vmem_shared>>)
    %dma_start3A_1150 = arith.constant 157 : i32
    %dma_start3A_1151 = arith.constant 5 : i32
    %dma_start3A_1152 = arith.constant 0 : i32
    %dma_start3A_1153 = tpu.memref_slice %arg9[%dma_start3A_1151, %dma_start3A_1152] : memref<8x64xi32, #tpu.memory_space<vmem>> -> memref<1x64xi32, #tpu.memory_space<vmem>>
    %dma_start3A_1154 = tpu.memref_squeeze %dma_start3A_1153 : memref<1x64xi32, #tpu.memory_space<vmem>> -> memref<64xi32, #tpu.memory_space<vmem>>
    %dma_start3A_1155 = arith.constant 0 : i32
    %dma_start3A_1156 = tpu.memref_slice %arg3[%add3A, %dma_start3A_1150, %dma_start3A_1155] : memref<32x160x64xi32, #tpu.memory_space<hbm>> -> memref<1x1x64xi32, #tpu.memory_space<hbm>>
    %dma_start3A_1157 = tpu.memref_squeeze %dma_start3A_1156 : memref<1x1x64xi32, #tpu.memory_space<hbm>> -> memref<64xi32, #tpu.memory_space<hbm>>
    %dma_start3A_1158 = arith.constant 0 : i32
    %dma_start3A_1159 = tpu.memref_slice %arg9[%dma_start3A_1151, %dma_start3A_1158] : memref<8x64xi32, #tpu.memory_space<vmem>> -> memref<1x64xi32, #tpu.memory_space<vmem>>
    %dma_start3A_1160 = tpu.memref_squeeze %dma_start3A_1159 : memref<1x64xi32, #tpu.memory_space<vmem>> -> memref<64xi32, #tpu.memory_space<vmem>>
    %dma_start3A_1161 = arith.constant 0 : i32
    %dma_start3A_1162 = tpu.memref_slice %arg3[%add3A, %dma_start3A_1150, %dma_start3A_1161] : memref<32x160x64xi32, #tpu.memory_space<hbm>> -> memref<1x1x64xi32, #tpu.memory_space<hbm>>
    %dma_start3A_1163 = tpu.memref_squeeze %dma_start3A_1162 : memref<1x1x64xi32, #tpu.memory_space<hbm>> -> memref<64xi32, #tpu.memory_space<hbm>>
    tpu.enqueue_dma source(%dma_start3A_1163 : memref<64xi32, #tpu.memory_space<hbm>>) target(%dma_start3A_1160 : memref<64xi32, #tpu.memory_space<vmem>>) target_semaphore(%arg19 : memref<!tpu.dma_semaphore, #tpu.memory_space<semaphore_mem>>)
    %dma_start3A_1164 = arith.constant 157 : i32
    %dma_start3A_1165 = arith.constant 5 : i32
    %dma_start3A_1166 = arith.constant 0 : i32
    %dma_start3A_1167 = tpu.memref_slice %arg10[%dma_start3A_1165, %dma_start3A_1166] : memref<8x64xi32, #tpu.memory_space<vmem>> -> memref<1x64xi32, #tpu.memory_space<vmem>>
    %dma_start3A_1168 = tpu.memref_squeeze %dma_start3A_1167 : memref<1x64xi32, #tpu.memory_space<vmem>> -> memref<64xi32, #tpu.memory_space<vmem>>
    %dma_start3A_1169 = arith.constant 0 : i32
    %dma_start3A_1170 = tpu.memref_slice %arg4[%add3A, %dma_start3A_1164, %dma_start3A_1169] : memref<32x160x64xi32, #tpu.memory_space<hbm>> -> memref<1x1x64xi32, #tpu.memory_space<hbm>>
    %dma_start3A_1171 = tpu.memref_squeeze %dma_start3A_1170 : memref<1x1x64xi32, #tpu.memory_space<hbm>> -> memref<64xi32, #tpu.memory_space<hbm>>
    %dma_start3A_1172 = arith.constant 0 : i32
    %dma_start3A_1173 = tpu.memref_slice %arg10[%dma_start3A_1165, %dma_start3A_1172] : memref<8x64xi32, #tpu.memory_space<vmem>> -> memref<1x64xi32, #tpu.memory_space<vmem>>
    %dma_start3A_1174 = tpu.memref_squeeze %dma_start3A_1173 : memref<1x64xi32, #tpu.memory_space<vmem>> -> memref<64xi32, #tpu.memory_space<vmem>>
    %dma_start3A_1175 = arith.constant 0 : i32
    %dma_start3A_1176 = tpu.memref_slice %arg4[%add3A, %dma_start3A_1164, %dma_start3A_1175] : memref<32x160x64xi32, #tpu.memory_space<hbm>> -> memref<1x1x64xi32, #tpu.memory_space<hbm>>
    %dma_start3A_1177 = tpu.memref_squeeze %dma_start3A_1176 : memref<1x1x64xi32, #tpu.memory_space<hbm>> -> memref<64xi32, #tpu.memory_space<hbm>>
    tpu.enqueue_dma source(%dma_start3A_1177 : memref<64xi32, #tpu.memory_space<hbm>>) target(%dma_start3A_1174 : memref<64xi32, #tpu.memory_space<vmem>>) target_semaphore(%arg19 : memref<!tpu.dma_semaphore, #tpu.memory_space<semaphore_mem>>)
    %dma_start3A_1178 = arith.constant 1 : i32
    %dma_start3A_1179 = arith.constant 1 : i32
    %dma_start3A_1180 = arith.constant 0 : i32
    %dma_start3A_1181 = arith.constant 0 : i32
    %dma_start3A_1182 = tpu.memref_slice %arg11[%dma_start3A_1179, %dma_start3A_1180, %dma_start3A_1181] : memref<4x64x128xf32, #tpu.memory_space<vmem>> -> memref<1x64x128xf32, #tpu.memory_space<vmem>>
    %dma_start3A_1183 = tpu.memref_squeeze %dma_start3A_1182 : memref<1x64x128xf32, #tpu.memory_space<vmem>> -> memref<64x128xf32, #tpu.memory_space<vmem>>
    %dma_start3A_1184 = arith.constant 0 : i32
    %dma_start3A_1185 = tpu.memref_slice %arg9[%dma_start3A_1178, %dma_start3A_1184] : memref<8x64xi32, #tpu.memory_space<vmem>> -> memref<1x64xi32, #tpu.memory_space<vmem>>
    %dma_start3A_1186 = tpu.memref_squeeze %dma_start3A_1185 : memref<1x64xi32, #tpu.memory_space<vmem>> -> memref<64xi32, #tpu.memory_space<vmem>>
    %dma_start3A_1187 = arith.constant 0 : i32
    %dma_start3A_1188 = arith.constant 0 : i32
    %dma_start3A_1189 = tpu.memref_slice %arg2[%dma_start3A_1187, %dma_start3A_1188] : memref<10000x128xf32, #tpu.memory_space<hbm>> -> memref<10000x128xf32, #tpu.memory_space<hbm>>
    tpu.enqueue_indirect_dma source(%dma_start3A_1189 : memref<10000x128xf32, #tpu.memory_space<hbm>>) target(%dma_start3A_1183 : memref<64x128xf32, #tpu.memory_space<vmem>>) offsets(%dma_start3A_1186 : memref<64xi32, #tpu.memory_space<vmem>>) semaphore(%arg23 : memref<!tpu.dma_semaphore, #tpu.memory_space<semaphore_mem>>)
    %dma_wait3A_1190 = arith.constant 0 : i32
    %dma_wait3A_1191 = arith.constant 2 : i32
    %dma_wait3A_1192 = arith.constant 0 : i32
    %dma_wait3A_1193 = tpu.memref_slice %arg9[%dma_wait3A_1191, %dma_wait3A_1192] : memref<8x64xi32, #tpu.memory_space<vmem>> -> memref<1x64xi32, #tpu.memory_space<vmem>>
    %dma_wait3A_1194 = tpu.memref_squeeze %dma_wait3A_1193 : memref<1x64xi32, #tpu.memory_space<vmem>> -> memref<64xi32, #tpu.memory_space<vmem>>
    %dma_wait3A_1195 = arith.constant 0 : i32
    %dma_wait3A_1196 = tpu.memref_slice %arg3[%add3A, %dma_wait3A_1190, %dma_wait3A_1195] : memref<32x160x64xi32, #tpu.memory_space<hbm>> -> memref<1x1x64xi32, #tpu.memory_space<hbm>>
    %dma_wait3A_1197 = tpu.memref_squeeze %dma_wait3A_1196 : memref<1x1x64xi32, #tpu.memory_space<hbm>> -> memref<64xi32, #tpu.memory_space<hbm>>
    %dma_wait3A_1198 = arith.constant 0 : i32
    %dma_wait3A_1199 = tpu.memref_slice %arg9[%dma_wait3A_1191, %dma_wait3A_1198] : memref<8x64xi32, #tpu.memory_space<vmem>> -> memref<1x64xi32, #tpu.memory_space<vmem>>
    %dma_wait3A_1200 = tpu.memref_squeeze %dma_wait3A_1199 : memref<1x64xi32, #tpu.memory_space<vmem>> -> memref<64xi32, #tpu.memory_space<vmem>>
    %dma_wait3A_1201 = arith.constant 0 : i32
    %dma_wait3A_1202 = tpu.memref_slice %arg3[%add3A, %dma_wait3A_1190, %dma_wait3A_1201] : memref<32x160x64xi32, #tpu.memory_space<hbm>> -> memref<1x1x64xi32, #tpu.memory_space<hbm>>
    %dma_wait3A_1203 = tpu.memref_squeeze %dma_wait3A_1202 : memref<1x1x64xi32, #tpu.memory_space<hbm>> -> memref<64xi32, #tpu.memory_space<hbm>>
    tpu.wait_dma2 semaphore(%arg16 : memref<!tpu.dma_semaphore, #tpu.memory_space<semaphore_mem>>) src(%dma_wait3A_1203 : memref<64xi32, #tpu.memory_space<hbm>>) dst(%dma_wait3A_1200 : memref<64xi32, #tpu.memory_space<vmem>>)
    %dma_wait3A_1204 = arith.constant 0 : i32
    %dma_wait3A_1205 = arith.constant 2 : i32
    %dma_wait3A_1206 = arith.constant 0 : i32
    %dma_wait3A_1207 = tpu.memref_slice %arg10[%dma_wait3A_1205, %dma_wait3A_1206] : memref<8x64xi32, #tpu.memory_space<vmem>> -> memref<1x64xi32, #tpu.memory_space<vmem>>
    %dma_wait3A_1208 = tpu.memref_squeeze %dma_wait3A_1207 : memref<1x64xi32, #tpu.memory_space<vmem>> -> memref<64xi32, #tpu.memory_space<vmem>>
    %dma_wait3A_1209 = arith.constant 0 : i32
    %dma_wait3A_1210 = tpu.memref_slice %arg4[%add3A, %dma_wait3A_1204, %dma_wait3A_1209] : memref<32x160x64xi32, #tpu.memory_space<hbm>> -> memref<1x1x64xi32, #tpu.memory_space<hbm>>
    %dma_wait3A_1211 = tpu.memref_squeeze %dma_wait3A_1210 : memref<1x1x64xi32, #tpu.memory_space<hbm>> -> memref<64xi32, #tpu.memory_space<hbm>>
    %dma_wait3A_1212 = arith.constant 0 : i32
    %dma_wait3A_1213 = tpu.memref_slice %arg10[%dma_wait3A_1205, %dma_wait3A_1212] : memref<8x64xi32, #tpu.memory_space<vmem>> -> memref<1x64xi32, #tpu.memory_space<vmem>>
    %dma_wait3A_1214 = tpu.memref_squeeze %dma_wait3A_1213 : memref<1x64xi32, #tpu.memory_space<vmem>> -> memref<64xi32, #tpu.memory_space<vmem>>
    %dma_wait3A_1215 = arith.constant 0 : i32
    %dma_wait3A_1216 = tpu.memref_slice %arg4[%add3A, %dma_wait3A_1204, %dma_wait3A_1215] : memref<32x160x64xi32, #tpu.memory_space<hbm>> -> memref<1x1x64xi32, #tpu.memory_space<hbm>>
    %dma_wait3A_1217 = tpu.memref_squeeze %dma_wait3A_1216 : memref<1x1x64xi32, #tpu.memory_space<hbm>> -> memref<64xi32, #tpu.memory_space<hbm>>
    tpu.wait_dma2 semaphore(%arg16 : memref<!tpu.dma_semaphore, #tpu.memory_space<semaphore_mem>>) src(%dma_wait3A_1217 : memref<64xi32, #tpu.memory_space<hbm>>) dst(%dma_wait3A_1214 : memref<64xi32, #tpu.memory_space<vmem>>)
    %dma_wait3A_1218 = arith.constant 2 : i32
    %dma_wait3A_1219 = arith.constant 0 : i32
    %dma_wait3A_1220 = arith.constant 0 : i32
    %dma_wait3A_1221 = arith.constant 0 : i32
    %dma_wait3A_1222 = tpu.memref_slice %arg11[%dma_wait3A_1218, %dma_wait3A_1220, %dma_wait3A_1221] : memref<4x64x128xf32, #tpu.memory_space<vmem>> -> memref<1x64x128xf32, #tpu.memory_space<vmem>>
    %dma_wait3A_1223 = tpu.memref_squeeze %dma_wait3A_1222 : memref<1x64x128xf32, #tpu.memory_space<vmem>> -> memref<64x128xf32, #tpu.memory_space<vmem>>
    %dma_wait3A_1224 = arith.constant 0 : i32
    %dma_wait3A_1225 = tpu.memref_slice %arg10[%dma_wait3A_1219, %dma_wait3A_1224] : memref<8x64xi32, #tpu.memory_space<vmem>> -> memref<1x64xi32, #tpu.memory_space<vmem>>
    %dma_wait3A_1226 = tpu.memref_squeeze %dma_wait3A_1225 : memref<1x64xi32, #tpu.memory_space<vmem>> -> memref<64xi32, #tpu.memory_space<vmem>>
    %dma_wait3A_1227 = arith.constant 0 : i32
    %dma_wait3A_1228 = arith.constant 0 : i32
    %dma_wait3A_1229 = tpu.memref_slice %arg13[%dma_wait3A_1227, %dma_wait3A_1228] : memref<10240x128xf32, #tpu.memory_space<vmem_shared>> -> memref<10240x128xf32, #tpu.memory_space<vmem_shared>>
    tpu.wait_indirect_dma semaphore(%arg28 : memref<!tpu.dma_semaphore, #tpu.memory_space<semaphore_mem>>) src(%dma_wait3A_1223 : memref<64x128xf32, #tpu.memory_space<vmem>>) dst(%dma_wait3A_1229 : memref<10240x128xf32, #tpu.memory_space<vmem_shared>>)
    %dma_start3A_1230 = arith.constant 158 : i32
    %dma_start3A_1231 = arith.constant 6 : i32
    %dma_start3A_1232 = arith.constant 0 : i32
    %dma_start3A_1233 = tpu.memref_slice %arg9[%dma_start3A_1231, %dma_start3A_1232] : memref<8x64xi32, #tpu.memory_space<vmem>> -> memref<1x64xi32, #tpu.memory_space<vmem>>
    %dma_start3A_1234 = tpu.memref_squeeze %dma_start3A_1233 : memref<1x64xi32, #tpu.memory_space<vmem>> -> memref<64xi32, #tpu.memory_space<vmem>>
    %dma_start3A_1235 = arith.constant 0 : i32
    %dma_start3A_1236 = tpu.memref_slice %arg3[%add3A, %dma_start3A_1230, %dma_start3A_1235] : memref<32x160x64xi32, #tpu.memory_space<hbm>> -> memref<1x1x64xi32, #tpu.memory_space<hbm>>
    %dma_start3A_1237 = tpu.memref_squeeze %dma_start3A_1236 : memref<1x1x64xi32, #tpu.memory_space<hbm>> -> memref<64xi32, #tpu.memory_space<hbm>>
    %dma_start3A_1238 = arith.constant 0 : i32
    %dma_start3A_1239 = tpu.memref_slice %arg9[%dma_start3A_1231, %dma_start3A_1238] : memref<8x64xi32, #tpu.memory_space<vmem>> -> memref<1x64xi32, #tpu.memory_space<vmem>>
    %dma_start3A_1240 = tpu.memref_squeeze %dma_start3A_1239 : memref<1x64xi32, #tpu.memory_space<vmem>> -> memref<64xi32, #tpu.memory_space<vmem>>
    %dma_start3A_1241 = arith.constant 0 : i32
    %dma_start3A_1242 = tpu.memref_slice %arg3[%add3A, %dma_start3A_1230, %dma_start3A_1241] : memref<32x160x64xi32, #tpu.memory_space<hbm>> -> memref<1x1x64xi32, #tpu.memory_space<hbm>>
    %dma_start3A_1243 = tpu.memref_squeeze %dma_start3A_1242 : memref<1x1x64xi32, #tpu.memory_space<hbm>> -> memref<64xi32, #tpu.memory_space<hbm>>
    tpu.enqueue_dma source(%dma_start3A_1243 : memref<64xi32, #tpu.memory_space<hbm>>) target(%dma_start3A_1240 : memref<64xi32, #tpu.memory_space<vmem>>) target_semaphore(%arg20 : memref<!tpu.dma_semaphore, #tpu.memory_space<semaphore_mem>>)
    %dma_start3A_1244 = arith.constant 158 : i32
    %dma_start3A_1245 = arith.constant 6 : i32
    %dma_start3A_1246 = arith.constant 0 : i32
    %dma_start3A_1247 = tpu.memref_slice %arg10[%dma_start3A_1245, %dma_start3A_1246] : memref<8x64xi32, #tpu.memory_space<vmem>> -> memref<1x64xi32, #tpu.memory_space<vmem>>
    %dma_start3A_1248 = tpu.memref_squeeze %dma_start3A_1247 : memref<1x64xi32, #tpu.memory_space<vmem>> -> memref<64xi32, #tpu.memory_space<vmem>>
    %dma_start3A_1249 = arith.constant 0 : i32
    %dma_start3A_1250 = tpu.memref_slice %arg4[%add3A, %dma_start3A_1244, %dma_start3A_1249] : memref<32x160x64xi32, #tpu.memory_space<hbm>> -> memref<1x1x64xi32, #tpu.memory_space<hbm>>
    %dma_start3A_1251 = tpu.memref_squeeze %dma_start3A_1250 : memref<1x1x64xi32, #tpu.memory_space<hbm>> -> memref<64xi32, #tpu.memory_space<hbm>>
    %dma_start3A_1252 = arith.constant 0 : i32
    %dma_start3A_1253 = tpu.memref_slice %arg10[%dma_start3A_1245, %dma_start3A_1252] : memref<8x64xi32, #tpu.memory_space<vmem>> -> memref<1x64xi32, #tpu.memory_space<vmem>>
    %dma_start3A_1254 = tpu.memref_squeeze %dma_start3A_1253 : memref<1x64xi32, #tpu.memory_space<vmem>> -> memref<64xi32, #tpu.memory_space<vmem>>
    %dma_start3A_1255 = arith.constant 0 : i32
    %dma_start3A_1256 = tpu.memref_slice %arg4[%add3A, %dma_start3A_1244, %dma_start3A_1255] : memref<32x160x64xi32, #tpu.memory_space<hbm>> -> memref<1x1x64xi32, #tpu.memory_space<hbm>>
    %dma_start3A_1257 = tpu.memref_squeeze %dma_start3A_1256 : memref<1x1x64xi32, #tpu.memory_space<hbm>> -> memref<64xi32, #tpu.memory_space<hbm>>
    tpu.enqueue_dma source(%dma_start3A_1257 : memref<64xi32, #tpu.memory_space<hbm>>) target(%dma_start3A_1254 : memref<64xi32, #tpu.memory_space<vmem>>) target_semaphore(%arg20 : memref<!tpu.dma_semaphore, #tpu.memory_space<semaphore_mem>>)
    %dma_start3A_1258 = arith.constant 2 : i32
    %dma_start3A_1259 = arith.constant 2 : i32
    %dma_start3A_1260 = arith.constant 0 : i32
    %dma_start3A_1261 = arith.constant 0 : i32
    %dma_start3A_1262 = tpu.memref_slice %arg11[%dma_start3A_1259, %dma_start3A_1260, %dma_start3A_1261] : memref<4x64x128xf32, #tpu.memory_space<vmem>> -> memref<1x64x128xf32, #tpu.memory_space<vmem>>
    %dma_start3A_1263 = tpu.memref_squeeze %dma_start3A_1262 : memref<1x64x128xf32, #tpu.memory_space<vmem>> -> memref<64x128xf32, #tpu.memory_space<vmem>>
    %dma_start3A_1264 = arith.constant 0 : i32
    %dma_start3A_1265 = tpu.memref_slice %arg9[%dma_start3A_1258, %dma_start3A_1264] : memref<8x64xi32, #tpu.memory_space<vmem>> -> memref<1x64xi32, #tpu.memory_space<vmem>>
    %dma_start3A_1266 = tpu.memref_squeeze %dma_start3A_1265 : memref<1x64xi32, #tpu.memory_space<vmem>> -> memref<64xi32, #tpu.memory_space<vmem>>
    %dma_start3A_1267 = arith.constant 0 : i32
    %dma_start3A_1268 = arith.constant 0 : i32
    %dma_start3A_1269 = tpu.memref_slice %arg2[%dma_start3A_1267, %dma_start3A_1268] : memref<10000x128xf32, #tpu.memory_space<hbm>> -> memref<10000x128xf32, #tpu.memory_space<hbm>>
    tpu.enqueue_indirect_dma source(%dma_start3A_1269 : memref<10000x128xf32, #tpu.memory_space<hbm>>) target(%dma_start3A_1263 : memref<64x128xf32, #tpu.memory_space<vmem>>) offsets(%dma_start3A_1266 : memref<64xi32, #tpu.memory_space<vmem>>) semaphore(%arg24 : memref<!tpu.dma_semaphore, #tpu.memory_space<semaphore_mem>>)
    %dma_wait3A_1270 = arith.constant 0 : i32
    %dma_wait3A_1271 = arith.constant 3 : i32
    %dma_wait3A_1272 = arith.constant 0 : i32
    %dma_wait3A_1273 = tpu.memref_slice %arg9[%dma_wait3A_1271, %dma_wait3A_1272] : memref<8x64xi32, #tpu.memory_space<vmem>> -> memref<1x64xi32, #tpu.memory_space<vmem>>
    %dma_wait3A_1274 = tpu.memref_squeeze %dma_wait3A_1273 : memref<1x64xi32, #tpu.memory_space<vmem>> -> memref<64xi32, #tpu.memory_space<vmem>>
    %dma_wait3A_1275 = arith.constant 0 : i32
    %dma_wait3A_1276 = tpu.memref_slice %arg3[%add3A, %dma_wait3A_1270, %dma_wait3A_1275] : memref<32x160x64xi32, #tpu.memory_space<hbm>> -> memref<1x1x64xi32, #tpu.memory_space<hbm>>
    %dma_wait3A_1277 = tpu.memref_squeeze %dma_wait3A_1276 : memref<1x1x64xi32, #tpu.memory_space<hbm>> -> memref<64xi32, #tpu.memory_space<hbm>>
    %dma_wait3A_1278 = arith.constant 0 : i32
    %dma_wait3A_1279 = tpu.memref_slice %arg9[%dma_wait3A_1271, %dma_wait3A_1278] : memref<8x64xi32, #tpu.memory_space<vmem>> -> memref<1x64xi32, #tpu.memory_space<vmem>>
    %dma_wait3A_1280 = tpu.memref_squeeze %dma_wait3A_1279 : memref<1x64xi32, #tpu.memory_space<vmem>> -> memref<64xi32, #tpu.memory_space<vmem>>
    %dma_wait3A_1281 = arith.constant 0 : i32
    %dma_wait3A_1282 = tpu.memref_slice %arg3[%add3A, %dma_wait3A_1270, %dma_wait3A_1281] : memref<32x160x64xi32, #tpu.memory_space<hbm>> -> memref<1x1x64xi32, #tpu.memory_space<hbm>>
    %dma_wait3A_1283 = tpu.memref_squeeze %dma_wait3A_1282 : memref<1x1x64xi32, #tpu.memory_space<hbm>> -> memref<64xi32, #tpu.memory_space<hbm>>
    tpu.wait_dma2 semaphore(%arg17 : memref<!tpu.dma_semaphore, #tpu.memory_space<semaphore_mem>>) src(%dma_wait3A_1283 : memref<64xi32, #tpu.memory_space<hbm>>) dst(%dma_wait3A_1280 : memref<64xi32, #tpu.memory_space<vmem>>)
    %dma_wait3A_1284 = arith.constant 0 : i32
    %dma_wait3A_1285 = arith.constant 3 : i32
    %dma_wait3A_1286 = arith.constant 0 : i32
    %dma_wait3A_1287 = tpu.memref_slice %arg10[%dma_wait3A_1285, %dma_wait3A_1286] : memref<8x64xi32, #tpu.memory_space<vmem>> -> memref<1x64xi32, #tpu.memory_space<vmem>>
    %dma_wait3A_1288 = tpu.memref_squeeze %dma_wait3A_1287 : memref<1x64xi32, #tpu.memory_space<vmem>> -> memref<64xi32, #tpu.memory_space<vmem>>
    %dma_wait3A_1289 = arith.constant 0 : i32
    %dma_wait3A_1290 = tpu.memref_slice %arg4[%add3A, %dma_wait3A_1284, %dma_wait3A_1289] : memref<32x160x64xi32, #tpu.memory_space<hbm>> -> memref<1x1x64xi32, #tpu.memory_space<hbm>>
    %dma_wait3A_1291 = tpu.memref_squeeze %dma_wait3A_1290 : memref<1x1x64xi32, #tpu.memory_space<hbm>> -> memref<64xi32, #tpu.memory_space<hbm>>
    %dma_wait3A_1292 = arith.constant 0 : i32
    %dma_wait3A_1293 = tpu.memref_slice %arg10[%dma_wait3A_1285, %dma_wait3A_1292] : memref<8x64xi32, #tpu.memory_space<vmem>> -> memref<1x64xi32, #tpu.memory_space<vmem>>
    %dma_wait3A_1294 = tpu.memref_squeeze %dma_wait3A_1293 : memref<1x64xi32, #tpu.memory_space<vmem>> -> memref<64xi32, #tpu.memory_space<vmem>>
    %dma_wait3A_1295 = arith.constant 0 : i32
    %dma_wait3A_1296 = tpu.memref_slice %arg4[%add3A, %dma_wait3A_1284, %dma_wait3A_1295] : memref<32x160x64xi32, #tpu.memory_space<hbm>> -> memref<1x1x64xi32, #tpu.memory_space<hbm>>
    %dma_wait3A_1297 = tpu.memref_squeeze %dma_wait3A_1296 : memref<1x1x64xi32, #tpu.memory_space<hbm>> -> memref<64xi32, #tpu.memory_space<hbm>>
    tpu.wait_dma2 semaphore(%arg17 : memref<!tpu.dma_semaphore, #tpu.memory_space<semaphore_mem>>) src(%dma_wait3A_1297 : memref<64xi32, #tpu.memory_space<hbm>>) dst(%dma_wait3A_1294 : memref<64xi32, #tpu.memory_space<vmem>>)
    %dma_wait3A_1298 = arith.constant 3 : i32
    %dma_wait3A_1299 = arith.constant 0 : i32
    %dma_wait3A_1300 = arith.constant 0 : i32
    %dma_wait3A_1301 = arith.constant 0 : i32
    %dma_wait3A_1302 = tpu.memref_slice %arg11[%dma_wait3A_1298, %dma_wait3A_1300, %dma_wait3A_1301] : memref<4x64x128xf32, #tpu.memory_space<vmem>> -> memref<1x64x128xf32, #tpu.memory_space<vmem>>
    %dma_wait3A_1303 = tpu.memref_squeeze %dma_wait3A_1302 : memref<1x64x128xf32, #tpu.memory_space<vmem>> -> memref<64x128xf32, #tpu.memory_space<vmem>>
    %dma_wait3A_1304 = arith.constant 0 : i32
    %dma_wait3A_1305 = tpu.memref_slice %arg10[%dma_wait3A_1299, %dma_wait3A_1304] : memref<8x64xi32, #tpu.memory_space<vmem>> -> memref<1x64xi32, #tpu.memory_space<vmem>>
    %dma_wait3A_1306 = tpu.memref_squeeze %dma_wait3A_1305 : memref<1x64xi32, #tpu.memory_space<vmem>> -> memref<64xi32, #tpu.memory_space<vmem>>
    %dma_wait3A_1307 = arith.constant 0 : i32
    %dma_wait3A_1308 = arith.constant 0 : i32
    %dma_wait3A_1309 = tpu.memref_slice %arg13[%dma_wait3A_1307, %dma_wait3A_1308] : memref<10240x128xf32, #tpu.memory_space<vmem_shared>> -> memref<10240x128xf32, #tpu.memory_space<vmem_shared>>
    tpu.wait_indirect_dma semaphore(%arg29 : memref<!tpu.dma_semaphore, #tpu.memory_space<semaphore_mem>>) src(%dma_wait3A_1303 : memref<64x128xf32, #tpu.memory_space<vmem>>) dst(%dma_wait3A_1309 : memref<10240x128xf32, #tpu.memory_space<vmem_shared>>)
    %dma_start3A_1310 = arith.constant 159 : i32
    %dma_start3A_1311 = arith.constant 7 : i32
    %dma_start3A_1312 = arith.constant 0 : i32
    %dma_start3A_1313 = tpu.memref_slice %arg9[%dma_start3A_1311, %dma_start3A_1312] : memref<8x64xi32, #tpu.memory_space<vmem>> -> memref<1x64xi32, #tpu.memory_space<vmem>>
    %dma_start3A_1314 = tpu.memref_squeeze %dma_start3A_1313 : memref<1x64xi32, #tpu.memory_space<vmem>> -> memref<64xi32, #tpu.memory_space<vmem>>
    %dma_start3A_1315 = arith.constant 0 : i32
    %dma_start3A_1316 = tpu.memref_slice %arg3[%add3A, %dma_start3A_1310, %dma_start3A_1315] : memref<32x160x64xi32, #tpu.memory_space<hbm>> -> memref<1x1x64xi32, #tpu.memory_space<hbm>>
    %dma_start3A_1317 = tpu.memref_squeeze %dma_start3A_1316 : memref<1x1x64xi32, #tpu.memory_space<hbm>> -> memref<64xi32, #tpu.memory_space<hbm>>
    %dma_start3A_1318 = arith.constant 0 : i32
    %dma_start3A_1319 = tpu.memref_slice %arg9[%dma_start3A_1311, %dma_start3A_1318] : memref<8x64xi32, #tpu.memory_space<vmem>> -> memref<1x64xi32, #tpu.memory_space<vmem>>
    %dma_start3A_1320 = tpu.memref_squeeze %dma_start3A_1319 : memref<1x64xi32, #tpu.memory_space<vmem>> -> memref<64xi32, #tpu.memory_space<vmem>>
    %dma_start3A_1321 = arith.constant 0 : i32
    %dma_start3A_1322 = tpu.memref_slice %arg3[%add3A, %dma_start3A_1310, %dma_start3A_1321] : memref<32x160x64xi32, #tpu.memory_space<hbm>> -> memref<1x1x64xi32, #tpu.memory_space<hbm>>
    %dma_start3A_1323 = tpu.memref_squeeze %dma_start3A_1322 : memref<1x1x64xi32, #tpu.memory_space<hbm>> -> memref<64xi32, #tpu.memory_space<hbm>>
    tpu.enqueue_dma source(%dma_start3A_1323 : memref<64xi32, #tpu.memory_space<hbm>>) target(%dma_start3A_1320 : memref<64xi32, #tpu.memory_space<vmem>>) target_semaphore(%arg21 : memref<!tpu.dma_semaphore, #tpu.memory_space<semaphore_mem>>)
    %dma_start3A_1324 = arith.constant 159 : i32
    %dma_start3A_1325 = arith.constant 7 : i32
    %dma_start3A_1326 = arith.constant 0 : i32
    %dma_start3A_1327 = tpu.memref_slice %arg10[%dma_start3A_1325, %dma_start3A_1326] : memref<8x64xi32, #tpu.memory_space<vmem>> -> memref<1x64xi32, #tpu.memory_space<vmem>>
    %dma_start3A_1328 = tpu.memref_squeeze %dma_start3A_1327 : memref<1x64xi32, #tpu.memory_space<vmem>> -> memref<64xi32, #tpu.memory_space<vmem>>
    %dma_start3A_1329 = arith.constant 0 : i32
    %dma_start3A_1330 = tpu.memref_slice %arg4[%add3A, %dma_start3A_1324, %dma_start3A_1329] : memref<32x160x64xi32, #tpu.memory_space<hbm>> -> memref<1x1x64xi32, #tpu.memory_space<hbm>>
    %dma_start3A_1331 = tpu.memref_squeeze %dma_start3A_1330 : memref<1x1x64xi32, #tpu.memory_space<hbm>> -> memref<64xi32, #tpu.memory_space<hbm>>
    %dma_start3A_1332 = arith.constant 0 : i32
    %dma_start3A_1333 = tpu.memref_slice %arg10[%dma_start3A_1325, %dma_start3A_1332] : memref<8x64xi32, #tpu.memory_space<vmem>> -> memref<1x64xi32, #tpu.memory_space<vmem>>
    %dma_start3A_1334 = tpu.memref_squeeze %dma_start3A_1333 : memref<1x64xi32, #tpu.memory_space<vmem>> -> memref<64xi32, #tpu.memory_space<vmem>>
    %dma_start3A_1335 = arith.constant 0 : i32
    %dma_start3A_1336 = tpu.memref_slice %arg4[%add3A, %dma_start3A_1324, %dma_start3A_1335] : memref<32x160x64xi32, #tpu.memory_space<hbm>> -> memref<1x1x64xi32, #tpu.memory_space<hbm>>
    %dma_start3A_1337 = tpu.memref_squeeze %dma_start3A_1336 : memref<1x1x64xi32, #tpu.memory_space<hbm>> -> memref<64xi32, #tpu.memory_space<hbm>>
    tpu.enqueue_dma source(%dma_start3A_1337 : memref<64xi32, #tpu.memory_space<hbm>>) target(%dma_start3A_1334 : memref<64xi32, #tpu.memory_space<vmem>>) target_semaphore(%arg21 : memref<!tpu.dma_semaphore, #tpu.memory_space<semaphore_mem>>)
    %dma_start3A_1338 = arith.constant 3 : i32
    %dma_start3A_1339 = arith.constant 3 : i32
    %dma_start3A_1340 = arith.constant 0 : i32
    %dma_start3A_1341 = arith.constant 0 : i32
    %dma_start3A_1342 = tpu.memref_slice %arg11[%dma_start3A_1339, %dma_start3A_1340, %dma_start3A_1341] : memref<4x64x128xf32, #tpu.memory_space<vmem>> -> memref<1x64x128xf32, #tpu.memory_space<vmem>>
    %dma_start3A_1343 = tpu.memref_squeeze %dma_start3A_1342 : memref<1x64x128xf32, #tpu.memory_space<vmem>> -> memref<64x128xf32, #tpu.memory_space<vmem>>
    %dma_start3A_1344 = arith.constant 0 : i32
    %dma_start3A_1345 = tpu.memref_slice %arg9[%dma_start3A_1338, %dma_start3A_1344] : memref<8x64xi32, #tpu.memory_space<vmem>> -> memref<1x64xi32, #tpu.memory_space<vmem>>
    %dma_start3A_1346 = tpu.memref_squeeze %dma_start3A_1345 : memref<1x64xi32, #tpu.memory_space<vmem>> -> memref<64xi32, #tpu.memory_space<vmem>>
    %dma_start3A_1347 = arith.constant 0 : i32
    %dma_start3A_1348 = arith.constant 0 : i32
    %dma_start3A_1349 = tpu.memref_slice %arg2[%dma_start3A_1347, %dma_start3A_1348] : memref<10000x128xf32, #tpu.memory_space<hbm>> -> memref<10000x128xf32, #tpu.memory_space<hbm>>
    tpu.enqueue_indirect_dma source(%dma_start3A_1349 : memref<10000x128xf32, #tpu.memory_space<hbm>>) target(%dma_start3A_1343 : memref<64x128xf32, #tpu.memory_space<vmem>>) offsets(%dma_start3A_1346 : memref<64xi32, #tpu.memory_space<vmem>>) semaphore(%arg25 : memref<!tpu.dma_semaphore, #tpu.memory_space<semaphore_mem>>)
    %dma_wait3A_1350 = arith.constant 0 : i32
    %dma_wait3A_1351 = arith.constant 0 : i32
    %dma_wait3A_1352 = arith.constant 0 : i32
    %dma_wait3A_1353 = arith.constant 0 : i32
    %dma_wait3A_1354 = tpu.memref_slice %arg11[%dma_wait3A_1351, %dma_wait3A_1352, %dma_wait3A_1353] : memref<4x64x128xf32, #tpu.memory_space<vmem>> -> memref<1x64x128xf32, #tpu.memory_space<vmem>>
    %dma_wait3A_1355 = tpu.memref_squeeze %dma_wait3A_1354 : memref<1x64x128xf32, #tpu.memory_space<vmem>> -> memref<64x128xf32, #tpu.memory_space<vmem>>
    %dma_wait3A_1356 = arith.constant 0 : i32
    %dma_wait3A_1357 = tpu.memref_slice %arg9[%dma_wait3A_1350, %dma_wait3A_1356] : memref<8x64xi32, #tpu.memory_space<vmem>> -> memref<1x64xi32, #tpu.memory_space<vmem>>
    %dma_wait3A_1358 = tpu.memref_squeeze %dma_wait3A_1357 : memref<1x64xi32, #tpu.memory_space<vmem>> -> memref<64xi32, #tpu.memory_space<vmem>>
    %dma_wait3A_1359 = arith.constant 0 : i32
    %dma_wait3A_1360 = arith.constant 0 : i32
    %dma_wait3A_1361 = tpu.memref_slice %arg2[%dma_wait3A_1359, %dma_wait3A_1360] : memref<10000x128xf32, #tpu.memory_space<hbm>> -> memref<10000x128xf32, #tpu.memory_space<hbm>>
    tpu.wait_indirect_dma semaphore(%arg22 : memref<!tpu.dma_semaphore, #tpu.memory_space<semaphore_mem>>) src(%dma_wait3A_1361 : memref<10000x128xf32, #tpu.memory_space<hbm>>) dst(%dma_wait3A_1355 : memref<64x128xf32, #tpu.memory_space<vmem>>)
    %dma_start3A_1362 = arith.constant 0 : i32
    %dma_start3A_1363 = arith.constant 0 : i32
    %dma_start3A_1364 = arith.constant 0 : i32
    %dma_start3A_1365 = arith.constant 0 : i32
    %dma_start3A_1366 = tpu.memref_slice %arg11[%dma_start3A_1362, %dma_start3A_1364, %dma_start3A_1365] : memref<4x64x128xf32, #tpu.memory_space<vmem>> -> memref<1x64x128xf32, #tpu.memory_space<vmem>>
    %dma_start3A_1367 = tpu.memref_squeeze %dma_start3A_1366 : memref<1x64x128xf32, #tpu.memory_space<vmem>> -> memref<64x128xf32, #tpu.memory_space<vmem>>
    %dma_start3A_1368 = arith.constant 0 : i32
    %dma_start3A_1369 = tpu.memref_slice %arg10[%dma_start3A_1363, %dma_start3A_1368] : memref<8x64xi32, #tpu.memory_space<vmem>> -> memref<1x64xi32, #tpu.memory_space<vmem>>
    %dma_start3A_1370 = tpu.memref_squeeze %dma_start3A_1369 : memref<1x64xi32, #tpu.memory_space<vmem>> -> memref<64xi32, #tpu.memory_space<vmem>>
    %dma_start3A_1371 = arith.constant 0 : i32
    %dma_start3A_1372 = arith.constant 0 : i32
    %dma_start3A_1373 = tpu.memref_slice %arg13[%dma_start3A_1371, %dma_start3A_1372] : memref<10240x128xf32, #tpu.memory_space<vmem_shared>> -> memref<10240x128xf32, #tpu.memory_space<vmem_shared>>
    tpu.enqueue_indirect_dma source(%dma_start3A_1367 : memref<64x128xf32, #tpu.memory_space<vmem>>) target(%dma_start3A_1373 : memref<10240x128xf32, #tpu.memory_space<vmem_shared>>) offsets(%dma_start3A_1370 : memref<64xi32, #tpu.memory_space<vmem>>) semaphore(%arg26 : memref<!tpu.dma_semaphore, #tpu.memory_space<semaphore_mem>>) {add = true}
    %get3A_1374 = arith.constant 0 : i32
    %get3A_1375 = arith.index_cast %get3A_1374 : i32 to index
    %get3A_1376 = arith.constant 0 : index
    %get3A_1377 = tpu.vector_load %arg10[%get3A_1375, %get3A_1376] {strides = array<i32>} : memref<8x64xi32, #tpu.memory_space<vmem>>, vector<16xi32>,
    tpu.vector_store_idx %arg12[%get3A_1377], %broadcast_in_dim3A_3 {add = true} : memref<10240xf32, #tpu.memory_space<vmem>>[vector<16xi32>], vector<16xf32>,
    %get3A_1378 = arith.constant 0 : i32
    %get3A_1379 = arith.index_cast %get3A_1378 : i32 to index
    %get3A_1380 = arith.constant 16 : index
    %get3A_1381 = tpu.vector_load %arg10[%get3A_1379, %get3A_1380] {strides = array<i32>} : memref<8x64xi32, #tpu.memory_space<vmem>>, vector<16xi32>,
    tpu.vector_store_idx %arg12[%get3A_1381], %broadcast_in_dim3A_3 {add = true} : memref<10240xf32, #tpu.memory_space<vmem>>[vector<16xi32>], vector<16xf32>,
    %get3A_1382 = arith.constant 0 : i32
    %get3A_1383 = arith.index_cast %get3A_1382 : i32 to index
    %get3A_1384 = arith.constant 32 : index
    %get3A_1385 = tpu.vector_load %arg10[%get3A_1383, %get3A_1384] {strides = array<i32>} : memref<8x64xi32, #tpu.memory_space<vmem>>, vector<16xi32>,
    tpu.vector_store_idx %arg12[%get3A_1385], %broadcast_in_dim3A_3 {add = true} : memref<10240xf32, #tpu.memory_space<vmem>>[vector<16xi32>], vector<16xf32>,
    %get3A_1386 = arith.constant 0 : i32
    %get3A_1387 = arith.index_cast %get3A_1386 : i32 to index
    %get3A_1388 = arith.constant 48 : index
    %get3A_1389 = tpu.vector_load %arg10[%get3A_1387, %get3A_1388] {strides = array<i32>} : memref<8x64xi32, #tpu.memory_space<vmem>>, vector<16xi32>,
    tpu.vector_store_idx %arg12[%get3A_1389], %broadcast_in_dim3A_3 {add = true} : memref<10240xf32, #tpu.memory_space<vmem>>[vector<16xi32>], vector<16xf32>,
    %dma_wait3A_1390 = arith.constant 0 : i32
    %dma_wait3A_1391 = arith.constant 1 : i32
    %dma_wait3A_1392 = arith.constant 0 : i32
    %dma_wait3A_1393 = arith.constant 0 : i32
    %dma_wait3A_1394 = tpu.memref_slice %arg11[%dma_wait3A_1391, %dma_wait3A_1392, %dma_wait3A_1393] : memref<4x64x128xf32, #tpu.memory_space<vmem>> -> memref<1x64x128xf32, #tpu.memory_space<vmem>>
    %dma_wait3A_1395 = tpu.memref_squeeze %dma_wait3A_1394 : memref<1x64x128xf32, #tpu.memory_space<vmem>> -> memref<64x128xf32, #tpu.memory_space<vmem>>
    %dma_wait3A_1396 = arith.constant 0 : i32
    %dma_wait3A_1397 = tpu.memref_slice %arg9[%dma_wait3A_1390, %dma_wait3A_1396] : memref<8x64xi32, #tpu.memory_space<vmem>> -> memref<1x64xi32, #tpu.memory_space<vmem>>
    %dma_wait3A_1398 = tpu.memref_squeeze %dma_wait3A_1397 : memref<1x64xi32, #tpu.memory_space<vmem>> -> memref<64xi32, #tpu.memory_space<vmem>>
    %dma_wait3A_1399 = arith.constant 0 : i32
    %dma_wait3A_1400 = arith.constant 0 : i32
    %dma_wait3A_1401 = tpu.memref_slice %arg2[%dma_wait3A_1399, %dma_wait3A_1400] : memref<10000x128xf32, #tpu.memory_space<hbm>> -> memref<10000x128xf32, #tpu.memory_space<hbm>>
    tpu.wait_indirect_dma semaphore(%arg23 : memref<!tpu.dma_semaphore, #tpu.memory_space<semaphore_mem>>) src(%dma_wait3A_1401 : memref<10000x128xf32, #tpu.memory_space<hbm>>) dst(%dma_wait3A_1395 : memref<64x128xf32, #tpu.memory_space<vmem>>)
    %dma_start3A_1402 = arith.constant 1 : i32
    %dma_start3A_1403 = arith.constant 1 : i32
    %dma_start3A_1404 = arith.constant 0 : i32
    %dma_start3A_1405 = arith.constant 0 : i32
    %dma_start3A_1406 = tpu.memref_slice %arg11[%dma_start3A_1402, %dma_start3A_1404, %dma_start3A_1405] : memref<4x64x128xf32, #tpu.memory_space<vmem>> -> memref<1x64x128xf32, #tpu.memory_space<vmem>>
    %dma_start3A_1407 = tpu.memref_squeeze %dma_start3A_1406 : memref<1x64x128xf32, #tpu.memory_space<vmem>> -> memref<64x128xf32, #tpu.memory_space<vmem>>
    %dma_start3A_1408 = arith.constant 0 : i32
    %dma_start3A_1409 = tpu.memref_slice %arg10[%dma_start3A_1403, %dma_start3A_1408] : memref<8x64xi32, #tpu.memory_space<vmem>> -> memref<1x64xi32, #tpu.memory_space<vmem>>
    %dma_start3A_1410 = tpu.memref_squeeze %dma_start3A_1409 : memref<1x64xi32, #tpu.memory_space<vmem>> -> memref<64xi32, #tpu.memory_space<vmem>>
    %dma_start3A_1411 = arith.constant 0 : i32
    %dma_start3A_1412 = arith.constant 0 : i32
    %dma_start3A_1413 = tpu.memref_slice %arg13[%dma_start3A_1411, %dma_start3A_1412] : memref<10240x128xf32, #tpu.memory_space<vmem_shared>> -> memref<10240x128xf32, #tpu.memory_space<vmem_shared>>
    tpu.enqueue_indirect_dma source(%dma_start3A_1407 : memref<64x128xf32, #tpu.memory_space<vmem>>) target(%dma_start3A_1413 : memref<10240x128xf32, #tpu.memory_space<vmem_shared>>) offsets(%dma_start3A_1410 : memref<64xi32, #tpu.memory_space<vmem>>) semaphore(%arg27 : memref<!tpu.dma_semaphore, #tpu.memory_space<semaphore_mem>>) {add = true}
    %get3A_1414 = arith.constant 1 : i32
    %get3A_1415 = arith.index_cast %get3A_1414 : i32 to index
    %get3A_1416 = arith.constant 0 : index
    %get3A_1417 = tpu.vector_load %arg10[%get3A_1415, %get3A_1416] {strides = array<i32>} : memref<8x64xi32, #tpu.memory_space<vmem>>, vector<16xi32>,
    tpu.vector_store_idx %arg12[%get3A_1417], %broadcast_in_dim3A_3 {add = true} : memref<10240xf32, #tpu.memory_space<vmem>>[vector<16xi32>], vector<16xf32>,
    %get3A_1418 = arith.constant 1 : i32
    %get3A_1419 = arith.index_cast %get3A_1418 : i32 to index
    %get3A_1420 = arith.constant 16 : index
    %get3A_1421 = tpu.vector_load %arg10[%get3A_1419, %get3A_1420] {strides = array<i32>} : memref<8x64xi32, #tpu.memory_space<vmem>>, vector<16xi32>,
    tpu.vector_store_idx %arg12[%get3A_1421], %broadcast_in_dim3A_3 {add = true} : memref<10240xf32, #tpu.memory_space<vmem>>[vector<16xi32>], vector<16xf32>,
    %get3A_1422 = arith.constant 1 : i32
    %get3A_1423 = arith.index_cast %get3A_1422 : i32 to index
    %get3A_1424 = arith.constant 32 : index
    %get3A_1425 = tpu.vector_load %arg10[%get3A_1423, %get3A_1424] {strides = array<i32>} : memref<8x64xi32, #tpu.memory_space<vmem>>, vector<16xi32>,
    tpu.vector_store_idx %arg12[%get3A_1425], %broadcast_in_dim3A_3 {add = true} : memref<10240xf32, #tpu.memory_space<vmem>>[vector<16xi32>], vector<16xf32>,
    %get3A_1426 = arith.constant 1 : i32
    %get3A_1427 = arith.index_cast %get3A_1426 : i32 to index
    %get3A_1428 = arith.constant 48 : index
    %get3A_1429 = tpu.vector_load %arg10[%get3A_1427, %get3A_1428] {strides = array<i32>} : memref<8x64xi32, #tpu.memory_space<vmem>>, vector<16xi32>,
    tpu.vector_store_idx %arg12[%get3A_1429], %broadcast_in_dim3A_3 {add = true} : memref<10240xf32, #tpu.memory_space<vmem>>[vector<16xi32>], vector<16xf32>,
    %dma_wait3A_1430 = arith.constant 0 : i32
    %dma_wait3A_1431 = arith.constant 2 : i32
    %dma_wait3A_1432 = arith.constant 0 : i32
    %dma_wait3A_1433 = arith.constant 0 : i32
    %dma_wait3A_1434 = tpu.memref_slice %arg11[%dma_wait3A_1431, %dma_wait3A_1432, %dma_wait3A_1433] : memref<4x64x128xf32, #tpu.memory_space<vmem>> -> memref<1x64x128xf32, #tpu.memory_space<vmem>>
    %dma_wait3A_1435 = tpu.memref_squeeze %dma_wait3A_1434 : memref<1x64x128xf32, #tpu.memory_space<vmem>> -> memref<64x128xf32, #tpu.memory_space<vmem>>
    %dma_wait3A_1436 = arith.constant 0 : i32
    %dma_wait3A_1437 = tpu.memref_slice %arg9[%dma_wait3A_1430, %dma_wait3A_1436] : memref<8x64xi32, #tpu.memory_space<vmem>> -> memref<1x64xi32, #tpu.memory_space<vmem>>
    %dma_wait3A_1438 = tpu.memref_squeeze %dma_wait3A_1437 : memref<1x64xi32, #tpu.memory_space<vmem>> -> memref<64xi32, #tpu.memory_space<vmem>>
    %dma_wait3A_1439 = arith.constant 0 : i32
    %dma_wait3A_1440 = arith.constant 0 : i32
    %dma_wait3A_1441 = tpu.memref_slice %arg2[%dma_wait3A_1439, %dma_wait3A_1440] : memref<10000x128xf32, #tpu.memory_space<hbm>> -> memref<10000x128xf32, #tpu.memory_space<hbm>>
    tpu.wait_indirect_dma semaphore(%arg24 : memref<!tpu.dma_semaphore, #tpu.memory_space<semaphore_mem>>) src(%dma_wait3A_1441 : memref<10000x128xf32, #tpu.memory_space<hbm>>) dst(%dma_wait3A_1435 : memref<64x128xf32, #tpu.memory_space<vmem>>)
    %dma_start3A_1442 = arith.constant 2 : i32
    %dma_start3A_1443 = arith.constant 2 : i32
    %dma_start3A_1444 = arith.constant 0 : i32
    %dma_start3A_1445 = arith.constant 0 : i32
    %dma_start3A_1446 = tpu.memref_slice %arg11[%dma_start3A_1442, %dma_start3A_1444, %dma_start3A_1445] : memref<4x64x128xf32, #tpu.memory_space<vmem>> -> memref<1x64x128xf32, #tpu.memory_space<vmem>>
    %dma_start3A_1447 = tpu.memref_squeeze %dma_start3A_1446 : memref<1x64x128xf32, #tpu.memory_space<vmem>> -> memref<64x128xf32, #tpu.memory_space<vmem>>
    %dma_start3A_1448 = arith.constant 0 : i32
    %dma_start3A_1449 = tpu.memref_slice %arg10[%dma_start3A_1443, %dma_start3A_1448] : memref<8x64xi32, #tpu.memory_space<vmem>> -> memref<1x64xi32, #tpu.memory_space<vmem>>
    %dma_start3A_1450 = tpu.memref_squeeze %dma_start3A_1449 : memref<1x64xi32, #tpu.memory_space<vmem>> -> memref<64xi32, #tpu.memory_space<vmem>>
    %dma_start3A_1451 = arith.constant 0 : i32
    %dma_start3A_1452 = arith.constant 0 : i32
    %dma_start3A_1453 = tpu.memref_slice %arg13[%dma_start3A_1451, %dma_start3A_1452] : memref<10240x128xf32, #tpu.memory_space<vmem_shared>> -> memref<10240x128xf32, #tpu.memory_space<vmem_shared>>
    tpu.enqueue_indirect_dma source(%dma_start3A_1447 : memref<64x128xf32, #tpu.memory_space<vmem>>) target(%dma_start3A_1453 : memref<10240x128xf32, #tpu.memory_space<vmem_shared>>) offsets(%dma_start3A_1450 : memref<64xi32, #tpu.memory_space<vmem>>) semaphore(%arg28 : memref<!tpu.dma_semaphore, #tpu.memory_space<semaphore_mem>>) {add = true}
    %get3A_1454 = arith.constant 2 : i32
    %get3A_1455 = arith.index_cast %get3A_1454 : i32 to index
    %get3A_1456 = arith.constant 0 : index
    %get3A_1457 = tpu.vector_load %arg10[%get3A_1455, %get3A_1456] {strides = array<i32>} : memref<8x64xi32, #tpu.memory_space<vmem>>, vector<16xi32>,
    tpu.vector_store_idx %arg12[%get3A_1457], %broadcast_in_dim3A_3 {add = true} : memref<10240xf32, #tpu.memory_space<vmem>>[vector<16xi32>], vector<16xf32>,
    %get3A_1458 = arith.constant 2 : i32
    %get3A_1459 = arith.index_cast %get3A_1458 : i32 to index
    %get3A_1460 = arith.constant 16 : index
    %get3A_1461 = tpu.vector_load %arg10[%get3A_1459, %get3A_1460] {strides = array<i32>} : memref<8x64xi32, #tpu.memory_space<vmem>>, vector<16xi32>,
    tpu.vector_store_idx %arg12[%get3A_1461], %broadcast_in_dim3A_3 {add = true} : memref<10240xf32, #tpu.memory_space<vmem>>[vector<16xi32>], vector<16xf32>,
    %get3A_1462 = arith.constant 2 : i32
    %get3A_1463 = arith.index_cast %get3A_1462 : i32 to index
    %get3A_1464 = arith.constant 32 : index
    %get3A_1465 = tpu.vector_load %arg10[%get3A_1463, %get3A_1464] {strides = array<i32>} : memref<8x64xi32, #tpu.memory_space<vmem>>, vector<16xi32>,
    tpu.vector_store_idx %arg12[%get3A_1465], %broadcast_in_dim3A_3 {add = true} : memref<10240xf32, #tpu.memory_space<vmem>>[vector<16xi32>], vector<16xf32>,
    %get3A_1466 = arith.constant 2 : i32
    %get3A_1467 = arith.index_cast %get3A_1466 : i32 to index
    %get3A_1468 = arith.constant 48 : index
    %get3A_1469 = tpu.vector_load %arg10[%get3A_1467, %get3A_1468] {strides = array<i32>} : memref<8x64xi32, #tpu.memory_space<vmem>>, vector<16xi32>,
    tpu.vector_store_idx %arg12[%get3A_1469], %broadcast_in_dim3A_3 {add = true} : memref<10240xf32, #tpu.memory_space<vmem>>[vector<16xi32>], vector<16xf32>,
    %dma_wait3A_1470 = arith.constant 0 : i32
    %dma_wait3A_1471 = arith.constant 3 : i32
    %dma_wait3A_1472 = arith.constant 0 : i32
    %dma_wait3A_1473 = arith.constant 0 : i32
    %dma_wait3A_1474 = tpu.memref_slice %arg11[%dma_wait3A_1471, %dma_wait3A_1472, %dma_wait3A_1473] : memref<4x64x128xf32, #tpu.memory_space<vmem>> -> memref<1x64x128xf32, #tpu.memory_space<vmem>>
    %dma_wait3A_1475 = tpu.memref_squeeze %dma_wait3A_1474 : memref<1x64x128xf32, #tpu.memory_space<vmem>> -> memref<64x128xf32, #tpu.memory_space<vmem>>
    %dma_wait3A_1476 = arith.constant 0 : i32
    %dma_wait3A_1477 = tpu.memref_slice %arg9[%dma_wait3A_1470, %dma_wait3A_1476] : memref<8x64xi32, #tpu.memory_space<vmem>> -> memref<1x64xi32, #tpu.memory_space<vmem>>
    %dma_wait3A_1478 = tpu.memref_squeeze %dma_wait3A_1477 : memref<1x64xi32, #tpu.memory_space<vmem>> -> memref<64xi32, #tpu.memory_space<vmem>>
    %dma_wait3A_1479 = arith.constant 0 : i32
    %dma_wait3A_1480 = arith.constant 0 : i32
    %dma_wait3A_1481 = tpu.memref_slice %arg2[%dma_wait3A_1479, %dma_wait3A_1480] : memref<10000x128xf32, #tpu.memory_space<hbm>> -> memref<10000x128xf32, #tpu.memory_space<hbm>>
    tpu.wait_indirect_dma semaphore(%arg25 : memref<!tpu.dma_semaphore, #tpu.memory_space<semaphore_mem>>) src(%dma_wait3A_1481 : memref<10000x128xf32, #tpu.memory_space<hbm>>) dst(%dma_wait3A_1475 : memref<64x128xf32, #tpu.memory_space<vmem>>)
    %dma_start3A_1482 = arith.constant 3 : i32
    %dma_start3A_1483 = arith.constant 3 : i32
    %dma_start3A_1484 = arith.constant 0 : i32
    %dma_start3A_1485 = arith.constant 0 : i32
    %dma_start3A_1486 = tpu.memref_slice %arg11[%dma_start3A_1482, %dma_start3A_1484, %dma_start3A_1485] : memref<4x64x128xf32, #tpu.memory_space<vmem>> -> memref<1x64x128xf32, #tpu.memory_space<vmem>>
    %dma_start3A_1487 = tpu.memref_squeeze %dma_start3A_1486 : memref<1x64x128xf32, #tpu.memory_space<vmem>> -> memref<64x128xf32, #tpu.memory_space<vmem>>
    %dma_start3A_1488 = arith.constant 0 : i32
    %dma_start3A_1489 = tpu.memref_slice %arg10[%dma_start3A_1483, %dma_start3A_1488] : memref<8x64xi32, #tpu.memory_space<vmem>> -> memref<1x64xi32, #tpu.memory_space<vmem>>
    %dma_start3A_1490 = tpu.memref_squeeze %dma_start3A_1489 : memref<1x64xi32, #tpu.memory_space<vmem>> -> memref<64xi32, #tpu.memory_space<vmem>>
    %dma_start3A_1491 = arith.constant 0 : i32
    %dma_start3A_1492 = arith.constant 0 : i32
    %dma_start3A_1493 = tpu.memref_slice %arg13[%dma_start3A_1491, %dma_start3A_1492] : memref<10240x128xf32, #tpu.memory_space<vmem_shared>> -> memref<10240x128xf32, #tpu.memory_space<vmem_shared>>
    tpu.enqueue_indirect_dma source(%dma_start3A_1487 : memref<64x128xf32, #tpu.memory_space<vmem>>) target(%dma_start3A_1493 : memref<10240x128xf32, #tpu.memory_space<vmem_shared>>) offsets(%dma_start3A_1490 : memref<64xi32, #tpu.memory_space<vmem>>) semaphore(%arg29 : memref<!tpu.dma_semaphore, #tpu.memory_space<semaphore_mem>>) {add = true}
    %get3A_1494 = arith.constant 3 : i32
    %get3A_1495 = arith.index_cast %get3A_1494 : i32 to index
    %get3A_1496 = arith.constant 0 : index
    %get3A_1497 = tpu.vector_load %arg10[%get3A_1495, %get3A_1496] {strides = array<i32>} : memref<8x64xi32, #tpu.memory_space<vmem>>, vector<16xi32>,
    tpu.vector_store_idx %arg12[%get3A_1497], %broadcast_in_dim3A_3 {add = true} : memref<10240xf32, #tpu.memory_space<vmem>>[vector<16xi32>], vector<16xf32>,
    %get3A_1498 = arith.constant 3 : i32
    %get3A_1499 = arith.index_cast %get3A_1498 : i32 to index
    %get3A_1500 = arith.constant 16 : index
    %get3A_1501 = tpu.vector_load %arg10[%get3A_1499, %get3A_1500] {strides = array<i32>} : memref<8x64xi32, #tpu.memory_space<vmem>>, vector<16xi32>,
    tpu.vector_store_idx %arg12[%get3A_1501], %broadcast_in_dim3A_3 {add = true} : memref<10240xf32, #tpu.memory_space<vmem>>[vector<16xi32>], vector<16xf32>,
    %get3A_1502 = arith.constant 3 : i32
    %get3A_1503 = arith.index_cast %get3A_1502 : i32 to index
    %get3A_1504 = arith.constant 32 : index
    %get3A_1505 = tpu.vector_load %arg10[%get3A_1503, %get3A_1504] {strides = array<i32>} : memref<8x64xi32, #tpu.memory_space<vmem>>, vector<16xi32>,
    tpu.vector_store_idx %arg12[%get3A_1505], %broadcast_in_dim3A_3 {add = true} : memref<10240xf32, #tpu.memory_space<vmem>>[vector<16xi32>], vector<16xf32>,
    %get3A_1506 = arith.constant 3 : i32
    %get3A_1507 = arith.index_cast %get3A_1506 : i32 to index
    %get3A_1508 = arith.constant 48 : index
    %get3A_1509 = tpu.vector_load %arg10[%get3A_1507, %get3A_1508] {strides = array<i32>} : memref<8x64xi32, #tpu.memory_space<vmem>>, vector<16xi32>,
    tpu.vector_store_idx %arg12[%get3A_1509], %broadcast_in_dim3A_3 {add = true} : memref<10240xf32, #tpu.memory_space<vmem>>[vector<16xi32>], vector<16xf32>,
    %dma_wait3A_1510 = arith.constant 0 : i32
    %dma_wait3A_1511 = arith.constant 4 : i32
    %dma_wait3A_1512 = arith.constant 0 : i32
    %dma_wait3A_1513 = tpu.memref_slice %arg9[%dma_wait3A_1511, %dma_wait3A_1512] : memref<8x64xi32, #tpu.memory_space<vmem>> -> memref<1x64xi32, #tpu.memory_space<vmem>>
    %dma_wait3A_1514 = tpu.memref_squeeze %dma_wait3A_1513 : memref<1x64xi32, #tpu.memory_space<vmem>> -> memref<64xi32, #tpu.memory_space<vmem>>
    %dma_wait3A_1515 = arith.constant 0 : i32
    %dma_wait3A_1516 = tpu.memref_slice %arg3[%add3A, %dma_wait3A_1510, %dma_wait3A_1515] : memref<32x160x64xi32, #tpu.memory_space<hbm>> -> memref<1x1x64xi32, #tpu.memory_space<hbm>>
    %dma_wait3A_1517 = tpu.memref_squeeze %dma_wait3A_1516 : memref<1x1x64xi32, #tpu.memory_space<hbm>> -> memref<64xi32, #tpu.memory_space<hbm>>
    %dma_wait3A_1518 = arith.constant 0 : i32
    %dma_wait3A_1519 = tpu.memref_slice %arg9[%dma_wait3A_1511, %dma_wait3A_1518] : memref<8x64xi32, #tpu.memory_space<vmem>> -> memref<1x64xi32, #tpu.memory_space<vmem>>
    %dma_wait3A_1520 = tpu.memref_squeeze %dma_wait3A_1519 : memref<1x64xi32, #tpu.memory_space<vmem>> -> memref<64xi32, #tpu.memory_space<vmem>>
    %dma_wait3A_1521 = arith.constant 0 : i32
    %dma_wait3A_1522 = tpu.memref_slice %arg3[%add3A, %dma_wait3A_1510, %dma_wait3A_1521] : memref<32x160x64xi32, #tpu.memory_space<hbm>> -> memref<1x1x64xi32, #tpu.memory_space<hbm>>
    %dma_wait3A_1523 = tpu.memref_squeeze %dma_wait3A_1522 : memref<1x1x64xi32, #tpu.memory_space<hbm>> -> memref<64xi32, #tpu.memory_space<hbm>>
    tpu.wait_dma2 semaphore(%arg18 : memref<!tpu.dma_semaphore, #tpu.memory_space<semaphore_mem>>) src(%dma_wait3A_1523 : memref<64xi32, #tpu.memory_space<hbm>>) dst(%dma_wait3A_1520 : memref<64xi32, #tpu.memory_space<vmem>>)
    %dma_wait3A_1524 = arith.constant 0 : i32
    %dma_wait3A_1525 = arith.constant 4 : i32
    %dma_wait3A_1526 = arith.constant 0 : i32
    %dma_wait3A_1527 = tpu.memref_slice %arg10[%dma_wait3A_1525, %dma_wait3A_1526] : memref<8x64xi32, #tpu.memory_space<vmem>> -> memref<1x64xi32, #tpu.memory_space<vmem>>
    %dma_wait3A_1528 = tpu.memref_squeeze %dma_wait3A_1527 : memref<1x64xi32, #tpu.memory_space<vmem>> -> memref<64xi32, #tpu.memory_space<vmem>>
    %dma_wait3A_1529 = arith.constant 0 : i32
    %dma_wait3A_1530 = tpu.memref_slice %arg4[%add3A, %dma_wait3A_1524, %dma_wait3A_1529] : memref<32x160x64xi32, #tpu.memory_space<hbm>> -> memref<1x1x64xi32, #tpu.memory_space<hbm>>
    %dma_wait3A_1531 = tpu.memref_squeeze %dma_wait3A_1530 : memref<1x1x64xi32, #tpu.memory_space<hbm>> -> memref<64xi32, #tpu.memory_space<hbm>>
    %dma_wait3A_1532 = arith.constant 0 : i32
    %dma_wait3A_1533 = tpu.memref_slice %arg10[%dma_wait3A_1525, %dma_wait3A_1532] : memref<8x64xi32, #tpu.memory_space<vmem>> -> memref<1x64xi32, #tpu.memory_space<vmem>>
    %dma_wait3A_1534 = tpu.memref_squeeze %dma_wait3A_1533 : memref<1x64xi32, #tpu.memory_space<vmem>> -> memref<64xi32, #tpu.memory_space<vmem>>
    %dma_wait3A_1535 = arith.constant 0 : i32
    %dma_wait3A_1536 = tpu.memref_slice %arg4[%add3A, %dma_wait3A_1524, %dma_wait3A_1535] : memref<32x160x64xi32, #tpu.memory_space<hbm>> -> memref<1x1x64xi32, #tpu.memory_space<hbm>>
    %dma_wait3A_1537 = tpu.memref_squeeze %dma_wait3A_1536 : memref<1x1x64xi32, #tpu.memory_space<hbm>> -> memref<64xi32, #tpu.memory_space<hbm>>
    tpu.wait_dma2 semaphore(%arg18 : memref<!tpu.dma_semaphore, #tpu.memory_space<semaphore_mem>>) src(%dma_wait3A_1537 : memref<64xi32, #tpu.memory_space<hbm>>) dst(%dma_wait3A_1534 : memref<64xi32, #tpu.memory_space<vmem>>)
    %dma_wait3A_1538 = arith.constant 0 : i32
    %dma_wait3A_1539 = arith.constant 0 : i32
    %dma_wait3A_1540 = arith.constant 0 : i32
    %dma_wait3A_1541 = arith.constant 0 : i32
    %dma_wait3A_1542 = tpu.memref_slice %arg11[%dma_wait3A_1538, %dma_wait3A_1540, %dma_wait3A_1541] : memref<4x64x128xf32, #tpu.memory_space<vmem>> -> memref<1x64x128xf32, #tpu.memory_space<vmem>>
    %dma_wait3A_1543 = tpu.memref_squeeze %dma_wait3A_1542 : memref<1x64x128xf32, #tpu.memory_space<vmem>> -> memref<64x128xf32, #tpu.memory_space<vmem>>
    %dma_wait3A_1544 = arith.constant 0 : i32
    %dma_wait3A_1545 = tpu.memref_slice %arg10[%dma_wait3A_1539, %dma_wait3A_1544] : memref<8x64xi32, #tpu.memory_space<vmem>> -> memref<1x64xi32, #tpu.memory_space<vmem>>
    %dma_wait3A_1546 = tpu.memref_squeeze %dma_wait3A_1545 : memref<1x64xi32, #tpu.memory_space<vmem>> -> memref<64xi32, #tpu.memory_space<vmem>>
    %dma_wait3A_1547 = arith.constant 0 : i32
    %dma_wait3A_1548 = arith.constant 0 : i32
    %dma_wait3A_1549 = tpu.memref_slice %arg13[%dma_wait3A_1547, %dma_wait3A_1548] : memref<10240x128xf32, #tpu.memory_space<vmem_shared>> -> memref<10240x128xf32, #tpu.memory_space<vmem_shared>>
    tpu.wait_indirect_dma semaphore(%arg26 : memref<!tpu.dma_semaphore, #tpu.memory_space<semaphore_mem>>) src(%dma_wait3A_1543 : memref<64x128xf32, #tpu.memory_space<vmem>>) dst(%dma_wait3A_1549 : memref<10240x128xf32, #tpu.memory_space<vmem_shared>>)
    %dma_start3A_1550 = arith.constant 4 : i32
    %dma_start3A_1551 = arith.constant 0 : i32
    %dma_start3A_1552 = arith.constant 0 : i32
    %dma_start3A_1553 = arith.constant 0 : i32
    %dma_start3A_1554 = tpu.memref_slice %arg11[%dma_start3A_1551, %dma_start3A_1552, %dma_start3A_1553] : memref<4x64x128xf32, #tpu.memory_space<vmem>> -> memref<1x64x128xf32, #tpu.memory_space<vmem>>
    %dma_start3A_1555 = tpu.memref_squeeze %dma_start3A_1554 : memref<1x64x128xf32, #tpu.memory_space<vmem>> -> memref<64x128xf32, #tpu.memory_space<vmem>>
    %dma_start3A_1556 = arith.constant 0 : i32
    %dma_start3A_1557 = tpu.memref_slice %arg9[%dma_start3A_1550, %dma_start3A_1556] : memref<8x64xi32, #tpu.memory_space<vmem>> -> memref<1x64xi32, #tpu.memory_space<vmem>>
    %dma_start3A_1558 = tpu.memref_squeeze %dma_start3A_1557 : memref<1x64xi32, #tpu.memory_space<vmem>> -> memref<64xi32, #tpu.memory_space<vmem>>
    %dma_start3A_1559 = arith.constant 0 : i32
    %dma_start3A_1560 = arith.constant 0 : i32
    %dma_start3A_1561 = tpu.memref_slice %arg2[%dma_start3A_1559, %dma_start3A_1560] : memref<10000x128xf32, #tpu.memory_space<hbm>> -> memref<10000x128xf32, #tpu.memory_space<hbm>>
    tpu.enqueue_indirect_dma source(%dma_start3A_1561 : memref<10000x128xf32, #tpu.memory_space<hbm>>) target(%dma_start3A_1555 : memref<64x128xf32, #tpu.memory_space<vmem>>) offsets(%dma_start3A_1558 : memref<64xi32, #tpu.memory_space<vmem>>) semaphore(%arg22 : memref<!tpu.dma_semaphore, #tpu.memory_space<semaphore_mem>>)
    %dma_wait3A_1562 = arith.constant 0 : i32
    %dma_wait3A_1563 = arith.constant 5 : i32
    %dma_wait3A_1564 = arith.constant 0 : i32
    %dma_wait3A_1565 = tpu.memref_slice %arg9[%dma_wait3A_1563, %dma_wait3A_1564] : memref<8x64xi32, #tpu.memory_space<vmem>> -> memref<1x64xi32, #tpu.memory_space<vmem>>
    %dma_wait3A_1566 = tpu.memref_squeeze %dma_wait3A_1565 : memref<1x64xi32, #tpu.memory_space<vmem>> -> memref<64xi32, #tpu.memory_space<vmem>>
    %dma_wait3A_1567 = arith.constant 0 : i32
    %dma_wait3A_1568 = tpu.memref_slice %arg3[%add3A, %dma_wait3A_1562, %dma_wait3A_1567] : memref<32x160x64xi32, #tpu.memory_space<hbm>> -> memref<1x1x64xi32, #tpu.memory_space<hbm>>
    %dma_wait3A_1569 = tpu.memref_squeeze %dma_wait3A_1568 : memref<1x1x64xi32, #tpu.memory_space<hbm>> -> memref<64xi32, #tpu.memory_space<hbm>>
    %dma_wait3A_1570 = arith.constant 0 : i32
    %dma_wait3A_1571 = tpu.memref_slice %arg9[%dma_wait3A_1563, %dma_wait3A_1570] : memref<8x64xi32, #tpu.memory_space<vmem>> -> memref<1x64xi32, #tpu.memory_space<vmem>>
    %dma_wait3A_1572 = tpu.memref_squeeze %dma_wait3A_1571 : memref<1x64xi32, #tpu.memory_space<vmem>> -> memref<64xi32, #tpu.memory_space<vmem>>
    %dma_wait3A_1573 = arith.constant 0 : i32
    %dma_wait3A_1574 = tpu.memref_slice %arg3[%add3A, %dma_wait3A_1562, %dma_wait3A_1573] : memref<32x160x64xi32, #tpu.memory_space<hbm>> -> memref<1x1x64xi32, #tpu.memory_space<hbm>>
    %dma_wait3A_1575 = tpu.memref_squeeze %dma_wait3A_1574 : memref<1x1x64xi32, #tpu.memory_space<hbm>> -> memref<64xi32, #tpu.memory_space<hbm>>
    tpu.wait_dma2 semaphore(%arg19 : memref<!tpu.dma_semaphore, #tpu.memory_space<semaphore_mem>>) src(%dma_wait3A_1575 : memref<64xi32, #tpu.memory_space<hbm>>) dst(%dma_wait3A_1572 : memref<64xi32, #tpu.memory_space<vmem>>)
    %dma_wait3A_1576 = arith.constant 0 : i32
    %dma_wait3A_1577 = arith.constant 5 : i32
    %dma_wait3A_1578 = arith.constant 0 : i32
    %dma_wait3A_1579 = tpu.memref_slice %arg10[%dma_wait3A_1577, %dma_wait3A_1578] : memref<8x64xi32, #tpu.memory_space<vmem>> -> memref<1x64xi32, #tpu.memory_space<vmem>>
    %dma_wait3A_1580 = tpu.memref_squeeze %dma_wait3A_1579 : memref<1x64xi32, #tpu.memory_space<vmem>> -> memref<64xi32, #tpu.memory_space<vmem>>
    %dma_wait3A_1581 = arith.constant 0 : i32
    %dma_wait3A_1582 = tpu.memref_slice %arg4[%add3A, %dma_wait3A_1576, %dma_wait3A_1581] : memref<32x160x64xi32, #tpu.memory_space<hbm>> -> memref<1x1x64xi32, #tpu.memory_space<hbm>>
    %dma_wait3A_1583 = tpu.memref_squeeze %dma_wait3A_1582 : memref<1x1x64xi32, #tpu.memory_space<hbm>> -> memref<64xi32, #tpu.memory_space<hbm>>
    %dma_wait3A_1584 = arith.constant 0 : i32
    %dma_wait3A_1585 = tpu.memref_slice %arg10[%dma_wait3A_1577, %dma_wait3A_1584] : memref<8x64xi32, #tpu.memory_space<vmem>> -> memref<1x64xi32, #tpu.memory_space<vmem>>
    %dma_wait3A_1586 = tpu.memref_squeeze %dma_wait3A_1585 : memref<1x64xi32, #tpu.memory_space<vmem>> -> memref<64xi32, #tpu.memory_space<vmem>>
    %dma_wait3A_1587 = arith.constant 0 : i32
    %dma_wait3A_1588 = tpu.memref_slice %arg4[%add3A, %dma_wait3A_1576, %dma_wait3A_1587] : memref<32x160x64xi32, #tpu.memory_space<hbm>> -> memref<1x1x64xi32, #tpu.memory_space<hbm>>
    %dma_wait3A_1589 = tpu.memref_squeeze %dma_wait3A_1588 : memref<1x1x64xi32, #tpu.memory_space<hbm>> -> memref<64xi32, #tpu.memory_space<hbm>>
    tpu.wait_dma2 semaphore(%arg19 : memref<!tpu.dma_semaphore, #tpu.memory_space<semaphore_mem>>) src(%dma_wait3A_1589 : memref<64xi32, #tpu.memory_space<hbm>>) dst(%dma_wait3A_1586 : memref<64xi32, #tpu.memory_space<vmem>>)
    %dma_wait3A_1590 = arith.constant 1 : i32
    %dma_wait3A_1591 = arith.constant 0 : i32
    %dma_wait3A_1592 = arith.constant 0 : i32
    %dma_wait3A_1593 = arith.constant 0 : i32
    %dma_wait3A_1594 = tpu.memref_slice %arg11[%dma_wait3A_1590, %dma_wait3A_1592, %dma_wait3A_1593] : memref<4x64x128xf32, #tpu.memory_space<vmem>> -> memref<1x64x128xf32, #tpu.memory_space<vmem>>
    %dma_wait3A_1595 = tpu.memref_squeeze %dma_wait3A_1594 : memref<1x64x128xf32, #tpu.memory_space<vmem>> -> memref<64x128xf32, #tpu.memory_space<vmem>>
    %dma_wait3A_1596 = arith.constant 0 : i32
    %dma_wait3A_1597 = tpu.memref_slice %arg10[%dma_wait3A_1591, %dma_wait3A_1596] : memref<8x64xi32, #tpu.memory_space<vmem>> -> memref<1x64xi32, #tpu.memory_space<vmem>>
    %dma_wait3A_1598 = tpu.memref_squeeze %dma_wait3A_1597 : memref<1x64xi32, #tpu.memory_space<vmem>> -> memref<64xi32, #tpu.memory_space<vmem>>
    %dma_wait3A_1599 = arith.constant 0 : i32
    %dma_wait3A_1600 = arith.constant 0 : i32
    %dma_wait3A_1601 = tpu.memref_slice %arg13[%dma_wait3A_1599, %dma_wait3A_1600] : memref<10240x128xf32, #tpu.memory_space<vmem_shared>> -> memref<10240x128xf32, #tpu.memory_space<vmem_shared>>
    tpu.wait_indirect_dma semaphore(%arg27 : memref<!tpu.dma_semaphore, #tpu.memory_space<semaphore_mem>>) src(%dma_wait3A_1595 : memref<64x128xf32, #tpu.memory_space<vmem>>) dst(%dma_wait3A_1601 : memref<10240x128xf32, #tpu.memory_space<vmem_shared>>)
    %dma_start3A_1602 = arith.constant 5 : i32
    %dma_start3A_1603 = arith.constant 1 : i32
    %dma_start3A_1604 = arith.constant 0 : i32
    %dma_start3A_1605 = arith.constant 0 : i32
    %dma_start3A_1606 = tpu.memref_slice %arg11[%dma_start3A_1603, %dma_start3A_1604, %dma_start3A_1605] : memref<4x64x128xf32, #tpu.memory_space<vmem>> -> memref<1x64x128xf32, #tpu.memory_space<vmem>>
    %dma_start3A_1607 = tpu.memref_squeeze %dma_start3A_1606 : memref<1x64x128xf32, #tpu.memory_space<vmem>> -> memref<64x128xf32, #tpu.memory_space<vmem>>
    %dma_start3A_1608 = arith.constant 0 : i32
    %dma_start3A_1609 = tpu.memref_slice %arg9[%dma_start3A_1602, %dma_start3A_1608] : memref<8x64xi32, #tpu.memory_space<vmem>> -> memref<1x64xi32, #tpu.memory_space<vmem>>
    %dma_start3A_1610 = tpu.memref_squeeze %dma_start3A_1609 : memref<1x64xi32, #tpu.memory_space<vmem>> -> memref<64xi32, #tpu.memory_space<vmem>>
    %dma_start3A_1611 = arith.constant 0 : i32
    %dma_start3A_1612 = arith.constant 0 : i32
    %dma_start3A_1613 = tpu.memref_slice %arg2[%dma_start3A_1611, %dma_start3A_1612] : memref<10000x128xf32, #tpu.memory_space<hbm>> -> memref<10000x128xf32, #tpu.memory_space<hbm>>
    tpu.enqueue_indirect_dma source(%dma_start3A_1613 : memref<10000x128xf32, #tpu.memory_space<hbm>>) target(%dma_start3A_1607 : memref<64x128xf32, #tpu.memory_space<vmem>>) offsets(%dma_start3A_1610 : memref<64xi32, #tpu.memory_space<vmem>>) semaphore(%arg23 : memref<!tpu.dma_semaphore, #tpu.memory_space<semaphore_mem>>)
    %dma_wait3A_1614 = arith.constant 0 : i32
    %dma_wait3A_1615 = arith.constant 6 : i32
    %dma_wait3A_1616 = arith.constant 0 : i32
    %dma_wait3A_1617 = tpu.memref_slice %arg9[%dma_wait3A_1615, %dma_wait3A_1616] : memref<8x64xi32, #tpu.memory_space<vmem>> -> memref<1x64xi32, #tpu.memory_space<vmem>>
    %dma_wait3A_1618 = tpu.memref_squeeze %dma_wait3A_1617 : memref<1x64xi32, #tpu.memory_space<vmem>> -> memref<64xi32, #tpu.memory_space<vmem>>
    %dma_wait3A_1619 = arith.constant 0 : i32
    %dma_wait3A_1620 = tpu.memref_slice %arg3[%add3A, %dma_wait3A_1614, %dma_wait3A_1619] : memref<32x160x64xi32, #tpu.memory_space<hbm>> -> memref<1x1x64xi32, #tpu.memory_space<hbm>>
    %dma_wait3A_1621 = tpu.memref_squeeze %dma_wait3A_1620 : memref<1x1x64xi32, #tpu.memory_space<hbm>> -> memref<64xi32, #tpu.memory_space<hbm>>
    %dma_wait3A_1622 = arith.constant 0 : i32
    %dma_wait3A_1623 = tpu.memref_slice %arg9[%dma_wait3A_1615, %dma_wait3A_1622] : memref<8x64xi32, #tpu.memory_space<vmem>> -> memref<1x64xi32, #tpu.memory_space<vmem>>
    %dma_wait3A_1624 = tpu.memref_squeeze %dma_wait3A_1623 : memref<1x64xi32, #tpu.memory_space<vmem>> -> memref<64xi32, #tpu.memory_space<vmem>>
    %dma_wait3A_1625 = arith.constant 0 : i32
    %dma_wait3A_1626 = tpu.memref_slice %arg3[%add3A, %dma_wait3A_1614, %dma_wait3A_1625] : memref<32x160x64xi32, #tpu.memory_space<hbm>> -> memref<1x1x64xi32, #tpu.memory_space<hbm>>
    %dma_wait3A_1627 = tpu.memref_squeeze %dma_wait3A_1626 : memref<1x1x64xi32, #tpu.memory_space<hbm>> -> memref<64xi32, #tpu.memory_space<hbm>>
    tpu.wait_dma2 semaphore(%arg20 : memref<!tpu.dma_semaphore, #tpu.memory_space<semaphore_mem>>) src(%dma_wait3A_1627 : memref<64xi32, #tpu.memory_space<hbm>>) dst(%dma_wait3A_1624 : memref<64xi32, #tpu.memory_space<vmem>>)
    %dma_wait3A_1628 = arith.constant 0 : i32
    %dma_wait3A_1629 = arith.constant 6 : i32
    %dma_wait3A_1630 = arith.constant 0 : i32
    %dma_wait3A_1631 = tpu.memref_slice %arg10[%dma_wait3A_1629, %dma_wait3A_1630] : memref<8x64xi32, #tpu.memory_space<vmem>> -> memref<1x64xi32, #tpu.memory_space<vmem>>
    %dma_wait3A_1632 = tpu.memref_squeeze %dma_wait3A_1631 : memref<1x64xi32, #tpu.memory_space<vmem>> -> memref<64xi32, #tpu.memory_space<vmem>>
    %dma_wait3A_1633 = arith.constant 0 : i32
    %dma_wait3A_1634 = tpu.memref_slice %arg4[%add3A, %dma_wait3A_1628, %dma_wait3A_1633] : memref<32x160x64xi32, #tpu.memory_space<hbm>> -> memref<1x1x64xi32, #tpu.memory_space<hbm>>
    %dma_wait3A_1635 = tpu.memref_squeeze %dma_wait3A_1634 : memref<1x1x64xi32, #tpu.memory_space<hbm>> -> memref<64xi32, #tpu.memory_space<hbm>>
    %dma_wait3A_1636 = arith.constant 0 : i32
    %dma_wait3A_1637 = tpu.memref_slice %arg10[%dma_wait3A_1629, %dma_wait3A_1636] : memref<8x64xi32, #tpu.memory_space<vmem>> -> memref<1x64xi32, #tpu.memory_space<vmem>>
    %dma_wait3A_1638 = tpu.memref_squeeze %dma_wait3A_1637 : memref<1x64xi32, #tpu.memory_space<vmem>> -> memref<64xi32, #tpu.memory_space<vmem>>
    %dma_wait3A_1639 = arith.constant 0 : i32
    %dma_wait3A_1640 = tpu.memref_slice %arg4[%add3A, %dma_wait3A_1628, %dma_wait3A_1639] : memref<32x160x64xi32, #tpu.memory_space<hbm>> -> memref<1x1x64xi32, #tpu.memory_space<hbm>>
    %dma_wait3A_1641 = tpu.memref_squeeze %dma_wait3A_1640 : memref<1x1x64xi32, #tpu.memory_space<hbm>> -> memref<64xi32, #tpu.memory_space<hbm>>
    tpu.wait_dma2 semaphore(%arg20 : memref<!tpu.dma_semaphore, #tpu.memory_space<semaphore_mem>>) src(%dma_wait3A_1641 : memref<64xi32, #tpu.memory_space<hbm>>) dst(%dma_wait3A_1638 : memref<64xi32, #tpu.memory_space<vmem>>)
    %dma_wait3A_1642 = arith.constant 2 : i32
    %dma_wait3A_1643 = arith.constant 0 : i32
    %dma_wait3A_1644 = arith.constant 0 : i32
    %dma_wait3A_1645 = arith.constant 0 : i32
    %dma_wait3A_1646 = tpu.memref_slice %arg11[%dma_wait3A_1642, %dma_wait3A_1644, %dma_wait3A_1645] : memref<4x64x128xf32, #tpu.memory_space<vmem>> -> memref<1x64x128xf32, #tpu.memory_space<vmem>>
    %dma_wait3A_1647 = tpu.memref_squeeze %dma_wait3A_1646 : memref<1x64x128xf32, #tpu.memory_space<vmem>> -> memref<64x128xf32, #tpu.memory_space<vmem>>
    %dma_wait3A_1648 = arith.constant 0 : i32
    %dma_wait3A_1649 = tpu.memref_slice %arg10[%dma_wait3A_1643, %dma_wait3A_1648] : memref<8x64xi32, #tpu.memory_space<vmem>> -> memref<1x64xi32, #tpu.memory_space<vmem>>
    %dma_wait3A_1650 = tpu.memref_squeeze %dma_wait3A_1649 : memref<1x64xi32, #tpu.memory_space<vmem>> -> memref<64xi32, #tpu.memory_space<vmem>>
    %dma_wait3A_1651 = arith.constant 0 : i32
    %dma_wait3A_1652 = arith.constant 0 : i32
    %dma_wait3A_1653 = tpu.memref_slice %arg13[%dma_wait3A_1651, %dma_wait3A_1652] : memref<10240x128xf32, #tpu.memory_space<vmem_shared>> -> memref<10240x128xf32, #tpu.memory_space<vmem_shared>>
    tpu.wait_indirect_dma semaphore(%arg28 : memref<!tpu.dma_semaphore, #tpu.memory_space<semaphore_mem>>) src(%dma_wait3A_1647 : memref<64x128xf32, #tpu.memory_space<vmem>>) dst(%dma_wait3A_1653 : memref<10240x128xf32, #tpu.memory_space<vmem_shared>>)
    %dma_start3A_1654 = arith.constant 6 : i32
    %dma_start3A_1655 = arith.constant 2 : i32
    %dma_start3A_1656 = arith.constant 0 : i32
    %dma_start3A_1657 = arith.constant 0 : i32
    %dma_start3A_1658 = tpu.memref_slice %arg11[%dma_start3A_1655, %dma_start3A_1656, %dma_start3A_1657] : memref<4x64x128xf32, #tpu.memory_space<vmem>> -> memref<1x64x128xf32, #tpu.memory_space<vmem>>
    %dma_start3A_1659 = tpu.memref_squeeze %dma_start3A_1658 : memref<1x64x128xf32, #tpu.memory_space<vmem>> -> memref<64x128xf32, #tpu.memory_space<vmem>>
    %dma_start3A_1660 = arith.constant 0 : i32
    %dma_start3A_1661 = tpu.memref_slice %arg9[%dma_start3A_1654, %dma_start3A_1660] : memref<8x64xi32, #tpu.memory_space<vmem>> -> memref<1x64xi32, #tpu.memory_space<vmem>>
    %dma_start3A_1662 = tpu.memref_squeeze %dma_start3A_1661 : memref<1x64xi32, #tpu.memory_space<vmem>> -> memref<64xi32, #tpu.memory_space<vmem>>
    %dma_start3A_1663 = arith.constant 0 : i32
    %dma_start3A_1664 = arith.constant 0 : i32
    %dma_start3A_1665 = tpu.memref_slice %arg2[%dma_start3A_1663, %dma_start3A_1664] : memref<10000x128xf32, #tpu.memory_space<hbm>> -> memref<10000x128xf32, #tpu.memory_space<hbm>>
    tpu.enqueue_indirect_dma source(%dma_start3A_1665 : memref<10000x128xf32, #tpu.memory_space<hbm>>) target(%dma_start3A_1659 : memref<64x128xf32, #tpu.memory_space<vmem>>) offsets(%dma_start3A_1662 : memref<64xi32, #tpu.memory_space<vmem>>) semaphore(%arg24 : memref<!tpu.dma_semaphore, #tpu.memory_space<semaphore_mem>>)
    %dma_wait3A_1666 = arith.constant 0 : i32
    %dma_wait3A_1667 = arith.constant 7 : i32
    %dma_wait3A_1668 = arith.constant 0 : i32
    %dma_wait3A_1669 = tpu.memref_slice %arg9[%dma_wait3A_1667, %dma_wait3A_1668] : memref<8x64xi32, #tpu.memory_space<vmem>> -> memref<1x64xi32, #tpu.memory_space<vmem>>
    %dma_wait3A_1670 = tpu.memref_squeeze %dma_wait3A_1669 : memref<1x64xi32, #tpu.memory_space<vmem>> -> memref<64xi32, #tpu.memory_space<vmem>>
    %dma_wait3A_1671 = arith.constant 0 : i32
    %dma_wait3A_1672 = tpu.memref_slice %arg3[%add3A, %dma_wait3A_1666, %dma_wait3A_1671] : memref<32x160x64xi32, #tpu.memory_space<hbm>> -> memref<1x1x64xi32, #tpu.memory_space<hbm>>
    %dma_wait3A_1673 = tpu.memref_squeeze %dma_wait3A_1672 : memref<1x1x64xi32, #tpu.memory_space<hbm>> -> memref<64xi32, #tpu.memory_space<hbm>>
    %dma_wait3A_1674 = arith.constant 0 : i32
    %dma_wait3A_1675 = tpu.memref_slice %arg9[%dma_wait3A_1667, %dma_wait3A_1674] : memref<8x64xi32, #tpu.memory_space<vmem>> -> memref<1x64xi32, #tpu.memory_space<vmem>>
    %dma_wait3A_1676 = tpu.memref_squeeze %dma_wait3A_1675 : memref<1x64xi32, #tpu.memory_space<vmem>> -> memref<64xi32, #tpu.memory_space<vmem>>
    %dma_wait3A_1677 = arith.constant 0 : i32
    %dma_wait3A_1678 = tpu.memref_slice %arg3[%add3A, %dma_wait3A_1666, %dma_wait3A_1677] : memref<32x160x64xi32, #tpu.memory_space<hbm>> -> memref<1x1x64xi32, #tpu.memory_space<hbm>>
    %dma_wait3A_1679 = tpu.memref_squeeze %dma_wait3A_1678 : memref<1x1x64xi32, #tpu.memory_space<hbm>> -> memref<64xi32, #tpu.memory_space<hbm>>
    tpu.wait_dma2 semaphore(%arg21 : memref<!tpu.dma_semaphore, #tpu.memory_space<semaphore_mem>>) src(%dma_wait3A_1679 : memref<64xi32, #tpu.memory_space<hbm>>) dst(%dma_wait3A_1676 : memref<64xi32, #tpu.memory_space<vmem>>)
    %dma_wait3A_1680 = arith.constant 0 : i32
    %dma_wait3A_1681 = arith.constant 7 : i32
    %dma_wait3A_1682 = arith.constant 0 : i32
    %dma_wait3A_1683 = tpu.memref_slice %arg10[%dma_wait3A_1681, %dma_wait3A_1682] : memref<8x64xi32, #tpu.memory_space<vmem>> -> memref<1x64xi32, #tpu.memory_space<vmem>>
    %dma_wait3A_1684 = tpu.memref_squeeze %dma_wait3A_1683 : memref<1x64xi32, #tpu.memory_space<vmem>> -> memref<64xi32, #tpu.memory_space<vmem>>
    %dma_wait3A_1685 = arith.constant 0 : i32
    %dma_wait3A_1686 = tpu.memref_slice %arg4[%add3A, %dma_wait3A_1680, %dma_wait3A_1685] : memref<32x160x64xi32, #tpu.memory_space<hbm>> -> memref<1x1x64xi32, #tpu.memory_space<hbm>>
    %dma_wait3A_1687 = tpu.memref_squeeze %dma_wait3A_1686 : memref<1x1x64xi32, #tpu.memory_space<hbm>> -> memref<64xi32, #tpu.memory_space<hbm>>
    %dma_wait3A_1688 = arith.constant 0 : i32
    %dma_wait3A_1689 = tpu.memref_slice %arg10[%dma_wait3A_1681, %dma_wait3A_1688] : memref<8x64xi32, #tpu.memory_space<vmem>> -> memref<1x64xi32, #tpu.memory_space<vmem>>
    %dma_wait3A_1690 = tpu.memref_squeeze %dma_wait3A_1689 : memref<1x64xi32, #tpu.memory_space<vmem>> -> memref<64xi32, #tpu.memory_space<vmem>>
    %dma_wait3A_1691 = arith.constant 0 : i32
    %dma_wait3A_1692 = tpu.memref_slice %arg4[%add3A, %dma_wait3A_1680, %dma_wait3A_1691] : memref<32x160x64xi32, #tpu.memory_space<hbm>> -> memref<1x1x64xi32, #tpu.memory_space<hbm>>
    %dma_wait3A_1693 = tpu.memref_squeeze %dma_wait3A_1692 : memref<1x1x64xi32, #tpu.memory_space<hbm>> -> memref<64xi32, #tpu.memory_space<hbm>>
    tpu.wait_dma2 semaphore(%arg21 : memref<!tpu.dma_semaphore, #tpu.memory_space<semaphore_mem>>) src(%dma_wait3A_1693 : memref<64xi32, #tpu.memory_space<hbm>>) dst(%dma_wait3A_1690 : memref<64xi32, #tpu.memory_space<vmem>>)
    %dma_wait3A_1694 = arith.constant 3 : i32
    %dma_wait3A_1695 = arith.constant 0 : i32
    %dma_wait3A_1696 = arith.constant 0 : i32
    %dma_wait3A_1697 = arith.constant 0 : i32
    %dma_wait3A_1698 = tpu.memref_slice %arg11[%dma_wait3A_1694, %dma_wait3A_1696, %dma_wait3A_1697] : memref<4x64x128xf32, #tpu.memory_space<vmem>> -> memref<1x64x128xf32, #tpu.memory_space<vmem>>
    %dma_wait3A_1699 = tpu.memref_squeeze %dma_wait3A_1698 : memref<1x64x128xf32, #tpu.memory_space<vmem>> -> memref<64x128xf32, #tpu.memory_space<vmem>>
    %dma_wait3A_1700 = arith.constant 0 : i32
    %dma_wait3A_1701 = tpu.memref_slice %arg10[%dma_wait3A_1695, %dma_wait3A_1700] : memref<8x64xi32, #tpu.memory_space<vmem>> -> memref<1x64xi32, #tpu.memory_space<vmem>>
    %dma_wait3A_1702 = tpu.memref_squeeze %dma_wait3A_1701 : memref<1x64xi32, #tpu.memory_space<vmem>> -> memref<64xi32, #tpu.memory_space<vmem>>
    %dma_wait3A_1703 = arith.constant 0 : i32
    %dma_wait3A_1704 = arith.constant 0 : i32
    %dma_wait3A_1705 = tpu.memref_slice %arg13[%dma_wait3A_1703, %dma_wait3A_1704] : memref<10240x128xf32, #tpu.memory_space<vmem_shared>> -> memref<10240x128xf32, #tpu.memory_space<vmem_shared>>
    tpu.wait_indirect_dma semaphore(%arg29 : memref<!tpu.dma_semaphore, #tpu.memory_space<semaphore_mem>>) src(%dma_wait3A_1699 : memref<64x128xf32, #tpu.memory_space<vmem>>) dst(%dma_wait3A_1705 : memref<10240x128xf32, #tpu.memory_space<vmem_shared>>)
    %dma_start3A_1706 = arith.constant 7 : i32
    %dma_start3A_1707 = arith.constant 3 : i32
    %dma_start3A_1708 = arith.constant 0 : i32
    %dma_start3A_1709 = arith.constant 0 : i32
    %dma_start3A_1710 = tpu.memref_slice %arg11[%dma_start3A_1707, %dma_start3A_1708, %dma_start3A_1709] : memref<4x64x128xf32, #tpu.memory_space<vmem>> -> memref<1x64x128xf32, #tpu.memory_space<vmem>>
    %dma_start3A_1711 = tpu.memref_squeeze %dma_start3A_1710 : memref<1x64x128xf32, #tpu.memory_space<vmem>> -> memref<64x128xf32, #tpu.memory_space<vmem>>
    %dma_start3A_1712 = arith.constant 0 : i32
    %dma_start3A_1713 = tpu.memref_slice %arg9[%dma_start3A_1706, %dma_start3A_1712] : memref<8x64xi32, #tpu.memory_space<vmem>> -> memref<1x64xi32, #tpu.memory_space<vmem>>
    %dma_start3A_1714 = tpu.memref_squeeze %dma_start3A_1713 : memref<1x64xi32, #tpu.memory_space<vmem>> -> memref<64xi32, #tpu.memory_space<vmem>>
    %dma_start3A_1715 = arith.constant 0 : i32
    %dma_start3A_1716 = arith.constant 0 : i32
    %dma_start3A_1717 = tpu.memref_slice %arg2[%dma_start3A_1715, %dma_start3A_1716] : memref<10000x128xf32, #tpu.memory_space<hbm>> -> memref<10000x128xf32, #tpu.memory_space<hbm>>
    tpu.enqueue_indirect_dma source(%dma_start3A_1717 : memref<10000x128xf32, #tpu.memory_space<hbm>>) target(%dma_start3A_1711 : memref<64x128xf32, #tpu.memory_space<vmem>>) offsets(%dma_start3A_1714 : memref<64xi32, #tpu.memory_space<vmem>>) semaphore(%arg25 : memref<!tpu.dma_semaphore, #tpu.memory_space<semaphore_mem>>)
    %dma_wait3A_1718 = arith.constant 0 : i32
    %dma_wait3A_1719 = arith.constant 0 : i32
    %dma_wait3A_1720 = arith.constant 0 : i32
    %dma_wait3A_1721 = arith.constant 0 : i32
    %dma_wait3A_1722 = tpu.memref_slice %arg11[%dma_wait3A_1719, %dma_wait3A_1720, %dma_wait3A_1721] : memref<4x64x128xf32, #tpu.memory_space<vmem>> -> memref<1x64x128xf32, #tpu.memory_space<vmem>>
    %dma_wait3A_1723 = tpu.memref_squeeze %dma_wait3A_1722 : memref<1x64x128xf32, #tpu.memory_space<vmem>> -> memref<64x128xf32, #tpu.memory_space<vmem>>
    %dma_wait3A_1724 = arith.constant 0 : i32
    %dma_wait3A_1725 = tpu.memref_slice %arg9[%dma_wait3A_1718, %dma_wait3A_1724] : memref<8x64xi32, #tpu.memory_space<vmem>> -> memref<1x64xi32, #tpu.memory_space<vmem>>
    %dma_wait3A_1726 = tpu.memref_squeeze %dma_wait3A_1725 : memref<1x64xi32, #tpu.memory_space<vmem>> -> memref<64xi32, #tpu.memory_space<vmem>>
    %dma_wait3A_1727 = arith.constant 0 : i32
    %dma_wait3A_1728 = arith.constant 0 : i32
    %dma_wait3A_1729 = tpu.memref_slice %arg2[%dma_wait3A_1727, %dma_wait3A_1728] : memref<10000x128xf32, #tpu.memory_space<hbm>> -> memref<10000x128xf32, #tpu.memory_space<hbm>>
    tpu.wait_indirect_dma semaphore(%arg22 : memref<!tpu.dma_semaphore, #tpu.memory_space<semaphore_mem>>) src(%dma_wait3A_1729 : memref<10000x128xf32, #tpu.memory_space<hbm>>) dst(%dma_wait3A_1723 : memref<64x128xf32, #tpu.memory_space<vmem>>)
    %dma_start3A_1730 = arith.constant 0 : i32
    %dma_start3A_1731 = arith.constant 4 : i32
    %dma_start3A_1732 = arith.constant 0 : i32
    %dma_start3A_1733 = arith.constant 0 : i32
    %dma_start3A_1734 = tpu.memref_slice %arg11[%dma_start3A_1730, %dma_start3A_1732, %dma_start3A_1733] : memref<4x64x128xf32, #tpu.memory_space<vmem>> -> memref<1x64x128xf32, #tpu.memory_space<vmem>>
    %dma_start3A_1735 = tpu.memref_squeeze %dma_start3A_1734 : memref<1x64x128xf32, #tpu.memory_space<vmem>> -> memref<64x128xf32, #tpu.memory_space<vmem>>
    %dma_start3A_1736 = arith.constant 0 : i32
    %dma_start3A_1737 = tpu.memref_slice %arg10[%dma_start3A_1731, %dma_start3A_1736] : memref<8x64xi32, #tpu.memory_space<vmem>> -> memref<1x64xi32, #tpu.memory_space<vmem>>
    %dma_start3A_1738 = tpu.memref_squeeze %dma_start3A_1737 : memref<1x64xi32, #tpu.memory_space<vmem>> -> memref<64xi32, #tpu.memory_space<vmem>>
    %dma_start3A_1739 = arith.constant 0 : i32
    %dma_start3A_1740 = arith.constant 0 : i32
    %dma_start3A_1741 = tpu.memref_slice %arg13[%dma_start3A_1739, %dma_start3A_1740] : memref<10240x128xf32, #tpu.memory_space<vmem_shared>> -> memref<10240x128xf32, #tpu.memory_space<vmem_shared>>
    tpu.enqueue_indirect_dma source(%dma_start3A_1735 : memref<64x128xf32, #tpu.memory_space<vmem>>) target(%dma_start3A_1741 : memref<10240x128xf32, #tpu.memory_space<vmem_shared>>) offsets(%dma_start3A_1738 : memref<64xi32, #tpu.memory_space<vmem>>) semaphore(%arg26 : memref<!tpu.dma_semaphore, #tpu.memory_space<semaphore_mem>>) {add = true}
    %get3A_1742 = arith.constant 4 : i32
    %get3A_1743 = arith.index_cast %get3A_1742 : i32 to index
    %get3A_1744 = arith.constant 0 : index
    %get3A_1745 = tpu.vector_load %arg10[%get3A_1743, %get3A_1744] {strides = array<i32>} : memref<8x64xi32, #tpu.memory_space<vmem>>, vector<16xi32>,
    tpu.vector_store_idx %arg12[%get3A_1745], %broadcast_in_dim3A_3 {add = true} : memref<10240xf32, #tpu.memory_space<vmem>>[vector<16xi32>], vector<16xf32>,
    %get3A_1746 = arith.constant 4 : i32
    %get3A_1747 = arith.index_cast %get3A_1746 : i32 to index
    %get3A_1748 = arith.constant 16 : index
    %get3A_1749 = tpu.vector_load %arg10[%get3A_1747, %get3A_1748] {strides = array<i32>} : memref<8x64xi32, #tpu.memory_space<vmem>>, vector<16xi32>,
    tpu.vector_store_idx %arg12[%get3A_1749], %broadcast_in_dim3A_3 {add = true} : memref<10240xf32, #tpu.memory_space<vmem>>[vector<16xi32>], vector<16xf32>,
    %get3A_1750 = arith.constant 4 : i32
    %get3A_1751 = arith.index_cast %get3A_1750 : i32 to index
    %get3A_1752 = arith.constant 32 : index
    %get3A_1753 = tpu.vector_load %arg10[%get3A_1751, %get3A_1752] {strides = array<i32>} : memref<8x64xi32, #tpu.memory_space<vmem>>, vector<16xi32>,
    tpu.vector_store_idx %arg12[%get3A_1753], %broadcast_in_dim3A_3 {add = true} : memref<10240xf32, #tpu.memory_space<vmem>>[vector<16xi32>], vector<16xf32>,
    %get3A_1754 = arith.constant 4 : i32
    %get3A_1755 = arith.index_cast %get3A_1754 : i32 to index
    %get3A_1756 = arith.constant 48 : index
    %get3A_1757 = tpu.vector_load %arg10[%get3A_1755, %get3A_1756] {strides = array<i32>} : memref<8x64xi32, #tpu.memory_space<vmem>>, vector<16xi32>,
    tpu.vector_store_idx %arg12[%get3A_1757], %broadcast_in_dim3A_3 {add = true} : memref<10240xf32, #tpu.memory_space<vmem>>[vector<16xi32>], vector<16xf32>,
    %dma_wait3A_1758 = arith.constant 0 : i32
    %dma_wait3A_1759 = arith.constant 1 : i32
    %dma_wait3A_1760 = arith.constant 0 : i32
    %dma_wait3A_1761 = arith.constant 0 : i32
    %dma_wait3A_1762 = tpu.memref_slice %arg11[%dma_wait3A_1759, %dma_wait3A_1760, %dma_wait3A_1761] : memref<4x64x128xf32, #tpu.memory_space<vmem>> -> memref<1x64x128xf32, #tpu.memory_space<vmem>>
    %dma_wait3A_1763 = tpu.memref_squeeze %dma_wait3A_1762 : memref<1x64x128xf32, #tpu.memory_space<vmem>> -> memref<64x128xf32, #tpu.memory_space<vmem>>
    %dma_wait3A_1764 = arith.constant 0 : i32
    %dma_wait3A_1765 = tpu.memref_slice %arg9[%dma_wait3A_1758, %dma_wait3A_1764] : memref<8x64xi32, #tpu.memory_space<vmem>> -> memref<1x64xi32, #tpu.memory_space<vmem>>
    %dma_wait3A_1766 = tpu.memref_squeeze %dma_wait3A_1765 : memref<1x64xi32, #tpu.memory_space<vmem>> -> memref<64xi32, #tpu.memory_space<vmem>>
    %dma_wait3A_1767 = arith.constant 0 : i32
    %dma_wait3A_1768 = arith.constant 0 : i32
    %dma_wait3A_1769 = tpu.memref_slice %arg2[%dma_wait3A_1767, %dma_wait3A_1768] : memref<10000x128xf32, #tpu.memory_space<hbm>> -> memref<10000x128xf32, #tpu.memory_space<hbm>>
    tpu.wait_indirect_dma semaphore(%arg23 : memref<!tpu.dma_semaphore, #tpu.memory_space<semaphore_mem>>) src(%dma_wait3A_1769 : memref<10000x128xf32, #tpu.memory_space<hbm>>) dst(%dma_wait3A_1763 : memref<64x128xf32, #tpu.memory_space<vmem>>)
    %dma_start3A_1770 = arith.constant 1 : i32
    %dma_start3A_1771 = arith.constant 5 : i32
    %dma_start3A_1772 = arith.constant 0 : i32
    %dma_start3A_1773 = arith.constant 0 : i32
    %dma_start3A_1774 = tpu.memref_slice %arg11[%dma_start3A_1770, %dma_start3A_1772, %dma_start3A_1773] : memref<4x64x128xf32, #tpu.memory_space<vmem>> -> memref<1x64x128xf32, #tpu.memory_space<vmem>>
    %dma_start3A_1775 = tpu.memref_squeeze %dma_start3A_1774 : memref<1x64x128xf32, #tpu.memory_space<vmem>> -> memref<64x128xf32, #tpu.memory_space<vmem>>
    %dma_start3A_1776 = arith.constant 0 : i32
    %dma_start3A_1777 = tpu.memref_slice %arg10[%dma_start3A_1771, %dma_start3A_1776] : memref<8x64xi32, #tpu.memory_space<vmem>> -> memref<1x64xi32, #tpu.memory_space<vmem>>
    %dma_start3A_1778 = tpu.memref_squeeze %dma_start3A_1777 : memref<1x64xi32, #tpu.memory_space<vmem>> -> memref<64xi32, #tpu.memory_space<vmem>>
    %dma_start3A_1779 = arith.constant 0 : i32
    %dma_start3A_1780 = arith.constant 0 : i32
    %dma_start3A_1781 = tpu.memref_slice %arg13[%dma_start3A_1779, %dma_start3A_1780] : memref<10240x128xf32, #tpu.memory_space<vmem_shared>> -> memref<10240x128xf32, #tpu.memory_space<vmem_shared>>
    tpu.enqueue_indirect_dma source(%dma_start3A_1775 : memref<64x128xf32, #tpu.memory_space<vmem>>) target(%dma_start3A_1781 : memref<10240x128xf32, #tpu.memory_space<vmem_shared>>) offsets(%dma_start3A_1778 : memref<64xi32, #tpu.memory_space<vmem>>) semaphore(%arg27 : memref<!tpu.dma_semaphore, #tpu.memory_space<semaphore_mem>>) {add = true}
    %get3A_1782 = arith.constant 5 : i32
    %get3A_1783 = arith.index_cast %get3A_1782 : i32 to index
    %get3A_1784 = arith.constant 0 : index
    %get3A_1785 = tpu.vector_load %arg10[%get3A_1783, %get3A_1784] {strides = array<i32>} : memref<8x64xi32, #tpu.memory_space<vmem>>, vector<16xi32>,
    tpu.vector_store_idx %arg12[%get3A_1785], %broadcast_in_dim3A_3 {add = true} : memref<10240xf32, #tpu.memory_space<vmem>>[vector<16xi32>], vector<16xf32>,
    %get3A_1786 = arith.constant 5 : i32
    %get3A_1787 = arith.index_cast %get3A_1786 : i32 to index
    %get3A_1788 = arith.constant 16 : index
    %get3A_1789 = tpu.vector_load %arg10[%get3A_1787, %get3A_1788] {strides = array<i32>} : memref<8x64xi32, #tpu.memory_space<vmem>>, vector<16xi32>,
    tpu.vector_store_idx %arg12[%get3A_1789], %broadcast_in_dim3A_3 {add = true} : memref<10240xf32, #tpu.memory_space<vmem>>[vector<16xi32>], vector<16xf32>,
    %get3A_1790 = arith.constant 5 : i32
    %get3A_1791 = arith.index_cast %get3A_1790 : i32 to index
    %get3A_1792 = arith.constant 32 : index
    %get3A_1793 = tpu.vector_load %arg10[%get3A_1791, %get3A_1792] {strides = array<i32>} : memref<8x64xi32, #tpu.memory_space<vmem>>, vector<16xi32>,
    tpu.vector_store_idx %arg12[%get3A_1793], %broadcast_in_dim3A_3 {add = true} : memref<10240xf32, #tpu.memory_space<vmem>>[vector<16xi32>], vector<16xf32>,
    %get3A_1794 = arith.constant 5 : i32
    %get3A_1795 = arith.index_cast %get3A_1794 : i32 to index
    %get3A_1796 = arith.constant 48 : index
    %get3A_1797 = tpu.vector_load %arg10[%get3A_1795, %get3A_1796] {strides = array<i32>} : memref<8x64xi32, #tpu.memory_space<vmem>>, vector<16xi32>,
    tpu.vector_store_idx %arg12[%get3A_1797], %broadcast_in_dim3A_3 {add = true} : memref<10240xf32, #tpu.memory_space<vmem>>[vector<16xi32>], vector<16xf32>,
    %dma_wait3A_1798 = arith.constant 0 : i32
    %dma_wait3A_1799 = arith.constant 2 : i32
    %dma_wait3A_1800 = arith.constant 0 : i32
    %dma_wait3A_1801 = arith.constant 0 : i32
    %dma_wait3A_1802 = tpu.memref_slice %arg11[%dma_wait3A_1799, %dma_wait3A_1800, %dma_wait3A_1801] : memref<4x64x128xf32, #tpu.memory_space<vmem>> -> memref<1x64x128xf32, #tpu.memory_space<vmem>>
    %dma_wait3A_1803 = tpu.memref_squeeze %dma_wait3A_1802 : memref<1x64x128xf32, #tpu.memory_space<vmem>> -> memref<64x128xf32, #tpu.memory_space<vmem>>
    %dma_wait3A_1804 = arith.constant 0 : i32
    %dma_wait3A_1805 = tpu.memref_slice %arg9[%dma_wait3A_1798, %dma_wait3A_1804] : memref<8x64xi32, #tpu.memory_space<vmem>> -> memref<1x64xi32, #tpu.memory_space<vmem>>
    %dma_wait3A_1806 = tpu.memref_squeeze %dma_wait3A_1805 : memref<1x64xi32, #tpu.memory_space<vmem>> -> memref<64xi32, #tpu.memory_space<vmem>>
    %dma_wait3A_1807 = arith.constant 0 : i32
    %dma_wait3A_1808 = arith.constant 0 : i32
    %dma_wait3A_1809 = tpu.memref_slice %arg2[%dma_wait3A_1807, %dma_wait3A_1808] : memref<10000x128xf32, #tpu.memory_space<hbm>> -> memref<10000x128xf32, #tpu.memory_space<hbm>>
    tpu.wait_indirect_dma semaphore(%arg24 : memref<!tpu.dma_semaphore, #tpu.memory_space<semaphore_mem>>) src(%dma_wait3A_1809 : memref<10000x128xf32, #tpu.memory_space<hbm>>) dst(%dma_wait3A_1803 : memref<64x128xf32, #tpu.memory_space<vmem>>)
    %dma_start3A_1810 = arith.constant 2 : i32
    %dma_start3A_1811 = arith.constant 6 : i32
    %dma_start3A_1812 = arith.constant 0 : i32
    %dma_start3A_1813 = arith.constant 0 : i32
    %dma_start3A_1814 = tpu.memref_slice %arg11[%dma_start3A_1810, %dma_start3A_1812, %dma_start3A_1813] : memref<4x64x128xf32, #tpu.memory_space<vmem>> -> memref<1x64x128xf32, #tpu.memory_space<vmem>>
    %dma_start3A_1815 = tpu.memref_squeeze %dma_start3A_1814 : memref<1x64x128xf32, #tpu.memory_space<vmem>> -> memref<64x128xf32, #tpu.memory_space<vmem>>
    %dma_start3A_1816 = arith.constant 0 : i32
    %dma_start3A_1817 = tpu.memref_slice %arg10[%dma_start3A_1811, %dma_start3A_1816] : memref<8x64xi32, #tpu.memory_space<vmem>> -> memref<1x64xi32, #tpu.memory_space<vmem>>
    %dma_start3A_1818 = tpu.memref_squeeze %dma_start3A_1817 : memref<1x64xi32, #tpu.memory_space<vmem>> -> memref<64xi32, #tpu.memory_space<vmem>>
    %dma_start3A_1819 = arith.constant 0 : i32
    %dma_start3A_1820 = arith.constant 0 : i32
    %dma_start3A_1821 = tpu.memref_slice %arg13[%dma_start3A_1819, %dma_start3A_1820] : memref<10240x128xf32, #tpu.memory_space<vmem_shared>> -> memref<10240x128xf32, #tpu.memory_space<vmem_shared>>
    tpu.enqueue_indirect_dma source(%dma_start3A_1815 : memref<64x128xf32, #tpu.memory_space<vmem>>) target(%dma_start3A_1821 : memref<10240x128xf32, #tpu.memory_space<vmem_shared>>) offsets(%dma_start3A_1818 : memref<64xi32, #tpu.memory_space<vmem>>) semaphore(%arg28 : memref<!tpu.dma_semaphore, #tpu.memory_space<semaphore_mem>>) {add = true}
    %get3A_1822 = arith.constant 6 : i32
    %get3A_1823 = arith.index_cast %get3A_1822 : i32 to index
    %get3A_1824 = arith.constant 0 : index
    %get3A_1825 = tpu.vector_load %arg10[%get3A_1823, %get3A_1824] {strides = array<i32>} : memref<8x64xi32, #tpu.memory_space<vmem>>, vector<16xi32>,
    tpu.vector_store_idx %arg12[%get3A_1825], %broadcast_in_dim3A_3 {add = true} : memref<10240xf32, #tpu.memory_space<vmem>>[vector<16xi32>], vector<16xf32>,
    %get3A_1826 = arith.constant 6 : i32
    %get3A_1827 = arith.index_cast %get3A_1826 : i32 to index
    %get3A_1828 = arith.constant 16 : index
    %get3A_1829 = tpu.vector_load %arg10[%get3A_1827, %get3A_1828] {strides = array<i32>} : memref<8x64xi32, #tpu.memory_space<vmem>>, vector<16xi32>,
    tpu.vector_store_idx %arg12[%get3A_1829], %broadcast_in_dim3A_3 {add = true} : memref<10240xf32, #tpu.memory_space<vmem>>[vector<16xi32>], vector<16xf32>,
    %get3A_1830 = arith.constant 6 : i32
    %get3A_1831 = arith.index_cast %get3A_1830 : i32 to index
    %get3A_1832 = arith.constant 32 : index
    %get3A_1833 = tpu.vector_load %arg10[%get3A_1831, %get3A_1832] {strides = array<i32>} : memref<8x64xi32, #tpu.memory_space<vmem>>, vector<16xi32>,
    tpu.vector_store_idx %arg12[%get3A_1833], %broadcast_in_dim3A_3 {add = true} : memref<10240xf32, #tpu.memory_space<vmem>>[vector<16xi32>], vector<16xf32>,
    %get3A_1834 = arith.constant 6 : i32
    %get3A_1835 = arith.index_cast %get3A_1834 : i32 to index
    %get3A_1836 = arith.constant 48 : index
    %get3A_1837 = tpu.vector_load %arg10[%get3A_1835, %get3A_1836] {strides = array<i32>} : memref<8x64xi32, #tpu.memory_space<vmem>>, vector<16xi32>,
    tpu.vector_store_idx %arg12[%get3A_1837], %broadcast_in_dim3A_3 {add = true} : memref<10240xf32, #tpu.memory_space<vmem>>[vector<16xi32>], vector<16xf32>,
    %dma_wait3A_1838 = arith.constant 0 : i32
    %dma_wait3A_1839 = arith.constant 3 : i32
    %dma_wait3A_1840 = arith.constant 0 : i32
    %dma_wait3A_1841 = arith.constant 0 : i32
    %dma_wait3A_1842 = tpu.memref_slice %arg11[%dma_wait3A_1839, %dma_wait3A_1840, %dma_wait3A_1841] : memref<4x64x128xf32, #tpu.memory_space<vmem>> -> memref<1x64x128xf32, #tpu.memory_space<vmem>>
    %dma_wait3A_1843 = tpu.memref_squeeze %dma_wait3A_1842 : memref<1x64x128xf32, #tpu.memory_space<vmem>> -> memref<64x128xf32, #tpu.memory_space<vmem>>
    %dma_wait3A_1844 = arith.constant 0 : i32
    %dma_wait3A_1845 = tpu.memref_slice %arg9[%dma_wait3A_1838, %dma_wait3A_1844] : memref<8x64xi32, #tpu.memory_space<vmem>> -> memref<1x64xi32, #tpu.memory_space<vmem>>
    %dma_wait3A_1846 = tpu.memref_squeeze %dma_wait3A_1845 : memref<1x64xi32, #tpu.memory_space<vmem>> -> memref<64xi32, #tpu.memory_space<vmem>>
    %dma_wait3A_1847 = arith.constant 0 : i32
    %dma_wait3A_1848 = arith.constant 0 : i32
    %dma_wait3A_1849 = tpu.memref_slice %arg2[%dma_wait3A_1847, %dma_wait3A_1848] : memref<10000x128xf32, #tpu.memory_space<hbm>> -> memref<10000x128xf32, #tpu.memory_space<hbm>>
    tpu.wait_indirect_dma semaphore(%arg25 : memref<!tpu.dma_semaphore, #tpu.memory_space<semaphore_mem>>) src(%dma_wait3A_1849 : memref<10000x128xf32, #tpu.memory_space<hbm>>) dst(%dma_wait3A_1843 : memref<64x128xf32, #tpu.memory_space<vmem>>)
    %dma_start3A_1850 = arith.constant 3 : i32
    %dma_start3A_1851 = arith.constant 7 : i32
    %dma_start3A_1852 = arith.constant 0 : i32
    %dma_start3A_1853 = arith.constant 0 : i32
    %dma_start3A_1854 = tpu.memref_slice %arg11[%dma_start3A_1850, %dma_start3A_1852, %dma_start3A_1853] : memref<4x64x128xf32, #tpu.memory_space<vmem>> -> memref<1x64x128xf32, #tpu.memory_space<vmem>>
    %dma_start3A_1855 = tpu.memref_squeeze %dma_start3A_1854 : memref<1x64x128xf32, #tpu.memory_space<vmem>> -> memref<64x128xf32, #tpu.memory_space<vmem>>
    %dma_start3A_1856 = arith.constant 0 : i32
    %dma_start3A_1857 = tpu.memref_slice %arg10[%dma_start3A_1851, %dma_start3A_1856] : memref<8x64xi32, #tpu.memory_space<vmem>> -> memref<1x64xi32, #tpu.memory_space<vmem>>
    %dma_start3A_1858 = tpu.memref_squeeze %dma_start3A_1857 : memref<1x64xi32, #tpu.memory_space<vmem>> -> memref<64xi32, #tpu.memory_space<vmem>>
    %dma_start3A_1859 = arith.constant 0 : i32
    %dma_start3A_1860 = arith.constant 0 : i32
    %dma_start3A_1861 = tpu.memref_slice %arg13[%dma_start3A_1859, %dma_start3A_1860] : memref<10240x128xf32, #tpu.memory_space<vmem_shared>> -> memref<10240x128xf32, #tpu.memory_space<vmem_shared>>
    tpu.enqueue_indirect_dma source(%dma_start3A_1855 : memref<64x128xf32, #tpu.memory_space<vmem>>) target(%dma_start3A_1861 : memref<10240x128xf32, #tpu.memory_space<vmem_shared>>) offsets(%dma_start3A_1858 : memref<64xi32, #tpu.memory_space<vmem>>) semaphore(%arg29 : memref<!tpu.dma_semaphore, #tpu.memory_space<semaphore_mem>>) {add = true}
    %get3A_1862 = arith.constant 7 : i32
    %get3A_1863 = arith.index_cast %get3A_1862 : i32 to index
    %get3A_1864 = arith.constant 0 : index
    %get3A_1865 = tpu.vector_load %arg10[%get3A_1863, %get3A_1864] {strides = array<i32>} : memref<8x64xi32, #tpu.memory_space<vmem>>, vector<16xi32>,
    tpu.vector_store_idx %arg12[%get3A_1865], %broadcast_in_dim3A_3 {add = true} : memref<10240xf32, #tpu.memory_space<vmem>>[vector<16xi32>], vector<16xf32>,
    %get3A_1866 = arith.constant 7 : i32
    %get3A_1867 = arith.index_cast %get3A_1866 : i32 to index
    %get3A_1868 = arith.constant 16 : index
    %get3A_1869 = tpu.vector_load %arg10[%get3A_1867, %get3A_1868] {strides = array<i32>} : memref<8x64xi32, #tpu.memory_space<vmem>>, vector<16xi32>,
    tpu.vector_store_idx %arg12[%get3A_1869], %broadcast_in_dim3A_3 {add = true} : memref<10240xf32, #tpu.memory_space<vmem>>[vector<16xi32>], vector<16xf32>,
    %get3A_1870 = arith.constant 7 : i32
    %get3A_1871 = arith.index_cast %get3A_1870 : i32 to index
    %get3A_1872 = arith.constant 32 : index
    %get3A_1873 = tpu.vector_load %arg10[%get3A_1871, %get3A_1872] {strides = array<i32>} : memref<8x64xi32, #tpu.memory_space<vmem>>, vector<16xi32>,
    tpu.vector_store_idx %arg12[%get3A_1873], %broadcast_in_dim3A_3 {add = true} : memref<10240xf32, #tpu.memory_space<vmem>>[vector<16xi32>], vector<16xf32>,
    %get3A_1874 = arith.constant 7 : i32
    %get3A_1875 = arith.index_cast %get3A_1874 : i32 to index
    %get3A_1876 = arith.constant 48 : index
    %get3A_1877 = tpu.vector_load %arg10[%get3A_1875, %get3A_1876] {strides = array<i32>} : memref<8x64xi32, #tpu.memory_space<vmem>>, vector<16xi32>,
    tpu.vector_store_idx %arg12[%get3A_1877], %broadcast_in_dim3A_3 {add = true} : memref<10240xf32, #tpu.memory_space<vmem>>[vector<16xi32>], vector<16xf32>,
    %dma_wait3A_1878 = arith.constant 0 : i32
    %dma_wait3A_1879 = arith.constant 0 : i32
    %dma_wait3A_1880 = arith.constant 0 : i32
    %dma_wait3A_1881 = arith.constant 0 : i32
    %dma_wait3A_1882 = tpu.memref_slice %arg11[%dma_wait3A_1878, %dma_wait3A_1880, %dma_wait3A_1881] : memref<4x64x128xf32, #tpu.memory_space<vmem>> -> memref<1x64x128xf32, #tpu.memory_space<vmem>>
    %dma_wait3A_1883 = tpu.memref_squeeze %dma_wait3A_1882 : memref<1x64x128xf32, #tpu.memory_space<vmem>> -> memref<64x128xf32, #tpu.memory_space<vmem>>
    %dma_wait3A_1884 = arith.constant 0 : i32
    %dma_wait3A_1885 = tpu.memref_slice %arg10[%dma_wait3A_1879, %dma_wait3A_1884] : memref<8x64xi32, #tpu.memory_space<vmem>> -> memref<1x64xi32, #tpu.memory_space<vmem>>
    %dma_wait3A_1886 = tpu.memref_squeeze %dma_wait3A_1885 : memref<1x64xi32, #tpu.memory_space<vmem>> -> memref<64xi32, #tpu.memory_space<vmem>>
    %dma_wait3A_1887 = arith.constant 0 : i32
    %dma_wait3A_1888 = arith.constant 0 : i32
    %dma_wait3A_1889 = tpu.memref_slice %arg13[%dma_wait3A_1887, %dma_wait3A_1888] : memref<10240x128xf32, #tpu.memory_space<vmem_shared>> -> memref<10240x128xf32, #tpu.memory_space<vmem_shared>>
    tpu.wait_indirect_dma semaphore(%arg26 : memref<!tpu.dma_semaphore, #tpu.memory_space<semaphore_mem>>) src(%dma_wait3A_1883 : memref<64x128xf32, #tpu.memory_space<vmem>>) dst(%dma_wait3A_1889 : memref<10240x128xf32, #tpu.memory_space<vmem_shared>>)
    %dma_wait3A_1890 = arith.constant 1 : i32
    %dma_wait3A_1891 = arith.constant 0 : i32
    %dma_wait3A_1892 = arith.constant 0 : i32
    %dma_wait3A_1893 = arith.constant 0 : i32
    %dma_wait3A_1894 = tpu.memref_slice %arg11[%dma_wait3A_1890, %dma_wait3A_1892, %dma_wait3A_1893] : memref<4x64x128xf32, #tpu.memory_space<vmem>> -> memref<1x64x128xf32, #tpu.memory_space<vmem>>
    %dma_wait3A_1895 = tpu.memref_squeeze %dma_wait3A_1894 : memref<1x64x128xf32, #tpu.memory_space<vmem>> -> memref<64x128xf32, #tpu.memory_space<vmem>>
    %dma_wait3A_1896 = arith.constant 0 : i32
    %dma_wait3A_1897 = tpu.memref_slice %arg10[%dma_wait3A_1891, %dma_wait3A_1896] : memref<8x64xi32, #tpu.memory_space<vmem>> -> memref<1x64xi32, #tpu.memory_space<vmem>>
    %dma_wait3A_1898 = tpu.memref_squeeze %dma_wait3A_1897 : memref<1x64xi32, #tpu.memory_space<vmem>> -> memref<64xi32, #tpu.memory_space<vmem>>
    %dma_wait3A_1899 = arith.constant 0 : i32
    %dma_wait3A_1900 = arith.constant 0 : i32
    %dma_wait3A_1901 = tpu.memref_slice %arg13[%dma_wait3A_1899, %dma_wait3A_1900] : memref<10240x128xf32, #tpu.memory_space<vmem_shared>> -> memref<10240x128xf32, #tpu.memory_space<vmem_shared>>
    tpu.wait_indirect_dma semaphore(%arg27 : memref<!tpu.dma_semaphore, #tpu.memory_space<semaphore_mem>>) src(%dma_wait3A_1895 : memref<64x128xf32, #tpu.memory_space<vmem>>) dst(%dma_wait3A_1901 : memref<10240x128xf32, #tpu.memory_space<vmem_shared>>)
    %dma_wait3A_1902 = arith.constant 2 : i32
    %dma_wait3A_1903 = arith.constant 0 : i32
    %dma_wait3A_1904 = arith.constant 0 : i32
    %dma_wait3A_1905 = arith.constant 0 : i32
    %dma_wait3A_1906 = tpu.memref_slice %arg11[%dma_wait3A_1902, %dma_wait3A_1904, %dma_wait3A_1905] : memref<4x64x128xf32, #tpu.memory_space<vmem>> -> memref<1x64x128xf32, #tpu.memory_space<vmem>>
    %dma_wait3A_1907 = tpu.memref_squeeze %dma_wait3A_1906 : memref<1x64x128xf32, #tpu.memory_space<vmem>> -> memref<64x128xf32, #tpu.memory_space<vmem>>
    %dma_wait3A_1908 = arith.constant 0 : i32
    %dma_wait3A_1909 = tpu.memref_slice %arg10[%dma_wait3A_1903, %dma_wait3A_1908] : memref<8x64xi32, #tpu.memory_space<vmem>> -> memref<1x64xi32, #tpu.memory_space<vmem>>
    %dma_wait3A_1910 = tpu.memref_squeeze %dma_wait3A_1909 : memref<1x64xi32, #tpu.memory_space<vmem>> -> memref<64xi32, #tpu.memory_space<vmem>>
    %dma_wait3A_1911 = arith.constant 0 : i32
    %dma_wait3A_1912 = arith.constant 0 : i32
    %dma_wait3A_1913 = tpu.memref_slice %arg13[%dma_wait3A_1911, %dma_wait3A_1912] : memref<10240x128xf32, #tpu.memory_space<vmem_shared>> -> memref<10240x128xf32, #tpu.memory_space<vmem_shared>>
    tpu.wait_indirect_dma semaphore(%arg28 : memref<!tpu.dma_semaphore, #tpu.memory_space<semaphore_mem>>) src(%dma_wait3A_1907 : memref<64x128xf32, #tpu.memory_space<vmem>>) dst(%dma_wait3A_1913 : memref<10240x128xf32, #tpu.memory_space<vmem_shared>>)
    %dma_wait3A_1914 = arith.constant 3 : i32
    %dma_wait3A_1915 = arith.constant 0 : i32
    %dma_wait3A_1916 = arith.constant 0 : i32
    %dma_wait3A_1917 = arith.constant 0 : i32
    %dma_wait3A_1918 = tpu.memref_slice %arg11[%dma_wait3A_1914, %dma_wait3A_1916, %dma_wait3A_1917] : memref<4x64x128xf32, #tpu.memory_space<vmem>> -> memref<1x64x128xf32, #tpu.memory_space<vmem>>
    %dma_wait3A_1919 = tpu.memref_squeeze %dma_wait3A_1918 : memref<1x64x128xf32, #tpu.memory_space<vmem>> -> memref<64x128xf32, #tpu.memory_space<vmem>>
    %dma_wait3A_1920 = arith.constant 0 : i32
    %dma_wait3A_1921 = tpu.memref_slice %arg10[%dma_wait3A_1915, %dma_wait3A_1920] : memref<8x64xi32, #tpu.memory_space<vmem>> -> memref<1x64xi32, #tpu.memory_space<vmem>>
    %dma_wait3A_1922 = tpu.memref_squeeze %dma_wait3A_1921 : memref<1x64xi32, #tpu.memory_space<vmem>> -> memref<64xi32, #tpu.memory_space<vmem>>
    %dma_wait3A_1923 = arith.constant 0 : i32
    %dma_wait3A_1924 = arith.constant 0 : i32
    %dma_wait3A_1925 = tpu.memref_slice %arg13[%dma_wait3A_1923, %dma_wait3A_1924] : memref<10240x128xf32, #tpu.memory_space<vmem_shared>> -> memref<10240x128xf32, #tpu.memory_space<vmem_shared>>
    tpu.wait_indirect_dma semaphore(%arg29 : memref<!tpu.dma_semaphore, #tpu.memory_space<semaphore_mem>>) src(%dma_wait3A_1919 : memref<64x128xf32, #tpu.memory_space<vmem>>) dst(%dma_wait3A_1925 : memref<10240x128xf32, #tpu.memory_space<vmem_shared>>)
    %barrier3A_1926 = arith.constant 0 : index
    tpu.barrier barrier_id(%barrier3A_1926)
    %mul3A_1927 = arith.constant 640 : i32
    %mul3A_1928 = arith.muli %arg1, %mul3A_1927 : i32
    "tpu.region"() ({
      %run_scoped3A = tpu.sem_alloc : memref<!tpu.dma_semaphore, #tpu.memory_space<semaphore_mem>>
      %dma_start3A_1929 = arith.constant 0 : i32
      %dma_start3A_1930 = tpu.memref_slice %arg7[%arg0, %mul3A_1928, %dma_start3A_1929] : memref<2x10240x128xf32, #tpu.memory_space<hbm>> -> memref<1x640x128xf32, #tpu.memory_space<hbm>>
      %dma_start3A_1931 = tpu.memref_squeeze %dma_start3A_1930 : memref<1x640x128xf32, #tpu.memory_space<hbm>> -> memref<640x128xf32, #tpu.memory_space<hbm>>
      %dma_start3A_1932 = arith.constant 0 : i32
      %dma_start3A_1933 = tpu.memref_slice %arg13[%mul3A_1928, %dma_start3A_1932] : memref<10240x128xf32, #tpu.memory_space<vmem_shared>> -> memref<640x128xf32, #tpu.memory_space<vmem_shared>>
      tpu.enqueue_dma source(%dma_start3A_1933 : memref<640x128xf32, #tpu.memory_space<vmem_shared>>) target(%dma_start3A_1931 : memref<640x128xf32, #tpu.memory_space<hbm>>) target_semaphore(%run_scoped3A : memref<!tpu.dma_semaphore, #tpu.memory_space<semaphore_mem>>)
      %dma_wait3A_1934 = arith.constant 0 : i32
      %dma_wait3A_1935 = tpu.memref_slice %arg7[%arg0, %mul3A_1928, %dma_wait3A_1934] : memref<2x10240x128xf32, #tpu.memory_space<hbm>> -> memref<1x640x128xf32, #tpu.memory_space<hbm>>
      %dma_wait3A_1936 = tpu.memref_squeeze %dma_wait3A_1935 : memref<1x640x128xf32, #tpu.memory_space<hbm>> -> memref<640x128xf32, #tpu.memory_space<hbm>>
      %dma_wait3A_1937 = arith.constant 0 : i32
      %dma_wait3A_1938 = tpu.memref_slice %arg13[%mul3A_1928, %dma_wait3A_1937] : memref<10240x128xf32, #tpu.memory_space<vmem_shared>> -> memref<640x128xf32, #tpu.memory_space<vmem_shared>>
      tpu.wait_dma2 semaphore(%run_scoped3A : memref<!tpu.dma_semaphore, #tpu.memory_space<semaphore_mem>>) src(%dma_wait3A_1938 : memref<640x128xf32, #tpu.memory_space<vmem_shared>>) dst(%dma_wait3A_1936 : memref<640x128xf32, #tpu.memory_space<hbm>>)
      tpu.yield
    }) : () -> ()
    "tpu.region"() ({
      %run_scoped3A = tpu.sem_alloc : memref<!tpu.dma_semaphore, #tpu.memory_space<semaphore_mem>>
      %dma_start3A_1929 = arith.constant 0 : i32
      %dma_start3A_1930 = tpu.memref_slice %arg8[%add3A, %dma_start3A_1929] : memref<32x10240xf32, #tpu.memory_space<hbm>> -> memref<1x10240xf32, #tpu.memory_space<hbm>>
      %dma_start3A_1931 = tpu.memref_squeeze %dma_start3A_1930 : memref<1x10240xf32, #tpu.memory_space<hbm>> -> memref<10240xf32, #tpu.memory_space<hbm>>
      %dma_start3A_1932 = arith.constant 0 : i32
      %dma_start3A_1933 = tpu.memref_slice %arg8[%add3A, %dma_start3A_1932] : memref<32x10240xf32, #tpu.memory_space<hbm>> -> memref<1x10240xf32, #tpu.memory_space<hbm>>
      %dma_start3A_1934 = tpu.memref_squeeze %dma_start3A_1933 : memref<1x10240xf32, #tpu.memory_space<hbm>> -> memref<10240xf32, #tpu.memory_space<hbm>>
      tpu.enqueue_dma source(%arg12 : memref<10240xf32, #tpu.memory_space<vmem>>) target(%dma_start3A_1934 : memref<10240xf32, #tpu.memory_space<hbm>>) target_semaphore(%run_scoped3A : memref<!tpu.dma_semaphore, #tpu.memory_space<semaphore_mem>>)
      %dma_wait3A_1935 = arith.constant 0 : i32
      %dma_wait3A_1936 = tpu.memref_slice %arg8[%add3A, %dma_wait3A_1935] : memref<32x10240xf32, #tpu.memory_space<hbm>> -> memref<1x10240xf32, #tpu.memory_space<hbm>>
      %dma_wait3A_1937 = tpu.memref_squeeze %dma_wait3A_1936 : memref<1x10240xf32, #tpu.memory_space<hbm>> -> memref<10240xf32, #tpu.memory_space<hbm>>
      %dma_wait3A_1938 = arith.constant 0 : i32
      %dma_wait3A_1939 = tpu.memref_slice %arg8[%add3A, %dma_wait3A_1938] : memref<32x10240xf32, #tpu.memory_space<hbm>> -> memref<1x10240xf32, #tpu.memory_space<hbm>>
      %dma_wait3A_1940 = tpu.memref_squeeze %dma_wait3A_1939 : memref<1x10240xf32, #tpu.memory_space<hbm>> -> memref<10240xf32, #tpu.memory_space<hbm>>
      tpu.wait_dma2 semaphore(%run_scoped3A : memref<!tpu.dma_semaphore, #tpu.memory_space<semaphore_mem>>) src(%arg12 : memref<10240xf32, #tpu.memory_space<vmem>>) dst(%dma_wait3A_1940 : memref<10240xf32, #tpu.memory_space<hbm>>)
      tpu.yield
    }) : () -> ()
    return
  }
}

module attributes {stable_mosaic.version = 14 : i64} {
  func.func @_tc_xw_body(%arg0: i32, %arg1: memref<2048x128xf32, #tpu.memory_space<vmem>>, %arg2: memref<128x256xf32, #tpu.memory_space<vmem>>, %arg3: memref<1x256xf32, #tpu.memory_space<vmem>>, %arg4: memref<2048x256xf32, #tpu.memory_space<vmem>>) attributes {dimension_semantics = [#tpu.dimension_semantics<arbitrary>], iteration_bounds = array<i64: 5>, scalar_prefetch = 0 : i64, scratch_operands = 0 : i64, tpu.core_type = #tpu.core_type<tc>, window_params = [{transform_indices = @transform_0, window_bounds = array<i64: 2048, 128>}, {pipeline_mode = #tpu.pipeline_mode<synchronous>, transform_indices = @transform_1, window_bounds = array<i64: 128, 256>}, {pipeline_mode = #tpu.pipeline_mode<synchronous>, transform_indices = @transform_2, window_bounds = array<i64: 1, 256>}, {transform_indices = @transform_3, window_bounds = array<i64: 2048, 256>}]} {
    %get3A = arith.constant 0 : index
    %get3A_0 = arith.constant 0 : index
    %get3A_1 = vector.load %arg1[%get3A, %get3A_0] : memref<2048x128xf32, #tpu.memory_space<vmem>>, vector<2048x128xf32>
    %get3A_2 = arith.constant 0 : index
    %get3A_3 = arith.constant 0 : index
    %get3A_4 = vector.load %arg2[%get3A_2, %get3A_3] : memref<128x256xf32, #tpu.memory_space<vmem>>, vector<128x256xf32>
    %dot_general3A = arith.constant dense<0.000000e+00> : vector<2048x256xf32>
    %dot_general3A_5 = tpu.matmul %get3A_1, %get3A_4, %dot_general3A {dimension_numbers = #tpu.dot_dimension_numbers<[1], [0], [0], [1], [0, 0, 1, 1], [], []>, transpose_lhs_hint = false} : vector<2048x128xf32>, vector<128x256xf32>, vector<2048x256xf32> -> vector<2048x256xf32>
    %get3A_6 = arith.constant 0 : index
    %get3A_7 = arith.constant 0 : index
    %get3A_8 = vector.load %arg3[%get3A_6, %get3A_7] : memref<1x256xf32, #tpu.memory_space<vmem>>, vector<1x256xf32>
    %add3A = vector.broadcast %get3A_8 : vector<1x256xf32> to vector<2048x256xf32>
    %add3A_9 = arith.addf %dot_general3A_5, %add3A : vector<2048x256xf32>
    %swap3A = arith.constant 0 : index
    %swap3A_10 = arith.constant 0 : index
    %swap3A_11 = vector.load %arg4[%swap3A, %swap3A_10] : memref<2048x256xf32, #tpu.memory_space<vmem>>, vector<2048x256xf32>
    tpu.vector_store %arg4[%swap3A, %swap3A_10], %add3A_9 {strides = array<i32>} : memref<2048x256xf32, #tpu.memory_space<vmem>>, vector<2048x256xf32>,
    return
  }
  func.func @transform_0(%arg0: i32) -> (i32, i32) {
    %c0_i32 = arith.constant 0 : i32
    %c0_i32_0 = arith.constant 0 : i32
    return %arg0, %c0_i32 : i32, i32
  }
  func.func @transform_1(%arg0: i32) -> (i32, i32) {
    %c0_i32 = arith.constant 0 : i32
    %c0_i32_0 = arith.constant 0 : i32
    %c0_i32_1 = arith.constant 0 : i32
    return %c0_i32, %c0_i32_0 : i32, i32
  }
  func.func @transform_2(%arg0: i32) -> (i32, i32) {
    %c0_i32 = arith.constant 0 : i32
    %c0_i32_0 = arith.constant 0 : i32
    %c0_i32_1 = arith.constant 0 : i32
    return %c0_i32, %c0_i32_0 : i32, i32
  }
  func.func @transform_3(%arg0: i32) -> (i32, i32) {
    %c0_i32 = arith.constant 0 : i32
    %c0_i32_0 = arith.constant 0 : i32
    return %arg0, %c0_i32 : i32, i32
  }
}

module attributes {stable_mosaic.version = 14 : i64} {
  func.func @_tc_mid_body(%arg0: i32, %arg1: memref<2x2048x128xf32, #tpu.memory_space<vmem>>, %arg2: memref<32x2048xf32, #tpu.memory_space<vmem>>, %arg3: memref<2048x256xf32, #tpu.memory_space<vmem>>, %arg4: memref<128x256xf32, #tpu.memory_space<vmem>>, %arg5: memref<1x256xf32, #tpu.memory_space<vmem>>, %arg6: memref<1x256xf32, #tpu.memory_space<vmem>>, %arg7: memref<256x128xf32, #tpu.memory_space<vmem>>, %arg8: memref<2048xf32, #tpu.memory_space<vmem>>, %arg9: memref<2048xf32, #tpu.memory_space<vmem>>, %arg10: memref<2048xf32, #tpu.memory_space<vmem>>, %arg11: memref<2048xf32, #tpu.memory_space<vmem>>) attributes {dimension_semantics = [#tpu.dimension_semantics<arbitrary>], iteration_bounds = array<i64: 5>, scalar_prefetch = 0 : i64, scratch_operands = 0 : i64, tpu.core_type = #tpu.core_type<tc>, window_params = [{transform_indices = @transform_0, window_bounds = array<i64: 2, 2048, 128>}, {transform_indices = @transform_1, window_bounds = array<i64: 32, 2048>}, {transform_indices = @transform_2, window_bounds = array<i64: 2048, 256>}, {pipeline_mode = #tpu.pipeline_mode<synchronous>, transform_indices = @transform_3, window_bounds = array<i64: 128, 256>}, {pipeline_mode = #tpu.pipeline_mode<synchronous>, transform_indices = @transform_4, window_bounds = array<i64: 1, 256>}, {pipeline_mode = #tpu.pipeline_mode<synchronous>, transform_indices = @transform_5, window_bounds = array<i64: 1, 256>}, {pipeline_mode = #tpu.pipeline_mode<synchronous>, transform_indices = @transform_6, window_bounds = array<i64: 256, 128>}, {transform_indices = @transform_7, window_bounds = array<i64: 2048>}, {transform_indices = @transform_8, window_bounds = array<i64: 2048>}, {transform_indices = @transform_9, window_bounds = array<i64: 2048>}, {transform_indices = @transform_10, window_bounds = array<i64: 2048>}]} {
    %get3A = arith.constant 0 : index
    %get3A_0 = arith.constant 0 : index
    %get3A_1 = vector.load %arg2[%get3A, %get3A_0] : memref<32x2048xf32, #tpu.memory_space<vmem>>, vector<32x2048xf32>
    %reduce_sum3A = arith.constant dense<0.000000e+00> : vector<2048xf32>
    %reduce_sum3A_2 = vector.multi_reduction <add>, %get3A_1, %reduce_sum3A [0] : vector<32x2048xf32> to vector<2048xf32>
    %max3A = arith.constant 1.000000e+00 : f32
    %max3A_3 = vector.broadcast %max3A : f32 to vector<2048xf32>
    %max3A_4 = arith.maximumf %reduce_sum3A_2, %max3A_3 : vector<2048xf32>
    %reshape3A = vector.shape_cast %max3A_4 : vector<2048xf32> to vector<2048x1xf32>
    %get3A_5 = arith.constant 0 : index
    %get3A_6 = arith.constant 0 : index
    %get3A_7 = arith.constant 0 : index
    %get3A_8 = vector.load %arg1[%get3A_5, %get3A_6, %get3A_7] : memref<2x2048x128xf32, #tpu.memory_space<vmem>>, vector<1x2048x128xf32>
    %get3A_9 = vector.shape_cast %get3A_8 : vector<1x2048x128xf32> to vector<2048x128xf32>
    %get3A_10 = arith.constant 1 : index
    %get3A_11 = arith.constant 0 : index
    %get3A_12 = arith.constant 0 : index
    %get3A_13 = vector.load %arg1[%get3A_10, %get3A_11, %get3A_12] : memref<2x2048x128xf32, #tpu.memory_space<vmem>>, vector<1x2048x128xf32>
    %get3A_14 = vector.shape_cast %get3A_13 : vector<1x2048x128xf32> to vector<2048x128xf32>
    %add3A = arith.addf %get3A_9, %get3A_14 : vector<2048x128xf32>
    %div3A = vector.broadcast %reshape3A : vector<2048x1xf32> to vector<2048x128xf32>
    %div3A_15 = arith.divf %add3A, %div3A : vector<2048x128xf32>
    %get3A_16 = arith.constant 0 : index
    %get3A_17 = arith.constant 0 : index
    %get3A_18 = vector.load %arg4[%get3A_16, %get3A_17] : memref<128x256xf32, #tpu.memory_space<vmem>>, vector<128x256xf32>
    %dot_general3A = arith.constant dense<0.000000e+00> : vector<2048x256xf32>
    %dot_general3A_19 = tpu.matmul %div3A_15, %get3A_18, %dot_general3A {dimension_numbers = #tpu.dot_dimension_numbers<[1], [0], [0], [1], [0, 0, 1, 1], [], []>, transpose_lhs_hint = false} : vector<2048x128xf32>, vector<128x256xf32>, vector<2048x256xf32> -> vector<2048x256xf32>
    %get3A_20 = arith.constant 0 : index
    %get3A_21 = arith.constant 0 : index
    %get3A_22 = vector.load %arg3[%get3A_20, %get3A_21] : memref<2048x256xf32, #tpu.memory_space<vmem>>, vector<2048x256xf32>
    %add3A_23 = arith.addf %dot_general3A_19, %get3A_22 : vector<2048x256xf32>
    %reduce_sum3A_24 = arith.constant dense<0.000000e+00> : vector<2048xf32>
    %reduce_sum3A_25 = vector.multi_reduction <add>, %add3A_23, %reduce_sum3A_24 [1] : vector<2048x256xf32> to vector<2048xf32>
    %broadcast_in_dim3A = vector.shape_cast %reduce_sum3A_25 : vector<2048xf32> to vector<2048x1xf32>
    %div3A_26 = arith.constant 2.560000e+02 : f32
    %div3A_27 = vector.broadcast %div3A_26 : f32 to vector<2048x1xf32>
    %div3A_28 = arith.divf %broadcast_in_dim3A, %div3A_27 : vector<2048x1xf32>
    %sub3A = vector.broadcast %div3A_28 : vector<2048x1xf32> to vector<2048x256xf32>
    %sub3A_29 = arith.subf %add3A_23, %sub3A : vector<2048x256xf32>
    %sub3A_30 = vector.broadcast %div3A_28 : vector<2048x1xf32> to vector<2048x256xf32>
    %sub3A_31 = arith.subf %add3A_23, %sub3A_30 : vector<2048x256xf32>
    %mul3A = arith.mulf %sub3A_29, %sub3A_31 : vector<2048x256xf32>
    %reduce_sum3A_32 = arith.constant dense<0.000000e+00> : vector<2048xf32>
    %reduce_sum3A_33 = vector.multi_reduction <add>, %mul3A, %reduce_sum3A_32 [1] : vector<2048x256xf32> to vector<2048xf32>
    %broadcast_in_dim3A_34 = vector.shape_cast %reduce_sum3A_33 : vector<2048xf32> to vector<2048x1xf32>
    %div3A_35 = arith.constant 2.560000e+02 : f32
    %div3A_36 = vector.broadcast %div3A_35 : f32 to vector<2048x1xf32>
    %div3A_37 = arith.divf %broadcast_in_dim3A_34, %div3A_36 : vector<2048x1xf32>
    %sub3A_38 = vector.broadcast %div3A_28 : vector<2048x1xf32> to vector<2048x256xf32>
    %sub3A_39 = arith.subf %add3A_23, %sub3A_38 : vector<2048x256xf32>
    %add3A_40 = arith.constant 9.99999974E-6 : f32
    %add3A_41 = vector.broadcast %add3A_40 : f32 to vector<2048x1xf32>
    %add3A_42 = arith.addf %div3A_37, %add3A_41 : vector<2048x1xf32>
    %rsqrt3A = math.rsqrt %add3A_42 : vector<2048x1xf32>
    %mul3A_43 = vector.broadcast %rsqrt3A : vector<2048x1xf32> to vector<2048x256xf32>
    %mul3A_44 = arith.mulf %sub3A_39, %mul3A_43 : vector<2048x256xf32>
    %get3A_45 = arith.constant 0 : index
    %get3A_46 = arith.constant 0 : index
    %get3A_47 = vector.load %arg5[%get3A_45, %get3A_46] : memref<1x256xf32, #tpu.memory_space<vmem>>, vector<1x256xf32>
    %mul3A_48 = vector.broadcast %get3A_47 : vector<1x256xf32> to vector<2048x256xf32>
    %mul3A_49 = arith.mulf %mul3A_44, %mul3A_48 : vector<2048x256xf32>
    %get3A_50 = arith.constant 0 : index
    %get3A_51 = arith.constant 0 : index
    %get3A_52 = vector.load %arg6[%get3A_50, %get3A_51] : memref<1x256xf32, #tpu.memory_space<vmem>>, vector<1x256xf32>
    %add3A_53 = vector.broadcast %get3A_52 : vector<1x256xf32> to vector<2048x256xf32>
    %add3A_54 = arith.addf %mul3A_49, %add3A_53 : vector<2048x256xf32>
    %gt3A = arith.constant 0.000000e+00 : f32
    %gt3A_55 = vector.broadcast %gt3A : f32 to vector<2048x256xf32>
    %gt3A_56 = arith.cmpf ogt, %add3A_54, %gt3A_55 : vector<2048x256xf32>
    %min3A = arith.constant 0.000000e+00 : f32
    %min3A_57 = vector.broadcast %min3A : f32 to vector<2048x256xf32>
    %min3A_58 = arith.minimumf %add3A_54, %min3A_57 : vector<2048x256xf32>
    %exp3A = math.exp %min3A_58 : vector<2048x256xf32>
    %sub3A_59 = arith.constant 1.000000e+00 : f32
    %sub3A_60 = vector.broadcast %sub3A_59 : f32 to vector<2048x256xf32>
    %sub3A_61 = arith.subf %exp3A, %sub3A_60 : vector<2048x256xf32>
    %select_n3A = arith.select %gt3A_56, %add3A_54, %sub3A_61 : vector<2048x256xi1>, vector<2048x256xf32>
    %get3A_62 = arith.constant 0 : index
    %get3A_63 = arith.constant 0 : index
    %get3A_64 = vector.load %arg7[%get3A_62, %get3A_63] : memref<256x128xf32, #tpu.memory_space<vmem>>, vector<256x128xf32>
    %dot_general3A_65 = arith.constant dense<0.000000e+00> : vector<2048x128xf32>
    %dot_general3A_66 = tpu.matmul %select_n3A, %get3A_64, %dot_general3A_65 {dimension_numbers = #tpu.dot_dimension_numbers<[1], [0], [0], [1], [0, 0, 1, 1], [], []>, transpose_lhs_hint = false} : vector<2048x256xf32>, vector<256x128xf32>, vector<2048x128xf32> -> vector<2048x128xf32>
    %slice3A = vector.extract_strided_slice %dot_general3A_66 {offsets = [0, 0], sizes = [2048, 1], strides = [1, 1]} : vector<2048x128xf32> to vector<2048x1xf32>
    %squeeze3A = vector.shape_cast %slice3A : vector<2048x1xf32> to vector<2048xf32>
    %swap3A = arith.constant 0 : index
    %swap3A_67 = vector.load %arg8[%swap3A] : memref<2048xf32, #tpu.memory_space<vmem>>, vector<2048xf32>
    tpu.vector_store %arg8[%swap3A], %squeeze3A {strides = array<i32>} : memref<2048xf32, #tpu.memory_space<vmem>>, vector<2048xf32>,
    %slice3A_68 = vector.extract_strided_slice %dot_general3A_66 {offsets = [0, 1], sizes = [2048, 1], strides = [1, 1]} : vector<2048x128xf32> to vector<2048x1xf32>
    %squeeze3A_69 = vector.shape_cast %slice3A_68 : vector<2048x1xf32> to vector<2048xf32>
    %swap3A_70 = arith.constant 0 : index
    %swap3A_71 = vector.load %arg9[%swap3A_70] : memref<2048xf32, #tpu.memory_space<vmem>>, vector<2048xf32>
    tpu.vector_store %arg9[%swap3A_70], %squeeze3A_69 {strides = array<i32>} : memref<2048xf32, #tpu.memory_space<vmem>>, vector<2048xf32>,
    %slice3A_72 = vector.extract_strided_slice %dot_general3A_66 {offsets = [0, 2], sizes = [2048, 1], strides = [1, 1]} : vector<2048x128xf32> to vector<2048x1xf32>
    %squeeze3A_73 = vector.shape_cast %slice3A_72 : vector<2048x1xf32> to vector<2048xf32>
    %swap3A_74 = arith.constant 0 : index
    %swap3A_75 = vector.load %arg10[%swap3A_74] : memref<2048xf32, #tpu.memory_space<vmem>>, vector<2048xf32>
    tpu.vector_store %arg10[%swap3A_74], %squeeze3A_73 {strides = array<i32>} : memref<2048xf32, #tpu.memory_space<vmem>>, vector<2048xf32>,
    %slice3A_76 = vector.extract_strided_slice %dot_general3A_66 {offsets = [0, 3], sizes = [2048, 1], strides = [1, 1]} : vector<2048x128xf32> to vector<2048x1xf32>
    %squeeze3A_77 = vector.shape_cast %slice3A_76 : vector<2048x1xf32> to vector<2048xf32>
    %swap3A_78 = arith.constant 0 : index
    %swap3A_79 = vector.load %arg11[%swap3A_78] : memref<2048xf32, #tpu.memory_space<vmem>>, vector<2048xf32>
    tpu.vector_store %arg11[%swap3A_78], %squeeze3A_77 {strides = array<i32>} : memref<2048xf32, #tpu.memory_space<vmem>>, vector<2048xf32>,
    return
  }
  func.func @transform_0(%arg0: i32) -> (i32, i32, i32) {
    %c0_i32 = arith.constant 0 : i32
    %c0_i32_0 = arith.constant 0 : i32
    %c0_i32_1 = arith.constant 0 : i32
    return %c0_i32, %arg0, %c0_i32_0 : i32, i32, i32
  }
  func.func @transform_1(%arg0: i32) -> (i32, i32) {
    %c0_i32 = arith.constant 0 : i32
    %c0_i32_0 = arith.constant 0 : i32
    return %c0_i32, %arg0 : i32, i32
  }
  func.func @transform_2(%arg0: i32) -> (i32, i32) {
    %c0_i32 = arith.constant 0 : i32
    %c0_i32_0 = arith.constant 0 : i32
    return %arg0, %c0_i32 : i32, i32
  }
  func.func @transform_3(%arg0: i32) -> (i32, i32) {
    %c0_i32 = arith.constant 0 : i32
    %c0_i32_0 = arith.constant 0 : i32
    %c0_i32_1 = arith.constant 0 : i32
    return %c0_i32, %c0_i32_0 : i32, i32
  }
  func.func @transform_4(%arg0: i32) -> (i32, i32) {
    %c0_i32 = arith.constant 0 : i32
    %c0_i32_0 = arith.constant 0 : i32
    %c0_i32_1 = arith.constant 0 : i32
    return %c0_i32, %c0_i32_0 : i32, i32
  }
  func.func @transform_5(%arg0: i32) -> (i32, i32) {
    %c0_i32 = arith.constant 0 : i32
    %c0_i32_0 = arith.constant 0 : i32
    %c0_i32_1 = arith.constant 0 : i32
    return %c0_i32, %c0_i32_0 : i32, i32
  }
  func.func @transform_6(%arg0: i32) -> (i32, i32) {
    %c0_i32 = arith.constant 0 : i32
    %c0_i32_0 = arith.constant 0 : i32
    %c0_i32_1 = arith.constant 0 : i32
    return %c0_i32, %c0_i32_0 : i32, i32
  }
  func.func @transform_7(%arg0: i32) -> i32 {
    %c0_i32 = arith.constant 0 : i32
    return %arg0 : i32
  }
  func.func @transform_8(%arg0: i32) -> i32 {
    %c0_i32 = arith.constant 0 : i32
    return %arg0 : i32
  }
  func.func @transform_9(%arg0: i32) -> i32 {
    %c0_i32 = arith.constant 0 : i32
    return %arg0 : i32
  }
  func.func @transform_10(%arg0: i32) -> i32 {
    %c0_i32 = arith.constant 0 : i32
    return %arg0 : i32
  }
}

module attributes {stable_mosaic.version = 14 : i64} {
  func.func @_tc_out_body(%arg0: i32, %arg1: memref<32x2048xf32, #tpu.memory_space<vmem>>, %arg2: memref<32x2048xf32, #tpu.memory_space<vmem>>, %arg3: memref<32x2048xf32, #tpu.memory_space<vmem>>, %arg4: memref<2048xf32, #tpu.memory_space<vmem>>, %arg5: memref<2048xf32, #tpu.memory_space<vmem>>, %arg6: memref<1x2xf32, #tpu.memory_space<vmem>>, %arg7: memref<2048xf32, #tpu.memory_space<vmem>>, %arg8: memref<2048xf32, #tpu.memory_space<vmem>>) attributes {dimension_semantics = [#tpu.dimension_semantics<arbitrary>], iteration_bounds = array<i64: 5>, scalar_prefetch = 0 : i64, scratch_operands = 0 : i64, tpu.core_type = #tpu.core_type<tc>, window_params = [{transform_indices = @transform_0, window_bounds = array<i64: 32, 2048>}, {transform_indices = @transform_1, window_bounds = array<i64: 32, 2048>}, {transform_indices = @transform_2, window_bounds = array<i64: 32, 2048>}, {transform_indices = @transform_3, window_bounds = array<i64: 2048>}, {transform_indices = @transform_4, window_bounds = array<i64: 2048>}, {pipeline_mode = #tpu.pipeline_mode<synchronous>, transform_indices = @transform_5, window_bounds = array<i64: 1, 2>}, {transform_indices = @transform_6, window_bounds = array<i64: 2048>}, {transform_indices = @transform_7, window_bounds = array<i64: 2048>}]} {
    %get3A = arith.constant 0 : index
    %get3A_0 = arith.constant 0 : index
    %get3A_1 = vector.load %arg3[%get3A, %get3A_0] : memref<32x2048xf32, #tpu.memory_space<vmem>>, vector<32x2048xf32>
    %reduce_sum3A = arith.constant dense<0.000000e+00> : vector<2048xf32>
    %reduce_sum3A_2 = vector.multi_reduction <add>, %get3A_1, %reduce_sum3A [0] : vector<32x2048xf32> to vector<2048xf32>
    %max3A = arith.constant 1.000000e+00 : f32
    %max3A_3 = vector.broadcast %max3A : f32 to vector<2048xf32>
    %max3A_4 = arith.maximumf %reduce_sum3A_2, %max3A_3 : vector<2048xf32>
    %get3A_5 = arith.constant 0 : index
    %get3A_6 = arith.constant 0 : index
    %get3A_7 = vector.load %arg1[%get3A_5, %get3A_6] : memref<32x2048xf32, #tpu.memory_space<vmem>>, vector<32x2048xf32>
    %reduce_sum3A_8 = arith.constant dense<0.000000e+00> : vector<2048xf32>
    %reduce_sum3A_9 = vector.multi_reduction <add>, %get3A_7, %reduce_sum3A_8 [0] : vector<32x2048xf32> to vector<2048xf32>
    %div3A = arith.divf %reduce_sum3A_9, %max3A_4 : vector<2048xf32>
    %get3A_10 = arith.constant 0 : index
    %get3A_11 = vector.load %arg4[%get3A_10] : memref<2048xf32, #tpu.memory_space<vmem>>, vector<2048xf32>
    %add3A = arith.addf %div3A, %get3A_11 : vector<2048xf32>
    %get3A_12 = arith.constant 0 : index
    %get3A_13 = arith.constant 0 : index
    %get3A_14 = vector.load %arg6[%get3A_12, %get3A_13] : memref<1x2xf32, #tpu.memory_space<vmem>>, vector<1x1xf32>
    %get3A_15 = vector.extract %get3A_14[0, 0] : f32 from vector<1x1xf32>
    %add3A_16 = vector.broadcast %get3A_15 : f32 to vector<2048xf32>
    %add3A_17 = arith.addf %add3A, %add3A_16 : vector<2048xf32>
    %swap3A = arith.constant 0 : index
    %swap3A_18 = vector.load %arg7[%swap3A] : memref<2048xf32, #tpu.memory_space<vmem>>, vector<2048xf32>
    tpu.vector_store %arg7[%swap3A], %add3A_17 {strides = array<i32>} : memref<2048xf32, #tpu.memory_space<vmem>>, vector<2048xf32>,
    %get3A_19 = arith.constant 0 : index
    %get3A_20 = arith.constant 0 : index
    %get3A_21 = vector.load %arg2[%get3A_19, %get3A_20] : memref<32x2048xf32, #tpu.memory_space<vmem>>, vector<32x2048xf32>
    %reduce_sum3A_22 = arith.constant dense<0.000000e+00> : vector<2048xf32>
    %reduce_sum3A_23 = vector.multi_reduction <add>, %get3A_21, %reduce_sum3A_22 [0] : vector<32x2048xf32> to vector<2048xf32>
    %div3A_24 = arith.divf %reduce_sum3A_23, %max3A_4 : vector<2048xf32>
    %get3A_25 = arith.constant 0 : index
    %get3A_26 = vector.load %arg5[%get3A_25] : memref<2048xf32, #tpu.memory_space<vmem>>, vector<2048xf32>
    %add3A_27 = arith.addf %div3A_24, %get3A_26 : vector<2048xf32>
    %get3A_28 = arith.constant 0 : index
    %get3A_29 = arith.constant 1 : index
    %get3A_30 = vector.load %arg6[%get3A_28, %get3A_29] : memref<1x2xf32, #tpu.memory_space<vmem>>, vector<1x1xf32>
    %get3A_31 = vector.extract %get3A_30[0, 0] : f32 from vector<1x1xf32>
    %add3A_32 = vector.broadcast %get3A_31 : f32 to vector<2048xf32>
    %add3A_33 = arith.addf %add3A_27, %add3A_32 : vector<2048xf32>
    %swap3A_34 = arith.constant 0 : index
    %swap3A_35 = vector.load %arg8[%swap3A_34] : memref<2048xf32, #tpu.memory_space<vmem>>, vector<2048xf32>
    tpu.vector_store %arg8[%swap3A_34], %add3A_33 {strides = array<i32>} : memref<2048xf32, #tpu.memory_space<vmem>>, vector<2048xf32>,
    return
  }
  func.func @transform_0(%arg0: i32) -> (i32, i32) {
    %c0_i32 = arith.constant 0 : i32
    %c0_i32_0 = arith.constant 0 : i32
    return %c0_i32, %arg0 : i32, i32
  }
  func.func @transform_1(%arg0: i32) -> (i32, i32) {
    %add3A = arith.constant 5 : i32
    %add3A_0 = arith.addi %arg0, %add3A : i32
    %c0_i32 = arith.constant 0 : i32
    %c0_i32_1 = arith.constant 0 : i32
    return %c0_i32, %add3A_0 : i32, i32
  }
  func.func @transform_2(%arg0: i32) -> (i32, i32) {
    %c0_i32 = arith.constant 0 : i32
    %c0_i32_0 = arith.constant 0 : i32
    return %c0_i32, %arg0 : i32, i32
  }
  func.func @transform_3(%arg0: i32) -> i32 {
    %c0_i32 = arith.constant 0 : i32
    return %arg0 : i32
  }
  func.func @transform_4(%arg0: i32) -> i32 {
    %c0_i32 = arith.constant 0 : i32
    return %arg0 : i32
  }
  func.func @transform_5(%arg0: i32) -> (i32, i32) {
    %c0_i32 = arith.constant 0 : i32
    %c0_i32_0 = arith.constant 0 : i32
    %c0_i32_1 = arith.constant 0 : i32
    return %c0_i32, %c0_i32_0 : i32, i32
  }
  func.func @transform_6(%arg0: i32) -> i32 {
    %c0_i32 = arith.constant 0 : i32
    return %arg0 : i32
  }
  func.func @transform_7(%arg0: i32) -> i32 {
    %c0_i32 = arith.constant 0 : i32
    return %arg0 : i32
  }
}

</mosaic_0001>

<sc_bundles>
// kernel: kernel.10.cloned.1.call-start
scs
__scs_entry_jumppad:
0x0: {  	(pc) =	sbr.rel $0x88, $3  }
0x1: {  	(tag) =	ssettag $0x0;
	lr =	simm.s32 $0x1  }
0x2: {  	[smem:$0x3F95] =	sst lr;
	_ =	strace $0xD0000000  }
0x3: {  	_ = 	snop  }
0x4: {  	_ = 	snop  }
0x5: {  	_ = 	snop  }
0x6: {  	_ = 	snop  }
0x7: {  	_ = 	snop  }
__scs_overlays_trampoline_lowered:
0x8: {  	[smem:$0x3FA4] =	sst s0  }
0x9: {  	[smem:$0x3FA5] =	sst s1  }
0xa: {  	[smem:$0x3FA6] =	sst s2  }
0xb: {  	[smem:$0x3FA7] =	sst s3  }
0xc: {  	[smem:$0x3FA8] =	sst s4  }
0xd: {  	[smem:$0x3FA9] =	sst s5  }
0xe: {  	[smem:$0x3FAA] =	sst s6  }
0xf: {  	[smem:$0x3FAB] =	sst s7  }
0x10: {  	[smem:$0x3FAC] =	sst s8  }
0x11: {  	[smem:$0x3FAD] =	sst s9;
	s0 =	simm.s32 @!p0 $0x0  }
0x12: {  	s1 =	sld [smem:$0x3F93];
	s0 =	simm.s32 @p0 $0x1  }
0x13: {  	[smem:$0x3FAE] =	sst s0;
	s0 =	simm.s32 @!p1 $0x0  }
0x14: {  	s2 =	sld [smem:$0x3F92];
	s0 =	simm.s32 @p1 $0x1  }
0x15: {  	[smem:$0x3FAF] =	sst s0;
	s0 =	simm.s32 @!p2 $0x0  }
0x16: {  	s3 =	sld [smem:$0x3FDB];
	s0 =	simm.s32 @p2 $0x1  }
0x17: {  	s4 =	simm.s32 $0x1BF5;
	[smem:$0x3FB1] =	sst s0  }
0x18: {  	s0 =	sld [smem:$0x3F94];
	_ =	swait.ge [sflag:s4], $0x0  }
0x19: {  	s7 =	sld [smem:$0x3F95]  }
0x1a: {  	s8 =	sadd.s32 $0xFFFFE003, lr  }
0x1b: {  	s9 =	sadd.s32 $0xFFFFFEF7, lr;
	s5 =	simm.s32 $0xFFFFFFFF;
	p2 =	slt.u32 s8, $0xFFFFF086  }
0x1c: {  	p1 =	slt.u32 s9, $0xF7A;
	s5 =	simm.s32 @!p2 $0x0  }
0x1d: {  	s5 =	simm.s32 @p1 $0x1;
	p0 =	seq.s32 s7, s2  }
0x1e: {  	s7 =	smul.u32 @!p0 $0xF7A, s2;
	p2 =	seq.s32 @!p0 s5, $0x0  }
0x1f: {  	s9 =	smul.u32 $0xF7A, s1;
	s8 =	simm.s32 @!p0 $0x1BF5;
	p2 =	por !p2, p0  }
0x20: {  	[sflag:s8] =	ssyncset.s32 @!p0 $0xFFFFF086;
	s6 =	sadd.s32 @!p0 s3, s7;
	s7 =	simm.s32 @!p0 $0x108  }
0x21: {  	s3 =	sadd.s32 s3, s9;
	s6 =	sadd.s32 @!p0 $0x88, s6;
	s7 =	simm.s32 @p2 $0x1082  }
0x22: {  	[simem:s7], [sflag:s8] =	dma.local @!p0 [hbm:s6], $0xF7A  }
0x23: {  	s9 =	sor.u32 $0xD0000000, s2;
	s6 =	simm.s32 $0x108;
	_ =	swait.ge @!p0 [sflag:s8], $0x0  }
0x24: {  	s3 =	sadd.s32 $0x88, s3;
	s6 =	simm.s32 @!p1 $0x1082;
	[sflag:s4] =	ssyncset.s32 $0xFFFFF086  }
0x25: {  	[simem:s6], [sflag:s4] =	dma.local [hbm:s3], $0xF7A  }
0x26: {  	[smem:$0x3F95] =	sst s1;
	(tag) =	ssettag s2;
	_ =	strace s9  }
0x27: {  	s1 =	sld [smem:$0x3FA5]  }
0x28: {  	s2 =	sld [smem:$0x3FA6]  }
0x29: {  	s4 =	sld [smem:$0x3FA8]  }
0x2a: {  	p0 =	seq.s32 s5, $0x0;
	s5 =	sld [smem:$0x3FA9]  }
0x2b: {  	s6 =	sld [smem:$0x3FAA]  }
0x2c: {  	s7 =	sld [smem:$0x3FAB]  }
0x2d: {  	s3 =	simm.s32 $0x108;
	s8 =	sld [smem:$0x3FAC]  }
0x2e: {  	s3 =	simm.s32 @!p0 $0x1082;
	s9 =	sld [smem:$0x3FAD]  }
0x2f: {  	lr =	sadd.s32 s0, s3;
	s0 =	sld [smem:$0x3FA4]  }
0x30: {  	s3 =	sld [smem:$0x3FA7]  }
0x31: {  	[smem:$0x3FB0] =	sst s10  }
0x32: {  	s10 =	sld [smem:$0x3FAE];
	_ =	sdelay $0x3  }
0x33: {  	p0 =	seq.s32 s10, $0x1;
	s10 =	sld [smem:$0x3FB0];
	_ =	sdelay $0x3  }
0x34: {  	[smem:$0x3FB0] =	sst s10  }
0x35: {  	s10 =	sld [smem:$0x3FAF];
	_ =	sdelay $0x3  }
0x36: {  	p1 =	seq.s32 s10, $0x1;
	s10 =	sld [smem:$0x3FB0];
	_ =	sdelay $0x3  }
0x37: {  	[smem:$0x3FB0] =	sst s10  }
0x38: {  	s10 =	sld [smem:$0x3FB1]  }
0x39: {  	_ = 	snop;
	(pc) =	sbr.ind lr, $3  }
0x3a: {  	_ = 	snop  }
0x3b: {  	_ = 	snop  }
0x3c: {  	p2 =	seq.s32 s10, $0x1;
	s10 =	sld [smem:$0x3FB0]  }
0x3d: {  	_ =	shalt  }
0x3e: {  	_ =	shalt  }
0x3f: {  	_ =	shalt  }
0x40: {  	_ =	shalt  }
0x41: {  	_ =	shalt  }
0x42: {  	_ =	shalt  }
0x43: {  	_ =	shalt  }
0x44: {  	_ =	shalt  }
0x45: {  	_ =	shalt  }
0x46: {  	_ =	shalt  }
0x47: {  	_ =	shalt  }
0x48: {  	_ =	shalt  }
0x49: {  	_ =	shalt  }
0x4a: {  	_ =	shalt  }
0x4b: {  	_ =	shalt  }
0x4c: {  	_ =	shalt  }
0x4d: {  	_ =	shalt  }
0x4e: {  	_ =	shalt  }
0x4f: {  	_ =	shalt  }
0x50: {  	_ =	shalt  }
0x51: {  	_ =	shalt  }
0x52: {  	_ =	shalt  }
0x53: {  	_ =	shalt  }
0x54: {  	_ =	shalt  }
0x55: {  	_ =	shalt  }
0x56: {  	_ =	shalt  }
0x57: {  	_ =	shalt  }
0x58: {  	_ =	shalt  }
0x59: {  	_ =	shalt  }
0x5a: {  	_ =	shalt  }
0x5b: {  	_ =	shalt  }
0x5c: {  	_ =	shalt  }
0x5d: {  	_ =	shalt  }
0x5e: {  	_ =	shalt  }
0x5f: {  	_ =	shalt  }
0x60: {  	_ =	shalt  }
0x61: {  	_ =	shalt  }
0x62: {  	_ =	shalt  }
0x63: {  	_ =	shalt  }
0x64: {  	_ =	shalt  }
0x65: {  	_ =	shalt  }
0x66: {  	_ =	shalt  }
0x67: {  	_ =	shalt  }
0x68: {  	_ =	shalt  }
0x69: {  	_ =	shalt  }
0x6a: {  	_ =	shalt  }
0x6b: {  	_ =	shalt  }
0x6c: {  	_ =	shalt  }
0x6d: {  	_ =	shalt  }
0x6e: {  	_ =	shalt  }
0x6f: {  	_ =	shalt  }
0x70: {  	_ =	shalt  }
0x71: {  	_ =	shalt  }
0x72: {  	_ =	shalt  }
0x73: {  	_ =	shalt  }
0x74: {  	_ =	shalt  }
0x75: {  	_ =	shalt  }
0x76: {  	_ =	shalt  }
0x77: {  	_ =	shalt  }
0x78: {  	_ =	shalt  }
0x79: {  	_ =	shalt  }
0x7a: {  	_ =	shalt  }
0x7b: {  	_ =	shalt  }
0x7c: {  	_ =	shalt  }
0x7d: {  	_ =	shalt  }
0x7e: {  	_ =	shalt  }
0x7f: {  	_ =	shalt  }
0x80: {  	_ =	shalt  }
0x81: {  	_ =	shalt  }
0x82: {  	_ =	shalt  }
0x83: {  	_ =	shalt  }
0x84: {  	_ =	shalt  }
0x85: {  	_ =	shalt  }
0x86: {  	_ =	shalt  }
0x87: {  	_ =	shalt  }
.Lfunc_end0:
.L_simem_size_0:
called_computation.1_lowered:
.L_overlay_start_0:
0x88: {  	s2 =	sld [smem:$0x3FD9]  }
0x89: {  	s3 =	sld [smem:$0x3FFE];
	_ =	sdelay $0x1  }
0x8a: {  	s1 =	srdreg.scid  }
0x8b: {  	s0 =	sand.u32 $0x1, s1  }
0x8c: {  	s17 =	sshll.u32 s0, $0xA;
	s2 =	sadd.s32 s3, s2  }
0x8d: {  	s2 =	sadd.s32 s2, s17  }
0x8e: {  	[smem:$0x3FBC] =	sst s2  }
0x8f: {  	_ = 	snop  }
0x90: {  	s2 =	sld [smem:$0x3FD0];
	(tm) =	ssettm $0x1  }
0x91: {  	s18 =	sld [smem:$0x3FFB];
	_ =	sdelay $0x3  }
0x92: {  	_ =	strace s18  }
0x93: {  	s3 =	sld [smem:$0x3FFC];
	_ =	sdelay $0x3  }
0x94: {  	_ =	strace s3  }
0x95: {  	s3 =	sld [smem:$0x3FFD];
	_ =	sdelay $0x3  }
0x96: {  	_ =	strace s3  }
0x97: {  	_ =	strace $0x8FFFFFFF  }
0x98: {  	s19 =	sld [smem:$0x3FDB];
	_ =	sdelay $0x1  }
0x99: {  	s4 =	simm.s32 $_scs_section_size  }
0x9a: {  	s5 =	simm.s32 $_size__tile_overlayer_lowered;
	s6 =	simm.s32 $_tile_overlayer_lowered  }
0x9b: {  	s22 =	simm.s32 $0x1BFF;
	s21 =	sshll.u32 s6, $0x1;
	s3 =	sadd.s32 s4, s19  }
0x9c: {  	s7 =	simm.s32 $0x0;
	s20 =	sshll.u32 s5, $0x1;
	s5 =	sadd.s32 s21, s3  }
0x9d: {  	[timem:s7], [sflag:s22] =	dma.local [hbm:s5], s20  }
0x9e: {  	_ =	swait.ge [sflag:s22], s20  }
0x9f: {  	s4 =	ssub.s32 $0x0, s20;
	[sflag:s22] =	ssyncset.done $0x0  }
0xa0: {  	[sflag:s22] =	ssyncadd.s32 s4;
	_ =	sdelay $0x1  }
0xa1: {  	s23 =	simm.s32 $0x1B8B  }
0xa2: {  	_ =	swait.ge [sflag:s23], $0x1  }
0xa3: {  	[sflag:s23] =	ssyncset.done $0x0  }
0xa4: {  	s25 =	simm.s32 $0x1B8E;
	s24 =	sld [smem:$0x3FFE];
	[sflag:s23] =	ssyncadd.s32 $0xFFFFFFFF  }
0xa5: {  	s26 =	simm.s32 $execute0_lowered;
	[smem:$0x3FD2] =	sst s25  }
0xa6: {  	s5 =	sshll.u32 s26, $0x1;
	_ =	strace $0x80000049;
	[dreg:$0x1] =	wrdreg $0xFFFFFFFF  }
0xa7: {  	s28 =	simm.s32 $_size_execute0_lowered;
	s3 =	sadd.s32 s3, s5;
	[dreg:$0x0] =	wrdreg $0x0  }
0xa8: {  	s5 =	sshll.u32 s28, $0x1;
	[dreg:$0x2] =	wrdreg s3  }
0xa9: {  	[dreg:$0x3] =	wrdreg s5  }
0xaa: {  	[dreg:$0x4] =	wrdreg $0xC0  }
0xab: {  	_ =	task [dreg:s7], $0x5FFFF  }
0xac: {  	[dreg:$0x1] =	wrdreg $0xFFFFFFFF  }
0xad: {  	[dreg:$0x0] =	wrdreg $0x60  }
0xae: {  	[dreg:$0x2] =	wrdreg s24  }
0xaf: {  	[dreg:$0x3] =	wrdreg s2  }
0xb0: {  	[dreg:$0x4] =	wrdreg $0x9  }
0xb1: {  	_ =	task.clear_ibuf [dreg:s7], $0x5FFFF;
	_ =	strace $0x90000049  }
0xb2: {  	s29 =	simm.s32 $0x9;
	_ =	strace $0x8000004B  }
0xb3: {  	_ =	swait.ge [sflag:s29], $0x1  }
0xb4: {  	[sflag:s29] =	ssyncadd.s32 $0xFFFFFFFF  }
0xb5: {  	_ =	strace $0x9000004B  }
0xb6: {  	_ =	sfence  }
0xb7: {  	s30 =	sld [smem:$0x0];
	_ =	sdelay $0x2  }
0xb8: {  	s31 =	sshll.u32 s1, $0xD;
	s1 =	sshrl.u32 s1, $0x2  }
0xb9: {  	s3 =	sand.u32 $0x4000, s31;
	s1 =	sadd.s32 s1, s30  }
0xba: {  	s0 =	sor.u32 s3, s0;
	s1 =	sshll.u32 s1, $0x11  }
0xbb: {  	s0 =	sor.u32 s1, s0  }
0xbc: {  	s0 =	sadd.s32 $0x8F2B, s0  }
0xbd: {  	[sflag:s0] =	ssyncadd.remote.s32 $0x1  }
0xbe: {  	_ =	sfence.sel $0xFFFF  }
0xbf: {  	[dreg:$0x0] =	wrdreg $0xFFFFFFFF;
	(pc) =	sbr.abs _section_cstart, $3  }
0xc0: {  	[dreg:$0x1] =	wrdreg $0xFFFFFFFF  }
0xc1: {  	_ =	task.clear_ibuf [dreg:s7], $0x2FFFF;
	_ =	strace $0x9FFFFFFF  }
0xc2: {  	(tm) =	ssettm $0x7FFFFFFF  }
0xc3: {  	_ =	shalt  }
tec
execute0_lowered:
.L_overlay_start_1:
0x0: {  	(tag) =	ssettag $0x1  }
0x1: {  	s6 =	rddreg [dreg:$0x0]  }
0x2: {  	s1 =	rddreg [dreg:$0x1]  }
0x3: {  	s2 =	srdreg.scid;
	s0 =	rddreg [dreg:$0x2];
	s3 =	simm.s32 $0x0  }
0x4: {  	s13 =	simm.s32 $0xC800;
	s14 =	simm.s32 $0xF000;
	s15 =	simm.s32 $0x11800  }
0x5: {  	s16 =	simm.s32 $0x5000;
	s17 =	simm.s32 $0x80;
	s18 =	simm.s32 $0x400  }
0x6: {  	s19 =	simm.s32 $0x0;
	s7 =	sand.u32 $0x1, s2;
	[smem:$0x7FF] =	sst s3  }
0x7: {  	s2 =	stileid.u32;
	s11 =	sadd.s32 $0x2B000, s6;
	s4 =	sshll.u32 s7, $0x4  }
0x8: {  	_ =	strace $0x8000004A;
	s10 =	sshll.u32 s2, $0x7;
	s5 =	sor.u32 s2, s4  }
0x9: {  	s7 =	ssub.s32 $0x2, s7;
	s8 =	smul.u32 $0xA00, s5;
	s9 =	sshrl.u32 s5, $0x3  }
0xa: {  	s4 =	sadd.s32 $0x2A400, s6;
	s10 =	sand.u32 $0x380, s10;
	s9 =	smul.u32 $0x28000, s9  }
0xb: {  	s28 =	sshrl.u32 s7, $0x1;
	s5 =	sadd.s32 $0x2AA00, s6;
	s8 =	sadd.s32 s8, s6  }
0xc: {  	s29 =	ssub.s32 s7, s28;
	s9 =	sor.u32 s10, s9;
	s6 =	sadd.s32 $0x2400, s8  }
0xd: {  	s7 =	sadd.s32 $0x16400, s8;
	s12 =	sadd.s32 $0x14000, s9;
	s30 =	sshrl.u32 s9, $0x3  }
0xe: {  	s10 =	smax.u32 s29, $0x1;
	s31 =	sshrl.u32 s12, $0x3;
	s8 =	sadd.s32 s11, s30  }
0xf: {  	s12 =	simm.s32 $0x1;
	s9 =	sadd.s32 s11, s31;
	s11 =	simm.s32 $0xA000  }
.LBB2_1:
0x10: {  	[tilespmem:s11], [sflag:$0x1] =	stream.linear.gather [hbm4b:s4+s3], $0x2800, $0x38;
	[tilespmem:$0x14000] =	vst v63  }
0x11: {  	_ =	swait.ge [sflag:s12], $0x2800  }
0x12: {  	[sflag:s12] =	ssyncset.done $0x0  }
0x13: {  	[sflag:s12] =	ssyncadd.s32 $0xFFFFD800  }
0x14: {  	[tilespmem:s13], [sflag:$0x1] =	stream.linear.gather [hbm4b:s5+s3], $0x2800, $0x38;
	[tilespmem:$0x14000] =	vst v63  }
0x15: {  	_ =	swait.ge [sflag:s12], $0x2800  }
0x16: {  	[sflag:s12] =	ssyncset.done $0x0  }
0x17: {  	[sflag:s12] =	ssyncadd.s32 $0xFFFFD800  }
0x18: {  	[tilespmem:s14], [sflag:$0x1] =	stream.linear.gather [hbm4b:s1+s3], $0x2800, $0x38;
	[tilespmem:$0x14000] =	vst v63  }
0x19: {  	_ =	swait.ge [sflag:s12], $0x2800  }
0x1a: {  	[sflag:s12] =	ssyncset.done $0x0  }
0x1b: {  	[sflag:s12] =	ssyncadd.s32 $0xFFFFD800  }
0x1c: {  	[tilespmem:s15], [sflag:$0x1] =	stream.linear.gather [hbm4b:s1+s3], $0x2800, $0x38;
	[tilespmem:$0x14000] =	vst v63  }
0x1d: {  	_ =	swait.ge [sflag:s12], $0x2800  }
0x1e: {  	[sflag:s12] =	ssyncset.done $0x0  }
0x1f: {  	[sflag:s12] =	ssyncadd.s32 $0xFFFFD800  }
0x20: {  	[tilespmem:s3], [sflag:$0x1] =	stream.linear.gather [hbm4b:s6+s3], $0x5000, $0x38;
	[tilespmem:$0x14000] =	vst v63  }
0x21: {  	_ =	swait.ge [sflag:s12], $0x5000  }
0x22: {  	[sflag:s12] =	ssyncset.done $0x0  }
0x23: {  	[sflag:s12] =	ssyncadd.s32 $0xFFFFB000  }
0x24: {  	[tilespmem:s16], [sflag:$0x1] =	stream.linear.gather [hbm4b:s7+s3], $0x5000, $0x38;
	[tilespmem:$0x14000] =	vst v63  }
0x25: {  	_ =	swait.ge [sflag:s12], $0x5000  }
0x26: {  	[sflag:s12] =	ssyncset.done $0x0  }
0x27: {  	s20 =	simm.s32 $0x0;
	[sflag:s12] =	ssyncadd.s32 $0xFFFFB000  }
.LBB2_2:
0x28: {  	s21 =	sshra.s32 s20, $0x2  }
0x29: {  	v0 =	vld [tilespmem:s21+$0x0];
	_ =	sdelay $0x4  }
0x2a: {  	v1 =	vld [tilespmem:s21+$0x5000];
	_ =	sdelay $0x2  }
0x2b: {  	v2 =	vld.idx.msk [tilespmem:v0+s11+$0x0], $0xffff  }
0x2c: {  	v0 =	vld.idx.msk [tilespmem:v0+s13+$0x0], $0xffff;
	_ =	sdelay $0x3  }
0x2d: {  	[tilespmem:v1+s14+$0x0] =	vst.idx.add.f32.msk $0xffff, v2  }
0x2e: {  	[tilespmem:v1+s15+$0x0] =	vst.idx.add.f32.msk $0xffff, v0  }
0x2f: {  	v0 =	vld [tilespmem:s21+$0x10];
	_ =	sdelay $0x4  }
0x30: {  	v1 =	vld [tilespmem:s21+$0x5010];
	_ =	sdelay $0x2  }
0x31: {  	v2 =	vld.idx.msk [tilespmem:v0+s11+$0x0], $0xffff  }
0x32: {  	v0 =	vld.idx.msk [tilespmem:v0+s13+$0x0], $0xffff;
	_ =	sdelay $0x3  }
0x33: {  	[tilespmem:v1+s14+$0x0] =	vst.idx.add.f32.msk $0xffff, v2  }
0x34: {  	[tilespmem:v1+s15+$0x0] =	vst.idx.add.f32.msk $0xffff, v0  }
0x35: {  	v0 =	vld [tilespmem:s21+$0x20];
	_ =	sdelay $0x4  }
0x36: {  	v1 =	vld [tilespmem:s21+$0x5020];
	_ =	sdelay $0x2  }
0x37: {  	v2 =	vld.idx.msk [tilespmem:v0+s11+$0x0], $0xffff  }
0x38: {  	v0 =	vld.idx.msk [tilespmem:v0+s13+$0x0], $0xffff;
	_ =	sdelay $0x3  }
0x39: {  	[tilespmem:v1+s14+$0x0] =	vst.idx.add.f32.msk $0xffff, v2  }
0x3a: {  	[tilespmem:v1+s15+$0x0] =	vst.idx.add.f32.msk $0xffff, v0  }
0x3b: {  	v0 =	vld [tilespmem:s21+$0x30];
	_ =	sdelay $0x4  }
0x3c: {  	v1 =	vld [tilespmem:s21+$0x5030];
	_ =	sdelay $0x2  }
0x3d: {  	v2 =	vld.idx.msk [tilespmem:v0+s11+$0x0], $0xffff  }
0x3e: {  	p0 =	sne.s32 s20, $0x13E00;
	v0 =	vld.idx.msk [tilespmem:v0+s13+$0x0], $0xffff  }
.Ltmp0:
0x3f: {  	_ = 	snop;
	(pc) =	sbr.rel @p0 .LBB2_2-.Ltmp0, $3  }
0x40: {  	_ =	sdelay $0x1  }
0x41: {  	[tilespmem:v1+s14+$0x0] =	vst.idx.add.f32.msk $0xffff, v2  }
0x42: {  	s20 =	sadd.s32 $0x200, s20;
	[tilespmem:v1+s15+$0x0] =	vst.idx.add.f32.msk $0xffff, v0  }
0x43: {  	[hbm4b:s8+s17] =	stream.strided.scatter [tilespmem:s14], [sflag:$0x1], $0x2800, s18, s17, $0x38;
	[tilespmem:$0x14000] =	vst v63  }
0x44: {  	s19 =	sadd.s32 $0x1, s19;
	_ =	swait.ge [sflag:s12], $0x2800  }
0x45: {  	p0 =	sne.s32 s19, s10;
	[sflag:s12] =	ssyncset.done $0x0  }
.Ltmp1:
0x46: {  	[sflag:s12] =	ssyncadd.s32 $0xFFFFD800;
	(pc) =	sbr.rel @p0 .LBB2_1-.Ltmp1, $4  }
0x47: {  	[hbm4b:s9+s17] =	stream.strided.scatter [tilespmem:s15], [sflag:$0x1], $0x2800, s18, s17, $0x38;
	[tilespmem:$0x14000] =	vst v63  }
0x48: {  	_ =	swait.ge [sflag:s12], $0x2800  }
0x49: {  	[sflag:s12] =	ssyncset.done $0x0  }
0x4a: {  	[sflag:s12] =	ssyncadd.s32 $0xFFFFD800  }
0x4b: {  	_ =	sfence.sel $0x180000  }
0x4c: {  	[bflag:$0x0] =	sbarrier.arrive $0xFFFF  }
0x4d: {  	p0 =	sne.s32 s2, $0x0;
	_ =	strace $0x9000004A  }
0x4e: {  	s0 =	sadd.s32 @!p0 $0x100000, s0;
	[bflag:$0x2] =	sbarrier.arrive $0xFFFF  }
0x4f: {  	[sflag:s0] =	ssyncadd.tile.s32 @!p0 $0x1;
	_ =	shalt  }
.Lfunc_end2:
_tile_overlayer_lowered:
.L_overlay_start_2:
0x50: {  	(tag) =	ssettag $0x2  }
0x51: {  	s0 =	rddreg [dreg:$0x0];
	s2 =	stileid.u32  }
0x52: {  	s1 =	rddreg [dreg:$0x1];
	p0 =	sne.s32 s2, $0x0  }
0x53: {  	s3 =	rddreg [dreg:$0x2];
	[bflag:$0x3] =	sbarrier.arrive $0xFFFF;
	s2 =	simm.s32 @!p0 $0x1C01  }
0x54: {  	[timem:s3], [sflag:s2] =	dma.local @!p0 [hbm:s0], s1  }
0x55: {  	s0 =	simm.s32 @!p0 $0x1  }
0x56: {  	_ =	swait.ge @!p0 [sflag:s0], s1  }
0x57: {  	s1 =	ssub.s32 @!p0 $0x0, s1;
	[sflag:s0] =	ssyncset.done @!p0 $0x0  }
0x58: {  	[sflag:s0] =	ssyncadd.s32 @!p0 s1  }
0x59: {  	[bflag:$0x3] =	sbarrier.arrive $0xFFFF  }
0x5a: {  	_ =	shalt  }

// kernel: kernel.7.cloned.1.call-start
scs
__scs_entry_jumppad:
0x0: {  	(pc) =	sbr.rel $0x88, $3  }
0x1: {  	(tag) =	ssettag $0x0;
	lr =	simm.s32 $0x1  }
0x2: {  	[smem:$0x3F95] =	sst lr;
	_ =	strace $0xD0000000  }
0x3: {  	_ = 	snop  }
0x4: {  	_ = 	snop  }
0x5: {  	_ = 	snop  }
0x6: {  	_ = 	snop  }
0x7: {  	_ = 	snop  }
__scs_overlays_trampoline_lowered:
0x8: {  	[smem:$0x3FA4] =	sst s0  }
0x9: {  	[smem:$0x3FA5] =	sst s1  }
0xa: {  	[smem:$0x3FA6] =	sst s2  }
0xb: {  	[smem:$0x3FA7] =	sst s3  }
0xc: {  	[smem:$0x3FA8] =	sst s4  }
0xd: {  	[smem:$0x3FA9] =	sst s5  }
0xe: {  	[smem:$0x3FAA] =	sst s6  }
0xf: {  	[smem:$0x3FAB] =	sst s7  }
0x10: {  	[smem:$0x3FAC] =	sst s8  }
0x11: {  	[smem:$0x3FAD] =	sst s9;
	s0 =	simm.s32 @!p0 $0x0  }
0x12: {  	s1 =	sld [smem:$0x3F93];
	s0 =	simm.s32 @p0 $0x1  }
0x13: {  	[smem:$0x3FAE] =	sst s0;
	s0 =	simm.s32 @!p1 $0x0  }
0x14: {  	s2 =	sld [smem:$0x3F92];
	s0 =	simm.s32 @p1 $0x1  }
0x15: {  	[smem:$0x3FAF] =	sst s0;
	s0 =	simm.s32 @!p2 $0x0  }
0x16: {  	s3 =	sld [smem:$0x3FDB];
	s0 =	simm.s32 @p2 $0x1  }
0x17: {  	s4 =	simm.s32 $0x1BF5;
	[smem:$0x3FB1] =	sst s0  }
0x18: {  	s0 =	sld [smem:$0x3F94];
	_ =	swait.ge [sflag:s4], $0x0  }
0x19: {  	s7 =	sld [smem:$0x3F95]  }
0x1a: {  	s8 =	sadd.s32 $0xFFFFE003, lr  }
0x1b: {  	s9 =	sadd.s32 $0xFFFFFEF7, lr;
	s5 =	simm.s32 $0xFFFFFFFF;
	p2 =	slt.u32 s8, $0xFFFFF086  }
0x1c: {  	p1 =	slt.u32 s9, $0xF7A;
	s5 =	simm.s32 @!p2 $0x0  }
0x1d: {  	s5 =	simm.s32 @p1 $0x1;
	p0 =	seq.s32 s7, s2  }
0x1e: {  	s7 =	smul.u32 @!p0 $0xF7A, s2;
	p2 =	seq.s32 @!p0 s5, $0x0  }
0x1f: {  	s9 =	smul.u32 $0xF7A, s1;
	s8 =	simm.s32 @!p0 $0x1BF5;
	p2 =	por !p2, p0  }
0x20: {  	[sflag:s8] =	ssyncset.s32 @!p0 $0xFFFFF086;
	s6 =	sadd.s32 @!p0 s3, s7;
	s7 =	simm.s32 @!p0 $0x108  }
0x21: {  	s3 =	sadd.s32 s3, s9;
	s6 =	sadd.s32 @!p0 $0x88, s6;
	s7 =	simm.s32 @p2 $0x1082  }
0x22: {  	[simem:s7], [sflag:s8] =	dma.local @!p0 [hbm:s6], $0xF7A  }
0x23: {  	s9 =	sor.u32 $0xD0000000, s2;
	s6 =	simm.s32 $0x108;
	_ =	swait.ge @!p0 [sflag:s8], $0x0  }
0x24: {  	s3 =	sadd.s32 $0x88, s3;
	s6 =	simm.s32 @!p1 $0x1082;
	[sflag:s4] =	ssyncset.s32 $0xFFFFF086  }
0x25: {  	[simem:s6], [sflag:s4] =	dma.local [hbm:s3], $0xF7A  }
0x26: {  	[smem:$0x3F95] =	sst s1;
	(tag) =	ssettag s2;
	_ =	strace s9  }
0x27: {  	s1 =	sld [smem:$0x3FA5]  }
0x28: {  	s2 =	sld [smem:$0x3FA6]  }
0x29: {  	s4 =	sld [smem:$0x3FA8]  }
0x2a: {  	p0 =	seq.s32 s5, $0x0;
	s5 =	sld [smem:$0x3FA9]  }
0x2b: {  	s6 =	sld [smem:$0x3FAA]  }
0x2c: {  	s7 =	sld [smem:$0x3FAB]  }
0x2d: {  	s3 =	simm.s32 $0x108;
	s8 =	sld [smem:$0x3FAC]  }
0x2e: {  	s3 =	simm.s32 @!p0 $0x1082;
	s9 =	sld [smem:$0x3FAD]  }
0x2f: {  	lr =	sadd.s32 s0, s3;
	s0 =	sld [smem:$0x3FA4]  }
0x30: {  	s3 =	sld [smem:$0x3FA7]  }
0x31: {  	[smem:$0x3FB0] =	sst s10  }
0x32: {  	s10 =	sld [smem:$0x3FAE];
	_ =	sdelay $0x3  }
0x33: {  	p0 =	seq.s32 s10, $0x1;
	s10 =	sld [smem:$0x3FB0];
	_ =	sdelay $0x3  }
0x34: {  	[smem:$0x3FB0] =	sst s10  }
0x35: {  	s10 =	sld [smem:$0x3FAF];
	_ =	sdelay $0x3  }
0x36: {  	p1 =	seq.s32 s10, $0x1;
	s10 =	sld [smem:$0x3FB0];
	_ =	sdelay $0x3  }
0x37: {  	[smem:$0x3FB0] =	sst s10  }
0x38: {  	s10 =	sld [smem:$0x3FB1]  }
0x39: {  	_ = 	snop;
	(pc) =	sbr.ind lr, $3  }
0x3a: {  	_ = 	snop  }
0x3b: {  	_ = 	snop  }
0x3c: {  	p2 =	seq.s32 s10, $0x1;
	s10 =	sld [smem:$0x3FB0]  }
0x3d: {  	_ =	shalt  }
0x3e: {  	_ =	shalt  }
0x3f: {  	_ =	shalt  }
0x40: {  	_ =	shalt  }
0x41: {  	_ =	shalt  }
0x42: {  	_ =	shalt  }
0x43: {  	_ =	shalt  }
0x44: {  	_ =	shalt  }
0x45: {  	_ =	shalt  }
0x46: {  	_ =	shalt  }
0x47: {  	_ =	shalt  }
0x48: {  	_ =	shalt  }
0x49: {  	_ =	shalt  }
0x4a: {  	_ =	shalt  }
0x4b: {  	_ =	shalt  }
0x4c: {  	_ =	shalt  }
0x4d: {  	_ =	shalt  }
0x4e: {  	_ =	shalt  }
0x4f: {  	_ =	shalt  }
0x50: {  	_ =	shalt  }
0x51: {  	_ =	shalt  }
0x52: {  	_ =	shalt  }
0x53: {  	_ =	shalt  }
0x54: {  	_ =	shalt  }
0x55: {  	_ =	shalt  }
0x56: {  	_ =	shalt  }
0x57: {  	_ =	shalt  }
0x58: {  	_ =	shalt  }
0x59: {  	_ =	shalt  }
0x5a: {  	_ =	shalt  }
0x5b: {  	_ =	shalt  }
0x5c: {  	_ =	shalt  }
0x5d: {  	_ =	shalt  }
0x5e: {  	_ =	shalt  }
0x5f: {  	_ =	shalt  }
0x60: {  	_ =	shalt  }
0x61: {  	_ =	shalt  }
0x62: {  	_ =	shalt  }
0x63: {  	_ =	shalt  }
0x64: {  	_ =	shalt  }
0x65: {  	_ =	shalt  }
0x66: {  	_ =	shalt  }
0x67: {  	_ =	shalt  }
0x68: {  	_ =	shalt  }
0x69: {  	_ =	shalt  }
0x6a: {  	_ =	shalt  }
0x6b: {  	_ =	shalt  }
0x6c: {  	_ =	shalt  }
0x6d: {  	_ =	shalt  }
0x6e: {  	_ =	shalt  }
0x6f: {  	_ =	shalt  }
0x70: {  	_ =	shalt  }
0x71: {  	_ =	shalt  }
0x72: {  	_ =	shalt  }
0x73: {  	_ =	shalt  }
0x74: {  	_ =	shalt  }
0x75: {  	_ =	shalt  }
0x76: {  	_ =	shalt  }
0x77: {  	_ =	shalt  }
0x78: {  	_ =	shalt  }
0x79: {  	_ =	shalt  }
0x7a: {  	_ =	shalt  }
0x7b: {  	_ =	shalt  }
0x7c: {  	_ =	shalt  }
0x7d: {  	_ =	shalt  }
0x7e: {  	_ =	shalt  }
0x7f: {  	_ =	shalt  }
0x80: {  	_ =	shalt  }
0x81: {  	_ =	shalt  }
0x82: {  	_ =	shalt  }
0x83: {  	_ =	shalt  }
0x84: {  	_ =	shalt  }
0x85: {  	_ =	shalt  }
0x86: {  	_ =	shalt  }
0x87: {  	_ =	shalt  }
.Lfunc_end0:
.L_simem_size_0:
called_computation_lowered:
.L_overlay_start_0:
0x88: {  	s2 =	sld [smem:$0x3FD9]  }
0x89: {  	s3 =	sld [smem:$0x3FFE];
	_ =	sdelay $0x1  }
0x8a: {  	s1 =	srdreg.scid  }
0x8b: {  	s0 =	sand.u32 $0x1, s1  }
0x8c: {  	s17 =	sshll.u32 s0, $0xA;
	s2 =	sadd.s32 s3, s2  }
0x8d: {  	s2 =	sadd.s32 s2, s17  }
0x8e: {  	[smem:$0x3FBC] =	sst s2  }
0x8f: {  	_ = 	snop  }
0x90: {  	s2 =	sld [smem:$0x3FC9]  }
0x91: {  	s18 =	sld [smem:$0x3FD0];
	(tm) =	ssettm $0x1  }
0x92: {  	s4 =	sld [smem:$0x3FFB];
	_ =	sdelay $0x3  }
0x93: {  	_ =	strace s4  }
0x94: {  	s4 =	sld [smem:$0x3FFC];
	_ =	sdelay $0x3  }
0x95: {  	_ =	strace s4  }
0x96: {  	s4 =	sld [smem:$0x3FFD];
	_ =	sdelay $0x3  }
0x97: {  	_ =	strace s4  }
0x98: {  	_ =	strace $0x8FFFFFFF  }
0x99: {  	s19 =	sld [smem:$0x3FDB];
	_ =	sdelay $0x1  }
0x9a: {  	s5 =	simm.s32 $_scs_section_size  }
0x9b: {  	s6 =	simm.s32 $_size__tile_overlayer_lowered;
	s7 =	simm.s32 $_tile_overlayer_lowered  }
0x9c: {  	s22 =	simm.s32 $0x1BFF;
	s21 =	sshll.u32 s7, $0x1;
	s4 =	sadd.s32 s5, s19  }
0x9d: {  	s8 =	simm.s32 $0x0;
	s20 =	sshll.u32 s6, $0x1;
	s6 =	sadd.s32 s21, s4  }
0x9e: {  	[timem:s8], [sflag:s22] =	dma.local [hbm:s6], s20  }
0x9f: {  	_ =	swait.ge [sflag:s22], s20  }
0xa0: {  	s5 =	ssub.s32 $0x0, s20;
	[sflag:s22] =	ssyncset.done $0x0  }
0xa1: {  	[sflag:s22] =	ssyncadd.s32 s5;
	_ =	sdelay $0x1  }
0xa2: {  	s23 =	simm.s32 $0x1B8B  }
0xa3: {  	_ =	swait.ge [sflag:s23], $0x1  }
0xa4: {  	[sflag:s23] =	ssyncset.done $0x0  }
0xa5: {  	s25 =	simm.s32 $0x1B8E;
	s24 =	sld [smem:$0x3FFE];
	[sflag:s23] =	ssyncadd.s32 $0xFFFFFFFF  }
0xa6: {  	s26 =	simm.s32 $execute0_lowered;
	[smem:$0x3FD2] =	sst s25  }
0xa7: {  	s6 =	sshll.u32 s26, $0x1;
	_ =	strace $0x80000046;
	[dreg:$0x1] =	wrdreg $0xFFFFFFFF  }
0xa8: {  	s28 =	simm.s32 $_size_execute0_lowered;
	s4 =	sadd.s32 s4, s6;
	[dreg:$0x0] =	wrdreg $0x0  }
0xa9: {  	s6 =	sshll.u32 s28, $0x1;
	[dreg:$0x2] =	wrdreg s4  }
0xaa: {  	[dreg:$0x3] =	wrdreg s6  }
0xab: {  	[dreg:$0x4] =	wrdreg $0xC0  }
0xac: {  	_ =	task [dreg:s8], $0x5FFFF  }
0xad: {  	[dreg:$0x1] =	wrdreg $0xFFFFFFFF  }
0xae: {  	[dreg:$0x0] =	wrdreg $0x60  }
0xaf: {  	[dreg:$0x2] =	wrdreg s2  }
0xb0: {  	[dreg:$0x3] =	wrdreg s24  }
0xb1: {  	[dreg:$0x4] =	wrdreg s18  }
0xb2: {  	[dreg:$0x5] =	wrdreg $0xB0000  }
0xb3: {  	[dreg:$0x6] =	wrdreg $0x9  }
0xb4: {  	_ =	task.clear_ibuf [dreg:s8], $0x7FFFF;
	_ =	strace $0x90000046  }
0xb5: {  	s29 =	simm.s32 $0x9;
	_ =	strace $0x80000048  }
0xb6: {  	_ =	swait.ge [sflag:s29], $0x1  }
0xb7: {  	[sflag:s29] =	ssyncadd.s32 $0xFFFFFFFF  }
0xb8: {  	_ =	strace $0x90000048  }
0xb9: {  	_ =	sfence  }
0xba: {  	s30 =	sld [smem:$0x0];
	_ =	sdelay $0x2  }
0xbb: {  	s31 =	sshll.u32 s1, $0xD;
	s1 =	sshrl.u32 s1, $0x2  }
0xbc: {  	s3 =	sand.u32 $0x4000, s31;
	s1 =	sadd.s32 s1, s30  }
0xbd: {  	s0 =	sor.u32 s3, s0;
	s1 =	sshll.u32 s1, $0x11  }
0xbe: {  	s0 =	sor.u32 s1, s0  }
0xbf: {  	s0 =	sadd.s32 $0x8F2B, s0  }
0xc0: {  	[sflag:s0] =	ssyncadd.remote.s32 $0x1  }
0xc1: {  	_ =	sfence.sel $0xFFFF  }
0xc2: {  	[dreg:$0x0] =	wrdreg $0xFFFFFFFF;
	(pc) =	sbr.abs _section_cstart, $3  }
0xc3: {  	[dreg:$0x1] =	wrdreg $0xFFFFFFFF  }
0xc4: {  	_ =	task.clear_ibuf [dreg:s8], $0x2FFFF;
	_ =	strace $0x9FFFFFFF  }
0xc5: {  	(tm) =	ssettm $0x7FFFFFFF  }
tec
execute0_lowered:
.L_overlay_start_1:
0x0: {  	(tag) =	ssettag $0x1  }
0x1: {  	s0 =	rddreg [dreg:$0x1]  }
0x2: {  	s1 =	rddreg [dreg:$0x3];
	s14 =	stileid.u32  }
0x3: {  	s2 =	srdreg.scid;
	s7 =	smul.u32 $0x14000, s14  }
0x4: {  	s23 =	simm.s32 $0x0;
	s9 =	sand.u32 $0x1, s2;
	s3 =	smul.u32 $0x5000, s14  }
0x5: {  	[smem:$0x7FF] =	sst s23;
	s5 =	sadd.s32 $0x2400, s0;
	s2 =	smul.u32 $0x140000, s9  }
0x6: {  	s6 =	sshll.u32 s9, $0x4;
	s11 =	ssub.s32 $0x2, s9;
	s9 =	smul.u32 $0x50000, s9  }
0x7: {  	s24 =	sshll.u32 s14, $0x7;
	_ =	strace $0x80000047;
	s8 =	sor.u32 s14, s6  }
0x8: {  	s10 =	sshrl.u32 s8, $0x3;
	s8 =	smul.u32 $0x5000, s8;
	s9 =	sadd.s32 s3, s9  }
0x9: {  	s6 =	sadd.s32 $0x16400, s0;
	s18 =	sor.u32 $0x800, s9;
	s9 =	sor.u32 $0x400, s9  }
0xa: {  	s22 =	smul.u32 $0x14000, s10;
	s12 =	sshrl.u32 s8, $0x3;
	s9 =	sshrl.u32 s9, $0x3  }
0xb: {  	s10 =	sand.u32 $0x380, s24;
	s26 =	sor.u32 $0x10, s12;
	s24 =	sadd.s32 s9, s5  }
0xc: {  	s8 =	sor.u32 s10, s22;
	s28 =	sadd.s32 s5, s26;
	[dreg:$0x7] =	wrdreg s24  }
0xd: {  	s30 =	sor.u32 $0x20, s12;
	s10 =	sadd.s32 s6, s26;
	[dreg:$0x9] =	wrdreg s28  }
0xe: {  	s4 =	sor.u32 $0x30, s12;
	s13 =	sadd.s32 s5, s30;
	[dreg:$0xa] =	wrdreg s10  }
0xf: {  	s16 =	sor.u32 $0x40, s12;
	s15 =	sadd.s32 s5, s4;
	[dreg:$0xb] =	wrdreg s13  }
0x10: {  	s25 =	sshrl.u32 s11, $0x1;
	s17 =	sadd.s32 s5, s16;
	[dreg:$0xd] =	wrdreg s15  }
0x11: {  	s20 =	sor.u32 $0x50, s12;
	s19 =	sadd.s32 s6, s16;
	[dreg:$0xf] =	wrdreg s17  }
0x12: {  	s7 =	sadd.s32 s7, s2;
	s21 =	sadd.s32 s5, s20;
	[dreg:$0x10] =	wrdreg s19  }
0x13: {  	s2 =	ssub.s32 s11, s25;
	s11 =	sadd.s32 s6, s20;
	[dreg:$0x11] =	wrdreg s21  }
0x14: {  	s25 =	sor.u32 $0x60, s12;
	s10 =	sadd.s32 s6, s30;
	[dreg:$0x12] =	wrdreg s11  }
0x15: {  	s28 =	sadd.s32 s5, s25;
	[dreg:$0xc] =	wrdreg s10  }
0x16: {  	s26 =	sor.u32 $0x70, s12;
	s11 =	sadd.s32 s6, s25;
	[dreg:$0x13] =	wrdreg s28  }
0x17: {  	s3 =	sor.u32 $0x80, s12;
	s30 =	sadd.s32 s5, s26;
	[dreg:$0x14] =	wrdreg s11  }
0x18: {  	s15 =	sadd.s32 s5, s3;
	[dreg:$0x15] =	wrdreg s30  }
0x19: {  	s13 =	sadd.s32 s6, s12;
	[dreg:$0x17] =	wrdreg s15  }
0x1a: {  	s19 =	sor.u32 $0xB0, s12;
	s10 =	sadd.s32 s6, s4;
	[smem:$0x7F3] =	sst s13  }
0x1b: {  	s25 =	sadd.s32 $0x9D0, s12;
	s21 =	sadd.s32 s5, s19;
	[dreg:$0xe] =	wrdreg s10  }
0x1c: {  	s28 =	sadd.s32 s5, s25;
	[dreg:$0x1d] =	wrdreg s21  }
0x1d: {  	s4 =	sor.u32 $0x90, s12;
	s30 =	sadd.s32 s6, s25;
	[smem:$0x7F0] =	sst s28  }
0x1e: {  	s16 =	sadd.s32 s5, s4;
	[smem:$0x7F1] =	sst s30  }
0x1f: {  	s17 =	sadd.s32 s6, s4;
	[dreg:$0x19] =	wrdreg s16  }
0x20: {  	s10 =	sshrl.u32 s18, $0x3;
	s30 =	smax.u32 s2, $0x1;
	[dreg:$0x1a] =	wrdreg s17  }
0x21: {  	s22 =	sadd.s32 s10, s5;
	[smem:$0x7FC] =	sst s30  }
0x22: {  	s18 =	sor.u32 $0xA0, s12;
	s10 =	sadd.s32 s10, s6;
	[dreg:$0x5] =	wrdreg s22  }
0x23: {  	s4 =	sadd.s32 $0x9E0, s12;
	s20 =	sadd.s32 s5, s18;
	[dreg:$0x6] =	wrdreg s10  }
0x24: {  	s15 =	sadd.s32 $0x9F0, s12;
	s16 =	sadd.s32 s5, s4;
	[dreg:$0x1b] =	wrdreg s20  }
0x25: {  	s17 =	sadd.s32 s6, s15;
	[smem:$0x7F4] =	sst s16  }
0x26: {  	s10 =	sadd.s32 s6, s26;
	[smem:$0x7F7] =	sst s17  }
0x27: {  	s24 =	sadd.s32 $0x9C0, s12;
	s22 =	sadd.s32 s6, s19;
	[dreg:$0x16] =	wrdreg s10  }
0x28: {  	s26 =	sadd.s32 s5, s24;
	[dreg:$0x1e] =	wrdreg s22  }
0x29: {  	s10 =	sadd.s32 s6, s3;
	[dreg:$0x1f] =	wrdreg s26  }
0x2a: {  	s3 =	sadd.s32 s5, s12;
	[dreg:$0x18] =	wrdreg s10  }
0x2b: {  	s19 =	sshrl.u32 s7, $0x3;
	s5 =	sadd.s32 s5, s15;
	[smem:$0x7F2] =	sst s3  }
0x2c: {  	s20 =	smul.u32 $0x50000, s14;
	s10 =	sadd.s32 s6, s18;
	[smem:$0x7F6] =	sst s5  }
0x2d: {  	s21 =	sadd.s32 s19, s0;
	s18 =	sadd.s32 s9, s6;
	[dreg:$0x1c] =	wrdreg s10  }
0x2e: {  	s29 =	simm.s32 $0x40;
	s26 =	sadd.s32 $0x2CC00, s21;
	[dreg:$0x8] =	wrdreg s18  }
0x2f: {  	s7 =	sshrl.u32 s20, $0x2;
	s10 =	sadd.s32 s6, s24;
	[smem:$0x7FA] =	sst s26  }
0x30: {  	s22 =	sshrl.u32 s8, $0x3;
	s25 =	sadd.s32 s7, s1;
	[smem:$0x7EF] =	sst s10  }
0x31: {  	s24 =	sshll.u32 s14, $0x6;
	s10 =	sadd.s32 s6, s4;
	[smem:$0x7F9] =	sst s25  }
0x32: {  	s6 =	sadd.s32 s22, s0;
	s0 =	sadd.s32 $0x2A400, s0;
	[smem:$0x7F5] =	sst s10  }
0x33: {  	s31 =	simm.s32 $0xE;
	s7 =	sor.u32 $0x1C11, s24;
	[smem:$0x7F8] =	sst s0  }
0x34: {  	s17 =	simm.s32 $0x8800;
	s28 =	sadd.s32 $0x7CC00, s6;
	[smem:$0x7FD] =	sst s7  }
0x35: {  	v0 =	vimm.f32 $1.000000000e+00;
	s5 =	simm.s32 $0x11;
	s1 =	simm.s32 $0x0;
	[smem:$0x7FB] =	sst s28  }
.LBB2_1:
0x36: {  	s0 =	sld [smem:$0x7F9];
	_ =	sdelay $0x1  }
0x37: {  	s24 =	sld [smem:$0x7F8]  }
0x38: {  	[smem:$0x7ED] =	sst s1;
	s22 =	sshrl.u32 s0, $0x3  }
0x39: {  	[smem:$0x7EE] =	sst s22  }
0x3a: {  	[spmem:s22], [sflag:s7] =	dma.local [hbm:s24], $0x2800  }
0x3b: {  	_ =	swait.ge [sflag:s5], $0x2800  }
0x3c: {  	[sflag:s5] =	ssyncset.done $0x0  }
0x3d: {  	[sflag:s5] =	ssyncadd.s32 $0xFFFFD800  }
0x3e: {  	s25 =	rddreg [dreg:$0x2]  }
0x3f: {  	[tilespmem:s17], [sflag:$0x11] =	stream.linear.gather [hbm4b:s25+s23], $0x2800, $0x38;
	[tilespmem:$0x1F000] =	vst v63  }
0x40: {  	_ =	swait.ge [sflag:s5], $0x2800  }
0x41: {  	[sflag:s5] =	ssyncset.done $0x0  }
0x42: {  	[sflag:s5] =	ssyncadd.s32 $0xFFFFD800  }
0x43: {  	[bflag:$0x0] =	sbarrier.arrive $0xFFFF  }
0x44: {  	s26 =	sld [smem:$0x7F2];
	_ =	sdelay $0x1  }
0x45: {  	s28 =	sld [smem:$0x7F3]  }
0x46: {  	[tilespmem:s23], [sflag:$0x1] =	stream.linear.gather [hbm4b:s26+s23], $0x80, $0x38;
	[tilespmem:$0x1F000] =	vst v63  }
0x47: {  	s5 =	simm.s32 $0x400  }
0x48: {  	[tilespmem:s5], [sflag:$0x1] =	stream.linear.gather [hbm4b:s28+s23], $0x80, $0x38;
	[tilespmem:$0x1F000] =	vst v63  }
0x49: {  	s7 =	simm.s32 $0x80;
	s30 =	rddreg [dreg:$0x9]  }
0x4a: {  	[tilespmem:s7], [sflag:$0x2] =	stream.linear.gather [hbm4b:s30+s23], $0x80, $0x38;
	[tilespmem:$0x1F000] =	vst v63  }
0x4b: {  	s8 =	simm.s32 $0x480;
	s1 =	rddreg [dreg:$0xa]  }
0x4c: {  	[tilespmem:s8], [sflag:$0x2] =	stream.linear.gather [hbm4b:s1+s23], $0x80, $0x38;
	[tilespmem:$0x1F000] =	vst v63  }
0x4d: {  	s11 =	simm.s32 $0x100;
	s2 =	rddreg [dreg:$0xb]  }
0x4e: {  	[tilespmem:s11], [sflag:$0x3] =	stream.linear.gather [hbm4b:s2+s23], $0x80, $0x38;
	[tilespmem:$0x1F000] =	vst v63  }
0x4f: {  	s13 =	simm.s32 $0x500;
	s3 =	rddreg [dreg:$0xc]  }
0x50: {  	[tilespmem:s13], [sflag:$0x3] =	stream.linear.gather [hbm4b:s3+s23], $0x80, $0x38;
	[tilespmem:$0x1F000] =	vst v63  }
0x51: {  	s4 =	rddreg [dreg:$0xd];
	s2 =	simm.s32 $0x180  }
0x52: {  	[tilespmem:s2], [sflag:$0x4] =	stream.linear.gather [hbm4b:s4+s23], $0x80, $0x38;
	[tilespmem:$0x1F000] =	vst v63  }
0x53: {  	s9 =	simm.s32 $0x580;
	s10 =	simm.s32 $0x1;
	s6 =	rddreg [dreg:$0xe]  }
0x54: {  	[tilespmem:s9], [sflag:$0x4] =	stream.linear.gather [hbm4b:s6+s23], $0x80, $0x38;
	[tilespmem:$0x1F000] =	vst v63  }
0x55: {  	_ =	swait.ge [sflag:s10], $0x80  }
0x56: {  	[sflag:s10] =	ssyncset.done $0x0  }
0x57: {  	[sflag:s10] =	ssyncadd.s32 $0xFFFFFF80  }
0x58: {  	_ =	swait.ge [sflag:s10], $0x80  }
0x59: {  	[sflag:s10] =	ssyncset.done $0x0  }
0x5a: {  	s14 =	simm.s32 $0x200;
	s12 =	rddreg [dreg:$0xf];
	[sflag:s10] =	ssyncadd.s32 $0xFFFFFF80  }
0x5b: {  	[tilespmem:s14], [sflag:$0x5] =	stream.linear.gather [hbm4b:s12+s23], $0x80, $0x38;
	[tilespmem:$0x1F000] =	vst v63  }
0x5c: {  	s25 =	simm.s32 $0x600;
	s15 =	rddreg [dreg:$0x10]  }
0x5d: {  	[tilespmem:s25], [sflag:$0x5] =	stream.linear.gather [hbm4b:s15+s23], $0x80, $0x38;
	[tilespmem:$0x1F000] =	vst v63  }
0x5e: {  	s16 =	simm.s32 $0x2;
	s6 =	simm.s32 $0x800;
	s1 =	rddreg [dreg:$0x0]  }
0x5f: {  	[tilespmem:s6], [sflag:$0x9] =	stream.indirect.gather [hbm4b:s1+s29], $0x80, s23, s29, $0xb8;
	[tilespmem:$0x1F000] =	vst v63  }
0x60: {  	_ =	swait.ge [sflag:s16], $0x80  }
0x61: {  	[sflag:s16] =	ssyncset.done $0x0  }
0x62: {  	[sflag:s16] =	ssyncadd.s32 $0xFFFFFF80  }
0x63: {  	_ =	swait.ge [sflag:s16], $0x80  }
0x64: {  	[sflag:s16] =	ssyncset.done $0x0  }
0x65: {  	s10 =	simm.s32 $0x280;
	s18 =	rddreg [dreg:$0x11];
	[sflag:s16] =	ssyncadd.s32 $0xFFFFFF80  }
0x66: {  	[tilespmem:s10], [sflag:$0x6] =	stream.linear.gather [hbm4b:s18+s23], $0x80, $0x38;
	[tilespmem:$0x1F000] =	vst v63  }
0x67: {  	s4 =	simm.s32 $0x680;
	s19 =	rddreg [dreg:$0x12]  }
0x68: {  	[tilespmem:s4], [sflag:$0x6] =	stream.linear.gather [hbm4b:s19+s23], $0x80, $0x38;
	[tilespmem:$0x1F000] =	vst v63  }
0x69: {  	s20 =	simm.s32 $0x3;
	s12 =	simm.s32 $0x2800  }
0x6a: {  	[tilespmem:s12], [sflag:$0xA] =	stream.indirect.gather [hbm4b:s1+s29], $0x80, s7, s29, $0xb8;
	[tilespmem:$0x1F000] =	vst v63  }
0x6b: {  	_ =	swait.ge [sflag:s20], $0x80  }
0x6c: {  	[sflag:s20] =	ssyncset.done $0x0  }
0x6d: {  	[sflag:s20] =	ssyncadd.s32 $0xFFFFFF80  }
0x6e: {  	_ =	swait.ge [sflag:s20], $0x80  }
0x6f: {  	[sflag:s20] =	ssyncset.done $0x0  }
0x70: {  	s16 =	simm.s32 $0x300;
	s21 =	rddreg [dreg:$0x13];
	[sflag:s20] =	ssyncadd.s32 $0xFFFFFF80  }
0x71: {  	[tilespmem:s16], [sflag:$0x7] =	stream.linear.gather [hbm4b:s21+s23], $0x80, $0x38;
	[tilespmem:$0x1F000] =	vst v63  }
0x72: {  	s15 =	simm.s32 $0x700;
	s22 =	rddreg [dreg:$0x14]  }
0x73: {  	[tilespmem:s15], [sflag:$0x7] =	stream.linear.gather [hbm4b:s22+s23], $0x80, $0x38;
	[tilespmem:$0x1F000] =	vst v63  }
0x74: {  	s24 =	simm.s32 $0x4;
	s21 =	simm.s32 $0x4800  }
0x75: {  	[tilespmem:s21], [sflag:$0xB] =	stream.indirect.gather [hbm4b:s1+s29], $0x80, s11, s29, $0xb8;
	[tilespmem:$0x1F000] =	vst v63  }
0x76: {  	_ =	swait.ge [sflag:s24], $0x80  }
0x77: {  	[sflag:s24] =	ssyncset.done $0x0  }
0x78: {  	[sflag:s24] =	ssyncadd.s32 $0xFFFFFF80  }
0x79: {  	_ =	swait.ge [sflag:s24], $0x80  }
0x7a: {  	[sflag:s24] =	ssyncset.done $0x0  }
0x7b: {  	s22 =	simm.s32 $0x380;
	s26 =	rddreg [dreg:$0x15];
	[sflag:s24] =	ssyncadd.s32 $0xFFFFFF80  }
0x7c: {  	[tilespmem:s22], [sflag:$0x8] =	stream.linear.gather [hbm4b:s26+s23], $0x80, $0x38;
	[tilespmem:$0x1F000] =	vst v63  }
0x7d: {  	s20 =	simm.s32 $0x780;
	s28 =	rddreg [dreg:$0x16]  }
0x7e: {  	[tilespmem:s20], [sflag:$0x8] =	stream.linear.gather [hbm4b:s28+s23], $0x80, $0x38;
	[tilespmem:$0x1F000] =	vst v63  }
0x7f: {  	s24 =	simm.s32 $0x6800;
	s26 =	simm.s32 $0x9  }
0x80: {  	[tilespmem:s24], [sflag:$0xC] =	stream.indirect.gather [hbm4b:s1+s29], $0x80, s2, s29, $0xb8;
	[tilespmem:$0x1F000] =	vst v63  }
0x81: {  	_ =	swait.ge [sflag:s26], $0x2000  }
0x82: {  	[sflag:s26] =	ssyncset.done $0x0  }
0x83: {  	[sflag:s26] =	ssyncadd.s32 $0xFFFFE000  }
0x84: {  	s3 =	rddreg [dreg:$0x3]  }
0x85: {  	[spmem:s3] =	stream.indirect.scatter.add.f32 [tilespmem:s6], [sflag:$0xD], $0x80, s5, s29, $0xb8;
	[tilespmem:$0x1F000] =	vst v63  }
0x86: {  	v1 =	vld [tilespmem:$0x400];
	_ =	sdelay $0x7  }
0x87: {  	[tilespmem:v1+s17+$0x0] =	vst.idx.add.f32.msk $0xffff, v0  }
0x88: {  	v1 =	vld [tilespmem:$0x410];
	_ =	sdelay $0x7  }
0x89: {  	[tilespmem:v1+s17+$0x0] =	vst.idx.add.f32.msk $0xffff, v0  }
0x8a: {  	v1 =	vld [tilespmem:$0x420];
	_ =	sdelay $0x7  }
0x8b: {  	[tilespmem:v1+s17+$0x0] =	vst.idx.add.f32.msk $0xffff, v0  }
0x8c: {  	v1 =	vld [tilespmem:$0x430];
	_ =	sdelay $0x7  }
0x8d: {  	s28 =	simm.s32 $0xA;
	[tilespmem:v1+s17+$0x0] =	vst.idx.add.f32.msk $0xffff, v0  }
0x8e: {  	_ =	swait.ge [sflag:s28], $0x2000  }
0x8f: {  	[sflag:s28] =	ssyncset.done $0x0  }
0x90: {  	[sflag:s28] =	ssyncadd.s32 $0xFFFFE000  }
0x91: {  	[spmem:s3] =	stream.indirect.scatter.add.f32 [tilespmem:s12], [sflag:$0xE], $0x80, s8, s29, $0xb8;
	[tilespmem:$0x1F000] =	vst v63  }
0x92: {  	v1 =	vld [tilespmem:$0x480];
	_ =	sdelay $0x7  }
0x93: {  	[tilespmem:v1+s17+$0x0] =	vst.idx.add.f32.msk $0xffff, v0  }
0x94: {  	v1 =	vld [tilespmem:$0x490];
	_ =	sdelay $0x7  }
0x95: {  	[tilespmem:v1+s17+$0x0] =	vst.idx.add.f32.msk $0xffff, v0  }
0x96: {  	v1 =	vld [tilespmem:$0x4A0];
	_ =	sdelay $0x7  }
0x97: {  	[tilespmem:v1+s17+$0x0] =	vst.idx.add.f32.msk $0xffff, v0  }
0x98: {  	v1 =	vld [tilespmem:$0x4B0];
	_ =	sdelay $0x7  }
0x99: {  	s18 =	simm.s32 $0xB;
	[tilespmem:v1+s17+$0x0] =	vst.idx.add.f32.msk $0xffff, v0  }
0x9a: {  	_ =	swait.ge [sflag:s18], $0x2000  }
0x9b: {  	[sflag:s18] =	ssyncset.done $0x0  }
0x9c: {  	[sflag:s18] =	ssyncadd.s32 $0xFFFFE000  }
0x9d: {  	[spmem:s3] =	stream.indirect.scatter.add.f32 [tilespmem:s21], [sflag:$0xF], $0x80, s13, s29, $0xb8;
	[tilespmem:$0x1F000] =	vst v63  }
0x9e: {  	v1 =	vld [tilespmem:$0x500];
	_ =	sdelay $0x7  }
0x9f: {  	[tilespmem:v1+s17+$0x0] =	vst.idx.add.f32.msk $0xffff, v0  }
0xa0: {  	v1 =	vld [tilespmem:$0x510];
	_ =	sdelay $0x7  }
0xa1: {  	[tilespmem:v1+s17+$0x0] =	vst.idx.add.f32.msk $0xffff, v0  }
0xa2: {  	v1 =	vld [tilespmem:$0x520];
	_ =	sdelay $0x7  }
0xa3: {  	[tilespmem:v1+s17+$0x0] =	vst.idx.add.f32.msk $0xffff, v0  }
0xa4: {  	v1 =	vld [tilespmem:$0x530];
	_ =	sdelay $0x7  }
0xa5: {  	s19 =	simm.s32 $0xC;
	[tilespmem:v1+s17+$0x0] =	vst.idx.add.f32.msk $0xffff, v0  }
0xa6: {  	_ =	swait.ge [sflag:s19], $0x2000  }
0xa7: {  	[sflag:s19] =	ssyncset.done $0x0  }
0xa8: {  	[sflag:s19] =	ssyncadd.s32 $0xFFFFE000  }
0xa9: {  	[spmem:s3] =	stream.indirect.scatter.add.f32 [tilespmem:s24], [sflag:$0x10], $0x80, s9, s29, $0xb8;
	[tilespmem:$0x1F000] =	vst v63  }
0xaa: {  	v1 =	vld [tilespmem:$0x580];
	_ =	sdelay $0x7  }
0xab: {  	[tilespmem:v1+s17+$0x0] =	vst.idx.add.f32.msk $0xffff, v0  }
0xac: {  	v1 =	vld [tilespmem:$0x590];
	_ =	sdelay $0x7  }
0xad: {  	[tilespmem:v1+s17+$0x0] =	vst.idx.add.f32.msk $0xffff, v0  }
0xae: {  	v1 =	vld [tilespmem:$0x5A0];
	_ =	sdelay $0x7  }
0xaf: {  	[tilespmem:v1+s17+$0x0] =	vst.idx.add.f32.msk $0xffff, v0  }
0xb0: {  	v1 =	vld [tilespmem:$0x5B0];
	_ =	sdelay $0x7  }
0xb1: {  	s30 =	simm.s32 $0x5;
	[tilespmem:v1+s17+$0x0] =	vst.idx.add.f32.msk $0xffff, v0  }
0xb2: {  	_ =	swait.ge [sflag:s30], $0x80  }
0xb3: {  	[sflag:s30] =	ssyncset.done $0x0  }
0xb4: {  	[sflag:s30] =	ssyncadd.s32 $0xFFFFFF80  }
0xb5: {  	_ =	swait.ge [sflag:s30], $0x80  }
0xb6: {  	[sflag:s30] =	ssyncset.done $0x0  }
0xb7: {  	[sflag:s30] =	ssyncadd.s32 $0xFFFFFF80;
	s30 =	simm.s32 $0xD  }
0xb8: {  	_ =	swait.ge [sflag:s30], $0x2000  }
0xb9: {  	[sflag:s30] =	ssyncset.done $0x0  }
0xba: {  	[sflag:s30] =	ssyncadd.s32 $0xFFFFE000;
	s30 =	rddreg [dreg:$0x17]  }
0xbb: {  	[tilespmem:s23], [sflag:$0x1] =	stream.linear.gather [hbm4b:s30+s23], $0x80, $0x38;
	[tilespmem:$0x1F000] =	vst v63  }
0xbc: {  	s30 =	rddreg [dreg:$0x18]  }
0xbd: {  	[tilespmem:s5], [sflag:$0x1] =	stream.linear.gather [hbm4b:s30+s23], $0x80, $0x38;
	[tilespmem:$0x1F000] =	vst v63  }
0xbe: {  	s5 =	simm.s32 $0x6  }
0xbf: {  	[tilespmem:s6], [sflag:$0x9] =	stream.indirect.gather [hbm4b:s1+s29], $0x80, s14, s29, $0xb8;
	[tilespmem:$0x1F000] =	vst v63  }
0xc0: {  	_ =	swait.ge [sflag:s5], $0x80  }
0xc1: {  	[sflag:s5] =	ssyncset.done $0x0  }
0xc2: {  	[sflag:s5] =	ssyncadd.s32 $0xFFFFFF80  }
0xc3: {  	_ =	swait.ge [sflag:s5], $0x80  }
0xc4: {  	[sflag:s5] =	ssyncset.done $0x0  }
0xc5: {  	s14 =	simm.s32 $0xE;
	[sflag:s5] =	ssyncadd.s32 $0xFFFFFF80  }
0xc6: {  	_ =	swait.ge [sflag:s14], $0x2000  }
0xc7: {  	[sflag:s14] =	ssyncset.done $0x0  }
0xc8: {  	s30 =	rddreg [dreg:$0x19];
	[sflag:s14] =	ssyncadd.s32 $0xFFFFE000  }
0xc9: {  	[tilespmem:s7], [sflag:$0x2] =	stream.linear.gather [hbm4b:s30+s23], $0x80, $0x38;
	[tilespmem:$0x1F000] =	vst v63  }
0xca: {  	s5 =	rddreg [dreg:$0x1a]  }
0xcb: {  	[tilespmem:s8], [sflag:$0x2] =	stream.linear.gather [hbm4b:s5+s23], $0x80, $0x38;
	[tilespmem:$0x1F000] =	vst v63  }
0xcc: {  	s7 =	simm.s32 $0x7  }
0xcd: {  	[tilespmem:s12], [sflag:$0xA] =	stream.indirect.gather [hbm4b:s1+s29], $0x80, s10, s29, $0xb8;
	[tilespmem:$0x1F000] =	vst v63  }
0xce: {  	_ =	swait.ge [sflag:s7], $0x80  }
0xcf: {  	[sflag:s7] =	ssyncset.done $0x0  }
0xd0: {  	[sflag:s7] =	ssyncadd.s32 $0xFFFFFF80  }
0xd1: {  	_ =	swait.ge [sflag:s7], $0x80  }
0xd2: {  	[sflag:s7] =	ssyncset.done $0x0  }
0xd3: {  	s8 =	simm.s32 $0xF;
	[sflag:s7] =	ssyncadd.s32 $0xFFFFFF80  }
0xd4: {  	_ =	swait.ge [sflag:s8], $0x2000  }
0xd5: {  	[sflag:s8] =	ssyncset.done $0x0  }
0xd6: {  	s10 =	rddreg [dreg:$0x1b];
	[sflag:s8] =	ssyncadd.s32 $0xFFFFE000  }
0xd7: {  	[tilespmem:s11], [sflag:$0x3] =	stream.linear.gather [hbm4b:s10+s23], $0x80, $0x38;
	[tilespmem:$0x1F000] =	vst v63  }
0xd8: {  	s11 =	rddreg [dreg:$0x1c]  }
0xd9: {  	[tilespmem:s13], [sflag:$0x3] =	stream.linear.gather [hbm4b:s11+s23], $0x80, $0x38;
	[tilespmem:$0x1F000] =	vst v63  }
0xda: {  	s13 =	simm.s32 $0x8  }
0xdb: {  	[tilespmem:s21], [sflag:$0xB] =	stream.indirect.gather [hbm4b:s1+s29], $0x80, s16, s29, $0xb8;
	[tilespmem:$0x1F000] =	vst v63  }
0xdc: {  	_ =	swait.ge [sflag:s13], $0x80  }
0xdd: {  	[sflag:s13] =	ssyncset.done $0x0  }
0xde: {  	[sflag:s13] =	ssyncadd.s32 $0xFFFFFF80  }
0xdf: {  	_ =	swait.ge [sflag:s13], $0x80  }
0xe0: {  	[sflag:s13] =	ssyncset.done $0x0  }
0xe1: {  	s14 =	simm.s32 $0x10;
	[sflag:s13] =	ssyncadd.s32 $0xFFFFFF80  }
0xe2: {  	_ =	swait.ge [sflag:s14], $0x2000  }
0xe3: {  	[sflag:s14] =	ssyncset.done $0x0  }
0xe4: {  	s16 =	rddreg [dreg:$0x1d];
	[sflag:s14] =	ssyncadd.s32 $0xFFFFE000  }
0xe5: {  	[tilespmem:s2], [sflag:$0x4] =	stream.linear.gather [hbm4b:s16+s23], $0x80, $0x38;
	[tilespmem:$0x1F000] =	vst v63  }
0xe6: {  	s30 =	rddreg [dreg:$0x1e]  }
0xe7: {  	[tilespmem:s9], [sflag:$0x4] =	stream.linear.gather [hbm4b:s30+s23], $0x80, $0x38;
	[tilespmem:$0x1F000] =	vst v63  }
0xe8: {  	_ = 	snop  }
0xe9: {  	[tilespmem:s24], [sflag:$0xC] =	stream.indirect.gather [hbm4b:s1+s29], $0x80, s22, s29, $0xb8;
	[tilespmem:$0x1F000] =	vst v63  }
0xea: {  	_ =	swait.ge [sflag:s26], $0x2000  }
0xeb: {  	[sflag:s26] =	ssyncset.done $0x0  }
0xec: {  	[sflag:s26] =	ssyncadd.s32 $0xFFFFE000  }
0xed: {  	[spmem:s3] =	stream.indirect.scatter.add.f32 [tilespmem:s6], [sflag:$0xD], $0x80, s25, s29, $0xb8;
	[tilespmem:$0x1F000] =	vst v63  }
0xee: {  	v1 =	vld [tilespmem:$0x600];
	_ =	sdelay $0x7  }
0xef: {  	[tilespmem:v1+s17+$0x0] =	vst.idx.add.f32.msk $0xffff, v0  }
0xf0: {  	v1 =	vld [tilespmem:$0x610];
	_ =	sdelay $0x7  }
0xf1: {  	[tilespmem:v1+s17+$0x0] =	vst.idx.add.f32.msk $0xffff, v0  }
0xf2: {  	v1 =	vld [tilespmem:$0x620];
	_ =	sdelay $0x7  }
0xf3: {  	[tilespmem:v1+s17+$0x0] =	vst.idx.add.f32.msk $0xffff, v0  }
0xf4: {  	v1 =	vld [tilespmem:$0x630];
	_ =	sdelay $0x7  }
0xf5: {  	[tilespmem:v1+s17+$0x0] =	vst.idx.add.f32.msk $0xffff, v0  }
0xf6: {  	_ =	swait.ge [sflag:s28], $0x2000  }
0xf7: {  	[sflag:s28] =	ssyncset.done $0x0  }
0xf8: {  	[sflag:s28] =	ssyncadd.s32 $0xFFFFE000  }
0xf9: {  	[spmem:s3] =	stream.indirect.scatter.add.f32 [tilespmem:s12], [sflag:$0xE], $0x80, s4, s29, $0xb8;
	[tilespmem:$0x1F000] =	vst v63  }
0xfa: {  	v1 =	vld [tilespmem:$0x680];
	_ =	sdelay $0x7  }
0xfb: {  	[tilespmem:v1+s17+$0x0] =	vst.idx.add.f32.msk $0xffff, v0  }
0xfc: {  	v1 =	vld [tilespmem:$0x690];
	_ =	sdelay $0x7  }
0xfd: {  	[tilespmem:v1+s17+$0x0] =	vst.idx.add.f32.msk $0xffff, v0  }
0xfe: {  	v1 =	vld [tilespmem:$0x6A0];
	_ =	sdelay $0x7  }
0xff: {  	[tilespmem:v1+s17+$0x0] =	vst.idx.add.f32.msk $0xffff, v0  }
0x100: {  	v1 =	vld [tilespmem:$0x6B0];
	_ =	sdelay $0x7  }
0x101: {  	[tilespmem:v1+s17+$0x0] =	vst.idx.add.f32.msk $0xffff, v0  }
0x102: {  	_ =	swait.ge [sflag:s18], $0x2000  }
0x103: {  	[sflag:s18] =	ssyncset.done $0x0  }
0x104: {  	[sflag:s18] =	ssyncadd.s32 $0xFFFFE000  }
0x105: {  	[spmem:s3] =	stream.indirect.scatter.add.f32 [tilespmem:s21], [sflag:$0xF], $0x80, s15, s29, $0xb8;
	[tilespmem:$0x1F000] =	vst v63  }
0x106: {  	v1 =	vld [tilespmem:$0x700];
	_ =	sdelay $0x7  }
0x107: {  	[tilespmem:v1+s17+$0x0] =	vst.idx.add.f32.msk $0xffff, v0  }
0x108: {  	v1 =	vld [tilespmem:$0x710];
	_ =	sdelay $0x7  }
0x109: {  	[tilespmem:v1+s17+$0x0] =	vst.idx.add.f32.msk $0xffff, v0  }
0x10a: {  	v1 =	vld [tilespmem:$0x720];
	_ =	sdelay $0x7  }
0x10b: {  	[tilespmem:v1+s17+$0x0] =	vst.idx.add.f32.msk $0xffff, v0  }
0x10c: {  	v1 =	vld [tilespmem:$0x730];
	_ =	sdelay $0x7  }
0x10d: {  	[tilespmem:v1+s17+$0x0] =	vst.idx.add.f32.msk $0xffff, v0  }
0x10e: {  	_ =	swait.ge [sflag:s19], $0x2000  }
0x10f: {  	[sflag:s19] =	ssyncset.done $0x0  }
0x110: {  	[sflag:s19] =	ssyncadd.s32 $0xFFFFE000  }
0x111: {  	[spmem:s3] =	stream.indirect.scatter.add.f32 [tilespmem:s24], [sflag:$0x10], $0x80, s20, s29, $0xb8;
	[tilespmem:$0x1F000] =	vst v63  }
0x112: {  	v1 =	vld [tilespmem:$0x780];
	_ =	sdelay $0x7  }
0x113: {  	[tilespmem:v1+s17+$0x0] =	vst.idx.add.f32.msk $0xffff, v0  }
0x114: {  	v1 =	vld [tilespmem:$0x790];
	_ =	sdelay $0x7  }
0x115: {  	[tilespmem:v1+s17+$0x0] =	vst.idx.add.f32.msk $0xffff, v0  }
0x116: {  	v1 =	vld [tilespmem:$0x7A0];
	_ =	sdelay $0x7  }
0x117: {  	[tilespmem:v1+s17+$0x0] =	vst.idx.add.f32.msk $0xffff, v0  }
0x118: {  	v1 =	vld [tilespmem:$0x7B0];
	_ =	sdelay $0x7  }
0x119: {  	s0 =	simm.s32 $0x0;
	[tilespmem:v1+s17+$0x0] =	vst.idx.add.f32.msk $0xffff, v0  }
.LBB2_2:
0x11a: {  	s2 =	simm.s32 $0x1  }
0x11b: {  	_ =	swait.ge [sflag:s2], $0x80  }
0x11c: {  	[sflag:s2] =	ssyncset.done $0x0  }
0x11d: {  	[sflag:s2] =	ssyncadd.s32 $0xFFFFFF80  }
0x11e: {  	_ =	swait.ge [sflag:s2], $0x80  }
0x11f: {  	[sflag:s2] =	ssyncset.done $0x0  }
0x120: {  	s1 =	simm.s32 $0xD;
	[sflag:s2] =	ssyncadd.s32 $0xFFFFFF80  }
0x121: {  	_ =	swait.ge [sflag:s1], $0x2000  }
0x122: {  	s25 =	simm.s32 $0x200;
	s5 =	rddreg [dreg:$0x7]  }
0x123: {  	[sflag:s1] =	ssyncset.done $0x0;
	s7 =	rddreg [dreg:$0x8];
	s5 =	sadd.s32 s0, s5  }
0x124: {  	[sflag:s1] =	ssyncadd.s32 $0xFFFFE000;
	s7 =	sadd.s32 s0, s7;
	s8 =	sadd.s32 $0x40, s5  }
0x125: {  	[tilespmem:s25], [sflag:$0x5] =	stream.linear.gather [hbm4b:s8+s23], $0x80, $0x38;
	[tilespmem:$0x1F000] =	vst v63  }
0x126: {  	s15 =	simm.s32 $0x600;
	s14 =	sadd.s32 $0x40, s7  }
0x127: {  	[tilespmem:s15], [sflag:$0x5] =	stream.linear.gather [hbm4b:s14+s23], $0x80, $0x38;
	[tilespmem:$0x1F000] =	vst v63  }
0x128: {  	s6 =	simm.s32 $0x800;
	s16 =	simm.s32 $0x2;
	s3 =	rddreg [dreg:$0x0]  }
0x129: {  	[tilespmem:s6], [sflag:$0x9] =	stream.indirect.gather [hbm4b:s3+s29], $0x80, s23, s29, $0xb8;
	[tilespmem:$0x1F000] =	vst v63  }
0x12a: {  	_ =	swait.ge [sflag:s16], $0x80  }
0x12b: {  	[sflag:s16] =	ssyncset.done $0x0  }
0x12c: {  	[sflag:s16] =	ssyncadd.s32 $0xFFFFFF80  }
0x12d: {  	_ =	swait.ge [sflag:s16], $0x80  }
0x12e: {  	[sflag:s16] =	ssyncset.done $0x0  }
0x12f: {  	[sflag:s16] =	ssyncadd.s32 $0xFFFFFF80  }
0x130: {  	_ =	swait.ge [sflag:s31], $0x2000  }
0x131: {  	[sflag:s31] =	ssyncset.done $0x0  }
0x132: {  	s10 =	simm.s32 $0x280;
	s18 =	sadd.s32 $0x50, s5;
	[sflag:s31] =	ssyncadd.s32 $0xFFFFE000  }
0x133: {  	[tilespmem:s10], [sflag:$0x6] =	stream.linear.gather [hbm4b:s18+s23], $0x80, $0x38;
	[tilespmem:$0x1F000] =	vst v63  }
0x134: {  	s20 =	simm.s32 $0x680;
	s19 =	sadd.s32 $0x50, s7  }
0x135: {  	[tilespmem:s20], [sflag:$0x6] =	stream.linear.gather [hbm4b:s19+s23], $0x80, $0x38;
	[tilespmem:$0x1F000] =	vst v63  }
0x136: {  	s11 =	simm.s32 $0x80;
	s12 =	simm.s32 $0x2800;
	s21 =	simm.s32 $0x3  }
0x137: {  	[tilespmem:s12], [sflag:$0xA] =	stream.indirect.gather [hbm4b:s3+s29], $0x80, s11, s29, $0xb8;
	[tilespmem:$0x1F000] =	vst v63  }
0x138: {  	_ =	swait.ge [sflag:s21], $0x80  }
0x139: {  	[sflag:s21] =	ssyncset.done $0x0  }
0x13a: {  	[sflag:s21] =	ssyncadd.s32 $0xFFFFFF80  }
0x13b: {  	_ =	swait.ge [sflag:s21], $0x80  }
0x13c: {  	[sflag:s21] =	ssyncset.done $0x0  }
0x13d: {  	s15 =	simm.s32 $0xF;
	[sflag:s21] =	ssyncadd.s32 $0xFFFFFF80  }
0x13e: {  	_ =	swait.ge [sflag:s15], $0x2000  }
0x13f: {  	[sflag:s15] =	ssyncset.done $0x0  }
0x140: {  	s22 =	sadd.s32 $0x60, s5;
	s16 =	simm.s32 $0x300;
	[sflag:s15] =	ssyncadd.s32 $0xFFFFE000  }
0x141: {  	[tilespmem:s16], [sflag:$0x7] =	stream.linear.gather [hbm4b:s22+s23], $0x80, $0x38;
	[tilespmem:$0x1F000] =	vst v63  }
0x142: {  	s26 =	simm.s32 $0x700;
	s24 =	sadd.s32 $0x60, s7  }
0x143: {  	[tilespmem:s26], [sflag:$0x7] =	stream.linear.gather [hbm4b:s24+s23], $0x80, $0x38;
	[tilespmem:$0x1F000] =	vst v63  }
0x144: {  	s30 =	simm.s32 $0x100;
	s28 =	simm.s32 $0x4;
	s21 =	simm.s32 $0x4800  }
0x145: {  	[tilespmem:s21], [sflag:$0xB] =	stream.indirect.gather [hbm4b:s3+s29], $0x80, s30, s29, $0xb8;
	[tilespmem:$0x1F000] =	vst v63  }
0x146: {  	_ =	swait.ge [sflag:s28], $0x80  }
0x147: {  	[sflag:s28] =	ssyncset.done $0x0  }
0x148: {  	[sflag:s28] =	ssyncadd.s32 $0xFFFFFF80  }
0x149: {  	_ =	swait.ge [sflag:s28], $0x80  }
0x14a: {  	[sflag:s28] =	ssyncset.done $0x0  }
0x14b: {  	s20 =	simm.s32 $0x10;
	[sflag:s28] =	ssyncadd.s32 $0xFFFFFF80  }
0x14c: {  	_ =	swait.ge [sflag:s20], $0x2000  }
0x14d: {  	[sflag:s20] =	ssyncset.done $0x0  }
0x14e: {  	s5 =	sadd.s32 $0x70, s5;
	s22 =	simm.s32 $0x380;
	[sflag:s20] =	ssyncadd.s32 $0xFFFFE000  }
0x14f: {  	[tilespmem:s22], [sflag:$0x8] =	stream.linear.gather [hbm4b:s5+s23], $0x80, $0x38;
	[tilespmem:$0x1F000] =	vst v63  }
0x150: {  	s4 =	simm.s32 $0x780;
	s2 =	sadd.s32 $0x70, s7  }
0x151: {  	[tilespmem:s4], [sflag:$0x8] =	stream.linear.gather [hbm4b:s2+s23], $0x80, $0x38;
	[tilespmem:$0x1F000] =	vst v63  }
0x152: {  	s9 =	simm.s32 $0x180;
	s24 =	simm.s32 $0x6800;
	s26 =	simm.s32 $0x9  }
0x153: {  	[tilespmem:s24], [sflag:$0xC] =	stream.indirect.gather [hbm4b:s3+s29], $0x80, s9, s29, $0xb8;
	[tilespmem:$0x1F000] =	vst v63  }
0x154: {  	_ =	swait.ge [sflag:s26], $0x2000  }
0x155: {  	[sflag:s26] =	ssyncset.done $0x0  }
0x156: {  	[sflag:s26] =	ssyncadd.s32 $0xFFFFE000  }
0x157: {  	s8 =	simm.s32 $0x400;
	s4 =	rddreg [dreg:$0x3]  }
0x158: {  	[spmem:s4] =	stream.indirect.scatter.add.f32 [tilespmem:s6], [sflag:$0xD], $0x80, s8, s29, $0xb8;
	[tilespmem:$0x1F000] =	vst v63  }
0x159: {  	v1 =	vld [tilespmem:$0x400];
	_ =	sdelay $0x7  }
0x15a: {  	[tilespmem:v1+s17+$0x0] =	vst.idx.add.f32.msk $0xffff, v0  }
0x15b: {  	v1 =	vld [tilespmem:$0x410];
	_ =	sdelay $0x7  }
0x15c: {  	[tilespmem:v1+s17+$0x0] =	vst.idx.add.f32.msk $0xffff, v0  }
0x15d: {  	v1 =	vld [tilespmem:$0x420];
	_ =	sdelay $0x7  }
0x15e: {  	[tilespmem:v1+s17+$0x0] =	vst.idx.add.f32.msk $0xffff, v0  }
0x15f: {  	v1 =	vld [tilespmem:$0x430];
	_ =	sdelay $0x7  }
0x160: {  	s28 =	simm.s32 $0xA;
	[tilespmem:v1+s17+$0x0] =	vst.idx.add.f32.msk $0xffff, v0  }
0x161: {  	_ =	swait.ge [sflag:s28], $0x2000  }
0x162: {  	[sflag:s28] =	ssyncset.done $0x0  }
0x163: {  	s13 =	simm.s32 $0x480;
	[sflag:s28] =	ssyncadd.s32 $0xFFFFE000  }
0x164: {  	[spmem:s4] =	stream.indirect.scatter.add.f32 [tilespmem:s12], [sflag:$0xE], $0x80, s13, s29, $0xb8;
	[tilespmem:$0x1F000] =	vst v63  }
0x165: {  	v1 =	vld [tilespmem:$0x480];
	_ =	sdelay $0x7  }
0x166: {  	[tilespmem:v1+s17+$0x0] =	vst.idx.add.f32.msk $0xffff, v0  }
0x167: {  	v1 =	vld [tilespmem:$0x490];
	_ =	sdelay $0x7  }
0x168: {  	[tilespmem:v1+s17+$0x0] =	vst.idx.add.f32.msk $0xffff, v0  }
0x169: {  	v1 =	vld [tilespmem:$0x4A0];
	_ =	sdelay $0x7  }
0x16a: {  	[tilespmem:v1+s17+$0x0] =	vst.idx.add.f32.msk $0xffff, v0  }
0x16b: {  	v1 =	vld [tilespmem:$0x4B0];
	_ =	sdelay $0x7  }
0x16c: {  	s18 =	simm.s32 $0xB;
	[tilespmem:v1+s17+$0x0] =	vst.idx.add.f32.msk $0xffff, v0  }
0x16d: {  	_ =	swait.ge [sflag:s18], $0x2000  }
0x16e: {  	[sflag:s18] =	ssyncset.done $0x0  }
0x16f: {  	s2 =	simm.s32 $0x500;
	[sflag:s18] =	ssyncadd.s32 $0xFFFFE000  }
0x170: {  	[spmem:s4] =	stream.indirect.scatter.add.f32 [tilespmem:s21], [sflag:$0xF], $0x80, s2, s29, $0xb8;
	[tilespmem:$0x1F000] =	vst v63  }
0x171: {  	v1 =	vld [tilespmem:$0x500];
	_ =	sdelay $0x7  }
0x172: {  	[tilespmem:v1+s17+$0x0] =	vst.idx.add.f32.msk $0xffff, v0  }
0x173: {  	v1 =	vld [tilespmem:$0x510];
	_ =	sdelay $0x7  }
0x174: {  	[tilespmem:v1+s17+$0x0] =	vst.idx.add.f32.msk $0xffff, v0  }
0x175: {  	v1 =	vld [tilespmem:$0x520];
	_ =	sdelay $0x7  }
0x176: {  	[tilespmem:v1+s17+$0x0] =	vst.idx.add.f32.msk $0xffff, v0  }
0x177: {  	v1 =	vld [tilespmem:$0x530];
	_ =	sdelay $0x7  }
0x178: {  	s19 =	simm.s32 $0xC;
	[tilespmem:v1+s17+$0x0] =	vst.idx.add.f32.msk $0xffff, v0  }
0x179: {  	_ =	swait.ge [sflag:s19], $0x2000  }
0x17a: {  	[sflag:s19] =	ssyncset.done $0x0  }
0x17b: {  	s14 =	simm.s32 $0x580;
	[sflag:s19] =	ssyncadd.s32 $0xFFFFE000  }
0x17c: {  	[spmem:s4] =	stream.indirect.scatter.add.f32 [tilespmem:s24], [sflag:$0x10], $0x80, s14, s29, $0xb8;
	[tilespmem:$0x1F000] =	vst v63  }
0x17d: {  	v1 =	vld [tilespmem:$0x580];
	_ =	sdelay $0x7  }
0x17e: {  	[tilespmem:v1+s17+$0x0] =	vst.idx.add.f32.msk $0xffff, v0  }
0x17f: {  	v1 =	vld [tilespmem:$0x590];
	_ =	sdelay $0x7  }
0x180: {  	[tilespmem:v1+s17+$0x0] =	vst.idx.add.f32.msk $0xffff, v0  }
0x181: {  	v1 =	vld [tilespmem:$0x5A0];
	_ =	sdelay $0x7  }
0x182: {  	[tilespmem:v1+s17+$0x0] =	vst.idx.add.f32.msk $0xffff, v0  }
0x183: {  	v1 =	vld [tilespmem:$0x5B0];
	_ =	sdelay $0x7  }
0x184: {  	s7 =	simm.s32 $0x5;
	[tilespmem:v1+s17+$0x0] =	vst.idx.add.f32.msk $0xffff, v0  }
0x185: {  	_ =	swait.ge [sflag:s7], $0x80  }
0x186: {  	[sflag:s7] =	ssyncset.done $0x0  }
0x187: {  	[sflag:s7] =	ssyncadd.s32 $0xFFFFFF80  }
0x188: {  	_ =	swait.ge [sflag:s7], $0x80  }
0x189: {  	[sflag:s7] =	ssyncset.done $0x0  }
0x18a: {  	[sflag:s7] =	ssyncadd.s32 $0xFFFFFF80  }
0x18b: {  	_ =	swait.ge [sflag:s1], $0x2000  }
0x18c: {  	s5 =	rddreg [dreg:$0x5];
	[sflag:s1] =	ssyncset.done $0x0  }
0x18d: {  	s7 =	rddreg [dreg:$0x6];
	[sflag:s1] =	ssyncadd.s32 $0xFFFFE000;
	s5 =	sadd.s32 s0, s5  }
0x18e: {  	[tilespmem:s23], [sflag:$0x1] =	stream.linear.gather [hbm4b:s5+s23], $0x80, $0x38;
	[tilespmem:$0x1F000] =	vst v63  }
0x18f: {  	s7 =	sadd.s32 s0, s7  }
0x190: {  	[tilespmem:s8], [sflag:$0x1] =	stream.linear.gather [hbm4b:s7+s23], $0x80, $0x38;
	[tilespmem:$0x1F000] =	vst v63  }
0x191: {  	s8 =	simm.s32 $0x6  }
0x192: {  	[tilespmem:s6], [sflag:$0x9] =	stream.indirect.gather [hbm4b:s3+s29], $0x80, s25, s29, $0xb8;
	[tilespmem:$0x1F000] =	vst v63  }
0x193: {  	_ =	swait.ge [sflag:s8], $0x80  }
0x194: {  	[sflag:s8] =	ssyncset.done $0x0  }
0x195: {  	[sflag:s8] =	ssyncadd.s32 $0xFFFFFF80  }
0x196: {  	_ =	swait.ge [sflag:s8], $0x80  }
0x197: {  	[sflag:s8] =	ssyncset.done $0x0  }
0x198: {  	[sflag:s8] =	ssyncadd.s32 $0xFFFFFF80  }
0x199: {  	_ =	swait.ge [sflag:s31], $0x2000  }
0x19a: {  	[sflag:s31] =	ssyncset.done $0x0  }
0x19b: {  	s25 =	sadd.s32 $0x10, s5;
	[sflag:s31] =	ssyncadd.s32 $0xFFFFE000  }
0x19c: {  	[tilespmem:s11], [sflag:$0x2] =	stream.linear.gather [hbm4b:s25+s23], $0x80, $0x38;
	[tilespmem:$0x1F000] =	vst v63  }
0x19d: {  	s1 =	sadd.s32 $0x10, s7  }
0x19e: {  	[tilespmem:s13], [sflag:$0x2] =	stream.linear.gather [hbm4b:s1+s23], $0x80, $0x38;
	[tilespmem:$0x1F000] =	vst v63  }
0x19f: {  	s8 =	simm.s32 $0x7  }
0x1a0: {  	[tilespmem:s12], [sflag:$0xA] =	stream.indirect.gather [hbm4b:s3+s29], $0x80, s10, s29, $0xb8;
	[tilespmem:$0x1F000] =	vst v63  }
0x1a1: {  	_ =	swait.ge [sflag:s8], $0x80  }
0x1a2: {  	[sflag:s8] =	ssyncset.done $0x0  }
0x1a3: {  	[sflag:s8] =	ssyncadd.s32 $0xFFFFFF80  }
0x1a4: {  	_ =	swait.ge [sflag:s8], $0x80  }
0x1a5: {  	[sflag:s8] =	ssyncset.done $0x0  }
0x1a6: {  	[sflag:s8] =	ssyncadd.s32 $0xFFFFFF80  }
0x1a7: {  	_ =	swait.ge [sflag:s15], $0x2000  }
0x1a8: {  	[sflag:s15] =	ssyncset.done $0x0  }
0x1a9: {  	s10 =	sadd.s32 $0x20, s5;
	[sflag:s15] =	ssyncadd.s32 $0xFFFFE000  }
0x1aa: {  	[tilespmem:s30], [sflag:$0x3] =	stream.linear.gather [hbm4b:s10+s23], $0x80, $0x38;
	[tilespmem:$0x1F000] =	vst v63  }
0x1ab: {  	s15 =	sadd.s32 $0x20, s7  }
0x1ac: {  	[tilespmem:s2], [sflag:$0x3] =	stream.linear.gather [hbm4b:s15+s23], $0x80, $0x38;
	[tilespmem:$0x1F000] =	vst v63  }
0x1ad: {  	_ = 	snop  }
0x1ae: {  	[tilespmem:s21], [sflag:$0xB] =	stream.indirect.gather [hbm4b:s3+s29], $0x80, s16, s29, $0xb8;
	[tilespmem:$0x1F000] =	vst v63  }
0x1af: {  	s16 =	simm.s32 $0x8  }
0x1b0: {  	_ =	swait.ge [sflag:s16], $0x80  }
0x1b1: {  	[sflag:s16] =	ssyncset.done $0x0  }
0x1b2: {  	[sflag:s16] =	ssyncadd.s32 $0xFFFFFF80  }
0x1b3: {  	_ =	swait.ge [sflag:s16], $0x80  }
0x1b4: {  	[sflag:s16] =	ssyncset.done $0x0  }
0x1b5: {  	[sflag:s16] =	ssyncadd.s32 $0xFFFFFF80  }
0x1b6: {  	_ =	swait.ge [sflag:s20], $0x2000  }
0x1b7: {  	[sflag:s20] =	ssyncset.done $0x0  }
0x1b8: {  	s5 =	sadd.s32 $0x30, s5;
	[sflag:s20] =	ssyncadd.s32 $0xFFFFE000  }
0x1b9: {  	[tilespmem:s9], [sflag:$0x4] =	stream.linear.gather [hbm4b:s5+s23], $0x80, $0x38;
	[tilespmem:$0x1F000] =	vst v63  }
0x1ba: {  	s20 =	sadd.s32 $0x30, s7  }
0x1bb: {  	[tilespmem:s14], [sflag:$0x4] =	stream.linear.gather [hbm4b:s20+s23], $0x80, $0x38;
	[tilespmem:$0x1F000] =	vst v63  }
0x1bc: {  	_ = 	snop  }
0x1bd: {  	[tilespmem:s24], [sflag:$0xC] =	stream.indirect.gather [hbm4b:s3+s29], $0x80, s22, s29, $0xb8;
	[tilespmem:$0x1F000] =	vst v63  }
0x1be: {  	_ =	swait.ge [sflag:s26], $0x2000  }
0x1bf: {  	[sflag:s26] =	ssyncset.done $0x0  }
0x1c0: {  	s22 =	simm.s32 $0x600;
	[sflag:s26] =	ssyncadd.s32 $0xFFFFE000  }
0x1c1: {  	[spmem:s4] =	stream.indirect.scatter.add.f32 [tilespmem:s6], [sflag:$0xD], $0x80, s22, s29, $0xb8;
	[tilespmem:$0x1F000] =	vst v63  }
0x1c2: {  	v1 =	vld [tilespmem:$0x600];
	_ =	sdelay $0x7  }
0x1c3: {  	[tilespmem:v1+s17+$0x0] =	vst.idx.add.f32.msk $0xffff, v0  }
0x1c4: {  	v1 =	vld [tilespmem:$0x610];
	_ =	sdelay $0x7  }
0x1c5: {  	[tilespmem:v1+s17+$0x0] =	vst.idx.add.f32.msk $0xffff, v0  }
0x1c6: {  	v1 =	vld [tilespmem:$0x620];
	_ =	sdelay $0x7  }
0x1c7: {  	[tilespmem:v1+s17+$0x0] =	vst.idx.add.f32.msk $0xffff, v0  }
0x1c8: {  	v1 =	vld [tilespmem:$0x630];
	_ =	sdelay $0x7  }
0x1c9: {  	[tilespmem:v1+s17+$0x0] =	vst.idx.add.f32.msk $0xffff, v0  }
0x1ca: {  	_ =	swait.ge [sflag:s28], $0x2000  }
0x1cb: {  	[sflag:s28] =	ssyncset.done $0x0  }
0x1cc: {  	s25 =	simm.s32 $0x680;
	[sflag:s28] =	ssyncadd.s32 $0xFFFFE000  }
0x1cd: {  	[spmem:s4] =	stream.indirect.scatter.add.f32 [tilespmem:s12], [sflag:$0xE], $0x80, s25, s29, $0xb8;
	[tilespmem:$0x1F000] =	vst v63  }
0x1ce: {  	v1 =	vld [tilespmem:$0x680];
	_ =	sdelay $0x7  }
0x1cf: {  	[tilespmem:v1+s17+$0x0] =	vst.idx.add.f32.msk $0xffff, v0  }
0x1d0: {  	v1 =	vld [tilespmem:$0x690];
	_ =	sdelay $0x7  }
0x1d1: {  	[tilespmem:v1+s17+$0x0] =	vst.idx.add.f32.msk $0xffff, v0  }
0x1d2: {  	v1 =	vld [tilespmem:$0x6A0];
	_ =	sdelay $0x7  }
0x1d3: {  	[tilespmem:v1+s17+$0x0] =	vst.idx.add.f32.msk $0xffff, v0  }
0x1d4: {  	v1 =	vld [tilespmem:$0x6B0];
	_ =	sdelay $0x7  }
0x1d5: {  	[tilespmem:v1+s17+$0x0] =	vst.idx.add.f32.msk $0xffff, v0  }
0x1d6: {  	_ =	swait.ge [sflag:s18], $0x2000  }
0x1d7: {  	[sflag:s18] =	ssyncset.done $0x0  }
0x1d8: {  	s26 =	simm.s32 $0x700;
	[sflag:s18] =	ssyncadd.s32 $0xFFFFE000  }
0x1d9: {  	[spmem:s4] =	stream.indirect.scatter.add.f32 [tilespmem:s21], [sflag:$0xF], $0x80, s26, s29, $0xb8;
	[tilespmem:$0x1F000] =	vst v63  }
0x1da: {  	v1 =	vld [tilespmem:$0x700];
	_ =	sdelay $0x7  }
0x1db: {  	[tilespmem:v1+s17+$0x0] =	vst.idx.add.f32.msk $0xffff, v0  }
0x1dc: {  	v1 =	vld [tilespmem:$0x710];
	_ =	sdelay $0x7  }
0x1dd: {  	[tilespmem:v1+s17+$0x0] =	vst.idx.add.f32.msk $0xffff, v0  }
0x1de: {  	v1 =	vld [tilespmem:$0x720];
	_ =	sdelay $0x7  }
0x1df: {  	[tilespmem:v1+s17+$0x0] =	vst.idx.add.f32.msk $0xffff, v0  }
0x1e0: {  	v1 =	vld [tilespmem:$0x730];
	_ =	sdelay $0x7  }
0x1e1: {  	[tilespmem:v1+s17+$0x0] =	vst.idx.add.f32.msk $0xffff, v0  }
0x1e2: {  	_ =	swait.ge [sflag:s19], $0x2000  }
0x1e3: {  	[sflag:s19] =	ssyncset.done $0x0  }
0x1e4: {  	s28 =	simm.s32 $0x780;
	[sflag:s19] =	ssyncadd.s32 $0xFFFFE000  }
0x1e5: {  	[spmem:s4] =	stream.indirect.scatter.add.f32 [tilespmem:s24], [sflag:$0x10], $0x80, s28, s29, $0xb8;
	[tilespmem:$0x1F000] =	vst v63  }
0x1e6: {  	v1 =	vld [tilespmem:$0x780];
	_ =	sdelay $0x7  }
0x1e7: {  	[tilespmem:v1+s17+$0x0] =	vst.idx.add.f32.msk $0xffff, v0  }
0x1e8: {  	v1 =	vld [tilespmem:$0x790];
	_ =	sdelay $0x7  }
0x1e9: {  	[tilespmem:v1+s17+$0x0] =	vst.idx.add.f32.msk $0xffff, v0  }
0x1ea: {  	v1 =	vld [tilespmem:$0x7A0];
	_ =	sdelay $0x7  }
0x1eb: {  	[tilespmem:v1+s17+$0x0] =	vst.idx.add.f32.msk $0xffff, v0  }
0x1ec: {  	v1 =	vld [tilespmem:$0x7B0];
	_ =	sdelay $0x2  }
0x1ed: {  	p0 =	sne.s32 s0, $0x880  }
.Ltmp0:
0x1ee: {  	_ = 	snop;
	(pc) =	sbr.rel @p0 .LBB2_2-.Ltmp0, $3  }
0x1ef: {  	_ =	sdelay $0x1  }
0x1f0: {  	s0 =	sadd.s32 $0x80, s0;
	s11 =	simm.s32 $0x480;
	s13 =	simm.s32 $0x100  }
0x1f1: {  	s30 =	simm.s32 $0x500;
	s2 =	simm.s32 $0x180;
	s7 =	simm.s32 $0x580;
	[tilespmem:v1+s17+$0x0] =	vst.idx.add.f32.msk $0xffff, v0  }
0x1f2: {  	s0 =	simm.s32 $0x1  }
0x1f3: {  	_ =	swait.ge [sflag:s0], $0x80  }
0x1f4: {  	[sflag:s0] =	ssyncset.done $0x0  }
0x1f5: {  	[sflag:s0] =	ssyncadd.s32 $0xFFFFFF80  }
0x1f6: {  	_ =	swait.ge [sflag:s0], $0x80  }
0x1f7: {  	[sflag:s0] =	ssyncset.done $0x0  }
0x1f8: {  	s19 =	simm.s32 $0xD;
	[sflag:s0] =	ssyncadd.s32 $0xFFFFFF80  }
0x1f9: {  	_ =	swait.ge [sflag:s19], $0x2000  }
0x1fa: {  	[sflag:s19] =	ssyncset.done $0x0;
	s1 =	rddreg [dreg:$0x1f]  }
0x1fb: {  	s5 =	simm.s32 $0x200;
	s3 =	sld [smem:$0x7EF];
	[sflag:s19] =	ssyncadd.s32 $0xFFFFE000  }
0x1fc: {  	[tilespmem:s5], [sflag:$0x5] =	stream.linear.gather [hbm4b:s1+s23], $0x80, $0x38;
	[tilespmem:$0x1F000] =	vst v63  }
0x1fd: {  	s9 =	simm.s32 $0x600  }
0x1fe: {  	[tilespmem:s9], [sflag:$0x5] =	stream.linear.gather [hbm4b:s3+s23], $0x80, $0x38;
	[tilespmem:$0x1F000] =	vst v63  }
0x1ff: {  	s6 =	simm.s32 $0x800;
	s4 =	simm.s32 $0x2;
	s1 =	rddreg [dreg:$0x0]  }
0x200: {  	[tilespmem:s6], [sflag:$0x9] =	stream.indirect.gather [hbm4b:s1+s29], $0x80, s23, s29, $0xb8;
	[tilespmem:$0x1F000] =	vst v63  }
0x201: {  	_ =	swait.ge [sflag:s4], $0x80  }
0x202: {  	[sflag:s4] =	ssyncset.done $0x0  }
0x203: {  	[sflag:s4] =	ssyncadd.s32 $0xFFFFFF80  }
0x204: {  	_ =	swait.ge [sflag:s4], $0x80  }
0x205: {  	[sflag:s4] =	ssyncset.done $0x0  }
0x206: {  	s20 =	simm.s32 $0xE;
	[sflag:s4] =	ssyncadd.s32 $0xFFFFFF80  }
0x207: {  	_ =	swait.ge [sflag:s20], $0x2000  }
0x208: {  	s8 =	sld [smem:$0x7F0]  }
0x209: {  	[sflag:s20] =	ssyncset.done $0x0  }
0x20a: {  	s10 =	simm.s32 $0x280;
	s12 =	sld [smem:$0x7F1];
	[sflag:s20] =	ssyncadd.s32 $0xFFFFE000  }
0x20b: {  	[tilespmem:s10], [sflag:$0x6] =	stream.linear.gather [hbm4b:s8+s23], $0x80, $0x38;
	[tilespmem:$0x1F000] =	vst v63  }
0x20c: {  	s14 =	simm.s32 $0x680  }
0x20d: {  	[tilespmem:s14], [sflag:$0x6] =	stream.linear.gather [hbm4b:s12+s23], $0x80, $0x38;
	[tilespmem:$0x1F000] =	vst v63  }
0x20e: {  	s28 =	simm.s32 $0x80;
	s15 =	simm.s32 $0x3;
	s12 =	simm.s32 $0x2800  }
0x20f: {  	[tilespmem:s12], [sflag:$0xA] =	stream.indirect.gather [hbm4b:s1+s29], $0x80, s28, s29, $0xb8;
	[tilespmem:$0x1F000] =	vst v63  }
0x210: {  	_ =	swait.ge [sflag:s15], $0x80  }
0x211: {  	[sflag:s15] =	ssyncset.done $0x0  }
0x212: {  	[sflag:s15] =	ssyncadd.s32 $0xFFFFFF80  }
0x213: {  	_ =	swait.ge [sflag:s15], $0x80  }
0x214: {  	[sflag:s15] =	ssyncset.done $0x0  }
0x215: {  	s25 =	simm.s32 $0xF;
	[sflag:s15] =	ssyncadd.s32 $0xFFFFFF80  }
0x216: {  	_ =	swait.ge [sflag:s25], $0x2000  }
0x217: {  	s16 =	sld [smem:$0x7F4]  }
0x218: {  	[sflag:s25] =	ssyncset.done $0x0  }
0x219: {  	s24 =	simm.s32 $0x300;
	s18 =	sld [smem:$0x7F5];
	[sflag:s25] =	ssyncadd.s32 $0xFFFFE000  }
0x21a: {  	[tilespmem:s24], [sflag:$0x7] =	stream.linear.gather [hbm4b:s16+s23], $0x80, $0x38;
	[tilespmem:$0x1F000] =	vst v63  }
0x21b: {  	s16 =	simm.s32 $0x700  }
0x21c: {  	[tilespmem:s16], [sflag:$0x7] =	stream.linear.gather [hbm4b:s18+s23], $0x80, $0x38;
	[tilespmem:$0x1F000] =	vst v63  }
0x21d: {  	s21 =	simm.s32 $0x4;
	s15 =	simm.s32 $0x4800  }
0x21e: {  	[tilespmem:s15], [sflag:$0xB] =	stream.indirect.gather [hbm4b:s1+s29], $0x80, s13, s29, $0xb8;
	[tilespmem:$0x1F000] =	vst v63  }
0x21f: {  	_ =	swait.ge [sflag:s21], $0x80  }
0x220: {  	[sflag:s21] =	ssyncset.done $0x0  }
0x221: {  	[sflag:s21] =	ssyncadd.s32 $0xFFFFFF80  }
0x222: {  	_ =	swait.ge [sflag:s21], $0x80  }
0x223: {  	[sflag:s21] =	ssyncset.done $0x0  }
0x224: {  	s26 =	simm.s32 $0x10;
	[sflag:s21] =	ssyncadd.s32 $0xFFFFFF80  }
0x225: {  	_ =	swait.ge [sflag:s26], $0x2000  }
0x226: {  	s22 =	sld [smem:$0x7F6]  }
0x227: {  	[sflag:s26] =	ssyncset.done $0x0  }
0x228: {  	s13 =	simm.s32 $0x380;
	s3 =	sld [smem:$0x7F7];
	[sflag:s26] =	ssyncadd.s32 $0xFFFFE000  }
0x229: {  	[tilespmem:s13], [sflag:$0x8] =	stream.linear.gather [hbm4b:s22+s23], $0x80, $0x38;
	[tilespmem:$0x1F000] =	vst v63  }
0x22a: {  	s21 =	simm.s32 $0x780  }
0x22b: {  	[tilespmem:s21], [sflag:$0x8] =	stream.linear.gather [hbm4b:s3+s23], $0x80, $0x38;
	[tilespmem:$0x1F000] =	vst v63  }
0x22c: {  	s0 =	simm.s32 $0x6800  }
0x22d: {  	[tilespmem:s0], [sflag:$0xC] =	stream.indirect.gather [hbm4b:s1+s29], $0x80, s2, s29, $0xb8;
	[tilespmem:$0x1F000] =	vst v63  }
0x22e: {  	s2 =	simm.s32 $0x9  }
0x22f: {  	_ =	swait.ge [sflag:s2], $0x2000  }
0x230: {  	[sflag:s2] =	ssyncset.done $0x0  }
0x231: {  	[sflag:s2] =	ssyncadd.s32 $0xFFFFE000  }
0x232: {  	s8 =	simm.s32 $0x400;
	s3 =	rddreg [dreg:$0x3]  }
0x233: {  	[spmem:s3] =	stream.indirect.scatter.add.f32 [tilespmem:s6], [sflag:$0xD], $0x80, s8, s29, $0xb8;
	[tilespmem:$0x1F000] =	vst v63  }
0x234: {  	v1 =	vld [tilespmem:$0x400];
	_ =	sdelay $0x7  }
0x235: {  	[tilespmem:v1+s17+$0x0] =	vst.idx.add.f32.msk $0xffff, v0  }
0x236: {  	v1 =	vld [tilespmem:$0x410];
	_ =	sdelay $0x7  }
0x237: {  	[tilespmem:v1+s17+$0x0] =	vst.idx.add.f32.msk $0xffff, v0  }
0x238: {  	v1 =	vld [tilespmem:$0x420];
	_ =	sdelay $0x7  }
0x239: {  	[tilespmem:v1+s17+$0x0] =	vst.idx.add.f32.msk $0xffff, v0  }
0x23a: {  	v1 =	vld [tilespmem:$0x430];
	_ =	sdelay $0x7  }
0x23b: {  	s22 =	simm.s32 $0xA;
	[tilespmem:v1+s17+$0x0] =	vst.idx.add.f32.msk $0xffff, v0  }
0x23c: {  	_ =	swait.ge [sflag:s22], $0x2000  }
0x23d: {  	[sflag:s22] =	ssyncset.done $0x0  }
0x23e: {  	[sflag:s22] =	ssyncadd.s32 $0xFFFFE000  }
0x23f: {  	[spmem:s3] =	stream.indirect.scatter.add.f32 [tilespmem:s12], [sflag:$0xE], $0x80, s11, s29, $0xb8;
	[tilespmem:$0x1F000] =	vst v63  }
0x240: {  	v1 =	vld [tilespmem:$0x480];
	_ =	sdelay $0x7  }
0x241: {  	[tilespmem:v1+s17+$0x0] =	vst.idx.add.f32.msk $0xffff, v0  }
0x242: {  	v1 =	vld [tilespmem:$0x490];
	_ =	sdelay $0x7  }
0x243: {  	[tilespmem:v1+s17+$0x0] =	vst.idx.add.f32.msk $0xffff, v0  }
0x244: {  	v1 =	vld [tilespmem:$0x4A0];
	_ =	sdelay $0x7  }
0x245: {  	[tilespmem:v1+s17+$0x0] =	vst.idx.add.f32.msk $0xffff, v0  }
0x246: {  	v1 =	vld [tilespmem:$0x4B0];
	_ =	sdelay $0x7  }
0x247: {  	s11 =	simm.s32 $0xB;
	[tilespmem:v1+s17+$0x0] =	vst.idx.add.f32.msk $0xffff, v0  }
0x248: {  	_ =	swait.ge [sflag:s11], $0x2000  }
0x249: {  	[sflag:s11] =	ssyncset.done $0x0  }
0x24a: {  	[sflag:s11] =	ssyncadd.s32 $0xFFFFE000  }
0x24b: {  	[spmem:s3] =	stream.indirect.scatter.add.f32 [tilespmem:s15], [sflag:$0xF], $0x80, s30, s29, $0xb8;
	[tilespmem:$0x1F000] =	vst v63  }
0x24c: {  	v1 =	vld [tilespmem:$0x500];
	_ =	sdelay $0x7  }
0x24d: {  	[tilespmem:v1+s17+$0x0] =	vst.idx.add.f32.msk $0xffff, v0  }
0x24e: {  	v1 =	vld [tilespmem:$0x510];
	_ =	sdelay $0x7  }
0x24f: {  	[tilespmem:v1+s17+$0x0] =	vst.idx.add.f32.msk $0xffff, v0  }
0x250: {  	v1 =	vld [tilespmem:$0x520];
	_ =	sdelay $0x7  }
0x251: {  	[tilespmem:v1+s17+$0x0] =	vst.idx.add.f32.msk $0xffff, v0  }
0x252: {  	v1 =	vld [tilespmem:$0x530];
	_ =	sdelay $0x7  }
0x253: {  	s18 =	simm.s32 $0xC;
	[tilespmem:v1+s17+$0x0] =	vst.idx.add.f32.msk $0xffff, v0  }
0x254: {  	_ =	swait.ge [sflag:s18], $0x2000  }
0x255: {  	[sflag:s18] =	ssyncset.done $0x0  }
0x256: {  	[sflag:s18] =	ssyncadd.s32 $0xFFFFE000  }
0x257: {  	[spmem:s3] =	stream.indirect.scatter.add.f32 [tilespmem:s0], [sflag:$0x10], $0x80, s7, s29, $0xb8;
	[tilespmem:$0x1F000] =	vst v63  }
0x258: {  	v1 =	vld [tilespmem:$0x580];
	_ =	sdelay $0x7  }
0x259: {  	[tilespmem:v1+s17+$0x0] =	vst.idx.add.f32.msk $0xffff, v0  }
0x25a: {  	v1 =	vld [tilespmem:$0x590];
	_ =	sdelay $0x7  }
0x25b: {  	[tilespmem:v1+s17+$0x0] =	vst.idx.add.f32.msk $0xffff, v0  }
0x25c: {  	v1 =	vld [tilespmem:$0x5A0];
	_ =	sdelay $0x7  }
0x25d: {  	[tilespmem:v1+s17+$0x0] =	vst.idx.add.f32.msk $0xffff, v0  }
0x25e: {  	v1 =	vld [tilespmem:$0x5B0];
	_ =	sdelay $0x7  }
0x25f: {  	s4 =	simm.s32 $0x5;
	[tilespmem:v1+s17+$0x0] =	vst.idx.add.f32.msk $0xffff, v0  }
0x260: {  	_ =	swait.ge [sflag:s4], $0x80  }
0x261: {  	[sflag:s4] =	ssyncset.done $0x0  }
0x262: {  	[sflag:s4] =	ssyncadd.s32 $0xFFFFFF80  }
0x263: {  	_ =	swait.ge [sflag:s4], $0x80  }
0x264: {  	[sflag:s4] =	ssyncset.done $0x0  }
0x265: {  	[sflag:s4] =	ssyncadd.s32 $0xFFFFFF80  }
0x266: {  	_ =	swait.ge [sflag:s19], $0x2000  }
0x267: {  	[sflag:s19] =	ssyncset.done $0x0  }
0x268: {  	s4 =	simm.s32 $0x6;
	[sflag:s19] =	ssyncadd.s32 $0xFFFFE000  }
0x269: {  	[tilespmem:s6], [sflag:$0x9] =	stream.indirect.gather [hbm4b:s1+s29], $0x80, s5, s29, $0xb8;
	[tilespmem:$0x1F000] =	vst v63  }
0x26a: {  	_ =	swait.ge [sflag:s4], $0x80  }
0x26b: {  	[sflag:s4] =	ssyncset.done $0x0  }
0x26c: {  	[sflag:s4] =	ssyncadd.s32 $0xFFFFFF80  }
0x26d: {  	_ =	swait.ge [sflag:s4], $0x80  }
0x26e: {  	[sflag:s4] =	ssyncset.done $0x0  }
0x26f: {  	[sflag:s4] =	ssyncadd.s32 $0xFFFFFF80  }
0x270: {  	_ =	swait.ge [sflag:s20], $0x2000  }
0x271: {  	[sflag:s20] =	ssyncset.done $0x0  }
0x272: {  	s7 =	simm.s32 $0x7;
	[sflag:s20] =	ssyncadd.s32 $0xFFFFE000  }
0x273: {  	[tilespmem:s12], [sflag:$0xA] =	stream.indirect.gather [hbm4b:s1+s29], $0x80, s10, s29, $0xb8;
	[tilespmem:$0x1F000] =	vst v63  }
0x274: {  	_ =	swait.ge [sflag:s7], $0x80  }
0x275: {  	[sflag:s7] =	ssyncset.done $0x0  }
0x276: {  	[sflag:s7] =	ssyncadd.s32 $0xFFFFFF80  }
0x277: {  	_ =	swait.ge [sflag:s7], $0x80  }
0x278: {  	[sflag:s7] =	ssyncset.done $0x0  }
0x279: {  	[sflag:s7] =	ssyncadd.s32 $0xFFFFFF80  }
0x27a: {  	_ =	swait.ge [sflag:s25], $0x2000  }
0x27b: {  	[sflag:s25] =	ssyncset.done $0x0  }
0x27c: {  	s10 =	simm.s32 $0x8;
	[sflag:s25] =	ssyncadd.s32 $0xFFFFE000  }
0x27d: {  	[tilespmem:s15], [sflag:$0xB] =	stream.indirect.gather [hbm4b:s1+s29], $0x80, s24, s29, $0xb8;
	[tilespmem:$0x1F000] =	vst v63  }
0x27e: {  	_ =	swait.ge [sflag:s10], $0x80  }
0x27f: {  	[sflag:s10] =	ssyncset.done $0x0  }
0x280: {  	[sflag:s10] =	ssyncadd.s32 $0xFFFFFF80  }
0x281: {  	_ =	swait.ge [sflag:s10], $0x80  }
0x282: {  	[sflag:s10] =	ssyncset.done $0x0  }
0x283: {  	[sflag:s10] =	ssyncadd.s32 $0xFFFFFF80  }
0x284: {  	_ =	swait.ge [sflag:s26], $0x2000  }
0x285: {  	[sflag:s26] =	ssyncset.done $0x0  }
0x286: {  	[sflag:s26] =	ssyncadd.s32 $0xFFFFE000  }
0x287: {  	[tilespmem:s0], [sflag:$0xC] =	stream.indirect.gather [hbm4b:s1+s29], $0x80, s13, s29, $0xb8;
	[tilespmem:$0x1F000] =	vst v63  }
0x288: {  	_ =	swait.ge [sflag:s2], $0x2000  }
0x289: {  	[sflag:s2] =	ssyncset.done $0x0  }
0x28a: {  	[sflag:s2] =	ssyncadd.s32 $0xFFFFE000  }
0x28b: {  	[spmem:s3] =	stream.indirect.scatter.add.f32 [tilespmem:s6], [sflag:$0xD], $0x80, s9, s29, $0xb8;
	[tilespmem:$0x1F000] =	vst v63  }
0x28c: {  	v1 =	vld [tilespmem:$0x600];
	_ =	sdelay $0x7  }
0x28d: {  	[tilespmem:v1+s17+$0x0] =	vst.idx.add.f32.msk $0xffff, v0  }
0x28e: {  	v1 =	vld [tilespmem:$0x610];
	_ =	sdelay $0x7  }
0x28f: {  	[tilespmem:v1+s17+$0x0] =	vst.idx.add.f32.msk $0xffff, v0  }
0x290: {  	v1 =	vld [tilespmem:$0x620];
	_ =	sdelay $0x7  }
0x291: {  	[tilespmem:v1+s17+$0x0] =	vst.idx.add.f32.msk $0xffff, v0  }
0x292: {  	v1 =	vld [tilespmem:$0x630];
	_ =	sdelay $0x7  }
0x293: {  	[tilespmem:v1+s17+$0x0] =	vst.idx.add.f32.msk $0xffff, v0  }
0x294: {  	_ =	swait.ge [sflag:s22], $0x2000  }
0x295: {  	[sflag:s22] =	ssyncset.done $0x0  }
0x296: {  	[sflag:s22] =	ssyncadd.s32 $0xFFFFE000  }
0x297: {  	[spmem:s3] =	stream.indirect.scatter.add.f32 [tilespmem:s12], [sflag:$0xE], $0x80, s14, s29, $0xb8;
	[tilespmem:$0x1F000] =	vst v63  }
0x298: {  	v1 =	vld [tilespmem:$0x680];
	_ =	sdelay $0x7  }
0x299: {  	[tilespmem:v1+s17+$0x0] =	vst.idx.add.f32.msk $0xffff, v0  }
0x29a: {  	v1 =	vld [tilespmem:$0x690];
	_ =	sdelay $0x7  }
0x29b: {  	[tilespmem:v1+s17+$0x0] =	vst.idx.add.f32.msk $0xffff, v0  }
0x29c: {  	v1 =	vld [tilespmem:$0x6A0];
	_ =	sdelay $0x7  }
0x29d: {  	[tilespmem:v1+s17+$0x0] =	vst.idx.add.f32.msk $0xffff, v0  }
0x29e: {  	v1 =	vld [tilespmem:$0x6B0];
	_ =	sdelay $0x7  }
0x29f: {  	[tilespmem:v1+s17+$0x0] =	vst.idx.add.f32.msk $0xffff, v0  }
0x2a0: {  	_ =	swait.ge [sflag:s11], $0x2000  }
0x2a1: {  	[sflag:s11] =	ssyncset.done $0x0  }
0x2a2: {  	[sflag:s11] =	ssyncadd.s32 $0xFFFFE000  }
0x2a3: {  	[spmem:s3] =	stream.indirect.scatter.add.f32 [tilespmem:s15], [sflag:$0xF], $0x80, s16, s29, $0xb8;
	[tilespmem:$0x1F000] =	vst v63  }
0x2a4: {  	v1 =	vld [tilespmem:$0x700];
	_ =	sdelay $0x7  }
0x2a5: {  	[tilespmem:v1+s17+$0x0] =	vst.idx.add.f32.msk $0xffff, v0  }
0x2a6: {  	v1 =	vld [tilespmem:$0x710];
	_ =	sdelay $0x7  }
0x2a7: {  	[tilespmem:v1+s17+$0x0] =	vst.idx.add.f32.msk $0xffff, v0  }
0x2a8: {  	v1 =	vld [tilespmem:$0x720];
	_ =	sdelay $0x7  }
0x2a9: {  	[tilespmem:v1+s17+$0x0] =	vst.idx.add.f32.msk $0xffff, v0  }
0x2aa: {  	v1 =	vld [tilespmem:$0x730];
	_ =	sdelay $0x7  }
0x2ab: {  	[tilespmem:v1+s17+$0x0] =	vst.idx.add.f32.msk $0xffff, v0  }
0x2ac: {  	_ =	swait.ge [sflag:s18], $0x2000  }
0x2ad: {  	[sflag:s18] =	ssyncset.done $0x0  }
0x2ae: {  	[sflag:s18] =	ssyncadd.s32 $0xFFFFE000  }
0x2af: {  	[spmem:s3] =	stream.indirect.scatter.add.f32 [tilespmem:s0], [sflag:$0x10], $0x80, s21, s29, $0xb8;
	[tilespmem:$0x1F000] =	vst v63  }
0x2b0: {  	v1 =	vld [tilespmem:$0x780];
	_ =	sdelay $0x7  }
0x2b1: {  	[tilespmem:v1+s17+$0x0] =	vst.idx.add.f32.msk $0xffff, v0  }
0x2b2: {  	v1 =	vld [tilespmem:$0x790];
	_ =	sdelay $0x7  }
0x2b3: {  	[tilespmem:v1+s17+$0x0] =	vst.idx.add.f32.msk $0xffff, v0  }
0x2b4: {  	v1 =	vld [tilespmem:$0x7A0];
	_ =	sdelay $0x7  }
0x2b5: {  	[tilespmem:v1+s17+$0x0] =	vst.idx.add.f32.msk $0xffff, v0  }
0x2b6: {  	v1 =	vld [tilespmem:$0x7B0];
	_ =	sdelay $0x7  }
0x2b7: {  	[tilespmem:v1+s17+$0x0] =	vst.idx.add.f32.msk $0xffff, v0  }
0x2b8: {  	_ =	swait.ge [sflag:s19], $0x2000  }
0x2b9: {  	[sflag:s19] =	ssyncset.done $0x0  }
0x2ba: {  	[sflag:s19] =	ssyncadd.s32 $0xFFFFE000  }
0x2bb: {  	_ =	swait.ge [sflag:s20], $0x2000  }
0x2bc: {  	[sflag:s20] =	ssyncset.done $0x0  }
0x2bd: {  	[sflag:s20] =	ssyncadd.s32 $0xFFFFE000  }
0x2be: {  	_ =	swait.ge [sflag:s25], $0x2000  }
0x2bf: {  	[sflag:s25] =	ssyncset.done $0x0  }
0x2c0: {  	[sflag:s25] =	ssyncadd.s32 $0xFFFFE000  }
0x2c1: {  	_ =	swait.ge [sflag:s26], $0x2000  }
0x2c2: {  	[sflag:s26] =	ssyncset.done $0x0  }
0x2c3: {  	[sflag:s26] =	ssyncadd.s32 $0xFFFFE000  }
0x2c4: {  	[bflag:$0x0] =	sbarrier.arrive $0xFFFF  }
0x2c5: {  	s7 =	sld [smem:$0x7FD]  }
0x2c6: {  	s24 =	sld [smem:$0x7FA]  }
0x2c7: {  	s25 =	sld [smem:$0x7EE];
	_ =	sdelay $0x1  }
0x2c8: {  	s5 =	simm.s32 $0x11  }
0x2c9: {  	[hbm:s24], [sflag:s7] =	dma.local [spmem:s25], $0x2800  }
0x2ca: {  	_ =	swait.ge [sflag:s5], $0x2800  }
0x2cb: {  	s26 =	sld [smem:$0x7FB]  }
0x2cc: {  	[sflag:s5] =	ssyncset.done $0x0  }
0x2cd: {  	[sflag:s5] =	ssyncadd.s32 $0xFFFFD800  }
0x2ce: {  	[hbm4b:s26+s28] =	stream.strided.scatter [tilespmem:s17], [sflag:$0x11], $0x2800, s8, s28, $0x38;
	[tilespmem:$0x1F000] =	vst v63  }
0x2cf: {  	_ =	swait.ge [sflag:s5], $0x2800  }
0x2d0: {  	s28 =	sld [smem:$0x7ED]  }
0x2d1: {  	s30 =	sld [smem:$0x7FC];
	_ =	sdelay $0x1  }
0x2d2: {  	s1 =	sadd.s32 $0x1, s28  }
0x2d3: {  	p0 =	sne.s32 s1, s30  }
.Ltmp1:
0x2d4: {  	_ = 	snop;
	(pc) =	sbr.rel @p0 .LBB2_1-.Ltmp1, $3  }
0x2d5: {  	_ =	sdelay $0x1  }
0x2d6: {  	[sflag:s5] =	ssyncset.done $0x0  }
0x2d7: {  	[sflag:s5] =	ssyncadd.s32 $0xFFFFD800  }
0x2d8: {  	_ =	sfence.sel $0x180000  }
0x2d9: {  	[bflag:$0x0] =	sbarrier.arrive $0xFFFF  }
0x2da: {  	_ =	strace $0x90000047  }
0x2db: {  	s0 =	stileid.u32;
	[bflag:$0x2] =	sbarrier.arrive $0xFFFF  }
0x2dc: {  	p0 =	sne.s32 s0, $0x0;
	s0 =	rddreg [dreg:$0x4]  }
0x2dd: {  	s0 =	sadd.s32 @!p0 $0x100000, s0  }
0x2de: {  	[sflag:s0] =	ssyncadd.tile.s32 @!p0 $0x1;
	_ =	shalt  }
.Lfunc_end2:
_tile_overlayer_lowered:
.L_overlay_start_2:
0x2df: {  	(tag) =	ssettag $0x2  }
0x2e0: {  	s0 =	rddreg [dreg:$0x0];
	s2 =	stileid.u32  }
0x2e1: {  	s1 =	rddreg [dreg:$0x1];
	p0 =	sne.s32 s2, $0x0  }
0x2e2: {  	s3 =	rddreg [dreg:$0x2];
	[bflag:$0x3] =	sbarrier.arrive $0xFFFF;
	s2 =	simm.s32 @!p0 $0x1C11  }
0x2e3: {  	[timem:s3], [sflag:s2] =	dma.local @!p0 [hbm:s0], s1  }
0x2e4: {  	s0 =	simm.s32 @!p0 $0x11  }
0x2e5: {  	_ =	swait.ge @!p0 [sflag:s0], s1  }
0x2e6: {  	s1 =	ssub.s32 @!p0 $0x0, s1;
	[sflag:s0] =	ssyncset.done @!p0 $0x0  }
0x2e7: {  	[sflag:s0] =	ssyncadd.s32 @!p0 s1  }
0x2e8: {  	[bflag:$0x3] =	sbarrier.arrive $0xFFFF  }
0x2e9: {  	_ =	shalt  }

</sc_bundles>
